<compile_context>
chip_gen: v7x
topology: tpu7x:2x2x1
jax: 0.10.2.dev20260603
libtpu: 0.0.44.dev20260713+nightly
codegen_flags: <defaults>
</compile_context>

<pallas_src>
import functools
import math

import jax
import jax.numpy as jnp
import numpy as np
from jax import lax
from jax.experimental import pallas as pl
from jax.experimental.pallas import tpu as pltpu
from jax.experimental.pallas import tpu_sc as plsc

H = 64
R = 32
CUTOFF = 5.0
BE = 1000
BN = 1000

F = 10 * H
NSC = 2
NSUB = 16
NSWEEP = 5
SUBR = 64
SWRNG = NSUB * SUBR
NPAD = NSWEEP * NSC * SWRNG
KCH = 64
SCHK = 512
SEGCAP = 10240
WCAP = 640
KADD = 4
PAYF = 256


def _sc_scatter_body(payload_hbm, p0_hbm, out_hbm, p0s, lbuf, chk,
                     widx, wloc, eidstage, cntv, cntsl, rowbuf, acc,
                     seg_sp, cnt_sp, sem):
    E = payload_hbm.shape[0]
    ept = E // NSUB
    c = lax.axis_index("c")
    s = lax.axis_index("s")
    ebase = s * ept
    pltpu.sync_copy(p0_hbm.at[pl.ds(pl.multiple_of(ebase, 8), ept)], p0s)
    iota16 = lax.broadcasted_iota(jnp.int32, (16,), 0)
    zero16 = jnp.zeros((16,), jnp.int32)
    one16 = jnp.full((16,), 1, jnp.int32)
    zero16f = jnp.zeros((16,), jnp.float32)
    trash16 = jnp.full((16,), 2048 << 18, jnp.int32)
    padw16 = jnp.full((16,), SUBR, jnp.int32)
    kSUBR = jnp.full((16,), SUBR, jnp.int32)
    kSW = jnp.full((16,), SWRNG, jnp.int32)
    kMASK = jnp.full((16,), (1 << 18) - 1, jnp.int32)

    def _sweep(q, carry):
        swb = (q * NSC + c) * SWRNG
        swb16 = zero16 + swb
        def _filt(i, off):
            dst = p0s[pl.ds(i * 16, 16)]
            loc = dst - swb16
            mask = (loc >= zero16) & (loc < kSW)
            mi = jnp.where(mask, one16, zero16)
            pos = off + plsc.cumsum(mi) - 1
            pk = jax.lax.shift_left(loc, 18) | (iota16 + (ebase + i * 16))
            plsc.store_scatter(lbuf, [pos], pk, mask=mask)
            return off + jnp.sum(mi)
        cnt = lax.fori_loop(0, ept // 16, _filt, jnp.int32(0))
        def _padl(j, carry2):
            lbuf[pl.ds(cnt + j * 16, 16)] = trash16
            return carry2
        lax.fori_loop(0, SCHK // 16, _padl, 0)
        cntp = ((cnt + (SCHK - 1)) // SCHK) * SCHK
        cntv[pl.ds(0, 16)] = zero16 + cntp
        pltpu.sync_copy(cntv, cnt_sp.at[pl.ds(pl.multiple_of(s * 16, 8), 16)])
        def _pub(k, carry2):
            src = lbuf.at[pl.ds(pl.multiple_of(k * SCHK, 8), SCHK)]
            dst = seg_sp.at[pl.ds(pl.multiple_of(s * SEGCAP + k * SCHK, 8), SCHK)]
            pltpu.sync_copy(src, dst)
            return carry2
        lax.fori_loop(0, cntp // SCHK, _pub, 0)
        def _za(i, carry2):
            acc[i // (F // 16), pl.ds((i % (F // 16)) * 16, 16)] = zero16f
            return carry2
        lax.fori_loop(0, (SUBR + 8) * (F // 16), _za, 0)
        plsc.subcore_barrier()
        pltpu.sync_copy(cnt_sp, cntsl)
        sb16 = zero16 + s * SUBR
        def _flush_chunk(j):
            for tt in range(4):
                eidstage[pl.ds(tt * 16, 16)] = widx[pl.ds(j * KCH + tt * 16, 16)]
            pltpu.async_copy(payload_hbm.at[eidstage], rowbuf, sem).wait()
            def _edge_add(e, carry3):
                locj = wloc[pl.ds(j * KCH + e, 16)][0]
                gv = rowbuf[e, pl.ds(192, 16)]
                for g in range(10):
                    ak = 0 if g == 0 else (64 if g < 4 else 128)
                    gs = zero16f + gv[g]
                    for u in range(4):
                        vals = rowbuf[e, pl.ds(ak + u * 16, 16)] * gs
                        plsc.addupdate(
                            acc.at[locj, pl.ds(g * 64 + u * 16, 16)], vals)
                return carry3
            lax.fori_loop(0, KCH, _edge_add, 0)

        def _seg(tt, off):
            cnt_t = jnp.max(cntsl[pl.ds(pl.multiple_of(tt * 16, 8), 16)])
            def _chunk(k, off2):
                src = seg_sp.at[pl.ds(
                    pl.multiple_of(tt * SEGCAP + k * SCHK, 8), SCHK)]
                pltpu.sync_copy(src, chk)
                def _scan(v, off3):
                    pk = chk[pl.ds(v * 16, 16)]
                    eid = pk & kMASK
                    locl = jax.lax.shift_right_logical(pk, 18) - sb16
                    mask = (locl >= zero16) & (locl < kSUBR)
                    mi = jnp.where(mask, one16, zero16)
                    pos = off3 + plsc.cumsum(mi) - 1
                    plsc.store_scatter(widx, [pos], eid, mask=mask)
                    plsc.store_scatter(wloc, [pos], locl, mask=mask)
                    return off3 + jnp.sum(mi)
                off2 = lax.fori_loop(0, SCHK // 16, _scan, off2)
                nfl = off2 // KCH
                def _fl(j, carry3):
                    _flush_chunk(j)
                    return carry3
                lax.fori_loop(0, nfl, _fl, 0)
                base = pl.multiple_of(nfl * KCH, 16)
                for tt2 in range(4):
                    mv_i = widx[pl.ds(base + tt2 * 16, 16)]
                    mv_l = wloc[pl.ds(base + tt2 * 16, 16)]
                    widx[pl.ds(tt2 * 16, 16)] = mv_i
                    wloc[pl.ds(tt2 * 16, 16)] = mv_l
                return off2 - nfl * KCH
            return lax.fori_loop(0, cnt_t // SCHK, _chunk, off)
        off = lax.fori_loop(0, NSUB, _seg, jnp.int32(0))
        for tt2 in range(4):
            widx[pl.ds(off + tt2 * 16, 16)] = zero16
            wloc[pl.ds(off + tt2 * 16, 16)] = padw16
        _flush_chunk(0)
        gbase = pl.multiple_of((swb + s * SUBR), 8)
        pltpu.sync_copy(acc.at[pl.ds(0, SUBR)], out_hbm.at[pl.ds(gbase, SUBR)])
        plsc.subcore_barrier()
        return carry

    lax.fori_loop(0, NSWEEP, _sweep, 0)


def _sc_segment_sum(payload, p0):
    E = payload.shape[0]
    ept = E // NSUB
    mesh = plsc.VectorSubcoreMesh(core_axis_name="c", subcore_axis_name="s")
    fn = pl.kernel(
        _sc_scatter_body,
        out_type=jax.ShapeDtypeStruct((NPAD, F), jnp.float32),
        mesh=mesh,
        compiler_params=pltpu.CompilerParams(needs_layout_passes=False),
        scratch_types=[
            pltpu.VMEM((ept,), jnp.int32),
            pltpu.VMEM((SEGCAP + SCHK,), jnp.int32),
            pltpu.VMEM((SCHK,), jnp.int32),
            pltpu.VMEM((WCAP,), jnp.int32),
            pltpu.VMEM((WCAP,), jnp.int32),
            pltpu.VMEM((KCH,), jnp.int32),
            pltpu.VMEM((16,), jnp.int32),
            pltpu.VMEM((NSUB * 16,), jnp.int32),
            pltpu.VMEM((KCH, PAYF), jnp.float32),
            pltpu.VMEM((SUBR + 8, F), jnp.float32),
            pltpu.VMEM_SHARED((NSUB * SEGCAP,), jnp.int32),
            pltpu.VMEM_SHARED((NSUB * 16,), jnp.int32),
            pltpu.SemaphoreType.DMA,
        ],
    )
    return fn(payload, p0)


GCH = 40


def _sc_gather_body(t1_hbm, t2_hbm, p0_hbm, p1_hbm, za_hbm, zb_hbm,
                    idxs, rowg, sem):
    E = p0_hbm.shape[0]
    epw = E // (NSC * NSUB)
    c = lax.axis_index("c")
    s = lax.axis_index("s")
    w = s * NSC + c
    base = w * epw
    for tab_hbm, src_hbm, dst_hbm in ((t1_hbm, p0_hbm, za_hbm),
                                      (t2_hbm, p1_hbm, zb_hbm)):
        pltpu.sync_copy(src_hbm.at[pl.ds(pl.multiple_of(base, 8), epw)], idxs)
        def _g(k, carry):
            gb = pl.multiple_of(k * GCH, 8)
            pltpu.async_copy(tab_hbm.at[idxs.at[pl.ds(gb, GCH)]], rowg,
                             sem).wait()
            pltpu.sync_copy(
                rowg, dst_hbm.at[pl.ds(pl.multiple_of(base + gb, 8), GCH)])
            return carry
        lax.fori_loop(0, epw // GCH, _g, 0)


def _sc_gather(t1, t2, p0, p1):
    E = p0.shape[0]
    epw = E // (NSC * NSUB)
    mesh = plsc.VectorSubcoreMesh(core_axis_name="c", subcore_axis_name="s")
    fn = pl.kernel(
        _sc_gather_body,
        out_type=(jax.ShapeDtypeStruct((E, 2 * H), jnp.float32),
                  jax.ShapeDtypeStruct((E, 2 * H), jnp.float32)),
        mesh=mesh,
        compiler_params=pltpu.CompilerParams(needs_layout_passes=False),
        scratch_types=[
            pltpu.VMEM((epw,), jnp.int32),
            pltpu.VMEM((GCH, 2 * H), jnp.float32),
            pltpu.SemaphoreType.DMA,
        ],
    )
    return fn(t1, t2, p0, p1)


def _edge_kernel(za_ref, zb_ref, d_ref, r_ref, WaT_ref, WbT_ref, eb_ref,
                 p1T_ref, p2T_ref, p3T_ref, b1_ref, b2_ref, b3_ref,
                 means_ref, out_ref):
    d = d_ref[...]
    Zij = za_ref[:, 0:H] + zb_ref[:, 0:H] + eb_ref[...]
    rcut = 0.5 * (jnp.cos(d * (math.pi / CUTOFF)) + 1.0) * (d < CUTOFF).astype(jnp.float32)
    alpha = 5.0 / CUTOFF
    beta = (2.0 / R * (1.0 - math.exp(-CUTOFF))) ** -2
    expd = jnp.exp(-alpha * d)
    rfv = jnp.exp(-beta * (expd - means_ref[...]) ** 2) * rcut
    p1 = jnp.dot(rfv, p1T_ref[...], preferred_element_type=jnp.float32) + b1_ref[...]
    p2 = jnp.dot(rfv, p2T_ref[...], preferred_element_type=jnp.float32) + b2_ref[...]
    p3 = jnp.dot(rfv, p3T_ref[...], preferred_element_type=jnp.float32) + b3_ref[...]
    C = rcut * Zij
    a1 = C * p1
    a2 = C * p2
    a3 = C * p3
    inv_d = 1.0 / d
    vx = r_ref[:, 0:1] * inv_d
    vy = r_ref[:, 1:2] * inv_d
    vz = r_ref[:, 2:3] * inv_d
    out_ref[:, 0:64] = a1
    out_ref[:, 64:128] = a2
    out_ref[:, 128:192] = a3
    one = jnp.ones_like(vx)
    out_ref[:, 192:193] = one
    out_ref[:, 193:194] = vx
    out_ref[:, 194:195] = vy
    out_ref[:, 195:196] = vz
    out_ref[:, 196:197] = vx * vx
    out_ref[:, 197:198] = vx * vy
    out_ref[:, 198:199] = vx * vz
    out_ref[:, 199:200] = vy * vy
    out_ref[:, 200:201] = vy * vz
    out_ref[:, 201:202] = vz * vz
    out_ref[:, 202:256] = jnp.zeros((out_ref.shape[0], 54), jnp.float32)


def _edge_payload(za, zb, d_ij, r_ij, emb2_W, emb2_b, p1T, p2T, p3T,
                  b1, b2, b3, means):
    E = za.shape[0]
    grid = E // BE
    full = lambda shp: pl.BlockSpec(shp, lambda i: (0, 0))
    return pl.pallas_call(
        _edge_kernel,
        grid=(grid,),
        in_specs=[
            pl.BlockSpec((BE, 2 * H), lambda i: (i, 0)),
            pl.BlockSpec((BE, 2 * H), lambda i: (i, 0)),
            pl.BlockSpec((BE, 1), lambda i: (i, 0)),
            pl.BlockSpec((BE, 3), lambda i: (i, 0)),
            full((H, H)), full((H, H)), full((1, H)),
            full((R, H)), full((R, H)), full((R, H)),
            full((1, H)), full((1, H)), full((1, H)),
            full((1, R)),
        ],
        out_specs=pl.BlockSpec((BE, PAYF), lambda i: (i, 0)),
        out_shape=jax.ShapeDtypeStruct((E, PAYF), jnp.float32),
    )(za, zb, d_ij, r_ij, emb2_W[:, :H].T, emb2_W[:, H:].T, emb2_b[None],
      p1T, p2T, p3T, b1[None], b2[None], b3[None], means[None])


def _silu(x):
    return x * (1.0 / (1.0 + jnp.exp(-x)))


def _atom_kernel(s_ref, lt0T_ref, lt1T_ref, lt2T_ref, ls0T_ref, ls0b_ref,
                 ls1T_ref, ls1b_ref, lng_ref, lnb_ref, out_ref):
    s1 = s_ref[:, 0:64]
    w0 = s_ref[:, 64:128]
    w1 = s_ref[:, 128:192]
    w2 = s_ref[:, 192:256]
    Q0 = s_ref[:, 256:320]
    Q1 = s_ref[:, 320:384]
    Q2 = s_ref[:, 384:448]
    Q3 = s_ref[:, 448:512]
    Q4 = s_ref[:, 512:576]
    Q5 = s_ref[:, 576:640]
    trQ3 = (Q0 + Q3 + Q5) * (100.0 / 3.0)
    T00 = s1 + 100.0 * Q0 - trQ3
    T11 = s1 + 100.0 * Q3 - trQ3
    T22 = s1 + 100.0 * Q5 - trQ3
    off01 = 100.0 * Q1
    off02 = 100.0 * Q2
    off12 = 100.0 * Q4
    sw0 = 10.0 * w0
    sw1 = 10.0 * w1
    sw2 = 10.0 * w2
    tnorm = (T00 * T00 + T11 * T11 + T22 * T22
             + (off01 - sw2) ** 2 + (off01 + sw2) ** 2
             + (off02 + sw1) ** 2 + (off02 - sw1) ** 2
             + (off12 - sw0) ** 2 + (off12 + sw0) ** 2)
    mu = jnp.mean(tnorm, axis=-1, keepdims=True)
    var = jnp.mean((tnorm - mu) ** 2, axis=-1, keepdims=True)
    nrm = (tnorm - mu) * jax.lax.rsqrt(var + 1e-5) * lng_ref[...] + lnb_ref[...]
    y0 = _silu(jnp.dot(nrm, ls0T_ref[...], preferred_element_type=jnp.float32)
               + ls0b_ref[...])
    y1 = _silu(jnp.dot(y0, ls1T_ref[...], preferred_element_type=jnp.float32)
               + ls1b_ref[...])
    n0 = y1[:, 0:64]
    n1 = y1[:, 64:128]
    n2 = y1[:, 128:192]
    lt0T = lt0T_ref[...]
    lt1T = lt1T_ref[...]
    lt2T = lt2T_ref[...]
    s1p = jnp.dot(s1, lt0T, preferred_element_type=jnp.float32)
    w0p = jnp.dot(w0, lt1T, preferred_element_type=jnp.float32)
    w1p = jnp.dot(w1, lt1T, preferred_element_type=jnp.float32)
    w2p = jnp.dot(w2, lt1T, preferred_element_type=jnp.float32)
    Q0p = jnp.dot(Q0, lt2T, preferred_element_type=jnp.float32)
    Q1p = jnp.dot(Q1, lt2T, preferred_element_type=jnp.float32)
    Q2p = jnp.dot(Q2, lt2T, preferred_element_type=jnp.float32)
    Q3p = jnp.dot(Q3, lt2T, preferred_element_type=jnp.float32)
    Q4p = jnp.dot(Q4, lt2T, preferred_element_type=jnp.float32)
    Q5p = jnp.dot(Q5, lt2T, preferred_element_type=jnp.float32)
    trQp3 = (Q0p + Q3p + Q5p) * (100.0 / 3.0)
    diag = n0 * s1p
    o01 = n2 * 100.0 * Q1p
    o02 = n2 * 100.0 * Q2p
    o12 = n2 * 100.0 * Q4p
    sw0p = n1 * 10.0 * w0p
    sw1p = n1 * 10.0 * w1p
    sw2p = n1 * 10.0 * w2p
    out_ref[:, 0, :] = diag + n2 * (100.0 * Q0p - trQp3)
    out_ref[:, 1, :] = o01 - sw2p
    out_ref[:, 2, :] = o02 + sw1p
    out_ref[:, 3, :] = o01 + sw2p
    out_ref[:, 4, :] = diag + n2 * (100.0 * Q3p - trQp3)
    out_ref[:, 5, :] = o12 - sw0p
    out_ref[:, 6, :] = o02 - sw1p
    out_ref[:, 7, :] = o12 + sw0p
    out_ref[:, 8, :] = diag + n2 * (100.0 * Q5p - trQp3)


def _atom_stage(sums, lt0_W, lt1_W, lt2_W, ls0_W, ls0_b, ls1_W, ls1_b,
                ln_g, ln_b):
    N = sums.shape[0]
    grid = N // BN
    perm = np.concatenate([np.arange(0, 3 * H, 3), np.arange(1, 3 * H, 3),
                           np.arange(2, 3 * H, 3)])
    ls1pT = ls1_W[perm].T
    ls1pb = ls1_b[perm]
    full = lambda shp: pl.BlockSpec(shp, lambda i: tuple(0 for _ in shp))
    out9 = pl.pallas_call(
        _atom_kernel,
        grid=(grid,),
        in_specs=[
            pl.BlockSpec((BN, 10 * H), lambda i: (i, 0)),
            full((H, H)), full((H, H)), full((H, H)),
            full((H, 2 * H)), full((1, 2 * H)),
            full((2 * H, 3 * H)), full((1, 3 * H)),
            full((1, H)), full((1, H)),
        ],
        out_specs=pl.BlockSpec((BN, 9, H), lambda i: (i, 0, 0)),
        out_shape=jax.ShapeDtypeStruct((N, 9, H), jnp.float32),
    )(sums, lt0_W.T, lt1_W.T, lt2_W.T, ls0_W.T, ls0_b[None], ls1pT,
      ls1pb[None], ln_g[None], ln_b[None])
    return jnp.transpose(out9, (0, 2, 1)).reshape(N, H, 3, 3)


def kernel(atomic_numbers, pair_indices, d_ij, r_ij, emb, emb2_W, emb2_b,
           proj1_W, proj1_b, proj2_W, proj2_b, proj3_W, proj3_b,
           lt0_W, lt1_W, lt2_W, ls0_W, ls0_b, ls1_W, ls1_b, ln_g, ln_b):
    N = atomic_numbers.shape[0]
    p0, p1 = pair_indices[0], pair_indices[1]
    zi = jnp.take(emb, atomic_numbers, axis=0)
    u = zi @ emb2_W[:, :H].T
    v = zi @ emb2_W[:, H:].T
    t1 = jnp.concatenate([u, v], axis=1)
    t2 = jnp.concatenate([v, u], axis=1)
    za, zb = _sc_gather(t1, t2, p0.astype(jnp.int32), p1.astype(jnp.int32))
    means = jnp.linspace(np.exp(-CUTOFF), 1.0, R).astype(jnp.float32)
    payload = _edge_payload(za, zb, d_ij, r_ij, emb2_W, emb2_b,
                            proj1_W.T, proj2_W.T, proj3_W.T,
                            proj1_b, proj2_b, proj3_b, means)
    sums = _sc_segment_sum(payload, p0.astype(jnp.int32))[:N]
    return _atom_stage(sums, lt0_W, lt1_W, lt2_W, ls0_W, ls0_b,
                       ls1_W, ls1_b, ln_g, ln_b)

# --- scband reference (transcript-rebuilt; emitter-appended) ---
"""Pipeline reference for scband-tensor-net-representation-13383118094948 (READ-ONLY COPY).

The authoritative reference and input builder live on the scoring server;
editing this copy changes nothing except your own understanding.
"""

import jax, jax.numpy as jnp
import numpy as np

N = 10000
E = 160000
H = 64
R = 32
MAXZ = 100
CUTOFF = 5.0


def cosine_cutoff(d):
    return 0.5 * (jnp.cos(d * jnp.pi / CUTOFF) + 1.0) * (d < CUTOFF).astype(d.dtype)


def expnorm_rbf(d):
    alpha = 5.0 / CUTOFF
    means = jnp.linspace(np.exp(-CUTOFF), 1.0, R).astype(jnp.float32)
    betas = jnp.full((R,), (2.0 / R * (1.0 - np.exp(-CUTOFF))) ** -2, jnp.float32)
    return jnp.exp(-betas * (jnp.exp(-alpha * d[..., None]) - means) ** 2)


def vector_to_skewtensor(v):
    z = jnp.zeros_like(v[:, 0])
    t = jnp.stack([z, -v[:, 2], v[:, 1], v[:, 2], z, -v[:, 0], -v[:, 1], v[:, 0], z], axis=-1)
    return t.reshape(-1, 3, 3)


def vector_to_symtensor(v):
    t = v[:, :, None] * v[:, None, :]
    tr = jnp.trace(t, axis1=-2, axis2=-1) / 3.0
    return 0.5 * (t + jnp.swapaxes(t, -1, -2)) - tr[:, None, None] * jnp.eye(3, dtype=v.dtype)


def layernorm(x, g, b, eps=1e-5):
    mu = x.mean(-1, keepdims=True)
    var = ((x - mu) ** 2).mean(-1, keepdims=True)
    return (x - mu) / jnp.sqrt(var + eps) * g + b


def silu(x):
    return x * jax.nn.sigmoid(x)


def setup_inputs(seed: int = 0):
    key = jax.random.key(seed)
    ks = jax.random.split(key, 20)
    atomic_numbers = jax.random.randint(ks[0], (N,), 0, MAXZ)
    pair_indices = jax.random.randint(ks[1], (2, E), 0, N)
    r_ij = jax.random.normal(ks[2], (E, 3), jnp.float32) * 1.5
    d_ij = jnp.linalg.norm(r_ij, axis=-1, keepdims=True) + 1e-6

    def lin(k, fo, fi):
        bound = 1.0 / np.sqrt(fi)
        return jax.random.uniform(k, (fo, fi), jnp.float32, -bound, bound)

    inp = {'atomic_numbers': atomic_numbers, 'pair_indices': pair_indices, 'd_ij': d_ij, 'r_ij': r_ij}
    inp['emb'] = jax.random.normal(ks[3], (MAXZ, H), jnp.float32)
    inp['emb2_W'] = lin(ks[4], H, 2 * H)
    inp['emb2_b'] = jnp.zeros((H,), jnp.float32)
    inp['proj1_W'] = lin(ks[5], H, R)
    inp['proj1_b'] = jnp.zeros((H,), jnp.float32)
    inp['proj2_W'] = lin(ks[6], H, R)
    inp['proj2_b'] = jnp.zeros((H,), jnp.float32)
    inp['proj3_W'] = lin(ks[7], H, R)
    inp['proj3_b'] = jnp.zeros((H,), jnp.float32)
    inp['lt0_W'] = lin(ks[8], H, H)
    inp['lt1_W'] = lin(ks[9], H, H)
    inp['lt2_W'] = lin(ks[10], H, H)
    inp['ls0_W'] = lin(ks[11], 2 * H, H)
    inp['ls0_b'] = jnp.zeros((2 * H,), jnp.float32)
    inp['ls1_W'] = lin(ks[12], 3 * H, 2 * H)
    inp['ls1_b'] = jnp.zeros((3 * H,), jnp.float32)
    inp['ln_g'] = jnp.ones((H,), jnp.float32)
    inp['ln_b'] = jnp.zeros((H,), jnp.float32)
    return inp


def reference(atomic_numbers, pair_indices, d_ij, r_ij, emb, emb2_W, emb2_b, proj1_W, proj1_b, proj2_W, proj2_b, proj3_W, proj3_b, lt0_W, lt1_W, lt2_W, ls0_W, ls0_b, ls1_W, ls1_b, ln_g, ln_b):
    n_atoms = atomic_numbers.shape[0]
    zi = jnp.take(emb, atomic_numbers, axis=0)
    pair_flat = pair_indices.T.reshape(-1)
    zcat = jnp.take(zi, pair_flat, axis=0).reshape(-1, 2 * H)
    Zij = (zcat @ emb2_W.T + emb2_b)[:, :, None, None]
    edge_vec_norm = r_ij / d_ij
    rfv = expnorm_rbf(d_ij)
    rcut = cosine_cutoff(d_ij)
    rfv = rfv * rcut[..., None]
    C = rcut.reshape(-1, 1, 1, 1) * Zij
    eye = jnp.eye(3, dtype=r_ij.dtype)[None, None]
    p1 = jnp.transpose(rfv @ proj1_W.T + proj1_b, (0, 2, 1))[..., None]
    p2 = jnp.transpose(rfv @ proj2_W.T + proj2_b, (0, 2, 1))[..., None]
    p3 = jnp.transpose(rfv @ proj3_W.T + proj3_b, (0, 2, 1))[..., None]
    Iij = p1 * C * eye
    Aij = p2 * C * vector_to_skewtensor(edge_vec_norm)[:, None] * 10.0
    Sij = p3 * C * vector_to_symtensor(edge_vec_norm)[:, None] * 100.0
    I = jax.ops.segment_sum(Iij, pair_indices[0], num_segments=n_atoms)
    A = jax.ops.segment_sum(Aij, pair_indices[0], num_segments=n_atoms)
    S = jax.ops.segment_sum(Sij, pair_indices[0], num_segments=n_atoms)
    total = I + A + S
    tnorm = (total ** 2).sum((-2, -1))
    norm = layernorm(tnorm, ln_g, ln_b)
    norm = silu(norm @ ls0_W.T + ls0_b)
    norm = silu(norm @ ls1_W.T + ls1_b)
    norm = norm.reshape(-1, H, 3)
    I = jnp.transpose(jnp.transpose(I, (0, 2, 3, 1)) @ lt0_W.T, (0, 3, 1, 2)) * norm[..., 0, None, None]
    A = jnp.transpose(jnp.transpose(A, (0, 2, 3, 1)) @ lt1_W.T, (0, 3, 1, 2)) * norm[..., 1, None, None]
    S = jnp.transpose(jnp.transpose(S, (0, 2, 3, 1)) @ lt2_W.T, (0, 3, 1, 2)) * norm[..., 2, None, None]
    return I + A + S

if __name__ == "__main__":
    import jax
    _d = setup_inputs()
    print(jax.jit(kernel)(*tuple(_d.values())))

</pallas_src>

<mosaic_0001>
#map = affine_map<(d0, d1) -> (0, 0)>
#map1 = affine_map<(d0, d1) -> (0)>
module attributes {stable_mosaic.version = 14 : i64} {
  func.func @_sc_gather_body(%arg0: i32, %arg1: i32, %arg2: memref<10000x128xf32, #tpu.memory_space<hbm>>, %arg3: memref<10000x128xf32, #tpu.memory_space<hbm>>, %arg4: memref<160000xi32, #tpu.memory_space<hbm>>, %arg5: memref<160000xi32, #tpu.memory_space<hbm>>, %arg6: memref<160000x128xf32, #tpu.memory_space<hbm>>, %arg7: memref<160000x128xf32, #tpu.memory_space<hbm>>, %arg8: memref<5000xi32, #tpu.memory_space<vmem>>, %arg9: memref<40x128xf32, #tpu.memory_space<vmem>>, %arg10: memref<!tpu.dma_semaphore, #tpu.memory_space<semaphore_mem>>) attributes {dimension_semantics = [#tpu.dimension_semantics<core_parallel>, #tpu.dimension_semantics<subcore_parallel>], iteration_bounds = array<i64: 2, 16>, scalar_prefetch = 0 : i64, scratch_operands = 3 : i64, tpu.core_type = #tpu.core_type<sc_vector_subcore>, window_params = [{transform_indices = #map}, {transform_indices = #map}, {transform_indices = #map1}, {transform_indices = #map1}, {transform_indices = #map}, {transform_indices = #map}]} {
    %mul3A = arith.constant 2 : i32
    %mul3A_0 = arith.muli %arg1, %mul3A : i32
    %add3A = arith.addi %mul3A_0, %arg0 : i32
    %mul3A_1 = arith.constant 5000 : i32
    %mul3A_2 = arith.muli %add3A, %mul3A_1 : i32
    %multiple_of3A = tpu.assume_multiple %mul3A_2, 8 : i32
    "tpu.region"() ({
      %run_scoped3A = tpu.sem_alloc : memref<!tpu.dma_semaphore, #tpu.memory_space<semaphore_mem>>
      %dma_start3A = tpu.memref_slice %arg4[%multiple_of3A] : memref<160000xi32, #tpu.memory_space<hbm>> -> memref<5000xi32, #tpu.memory_space<hbm>>
      %dma_start3A_15 = tpu.memref_slice %arg4[%multiple_of3A] : memref<160000xi32, #tpu.memory_space<hbm>> -> memref<5000xi32, #tpu.memory_space<hbm>>
      tpu.enqueue_dma source(%dma_start3A_15 : memref<5000xi32, #tpu.memory_space<hbm>>) target(%arg8 : memref<5000xi32, #tpu.memory_space<vmem>>) target_semaphore(%run_scoped3A : memref<!tpu.dma_semaphore, #tpu.memory_space<semaphore_mem>>)
      %dma_wait3A = tpu.memref_slice %arg4[%multiple_of3A] : memref<160000xi32, #tpu.memory_space<hbm>> -> memref<5000xi32, #tpu.memory_space<hbm>>
      %dma_wait3A_16 = tpu.memref_slice %arg4[%multiple_of3A] : memref<160000xi32, #tpu.memory_space<hbm>> -> memref<5000xi32, #tpu.memory_space<hbm>>
      tpu.wait_dma2 semaphore(%run_scoped3A : memref<!tpu.dma_semaphore, #tpu.memory_space<semaphore_mem>>) src(%dma_wait3A_16 : memref<5000xi32, #tpu.memory_space<hbm>>) dst(%arg8 : memref<5000xi32, #tpu.memory_space<vmem>>)
      tpu.yield
    }) : () -> ()
    %scan3A = arith.constant 0 : i32
    %scan3A_3 = arith.constant 0 : i32
    %scan3A_4 = arith.constant 125 : i32
    %scan3A_5 = arith.addi %scan3A_3, %scan3A_4 : i32
    %scan3A_6 = arith.constant 1 : i32
    scf.for %scan3A_15 = %scan3A_3 to %scan3A_5 step %scan3A_6  : i32 {
      %mul3A_16 = arith.constant 40 : i32
      %mul3A_17 = arith.muli %scan3A_15, %mul3A_16 : i32
      %multiple_of3A_18 = tpu.assume_multiple %mul3A_17, 8 : i32
      %dma_start3A = tpu.memref_slice %arg8[%multiple_of3A_18] : memref<5000xi32, #tpu.memory_space<vmem>> -> memref<40xi32, #tpu.memory_space<vmem>>
      %dma_start3A_19 = arith.constant 0 : i32
      %dma_start3A_20 = arith.constant 0 : i32
      %dma_start3A_21 = tpu.memref_slice %arg2[%dma_start3A_19, %dma_start3A_20] : memref<10000x128xf32, #tpu.memory_space<hbm>> -> memref<10000x128xf32, #tpu.memory_space<hbm>>
      tpu.enqueue_indirect_dma source(%dma_start3A_21 : memref<10000x128xf32, #tpu.memory_space<hbm>>) target(%arg9 : memref<40x128xf32, #tpu.memory_space<vmem>>) offsets(%dma_start3A : memref<40xi32, #tpu.memory_space<vmem>>) semaphore(%arg10 : memref<!tpu.dma_semaphore, #tpu.memory_space<semaphore_mem>>)
      %dma_wait3A = tpu.memref_slice %arg8[%multiple_of3A_18] : memref<5000xi32, #tpu.memory_space<vmem>> -> memref<40xi32, #tpu.memory_space<vmem>>
      %dma_wait3A_22 = arith.constant 0 : i32
      %dma_wait3A_23 = arith.constant 0 : i32
      %dma_wait3A_24 = tpu.memref_slice %arg2[%dma_wait3A_22, %dma_wait3A_23] : memref<10000x128xf32, #tpu.memory_space<hbm>> -> memref<10000x128xf32, #tpu.memory_space<hbm>>
      tpu.wait_indirect_dma semaphore(%arg10 : memref<!tpu.dma_semaphore, #tpu.memory_space<semaphore_mem>>) src(%dma_wait3A_24 : memref<10000x128xf32, #tpu.memory_space<hbm>>) dst(%arg9 : memref<40x128xf32, #tpu.memory_space<vmem>>)
      %add3A_25 = arith.addi %mul3A_2, %multiple_of3A_18 : i32
      %multiple_of3A_26 = tpu.assume_multiple %add3A_25, 8 : i32
      "tpu.region"() ({
        %run_scoped3A = tpu.sem_alloc : memref<!tpu.dma_semaphore, #tpu.memory_space<semaphore_mem>>
        %dma_start3A_27 = arith.constant 0 : i32
        %dma_start3A_28 = tpu.memref_slice %arg6[%multiple_of3A_26, %dma_start3A_27] : memref<160000x128xf32, #tpu.memory_space<hbm>> -> memref<40x128xf32, #tpu.memory_space<hbm>>
        %dma_start3A_29 = arith.constant 0 : i32
        %dma_start3A_30 = tpu.memref_slice %arg6[%multiple_of3A_26, %dma_start3A_29] : memref<160000x128xf32, #tpu.memory_space<hbm>> -> memref<40x128xf32, #tpu.memory_space<hbm>>
        tpu.enqueue_dma source(%arg9 : memref<40x128xf32, #tpu.memory_space<vmem>>) target(%dma_start3A_30 : memref<40x128xf32, #tpu.memory_space<hbm>>) target_semaphore(%run_scoped3A : memref<!tpu.dma_semaphore, #tpu.memory_space<semaphore_mem>>)
        %dma_wait3A_31 = arith.constant 0 : i32
        %dma_wait3A_32 = tpu.memref_slice %arg6[%multiple_of3A_26, %dma_wait3A_31] : memref<160000x128xf32, #tpu.memory_space<hbm>> -> memref<40x128xf32, #tpu.memory_space<hbm>>
        %dma_wait3A_33 = arith.constant 0 : i32
        %dma_wait3A_34 = tpu.memref_slice %arg6[%multiple_of3A_26, %dma_wait3A_33] : memref<160000x128xf32, #tpu.memory_space<hbm>> -> memref<40x128xf32, #tpu.memory_space<hbm>>
        tpu.wait_dma2 semaphore(%run_scoped3A : memref<!tpu.dma_semaphore, #tpu.memory_space<semaphore_mem>>) src(%arg9 : memref<40x128xf32, #tpu.memory_space<vmem>>) dst(%dma_wait3A_34 : memref<40x128xf32, #tpu.memory_space<hbm>>)
        tpu.yield
      }) : () -> ()
    }
    %scan3A_7 = arith.constant 125 : i32
    %multiple_of3A_8 = tpu.assume_multiple %mul3A_2, 8 : i32
    "tpu.region"() ({
      %run_scoped3A = tpu.sem_alloc : memref<!tpu.dma_semaphore, #tpu.memory_space<semaphore_mem>>
      %dma_start3A = tpu.memref_slice %arg5[%multiple_of3A_8] : memref<160000xi32, #tpu.memory_space<hbm>> -> memref<5000xi32, #tpu.memory_space<hbm>>
      %dma_start3A_15 = tpu.memref_slice %arg5[%multiple_of3A_8] : memref<160000xi32, #tpu.memory_space<hbm>> -> memref<5000xi32, #tpu.memory_space<hbm>>
      tpu.enqueue_dma source(%dma_start3A_15 : memref<5000xi32, #tpu.memory_space<hbm>>) target(%arg8 : memref<5000xi32, #tpu.memory_space<vmem>>) target_semaphore(%run_scoped3A : memref<!tpu.dma_semaphore, #tpu.memory_space<semaphore_mem>>)
      %dma_wait3A = tpu.memref_slice %arg5[%multiple_of3A_8] : memref<160000xi32, #tpu.memory_space<hbm>> -> memref<5000xi32, #tpu.memory_space<hbm>>
      %dma_wait3A_16 = tpu.memref_slice %arg5[%multiple_of3A_8] : memref<160000xi32, #tpu.memory_space<hbm>> -> memref<5000xi32, #tpu.memory_space<hbm>>
      tpu.wait_dma2 semaphore(%run_scoped3A : memref<!tpu.dma_semaphore, #tpu.memory_space<semaphore_mem>>) src(%dma_wait3A_16 : memref<5000xi32, #tpu.memory_space<hbm>>) dst(%arg8 : memref<5000xi32, #tpu.memory_space<vmem>>)
      tpu.yield
    }) : () -> ()
    %scan3A_9 = arith.constant 0 : i32
    %scan3A_10 = arith.constant 0 : i32
    %scan3A_11 = arith.constant 125 : i32
    %scan3A_12 = arith.addi %scan3A_10, %scan3A_11 : i32
    %scan3A_13 = arith.constant 1 : i32
    scf.for %scan3A_15 = %scan3A_10 to %scan3A_12 step %scan3A_13  : i32 {
      %mul3A_16 = arith.constant 40 : i32
      %mul3A_17 = arith.muli %scan3A_15, %mul3A_16 : i32
      %multiple_of3A_18 = tpu.assume_multiple %mul3A_17, 8 : i32
      %dma_start3A = tpu.memref_slice %arg8[%multiple_of3A_18] : memref<5000xi32, #tpu.memory_space<vmem>> -> memref<40xi32, #tpu.memory_space<vmem>>
      %dma_start3A_19 = arith.constant 0 : i32
      %dma_start3A_20 = arith.constant 0 : i32
      %dma_start3A_21 = tpu.memref_slice %arg3[%dma_start3A_19, %dma_start3A_20] : memref<10000x128xf32, #tpu.memory_space<hbm>> -> memref<10000x128xf32, #tpu.memory_space<hbm>>
      tpu.enqueue_indirect_dma source(%dma_start3A_21 : memref<10000x128xf32, #tpu.memory_space<hbm>>) target(%arg9 : memref<40x128xf32, #tpu.memory_space<vmem>>) offsets(%dma_start3A : memref<40xi32, #tpu.memory_space<vmem>>) semaphore(%arg10 : memref<!tpu.dma_semaphore, #tpu.memory_space<semaphore_mem>>)
      %dma_wait3A = tpu.memref_slice %arg8[%multiple_of3A_18] : memref<5000xi32, #tpu.memory_space<vmem>> -> memref<40xi32, #tpu.memory_space<vmem>>
      %dma_wait3A_22 = arith.constant 0 : i32
      %dma_wait3A_23 = arith.constant 0 : i32
      %dma_wait3A_24 = tpu.memref_slice %arg3[%dma_wait3A_22, %dma_wait3A_23] : memref<10000x128xf32, #tpu.memory_space<hbm>> -> memref<10000x128xf32, #tpu.memory_space<hbm>>
      tpu.wait_indirect_dma semaphore(%arg10 : memref<!tpu.dma_semaphore, #tpu.memory_space<semaphore_mem>>) src(%dma_wait3A_24 : memref<10000x128xf32, #tpu.memory_space<hbm>>) dst(%arg9 : memref<40x128xf32, #tpu.memory_space<vmem>>)
      %add3A_25 = arith.addi %mul3A_2, %multiple_of3A_18 : i32
      %multiple_of3A_26 = tpu.assume_multiple %add3A_25, 8 : i32
      "tpu.region"() ({
        %run_scoped3A = tpu.sem_alloc : memref<!tpu.dma_semaphore, #tpu.memory_space<semaphore_mem>>
        %dma_start3A_27 = arith.constant 0 : i32
        %dma_start3A_28 = tpu.memref_slice %arg7[%multiple_of3A_26, %dma_start3A_27] : memref<160000x128xf32, #tpu.memory_space<hbm>> -> memref<40x128xf32, #tpu.memory_space<hbm>>
        %dma_start3A_29 = arith.constant 0 : i32
        %dma_start3A_30 = tpu.memref_slice %arg7[%multiple_of3A_26, %dma_start3A_29] : memref<160000x128xf32, #tpu.memory_space<hbm>> -> memref<40x128xf32, #tpu.memory_space<hbm>>
        tpu.enqueue_dma source(%arg9 : memref<40x128xf32, #tpu.memory_space<vmem>>) target(%dma_start3A_30 : memref<40x128xf32, #tpu.memory_space<hbm>>) target_semaphore(%run_scoped3A : memref<!tpu.dma_semaphore, #tpu.memory_space<semaphore_mem>>)
        %dma_wait3A_31 = arith.constant 0 : i32
        %dma_wait3A_32 = tpu.memref_slice %arg7[%multiple_of3A_26, %dma_wait3A_31] : memref<160000x128xf32, #tpu.memory_space<hbm>> -> memref<40x128xf32, #tpu.memory_space<hbm>>
        %dma_wait3A_33 = arith.constant 0 : i32
        %dma_wait3A_34 = tpu.memref_slice %arg7[%multiple_of3A_26, %dma_wait3A_33] : memref<160000x128xf32, #tpu.memory_space<hbm>> -> memref<40x128xf32, #tpu.memory_space<hbm>>
        tpu.wait_dma2 semaphore(%run_scoped3A : memref<!tpu.dma_semaphore, #tpu.memory_space<semaphore_mem>>) src(%arg9 : memref<40x128xf32, #tpu.memory_space<vmem>>) dst(%dma_wait3A_34 : memref<40x128xf32, #tpu.memory_space<hbm>>)
        tpu.yield
      }) : () -> ()
    }
    %scan3A_14 = arith.constant 125 : i32
    return
  }
}

#map = affine_map<(d0, d1) -> (0, 0)>
#map1 = affine_map<(d0, d1) -> (0)>
module attributes {stable_mosaic.version = 14 : i64} {
  func.func @_sc_scatter_body(%arg0: i32, %arg1: i32, %arg2: memref<160000x256xf32, #tpu.memory_space<hbm>>, %arg3: memref<160000xi32, #tpu.memory_space<hbm>>, %arg4: memref<10240x640xf32, #tpu.memory_space<hbm>>, %arg5: memref<10000xi32, #tpu.memory_space<vmem>>, %arg6: memref<10752xi32, #tpu.memory_space<vmem>>, %arg7: memref<512xi32, #tpu.memory_space<vmem>>, %arg8: memref<640xi32, #tpu.memory_space<vmem>>, %arg9: memref<640xi32, #tpu.memory_space<vmem>>, %arg10: memref<64xi32, #tpu.memory_space<vmem>>, %arg11: memref<16xi32, #tpu.memory_space<vmem>>, %arg12: memref<256xi32, #tpu.memory_space<vmem>>, %arg13: memref<64x256xf32, #tpu.memory_space<vmem>>, %arg14: memref<72x640xf32, #tpu.memory_space<vmem>>, %arg15: memref<163840xi32, #tpu.memory_space<vmem_shared>>, %arg16: memref<256xi32, #tpu.memory_space<vmem_shared>>, %arg17: memref<!tpu.dma_semaphore, #tpu.memory_space<semaphore_mem>>) attributes {dimension_semantics = [#tpu.dimension_semantics<core_parallel>, #tpu.dimension_semantics<subcore_parallel>], iteration_bounds = array<i64: 2, 16>, scalar_prefetch = 0 : i64, scratch_operands = 13 : i64, tpu.core_type = #tpu.core_type<sc_vector_subcore>, window_params = [{transform_indices = #map}, {transform_indices = #map1}, {transform_indices = #map}]} {
    %mul3A = arith.constant 10000 : i32
    %mul3A_0 = arith.muli %arg1, %mul3A : i32
    %multiple_of3A = tpu.assume_multiple %mul3A_0, 8 : i32
    "tpu.region"() ({
      %run_scoped3A = tpu.sem_alloc : memref<!tpu.dma_semaphore, #tpu.memory_space<semaphore_mem>>
      %dma_start3A = tpu.memref_slice %arg3[%multiple_of3A] : memref<160000xi32, #tpu.memory_space<hbm>> -> memref<10000xi32, #tpu.memory_space<hbm>>
      %dma_start3A_21 = tpu.memref_slice %arg3[%multiple_of3A] : memref<160000xi32, #tpu.memory_space<hbm>> -> memref<10000xi32, #tpu.memory_space<hbm>>
      tpu.enqueue_dma source(%dma_start3A_21 : memref<10000xi32, #tpu.memory_space<hbm>>) target(%arg5 : memref<10000xi32, #tpu.memory_space<vmem>>) target_semaphore(%run_scoped3A : memref<!tpu.dma_semaphore, #tpu.memory_space<semaphore_mem>>)
      %dma_wait3A = tpu.memref_slice %arg3[%multiple_of3A] : memref<160000xi32, #tpu.memory_space<hbm>> -> memref<10000xi32, #tpu.memory_space<hbm>>
      %dma_wait3A_22 = tpu.memref_slice %arg3[%multiple_of3A] : memref<160000xi32, #tpu.memory_space<hbm>> -> memref<10000xi32, #tpu.memory_space<hbm>>
      tpu.wait_dma2 semaphore(%run_scoped3A : memref<!tpu.dma_semaphore, #tpu.memory_space<semaphore_mem>>) src(%dma_wait3A_22 : memref<10000xi32, #tpu.memory_space<hbm>>) dst(%arg5 : memref<10000xi32, #tpu.memory_space<vmem>>)
      tpu.yield
    }) : () -> ()
    %iota3A = tpu.iota {dimensions = array<i32: 0>} : vector<16xi32>
    %broadcast_in_dim3A = arith.constant 0 : i32
    %broadcast_in_dim3A_1 = vector.broadcast %broadcast_in_dim3A : i32 to vector<16xi32>
    %broadcast_in_dim3A_2 = arith.constant 1 : i32
    %broadcast_in_dim3A_3 = vector.broadcast %broadcast_in_dim3A_2 : i32 to vector<16xi32>
    %broadcast_in_dim3A_4 = arith.constant 0.000000e+00 : f32
    %broadcast_in_dim3A_5 = vector.broadcast %broadcast_in_dim3A_4 : f32 to vector<16xf32>
    %broadcast_in_dim3A_6 = arith.constant 536870912 : i32
    %broadcast_in_dim3A_7 = vector.broadcast %broadcast_in_dim3A_6 : i32 to vector<16xi32>
    %broadcast_in_dim3A_8 = arith.constant 64 : i32
    %broadcast_in_dim3A_9 = vector.broadcast %broadcast_in_dim3A_8 : i32 to vector<16xi32>
    %broadcast_in_dim3A_10 = arith.constant 64 : i32
    %broadcast_in_dim3A_11 = vector.broadcast %broadcast_in_dim3A_10 : i32 to vector<16xi32>
    %broadcast_in_dim3A_12 = arith.constant 1024 : i32
    %broadcast_in_dim3A_13 = vector.broadcast %broadcast_in_dim3A_12 : i32 to vector<16xi32>
    %broadcast_in_dim3A_14 = arith.constant 262143 : i32
    %broadcast_in_dim3A_15 = vector.broadcast %broadcast_in_dim3A_14 : i32 to vector<16xi32>
    %scan3A = arith.constant 0 : i32
    %scan3A_16 = arith.constant 0 : i32
    %scan3A_17 = arith.constant 5 : i32
    %scan3A_18 = arith.addi %scan3A_16, %scan3A_17 : i32
    %scan3A_19 = arith.constant 1 : i32
    scf.for %scan3A_21 = %scan3A_16 to %scan3A_18 step %scan3A_19  : i32 {
      %mul3A_22 = arith.constant 2 : i32
      %mul3A_23 = arith.muli %scan3A_21, %mul3A_22 : i32
      %add3A = arith.addi %mul3A_23, %arg0 : i32
      %mul3A_24 = arith.constant 1024 : i32
      %mul3A_25 = arith.muli %add3A, %mul3A_24 : i32
      %add3A_26 = vector.broadcast %mul3A_25 : i32 to vector<16xi32>
      %add3A_27 = arith.addi %broadcast_in_dim3A_1, %add3A_26 : vector<16xi32>
      %scan3A_28 = arith.constant 0 : i32
      %scan3A_29 = arith.constant 0 : i32
      %scan3A_30 = arith.constant 625 : i32
      %scan3A_31 = arith.addi %scan3A_29, %scan3A_30 : i32
      %scan3A_32 = arith.constant 1 : i32
      %scan3A_33 = scf.for %scan3A_179 = %scan3A_29 to %scan3A_31 step %scan3A_32 iter_args(%scan3A_180 = %scan3A_28) -> (i32)  : i32 {
        %mul3A_181 = arith.constant 16 : i32
        %mul3A_182 = arith.muli %scan3A_179, %mul3A_181 : i32
        %get3A_183 = arith.index_cast %mul3A_182 : i32 to index
        %get3A_184 = tpu.vector_load %arg5[%get3A_183] {strides = array<i32>} : memref<10000xi32, #tpu.memory_space<vmem>>, vector<16xi32>,
        %sub3A_185 = arith.subi %get3A_184, %add3A_27 : vector<16xi32>
        %ge3A = arith.cmpi sge, %sub3A_185, %broadcast_in_dim3A_1 : vector<16xi32>
        %lt3A = arith.cmpi slt, %sub3A_185, %broadcast_in_dim3A_13 : vector<16xi32>
        %and3A_186 = arith.andi %ge3A, %lt3A : vector<16xi1>
        %select_n3A_187 = arith.select %and3A_186, %broadcast_in_dim3A_3, %broadcast_in_dim3A_1 : vector<16xi1>, vector<16xi32>
        %broadcast_in_dim3A_188 = arith.constant true
        %broadcast_in_dim3A_189 = vector.broadcast %broadcast_in_dim3A_188 : i1 to vector<16xi1>
        %masked_cumsum3A = tpu.scan <sum>, %select_n3A_187 masked %broadcast_in_dim3A_189 : vector<16xi32>, vector<16xi1> -> vector<16xi32>
        %add3A_190 = vector.broadcast %scan3A_180 : i32 to vector<16xi32>
        %add3A_191 = arith.addi %add3A_190, %masked_cumsum3A : vector<16xi32>
        %sub3A_192 = arith.constant 1 : i32
        %sub3A_193 = vector.broadcast %sub3A_192 : i32 to vector<16xi32>
        %sub3A_194 = arith.subi %add3A_191, %sub3A_193 : vector<16xi32>
        %shift_left3A = arith.constant 18 : i32
        %shift_left3A_195 = vector.broadcast %shift_left3A : i32 to vector<16xi32>
        %shift_left3A_196 = arith.shli %sub3A_185, %shift_left3A_195 : vector<16xi32>
        %mul3A_197 = arith.constant 16 : i32
        %mul3A_198 = arith.muli %scan3A_179, %mul3A_197 : i32
        %add3A_199 = arith.addi %mul3A_0, %mul3A_198 : i32
        %add3A_200 = vector.broadcast %add3A_199 : i32 to vector<16xi32>
        %add3A_201 = arith.addi %iota3A, %add3A_200 : vector<16xi32>
        %or3A = arith.ori %shift_left3A_196, %add3A_201 : vector<16xi32>
        tpu.vector_store_idx %arg6[%sub3A_194], %or3A masked %and3A_186 : memref<10752xi32, #tpu.memory_space<vmem>>[vector<16xi32>], vector<16xi32>, vector<16xi1>
        %reduce_sum3A = arith.constant true
        %reduce_sum3A_202 = vector.broadcast %reduce_sum3A : i1 to vector<16xi1>
        %reduce_sum3A_203 = tpu.scan <sum>, %select_n3A_187 masked %reduce_sum3A_202 : vector<16xi32>, vector<16xi1> -> vector<16xi32>
        %reduce_sum3A_204 = vector.extract %reduce_sum3A_203[15] : i32 from vector<16xi32>
        %add3A_205 = arith.addi %scan3A_180, %reduce_sum3A_204 : i32
        scf.yield %add3A_205 : i32
      }
      %scan3A_34 = arith.constant 625 : i32
      %scan3A_35 = arith.constant 0 : i32
      %scan3A_36 = arith.constant 0 : i32
      %scan3A_37 = arith.constant 32 : i32
      %scan3A_38 = arith.addi %scan3A_36, %scan3A_37 : i32
      %scan3A_39 = arith.constant 1 : i32
      scf.for %scan3A_179 = %scan3A_36 to %scan3A_38 step %scan3A_39  : i32 {
        %mul3A_180 = arith.constant 16 : i32
        %mul3A_181 = arith.muli %scan3A_179, %mul3A_180 : i32
        %add3A_182 = arith.addi %scan3A_33, %mul3A_181 : i32
        %swap3A_183 = arith.index_cast %add3A_182 : i32 to index
        %swap3A_184 = tpu.vector_load %arg6[%swap3A_183] {strides = array<i32>} : memref<10752xi32, #tpu.memory_space<vmem>>, vector<16xi32>,
        tpu.vector_store %arg6[%swap3A_183], %broadcast_in_dim3A_7 {strides = array<i32>} : memref<10752xi32, #tpu.memory_space<vmem>>, vector<16xi32>,
      }
      %scan3A_40 = arith.constant 32 : i32
      %add3A_41 = arith.constant 511 : i32
      %add3A_42 = arith.addi %scan3A_33, %add3A_41 : i32
      %jit3A = arith.constant 512 : i32
      %div3A = arith.divsi %add3A_42, %jit3A : i32
      %sign3A = arith.constant 0 : i32
      %sign3A_43 = arith.cmpi sgt, %add3A_42, %sign3A : i32
      %sign3A_44 = arith.extui %sign3A_43 : i1 to i32
      %sign3A_45 = arith.constant 0 : i32
      %sign3A_46 = arith.cmpi slt, %add3A_42, %sign3A_45 : i32
      %sign3A_47 = arith.extui %sign3A_46 : i1 to i32
      %sign3A_48 = arith.subi %sign3A_44, %sign3A_47 : i32
      %sign3A_49 = arith.constant 0 : i32
      %sign3A_50 = arith.cmpi sgt, %jit3A, %sign3A_49 : i32
      %sign3A_51 = arith.extui %sign3A_50 : i1 to i32
      %sign3A_52 = arith.constant 0 : i32
      %sign3A_53 = arith.cmpi slt, %jit3A, %sign3A_52 : i32
      %sign3A_54 = arith.extui %sign3A_53 : i1 to i32
      %sign3A_55 = arith.subi %sign3A_51, %sign3A_54 : i32
      %ne3A = arith.cmpi ne, %sign3A_48, %sign3A_55 : i32
      %rem3A = arith.remsi %add3A_42, %jit3A : i32
      %ne3A_56 = arith.constant 0 : i32
      %ne3A_57 = arith.cmpi ne, %rem3A, %ne3A_56 : i32
      %and3A = arith.andi %ne3A, %ne3A_57 : i1
      %sub3A = arith.constant 1 : i32
      %sub3A_58 = arith.subi %div3A, %sub3A : i32
      %select_n3A = arith.select %and3A, %sub3A_58, %div3A : i32
      %mul3A_59 = arith.constant 512 : i32
      %mul3A_60 = arith.muli %select_n3A, %mul3A_59 : i32
      %add3A_61 = vector.broadcast %mul3A_60 : i32 to vector<16xi32>
      %add3A_62 = arith.addi %broadcast_in_dim3A_1, %add3A_61 : vector<16xi32>
      %swap3A = arith.constant 0 : index
      %swap3A_63 = tpu.vector_load %arg11[%swap3A] {strides = array<i32>} : memref<16xi32, #tpu.memory_space<vmem>>, vector<16xi32>,
      tpu.vector_store %arg11[%swap3A], %add3A_62 {strides = array<i32>} : memref<16xi32, #tpu.memory_space<vmem>>, vector<16xi32>,
      %mul3A_64 = arith.constant 16 : i32
      %mul3A_65 = arith.muli %arg1, %mul3A_64 : i32
      %multiple_of3A_66 = tpu.assume_multiple %mul3A_65, 8 : i32
      "tpu.region"() ({
        %run_scoped3A = tpu.sem_alloc : memref<!tpu.dma_semaphore, #tpu.memory_space<semaphore_mem>>
        %dma_start3A_179 = tpu.memref_slice %arg16[%multiple_of3A_66] : memref<256xi32, #tpu.memory_space<vmem_shared>> -> memref<16xi32, #tpu.memory_space<vmem_shared>>
        %dma_start3A_180 = tpu.memref_slice %arg16[%multiple_of3A_66] : memref<256xi32, #tpu.memory_space<vmem_shared>> -> memref<16xi32, #tpu.memory_space<vmem_shared>>
        tpu.enqueue_dma source(%arg11 : memref<16xi32, #tpu.memory_space<vmem>>) target(%dma_start3A_180 : memref<16xi32, #tpu.memory_space<vmem_shared>>) target_semaphore(%run_scoped3A : memref<!tpu.dma_semaphore, #tpu.memory_space<semaphore_mem>>)
        %dma_wait3A_181 = tpu.memref_slice %arg16[%multiple_of3A_66] : memref<256xi32, #tpu.memory_space<vmem_shared>> -> memref<16xi32, #tpu.memory_space<vmem_shared>>
        %dma_wait3A_182 = tpu.memref_slice %arg16[%multiple_of3A_66] : memref<256xi32, #tpu.memory_space<vmem_shared>> -> memref<16xi32, #tpu.memory_space<vmem_shared>>
        tpu.wait_dma2 semaphore(%run_scoped3A : memref<!tpu.dma_semaphore, #tpu.memory_space<semaphore_mem>>) src(%arg11 : memref<16xi32, #tpu.memory_space<vmem>>) dst(%dma_wait3A_182 : memref<16xi32, #tpu.memory_space<vmem_shared>>)
        tpu.yield
      }) : () -> ()
      %jit3A_67 = arith.constant 512 : i32
      %div3A_68 = arith.divsi %mul3A_60, %jit3A_67 : i32
      %sign3A_69 = arith.constant 0 : i32
      %sign3A_70 = arith.cmpi sgt, %mul3A_60, %sign3A_69 : i32
      %sign3A_71 = arith.extui %sign3A_70 : i1 to i32
      %sign3A_72 = arith.constant 0 : i32
      %sign3A_73 = arith.cmpi slt, %mul3A_60, %sign3A_72 : i32
      %sign3A_74 = arith.extui %sign3A_73 : i1 to i32
      %sign3A_75 = arith.subi %sign3A_71, %sign3A_74 : i32
      %sign3A_76 = arith.constant 0 : i32
      %sign3A_77 = arith.cmpi sgt, %jit3A_67, %sign3A_76 : i32
      %sign3A_78 = arith.extui %sign3A_77 : i1 to i32
      %sign3A_79 = arith.constant 0 : i32
      %sign3A_80 = arith.cmpi slt, %jit3A_67, %sign3A_79 : i32
      %sign3A_81 = arith.extui %sign3A_80 : i1 to i32
      %sign3A_82 = arith.subi %sign3A_78, %sign3A_81 : i32
      %ne3A_83 = arith.cmpi ne, %sign3A_75, %sign3A_82 : i32
      %rem3A_84 = arith.remsi %mul3A_60, %jit3A_67 : i32
      %ne3A_85 = arith.constant 0 : i32
      %ne3A_86 = arith.cmpi ne, %rem3A_84, %ne3A_85 : i32
      %and3A_87 = arith.andi %ne3A_83, %ne3A_86 : i1
      %sub3A_88 = arith.constant 1 : i32
      %sub3A_89 = arith.subi %div3A_68, %sub3A_88 : i32
      %select_n3A_90 = arith.select %and3A_87, %sub3A_89, %div3A_68 : i32
      %while3A = arith.constant 0 : i32
      %while3A_91 = arith.constant 0 : i32
      %while3A_92 = arith.subi %select_n3A_90, %while3A_91 : i32
      %while3A_93 = arith.addi %while3A_91, %while3A_92 : i32
      %while3A_94 = arith.constant 1 : i32
      %while3A_95 = arith.divsi %while3A_92, %while3A_94 : i32
      %while3A_96 = arith.muli %while3A_95, %while3A_94 : i32
      %while3A_97 = arith.addi %while3A_91, %while3A_96 : i32
      %while3A_98 = arith.constant 1 : i32
      scf.for %while3A_179 = %while3A_91 to %while3A_97 step %while3A_98  : i32 {
        %mul3A_180 = arith.constant 512 : i32
        %mul3A_181 = arith.muli %while3A_179, %mul3A_180 : i32
        %multiple_of3A_182 = tpu.assume_multiple %mul3A_181, 8 : i32
        %mul3A_183 = arith.constant 10240 : i32
        %mul3A_184 = arith.muli %arg1, %mul3A_183 : i32
        %mul3A_185 = arith.constant 512 : i32
        %mul3A_186 = arith.muli %while3A_179, %mul3A_185 : i32
        %add3A_187 = arith.addi %mul3A_184, %mul3A_186 : i32
        %multiple_of3A_188 = tpu.assume_multiple %add3A_187, 8 : i32
        "tpu.region"() ({
          %run_scoped3A = tpu.sem_alloc : memref<!tpu.dma_semaphore, #tpu.memory_space<semaphore_mem>>
          %dma_start3A_189 = tpu.memref_slice %arg6[%multiple_of3A_182] : memref<10752xi32, #tpu.memory_space<vmem>> -> memref<512xi32, #tpu.memory_space<vmem>>
          %dma_start3A_190 = tpu.memref_slice %arg15[%multiple_of3A_188] : memref<163840xi32, #tpu.memory_space<vmem_shared>> -> memref<512xi32, #tpu.memory_space<vmem_shared>>
          %dma_start3A_191 = tpu.memref_slice %arg15[%multiple_of3A_188] : memref<163840xi32, #tpu.memory_space<vmem_shared>> -> memref<512xi32, #tpu.memory_space<vmem_shared>>
          %dma_start3A_192 = tpu.memref_slice %arg6[%multiple_of3A_182] : memref<10752xi32, #tpu.memory_space<vmem>> -> memref<512xi32, #tpu.memory_space<vmem>>
          tpu.enqueue_dma source(%dma_start3A_192 : memref<512xi32, #tpu.memory_space<vmem>>) target(%dma_start3A_191 : memref<512xi32, #tpu.memory_space<vmem_shared>>) target_semaphore(%run_scoped3A : memref<!tpu.dma_semaphore, #tpu.memory_space<semaphore_mem>>)
          %dma_wait3A_193 = tpu.memref_slice %arg6[%multiple_of3A_182] : memref<10752xi32, #tpu.memory_space<vmem>> -> memref<512xi32, #tpu.memory_space<vmem>>
          %dma_wait3A_194 = tpu.memref_slice %arg15[%multiple_of3A_188] : memref<163840xi32, #tpu.memory_space<vmem_shared>> -> memref<512xi32, #tpu.memory_space<vmem_shared>>
          %dma_wait3A_195 = tpu.memref_slice %arg15[%multiple_of3A_188] : memref<163840xi32, #tpu.memory_space<vmem_shared>> -> memref<512xi32, #tpu.memory_space<vmem_shared>>
          %dma_wait3A_196 = tpu.memref_slice %arg6[%multiple_of3A_182] : memref<10752xi32, #tpu.memory_space<vmem>> -> memref<512xi32, #tpu.memory_space<vmem>>
          tpu.wait_dma2 semaphore(%run_scoped3A : memref<!tpu.dma_semaphore, #tpu.memory_space<semaphore_mem>>) src(%dma_wait3A_196 : memref<512xi32, #tpu.memory_space<vmem>>) dst(%dma_wait3A_195 : memref<512xi32, #tpu.memory_space<vmem_shared>>)
          tpu.yield
        }) : () -> ()
      }
      %while3A_99 = arith.constant 1 : i32
      scf.for %while3A_179 = %while3A_97 to %while3A_93 step %while3A_99  : i32 {
        %mul3A_180 = arith.constant 512 : i32
        %mul3A_181 = arith.muli %while3A_179, %mul3A_180 : i32
        %multiple_of3A_182 = tpu.assume_multiple %mul3A_181, 8 : i32
        %mul3A_183 = arith.constant 10240 : i32
        %mul3A_184 = arith.muli %arg1, %mul3A_183 : i32
        %mul3A_185 = arith.constant 512 : i32
        %mul3A_186 = arith.muli %while3A_179, %mul3A_185 : i32
        %add3A_187 = arith.addi %mul3A_184, %mul3A_186 : i32
        %multiple_of3A_188 = tpu.assume_multiple %add3A_187, 8 : i32
        "tpu.region"() ({
          %run_scoped3A = tpu.sem_alloc : memref<!tpu.dma_semaphore, #tpu.memory_space<semaphore_mem>>
          %dma_start3A_189 = tpu.memref_slice %arg6[%multiple_of3A_182] : memref<10752xi32, #tpu.memory_space<vmem>> -> memref<512xi32, #tpu.memory_space<vmem>>
          %dma_start3A_190 = tpu.memref_slice %arg15[%multiple_of3A_188] : memref<163840xi32, #tpu.memory_space<vmem_shared>> -> memref<512xi32, #tpu.memory_space<vmem_shared>>
          %dma_start3A_191 = tpu.memref_slice %arg15[%multiple_of3A_188] : memref<163840xi32, #tpu.memory_space<vmem_shared>> -> memref<512xi32, #tpu.memory_space<vmem_shared>>
          %dma_start3A_192 = tpu.memref_slice %arg6[%multiple_of3A_182] : memref<10752xi32, #tpu.memory_space<vmem>> -> memref<512xi32, #tpu.memory_space<vmem>>
          tpu.enqueue_dma source(%dma_start3A_192 : memref<512xi32, #tpu.memory_space<vmem>>) target(%dma_start3A_191 : memref<512xi32, #tpu.memory_space<vmem_shared>>) target_semaphore(%run_scoped3A : memref<!tpu.dma_semaphore, #tpu.memory_space<semaphore_mem>>)
          %dma_wait3A_193 = tpu.memref_slice %arg6[%multiple_of3A_182] : memref<10752xi32, #tpu.memory_space<vmem>> -> memref<512xi32, #tpu.memory_space<vmem>>
          %dma_wait3A_194 = tpu.memref_slice %arg15[%multiple_of3A_188] : memref<163840xi32, #tpu.memory_space<vmem_shared>> -> memref<512xi32, #tpu.memory_space<vmem_shared>>
          %dma_wait3A_195 = tpu.memref_slice %arg15[%multiple_of3A_188] : memref<163840xi32, #tpu.memory_space<vmem_shared>> -> memref<512xi32, #tpu.memory_space<vmem_shared>>
          %dma_wait3A_196 = tpu.memref_slice %arg6[%multiple_of3A_182] : memref<10752xi32, #tpu.memory_space<vmem>> -> memref<512xi32, #tpu.memory_space<vmem>>
          tpu.wait_dma2 semaphore(%run_scoped3A : memref<!tpu.dma_semaphore, #tpu.memory_space<semaphore_mem>>) src(%dma_wait3A_196 : memref<512xi32, #tpu.memory_space<vmem>>) dst(%dma_wait3A_195 : memref<512xi32, #tpu.memory_space<vmem_shared>>)
          tpu.yield
        }) : () -> ()
      }
      %scan3A_100 = arith.constant 0 : i32
      %scan3A_101 = arith.constant 0 : i32
      %scan3A_102 = arith.constant 2880 : i32
      %scan3A_103 = arith.addi %scan3A_101, %scan3A_102 : i32
      %scan3A_104 = arith.constant 1 : i32
      scf.for %scan3A_179 = %scan3A_101 to %scan3A_103 step %scan3A_104  : i32 {
        %jit3A_180 = arith.constant 40 : i32
        %div3A_181 = arith.divsi %scan3A_179, %jit3A_180 : i32
        %sign3A_182 = arith.constant 0 : i32
        %sign3A_183 = arith.cmpi sgt, %scan3A_179, %sign3A_182 : i32
        %sign3A_184 = arith.extui %sign3A_183 : i1 to i32
        %sign3A_185 = arith.constant 0 : i32
        %sign3A_186 = arith.cmpi slt, %scan3A_179, %sign3A_185 : i32
        %sign3A_187 = arith.extui %sign3A_186 : i1 to i32
        %sign3A_188 = arith.subi %sign3A_184, %sign3A_187 : i32
        %sign3A_189 = arith.constant 0 : i32
        %sign3A_190 = arith.cmpi sgt, %jit3A_180, %sign3A_189 : i32
        %sign3A_191 = arith.extui %sign3A_190 : i1 to i32
        %sign3A_192 = arith.constant 0 : i32
        %sign3A_193 = arith.cmpi slt, %jit3A_180, %sign3A_192 : i32
        %sign3A_194 = arith.extui %sign3A_193 : i1 to i32
        %sign3A_195 = arith.subi %sign3A_191, %sign3A_194 : i32
        %ne3A_196 = arith.cmpi ne, %sign3A_188, %sign3A_195 : i32
        %rem3A_197 = arith.remsi %scan3A_179, %jit3A_180 : i32
        %ne3A_198 = arith.constant 0 : i32
        %ne3A_199 = arith.cmpi ne, %rem3A_197, %ne3A_198 : i32
        %and3A_200 = arith.andi %ne3A_196, %ne3A_199 : i1
        %sub3A_201 = arith.constant 1 : i32
        %sub3A_202 = arith.subi %div3A_181, %sub3A_201 : i32
        %select_n3A_203 = arith.select %and3A_200, %sub3A_202, %div3A_181 : i32
        %jit3A_204 = arith.constant 40 : i32
        %eq3A = arith.constant 0 : i32
        %eq3A_205 = arith.cmpi eq, %jit3A_204, %eq3A : i32
        %jit3A_206 = arith.constant 1 : i32
        %select_n3A_207 = arith.select %eq3A_205, %jit3A_206, %jit3A_204 : i32
        %rem3A_208 = arith.remsi %scan3A_179, %select_n3A_207 : i32
        %ne3A_209 = arith.constant 0 : i32
        %ne3A_210 = arith.cmpi ne, %rem3A_208, %ne3A_209 : i32
        %lt3A = arith.constant 0 : i32
        %lt3A_211 = arith.cmpi slt, %rem3A_208, %lt3A : i32
        %lt3A_212 = arith.constant 0 : i32
        %lt3A_213 = arith.cmpi slt, %select_n3A_207, %lt3A_212 : i32
        %ne3A_214 = arith.xori %lt3A_211, %lt3A_213 : i1
        %and3A_215 = arith.andi %ne3A_214, %ne3A_210 : i1
        %add3A_216 = arith.addi %rem3A_208, %select_n3A_207 : i32
        %select_n3A_217 = arith.select %and3A_215, %add3A_216, %rem3A_208 : i32
        %mul3A_218 = arith.constant 16 : i32
        %mul3A_219 = arith.muli %select_n3A_217, %mul3A_218 : i32
        %swap3A_220 = arith.index_cast %select_n3A_203 : i32 to index
        %swap3A_221 = arith.index_cast %mul3A_219 : i32 to index
        %swap3A_222 = tpu.vector_load %arg14[%swap3A_220, %swap3A_221] {strides = array<i32>} : memref<72x640xf32, #tpu.memory_space<vmem>>, vector<16xf32>,
        tpu.vector_store %arg14[%swap3A_220, %swap3A_221], %broadcast_in_dim3A_5 {strides = array<i32>} : memref<72x640xf32, #tpu.memory_space<vmem>>, vector<16xf32>,
      }
      %scan3A_105 = arith.constant 2880 : i32
      %barrier3A = arith.constant 0 : index
      tpu.barrier barrier_id(%barrier3A)
      "tpu.region"() ({
        %run_scoped3A = tpu.sem_alloc : memref<!tpu.dma_semaphore, #tpu.memory_space<semaphore_mem>>
        tpu.enqueue_dma source(%arg16 : memref<256xi32, #tpu.memory_space<vmem_shared>>) target(%arg12 : memref<256xi32, #tpu.memory_space<vmem>>) target_semaphore(%run_scoped3A : memref<!tpu.dma_semaphore, #tpu.memory_space<semaphore_mem>>)
        tpu.wait_dma2 semaphore(%run_scoped3A : memref<!tpu.dma_semaphore, #tpu.memory_space<semaphore_mem>>) src(%arg16 : memref<256xi32, #tpu.memory_space<vmem_shared>>) dst(%arg12 : memref<256xi32, #tpu.memory_space<vmem>>)
        tpu.yield
      }) : () -> ()
      %mul3A_106 = arith.constant 64 : i32
      %mul3A_107 = arith.muli %arg1, %mul3A_106 : i32
      %add3A_108 = vector.broadcast %mul3A_107 : i32 to vector<16xi32>
      %add3A_109 = arith.addi %broadcast_in_dim3A_1, %add3A_108 : vector<16xi32>
      %scan3A_110 = arith.constant 0 : i32
      %scan3A_111 = arith.constant 0 : i32
      %scan3A_112 = arith.constant 16 : i32
      %scan3A_113 = arith.addi %scan3A_111, %scan3A_112 : i32
      %scan3A_114 = arith.constant 1 : i32
      %scan3A_115 = scf.for %scan3A_179 = %scan3A_111 to %scan3A_113 step %scan3A_114 iter_args(%scan3A_180 = %scan3A_110) -> (i32)  : i32 {
        %mul3A_181 = arith.constant 16 : i32
        %mul3A_182 = arith.muli %scan3A_179, %mul3A_181 : i32
        %multiple_of3A_183 = tpu.assume_multiple %mul3A_182, 8 : i32
        %get3A_184 = arith.index_cast %multiple_of3A_183 : i32 to index
        %get3A_185 = tpu.vector_load %arg12[%get3A_184] {strides = array<i32>} : memref<256xi32, #tpu.memory_space<vmem>>, vector<16xi32>,
        %reduce_max3A = arith.constant true
        %reduce_max3A_186 = vector.broadcast %reduce_max3A : i1 to vector<16xi1>
        %reduce_max3A_187 = arith.constant -2147483648 : i32
        %reduce_max3A_188 = vector.broadcast %reduce_max3A_187 : i32 to vector<16xi32>
        %reduce_max3A_189 = arith.xori %get3A_185, %reduce_max3A_188 : vector<16xi32>
        %reduce_max3A_190 = tpu.scan <max>, %reduce_max3A_189 masked %reduce_max3A_186 : vector<16xi32>, vector<16xi1> -> vector<16xi32>
        %reduce_max3A_191 = arith.xori %reduce_max3A_190, %reduce_max3A_188 : vector<16xi32>
        %reduce_max3A_192 = vector.extract %reduce_max3A_191[15] : i32 from vector<16xi32>
        %jit3A_193 = arith.constant 512 : i32
        %div3A_194 = arith.divsi %reduce_max3A_192, %jit3A_193 : i32
        %sign3A_195 = arith.constant 0 : i32
        %sign3A_196 = arith.cmpi sgt, %reduce_max3A_192, %sign3A_195 : i32
        %sign3A_197 = arith.extui %sign3A_196 : i1 to i32
        %sign3A_198 = arith.constant 0 : i32
        %sign3A_199 = arith.cmpi slt, %reduce_max3A_192, %sign3A_198 : i32
        %sign3A_200 = arith.extui %sign3A_199 : i1 to i32
        %sign3A_201 = arith.subi %sign3A_197, %sign3A_200 : i32
        %sign3A_202 = arith.constant 0 : i32
        %sign3A_203 = arith.cmpi sgt, %jit3A_193, %sign3A_202 : i32
        %sign3A_204 = arith.extui %sign3A_203 : i1 to i32
        %sign3A_205 = arith.constant 0 : i32
        %sign3A_206 = arith.cmpi slt, %jit3A_193, %sign3A_205 : i32
        %sign3A_207 = arith.extui %sign3A_206 : i1 to i32
        %sign3A_208 = arith.subi %sign3A_204, %sign3A_207 : i32
        %ne3A_209 = arith.cmpi ne, %sign3A_201, %sign3A_208 : i32
        %rem3A_210 = arith.remsi %reduce_max3A_192, %jit3A_193 : i32
        %ne3A_211 = arith.constant 0 : i32
        %ne3A_212 = arith.cmpi ne, %rem3A_210, %ne3A_211 : i32
        %and3A_213 = arith.andi %ne3A_209, %ne3A_212 : i1
        %sub3A_214 = arith.constant 1 : i32
        %sub3A_215 = arith.subi %div3A_194, %sub3A_214 : i32
        %select_n3A_216 = arith.select %and3A_213, %sub3A_215, %div3A_194 : i32
        %while3A_217 = arith.constant 0 : i32
        %while3A_218 = arith.subi %select_n3A_216, %while3A_217 : i32
        %while3A_219 = arith.addi %while3A_217, %while3A_218 : i32
        %while3A_220 = arith.constant 1 : i32
        %while3A_221 = arith.divsi %while3A_218, %while3A_220 : i32
        %while3A_222 = arith.muli %while3A_221, %while3A_220 : i32
        %while3A_223 = arith.addi %while3A_217, %while3A_222 : i32
        %while3A_224 = arith.constant 1 : i32
        %while3A_225 = scf.for %while3A_228 = %while3A_217 to %while3A_223 step %while3A_224 iter_args(%while3A_229 = %scan3A_180) -> (i32)  : i32 {
          %mul3A_230 = arith.constant 10240 : i32
          %mul3A_231 = arith.muli %scan3A_179, %mul3A_230 : i32
          %mul3A_232 = arith.constant 512 : i32
          %mul3A_233 = arith.muli %while3A_228, %mul3A_232 : i32
          %add3A_234 = arith.addi %mul3A_231, %mul3A_233 : i32
          %multiple_of3A_235 = tpu.assume_multiple %add3A_234, 8 : i32
          "tpu.region"() ({
            %run_scoped3A = tpu.sem_alloc : memref<!tpu.dma_semaphore, #tpu.memory_space<semaphore_mem>>
            %dma_start3A_330 = tpu.memref_slice %arg15[%multiple_of3A_235] : memref<163840xi32, #tpu.memory_space<vmem_shared>> -> memref<512xi32, #tpu.memory_space<vmem_shared>>
            %dma_start3A_331 = tpu.memref_slice %arg15[%multiple_of3A_235] : memref<163840xi32, #tpu.memory_space<vmem_shared>> -> memref<512xi32, #tpu.memory_space<vmem_shared>>
            tpu.enqueue_dma source(%dma_start3A_331 : memref<512xi32, #tpu.memory_space<vmem_shared>>) target(%arg7 : memref<512xi32, #tpu.memory_space<vmem>>) target_semaphore(%run_scoped3A : memref<!tpu.dma_semaphore, #tpu.memory_space<semaphore_mem>>)
            %dma_wait3A_332 = tpu.memref_slice %arg15[%multiple_of3A_235] : memref<163840xi32, #tpu.memory_space<vmem_shared>> -> memref<512xi32, #tpu.memory_space<vmem_shared>>
            %dma_wait3A_333 = tpu.memref_slice %arg15[%multiple_of3A_235] : memref<163840xi32, #tpu.memory_space<vmem_shared>> -> memref<512xi32, #tpu.memory_space<vmem_shared>>
            tpu.wait_dma2 semaphore(%run_scoped3A : memref<!tpu.dma_semaphore, #tpu.memory_space<semaphore_mem>>) src(%dma_wait3A_333 : memref<512xi32, #tpu.memory_space<vmem_shared>>) dst(%arg7 : memref<512xi32, #tpu.memory_space<vmem>>)
            tpu.yield
          }) : () -> ()
          %scan3A_236 = arith.constant 0 : i32
          %scan3A_237 = arith.constant 32 : i32
          %scan3A_238 = arith.addi %scan3A_236, %scan3A_237 : i32
          %scan3A_239 = arith.constant 1 : i32
          %scan3A_240 = scf.for %scan3A_330 = %scan3A_236 to %scan3A_238 step %scan3A_239 iter_args(%scan3A_331 = %while3A_229) -> (i32)  : i32 {
            %mul3A_332 = arith.constant 16 : i32
            %mul3A_333 = arith.muli %scan3A_330, %mul3A_332 : i32
            %get3A_334 = arith.index_cast %mul3A_333 : i32 to index
            %get3A_335 = tpu.vector_load %arg7[%get3A_334] {strides = array<i32>} : memref<512xi32, #tpu.memory_space<vmem>>, vector<16xi32>,
            %and3A_336 = arith.andi %get3A_335, %broadcast_in_dim3A_15 : vector<16xi32>
            %shift_right_logical3A = arith.constant 18 : i32
            %shift_right_logical3A_337 = vector.broadcast %shift_right_logical3A : i32 to vector<16xi32>
            %shift_right_logical3A_338 = arith.shrui %get3A_335, %shift_right_logical3A_337 : vector<16xi32>
            %sub3A_339 = arith.subi %shift_right_logical3A_338, %add3A_109 : vector<16xi32>
            %ge3A = arith.cmpi sge, %sub3A_339, %broadcast_in_dim3A_1 : vector<16xi32>
            %lt3A = arith.cmpi slt, %sub3A_339, %broadcast_in_dim3A_11 : vector<16xi32>
            %and3A_340 = arith.andi %ge3A, %lt3A : vector<16xi1>
            %select_n3A_341 = arith.select %and3A_340, %broadcast_in_dim3A_3, %broadcast_in_dim3A_1 : vector<16xi1>, vector<16xi32>
            %broadcast_in_dim3A_342 = arith.constant true
            %broadcast_in_dim3A_343 = vector.broadcast %broadcast_in_dim3A_342 : i1 to vector<16xi1>
            %masked_cumsum3A = tpu.scan <sum>, %select_n3A_341 masked %broadcast_in_dim3A_343 : vector<16xi32>, vector<16xi1> -> vector<16xi32>
            %add3A_344 = vector.broadcast %scan3A_331 : i32 to vector<16xi32>
            %add3A_345 = arith.addi %add3A_344, %masked_cumsum3A : vector<16xi32>
            %sub3A_346 = arith.constant 1 : i32
            %sub3A_347 = vector.broadcast %sub3A_346 : i32 to vector<16xi32>
            %sub3A_348 = arith.subi %add3A_345, %sub3A_347 : vector<16xi32>
            tpu.vector_store_idx %arg8[%sub3A_348], %and3A_336 masked %and3A_340 : memref<640xi32, #tpu.memory_space<vmem>>[vector<16xi32>], vector<16xi32>, vector<16xi1>
            tpu.vector_store_idx %arg9[%sub3A_348], %sub3A_339 masked %and3A_340 : memref<640xi32, #tpu.memory_space<vmem>>[vector<16xi32>], vector<16xi32>, vector<16xi1>
            %reduce_sum3A = arith.constant true
            %reduce_sum3A_349 = vector.broadcast %reduce_sum3A : i1 to vector<16xi1>
            %reduce_sum3A_350 = tpu.scan <sum>, %select_n3A_341 masked %reduce_sum3A_349 : vector<16xi32>, vector<16xi1> -> vector<16xi32>
            %reduce_sum3A_351 = vector.extract %reduce_sum3A_350[15] : i32 from vector<16xi32>
            %add3A_352 = arith.addi %scan3A_331, %reduce_sum3A_351 : i32
            scf.yield %add3A_352 : i32
          }
          %scan3A_241 = arith.constant 32 : i32
          %jit3A_242 = arith.constant 64 : i32
          %div3A_243 = arith.divsi %scan3A_240, %jit3A_242 : i32
          %sign3A_244 = arith.constant 0 : i32
          %sign3A_245 = arith.cmpi sgt, %scan3A_240, %sign3A_244 : i32
          %sign3A_246 = arith.extui %sign3A_245 : i1 to i32
          %sign3A_247 = arith.constant 0 : i32
          %sign3A_248 = arith.cmpi slt, %scan3A_240, %sign3A_247 : i32
          %sign3A_249 = arith.extui %sign3A_248 : i1 to i32
          %sign3A_250 = arith.subi %sign3A_246, %sign3A_249 : i32
          %sign3A_251 = arith.constant 0 : i32
          %sign3A_252 = arith.cmpi sgt, %jit3A_242, %sign3A_251 : i32
          %sign3A_253 = arith.extui %sign3A_252 : i1 to i32
          %sign3A_254 = arith.constant 0 : i32
          %sign3A_255 = arith.cmpi slt, %jit3A_242, %sign3A_254 : i32
          %sign3A_256 = arith.extui %sign3A_255 : i1 to i32
          %sign3A_257 = arith.subi %sign3A_253, %sign3A_256 : i32
          %ne3A_258 = arith.cmpi ne, %sign3A_250, %sign3A_257 : i32
          %rem3A_259 = arith.remsi %scan3A_240, %jit3A_242 : i32
          %ne3A_260 = arith.constant 0 : i32
          %ne3A_261 = arith.cmpi ne, %rem3A_259, %ne3A_260 : i32
          %and3A_262 = arith.andi %ne3A_258, %ne3A_261 : i1
          %sub3A_263 = arith.constant 1 : i32
          %sub3A_264 = arith.subi %div3A_243, %sub3A_263 : i32
          %select_n3A_265 = arith.select %and3A_262, %sub3A_264, %div3A_243 : i32
          %while3A_266 = arith.constant 0 : i32
          %while3A_267 = arith.constant 0 : i32
          %while3A_268 = arith.subi %select_n3A_265, %while3A_267 : i32
          %while3A_269 = arith.addi %while3A_267, %while3A_268 : i32
          %while3A_270 = arith.constant 1 : i32
          %while3A_271 = arith.divsi %while3A_268, %while3A_270 : i32
          %while3A_272 = arith.muli %while3A_271, %while3A_270 : i32
          %while3A_273 = arith.addi %while3A_267, %while3A_272 : i32
          %while3A_274 = arith.constant 1 : i32
          scf.for %while3A_330 = %while3A_267 to %while3A_273 step %while3A_274  : i32 {
            %mul3A_331 = arith.constant 64 : i32
            %mul3A_332 = arith.muli %while3A_330, %mul3A_331 : i32
            %add3A_333 = arith.constant 0 : i32
            %add3A_334 = arith.addi %mul3A_332, %add3A_333 : i32
            %get3A_335 = arith.index_cast %add3A_334 : i32 to index
            %get3A_336 = tpu.vector_load %arg8[%get3A_335] {strides = array<i32>} : memref<640xi32, #tpu.memory_space<vmem>>, vector<16xi32>,
            %swap3A_337 = arith.constant 0 : index
            %swap3A_338 = tpu.vector_load %arg10[%swap3A_337] {strides = array<i32>} : memref<64xi32, #tpu.memory_space<vmem>>, vector<16xi32>,
            tpu.vector_store %arg10[%swap3A_337], %get3A_336 {strides = array<i32>} : memref<64xi32, #tpu.memory_space<vmem>>, vector<16xi32>,
            %mul3A_339 = arith.constant 64 : i32
            %mul3A_340 = arith.muli %while3A_330, %mul3A_339 : i32
            %add3A_341 = arith.constant 16 : i32
            %add3A_342 = arith.addi %mul3A_340, %add3A_341 : i32
            %get3A_343 = arith.index_cast %add3A_342 : i32 to index
            %get3A_344 = tpu.vector_load %arg8[%get3A_343] {strides = array<i32>} : memref<640xi32, #tpu.memory_space<vmem>>, vector<16xi32>,
            %swap3A_345 = arith.constant 16 : index
            %swap3A_346 = tpu.vector_load %arg10[%swap3A_345] {strides = array<i32>} : memref<64xi32, #tpu.memory_space<vmem>>, vector<16xi32>,
            tpu.vector_store %arg10[%swap3A_345], %get3A_344 {strides = array<i32>} : memref<64xi32, #tpu.memory_space<vmem>>, vector<16xi32>,
            %mul3A_347 = arith.constant 64 : i32
            %mul3A_348 = arith.muli %while3A_330, %mul3A_347 : i32
            %add3A_349 = arith.constant 32 : i32
            %add3A_350 = arith.addi %mul3A_348, %add3A_349 : i32
            %get3A_351 = arith.index_cast %add3A_350 : i32 to index
            %get3A_352 = tpu.vector_load %arg8[%get3A_351] {strides = array<i32>} : memref<640xi32, #tpu.memory_space<vmem>>, vector<16xi32>,
            %swap3A_353 = arith.constant 32 : index
            %swap3A_354 = tpu.vector_load %arg10[%swap3A_353] {strides = array<i32>} : memref<64xi32, #tpu.memory_space<vmem>>, vector<16xi32>,
            tpu.vector_store %arg10[%swap3A_353], %get3A_352 {strides = array<i32>} : memref<64xi32, #tpu.memory_space<vmem>>, vector<16xi32>,
            %mul3A_355 = arith.constant 64 : i32
            %mul3A_356 = arith.muli %while3A_330, %mul3A_355 : i32
            %add3A_357 = arith.constant 48 : i32
            %add3A_358 = arith.addi %mul3A_356, %add3A_357 : i32
            %get3A_359 = arith.index_cast %add3A_358 : i32 to index
            %get3A_360 = tpu.vector_load %arg8[%get3A_359] {strides = array<i32>} : memref<640xi32, #tpu.memory_space<vmem>>, vector<16xi32>,
            %swap3A_361 = arith.constant 48 : index
            %swap3A_362 = tpu.vector_load %arg10[%swap3A_361] {strides = array<i32>} : memref<64xi32, #tpu.memory_space<vmem>>, vector<16xi32>,
            tpu.vector_store %arg10[%swap3A_361], %get3A_360 {strides = array<i32>} : memref<64xi32, #tpu.memory_space<vmem>>, vector<16xi32>,
            %dma_start3A_363 = arith.constant 0 : i32
            %dma_start3A_364 = arith.constant 0 : i32
            %dma_start3A_365 = tpu.memref_slice %arg2[%dma_start3A_363, %dma_start3A_364] : memref<160000x256xf32, #tpu.memory_space<hbm>> -> memref<160000x256xf32, #tpu.memory_space<hbm>>
            tpu.enqueue_indirect_dma source(%dma_start3A_365 : memref<160000x256xf32, #tpu.memory_space<hbm>>) target(%arg13 : memref<64x256xf32, #tpu.memory_space<vmem>>) offsets(%arg10 : memref<64xi32, #tpu.memory_space<vmem>>) semaphore(%arg17 : memref<!tpu.dma_semaphore, #tpu.memory_space<semaphore_mem>>)
            %dma_wait3A_366 = arith.constant 0 : i32
            %dma_wait3A_367 = arith.constant 0 : i32
            %dma_wait3A_368 = tpu.memref_slice %arg2[%dma_wait3A_366, %dma_wait3A_367] : memref<160000x256xf32, #tpu.memory_space<hbm>> -> memref<160000x256xf32, #tpu.memory_space<hbm>>
            tpu.wait_indirect_dma semaphore(%arg17 : memref<!tpu.dma_semaphore, #tpu.memory_space<semaphore_mem>>) src(%dma_wait3A_368 : memref<160000x256xf32, #tpu.memory_space<hbm>>) dst(%arg13 : memref<64x256xf32, #tpu.memory_space<vmem>>)
            %scan3A_369 = arith.constant 0 : i32
            %scan3A_370 = arith.constant 0 : i32
            %scan3A_371 = arith.constant 64 : i32
            %scan3A_372 = arith.addi %scan3A_370, %scan3A_371 : i32
            %scan3A_373 = arith.constant 1 : i32
            scf.for %scan3A_375 = %scan3A_370 to %scan3A_372 step %scan3A_373  : i32 {
              %mul3A_376 = arith.constant 64 : i32
              %mul3A_377 = arith.muli %while3A_330, %mul3A_376 : i32
              %add3A_378 = arith.addi %mul3A_377, %scan3A_375 : i32
              %get3A_379 = arith.index_cast %add3A_378 : i32 to index
              %get3A_380 = tpu.vector_load %arg9[%get3A_379] {strides = array<i32>} : memref<640xi32, #tpu.memory_space<vmem>>, vector<16xi32>,
              %slice3A = vector.extract_strided_slice %get3A_380 {offsets = [0], sizes = [1], strides = [1]} : vector<16xi32> to vector<1xi32>
              %squeeze3A = vector.extract %slice3A[0] : i32 from vector<1xi32>
              %get3A_381 = arith.index_cast %scan3A_375 : i32 to index
              %get3A_382 = arith.constant 192 : index
              %get3A_383 = tpu.vector_load %arg13[%get3A_381, %get3A_382] {strides = array<i32>} : memref<64x256xf32, #tpu.memory_space<vmem>>, vector<16xf32>,
              %slice3A_384 = vector.extract_strided_slice %get3A_383 {offsets = [0], sizes = [1], strides = [1]} : vector<16xf32> to vector<1xf32>
              %squeeze3A_385 = vector.extract %slice3A_384[0] : f32 from vector<1xf32>
              %add3A_386 = vector.broadcast %squeeze3A_385 : f32 to vector<16xf32>
              %add3A_387 = arith.addf %broadcast_in_dim3A_5, %add3A_386 : vector<16xf32>
              %get3A_388 = arith.index_cast %scan3A_375 : i32 to index
              %get3A_389 = arith.constant 0 : index
              %get3A_390 = tpu.vector_load %arg13[%get3A_388, %get3A_389] {strides = array<i32>} : memref<64x256xf32, #tpu.memory_space<vmem>>, vector<16xf32>,
              %mul3A_391 = arith.mulf %get3A_390, %add3A_387 : vector<16xf32>
              %swap3A_392 = arith.index_cast %squeeze3A : i32 to index
              %swap3A_393 = arith.constant 0 : index
              %swap3A_394 = tpu.vector_load %arg14[%swap3A_392, %swap3A_393] {strides = array<i32>} : memref<72x640xf32, #tpu.memory_space<vmem>>, vector<16xf32>,
              tpu.vector_store %arg14[%swap3A_392, %swap3A_393], %mul3A_391 {add = true, strides = array<i32>} : memref<72x640xf32, #tpu.memory_space<vmem>>, vector<16xf32>,
              %get3A_395 = arith.index_cast %scan3A_375 : i32 to index
              %get3A_396 = arith.constant 16 : index
              %get3A_397 = tpu.vector_load %arg13[%get3A_395, %get3A_396] {strides = array<i32>} : memref<64x256xf32, #tpu.memory_space<vmem>>, vector<16xf32>,
              %mul3A_398 = arith.mulf %get3A_397, %add3A_387 : vector<16xf32>
              %swap3A_399 = arith.index_cast %squeeze3A : i32 to index
              %swap3A_400 = arith.constant 16 : index
              %swap3A_401 = tpu.vector_load %arg14[%swap3A_399, %swap3A_400] {strides = array<i32>} : memref<72x640xf32, #tpu.memory_space<vmem>>, vector<16xf32>,
              tpu.vector_store %arg14[%swap3A_399, %swap3A_400], %mul3A_398 {add = true, strides = array<i32>} : memref<72x640xf32, #tpu.memory_space<vmem>>, vector<16xf32>,
              %get3A_402 = arith.index_cast %scan3A_375 : i32 to index
              %get3A_403 = arith.constant 32 : index
              %get3A_404 = tpu.vector_load %arg13[%get3A_402, %get3A_403] {strides = array<i32>} : memref<64x256xf32, #tpu.memory_space<vmem>>, vector<16xf32>,
              %mul3A_405 = arith.mulf %get3A_404, %add3A_387 : vector<16xf32>
              %swap3A_406 = arith.index_cast %squeeze3A : i32 to index
              %swap3A_407 = arith.constant 32 : index
              %swap3A_408 = tpu.vector_load %arg14[%swap3A_406, %swap3A_407] {strides = array<i32>} : memref<72x640xf32, #tpu.memory_space<vmem>>, vector<16xf32>,
              tpu.vector_store %arg14[%swap3A_406, %swap3A_407], %mul3A_405 {add = true, strides = array<i32>} : memref<72x640xf32, #tpu.memory_space<vmem>>, vector<16xf32>,
              %get3A_409 = arith.index_cast %scan3A_375 : i32 to index
              %get3A_410 = arith.constant 48 : index
              %get3A_411 = tpu.vector_load %arg13[%get3A_409, %get3A_410] {strides = array<i32>} : memref<64x256xf32, #tpu.memory_space<vmem>>, vector<16xf32>,
              %mul3A_412 = arith.mulf %get3A_411, %add3A_387 : vector<16xf32>
              %swap3A_413 = arith.index_cast %squeeze3A : i32 to index
              %swap3A_414 = arith.constant 48 : index
              %swap3A_415 = tpu.vector_load %arg14[%swap3A_413, %swap3A_414] {strides = array<i32>} : memref<72x640xf32, #tpu.memory_space<vmem>>, vector<16xf32>,
              tpu.vector_store %arg14[%swap3A_413, %swap3A_414], %mul3A_412 {add = true, strides = array<i32>} : memref<72x640xf32, #tpu.memory_space<vmem>>, vector<16xf32>,
              %slice3A_416 = vector.extract_strided_slice %get3A_383 {offsets = [1], sizes = [1], strides = [1]} : vector<16xf32> to vector<1xf32>
              %squeeze3A_417 = vector.extract %slice3A_416[0] : f32 from vector<1xf32>
              %add3A_418 = vector.broadcast %squeeze3A_417 : f32 to vector<16xf32>
              %add3A_419 = arith.addf %broadcast_in_dim3A_5, %add3A_418 : vector<16xf32>
              %get3A_420 = arith.index_cast %scan3A_375 : i32 to index
              %get3A_421 = arith.constant 64 : index
              %get3A_422 = tpu.vector_load %arg13[%get3A_420, %get3A_421] {strides = array<i32>} : memref<64x256xf32, #tpu.memory_space<vmem>>, vector<16xf32>,
              %mul3A_423 = arith.mulf %get3A_422, %add3A_419 : vector<16xf32>
              %swap3A_424 = arith.index_cast %squeeze3A : i32 to index
              %swap3A_425 = arith.constant 64 : index
              %swap3A_426 = tpu.vector_load %arg14[%swap3A_424, %swap3A_425] {strides = array<i32>} : memref<72x640xf32, #tpu.memory_space<vmem>>, vector<16xf32>,
              tpu.vector_store %arg14[%swap3A_424, %swap3A_425], %mul3A_423 {add = true, strides = array<i32>} : memref<72x640xf32, #tpu.memory_space<vmem>>, vector<16xf32>,
              %get3A_427 = arith.index_cast %scan3A_375 : i32 to index
              %get3A_428 = arith.constant 80 : index
              %get3A_429 = tpu.vector_load %arg13[%get3A_427, %get3A_428] {strides = array<i32>} : memref<64x256xf32, #tpu.memory_space<vmem>>, vector<16xf32>,
              %mul3A_430 = arith.mulf %get3A_429, %add3A_419 : vector<16xf32>
              %swap3A_431 = arith.index_cast %squeeze3A : i32 to index
              %swap3A_432 = arith.constant 80 : index
              %swap3A_433 = tpu.vector_load %arg14[%swap3A_431, %swap3A_432] {strides = array<i32>} : memref<72x640xf32, #tpu.memory_space<vmem>>, vector<16xf32>,
              tpu.vector_store %arg14[%swap3A_431, %swap3A_432], %mul3A_430 {add = true, strides = array<i32>} : memref<72x640xf32, #tpu.memory_space<vmem>>, vector<16xf32>,
              %get3A_434 = arith.index_cast %scan3A_375 : i32 to index
              %get3A_435 = arith.constant 96 : index
              %get3A_436 = tpu.vector_load %arg13[%get3A_434, %get3A_435] {strides = array<i32>} : memref<64x256xf32, #tpu.memory_space<vmem>>, vector<16xf32>,
              %mul3A_437 = arith.mulf %get3A_436, %add3A_419 : vector<16xf32>
              %swap3A_438 = arith.index_cast %squeeze3A : i32 to index
              %swap3A_439 = arith.constant 96 : index
              %swap3A_440 = tpu.vector_load %arg14[%swap3A_438, %swap3A_439] {strides = array<i32>} : memref<72x640xf32, #tpu.memory_space<vmem>>, vector<16xf32>,
              tpu.vector_store %arg14[%swap3A_438, %swap3A_439], %mul3A_437 {add = true, strides = array<i32>} : memref<72x640xf32, #tpu.memory_space<vmem>>, vector<16xf32>,
              %get3A_441 = arith.index_cast %scan3A_375 : i32 to index
              %get3A_442 = arith.constant 112 : index
              %get3A_443 = tpu.vector_load %arg13[%get3A_441, %get3A_442] {strides = array<i32>} : memref<64x256xf32, #tpu.memory_space<vmem>>, vector<16xf32>,
              %mul3A_444 = arith.mulf %get3A_443, %add3A_419 : vector<16xf32>
              %swap3A_445 = arith.index_cast %squeeze3A : i32 to index
              %swap3A_446 = arith.constant 112 : index
              %swap3A_447 = tpu.vector_load %arg14[%swap3A_445, %swap3A_446] {strides = array<i32>} : memref<72x640xf32, #tpu.memory_space<vmem>>, vector<16xf32>,
              tpu.vector_store %arg14[%swap3A_445, %swap3A_446], %mul3A_444 {add = true, strides = array<i32>} : memref<72x640xf32, #tpu.memory_space<vmem>>, vector<16xf32>,
              %slice3A_448 = vector.extract_strided_slice %get3A_383 {offsets = [2], sizes = [1], strides = [1]} : vector<16xf32> to vector<1xf32>
              %squeeze3A_449 = vector.extract %slice3A_448[0] : f32 from vector<1xf32>
              %add3A_450 = vector.broadcast %squeeze3A_449 : f32 to vector<16xf32>
              %add3A_451 = arith.addf %broadcast_in_dim3A_5, %add3A_450 : vector<16xf32>
              %get3A_452 = arith.index_cast %scan3A_375 : i32 to index
              %get3A_453 = arith.constant 64 : index
              %get3A_454 = tpu.vector_load %arg13[%get3A_452, %get3A_453] {strides = array<i32>} : memref<64x256xf32, #tpu.memory_space<vmem>>, vector<16xf32>,
              %mul3A_455 = arith.mulf %get3A_454, %add3A_451 : vector<16xf32>
              %swap3A_456 = arith.index_cast %squeeze3A : i32 to index
              %swap3A_457 = arith.constant 128 : index
              %swap3A_458 = tpu.vector_load %arg14[%swap3A_456, %swap3A_457] {strides = array<i32>} : memref<72x640xf32, #tpu.memory_space<vmem>>, vector<16xf32>,
              tpu.vector_store %arg14[%swap3A_456, %swap3A_457], %mul3A_455 {add = true, strides = array<i32>} : memref<72x640xf32, #tpu.memory_space<vmem>>, vector<16xf32>,
              %get3A_459 = arith.index_cast %scan3A_375 : i32 to index
              %get3A_460 = arith.constant 80 : index
              %get3A_461 = tpu.vector_load %arg13[%get3A_459, %get3A_460] {strides = array<i32>} : memref<64x256xf32, #tpu.memory_space<vmem>>, vector<16xf32>,
              %mul3A_462 = arith.mulf %get3A_461, %add3A_451 : vector<16xf32>
              %swap3A_463 = arith.index_cast %squeeze3A : i32 to index
              %swap3A_464 = arith.constant 144 : index
              %swap3A_465 = tpu.vector_load %arg14[%swap3A_463, %swap3A_464] {strides = array<i32>} : memref<72x640xf32, #tpu.memory_space<vmem>>, vector<16xf32>,
              tpu.vector_store %arg14[%swap3A_463, %swap3A_464], %mul3A_462 {add = true, strides = array<i32>} : memref<72x640xf32, #tpu.memory_space<vmem>>, vector<16xf32>,
              %get3A_466 = arith.index_cast %scan3A_375 : i32 to index
              %get3A_467 = arith.constant 96 : index
              %get3A_468 = tpu.vector_load %arg13[%get3A_466, %get3A_467] {strides = array<i32>} : memref<64x256xf32, #tpu.memory_space<vmem>>, vector<16xf32>,
              %mul3A_469 = arith.mulf %get3A_468, %add3A_451 : vector<16xf32>
              %swap3A_470 = arith.index_cast %squeeze3A : i32 to index
              %swap3A_471 = arith.constant 160 : index
              %swap3A_472 = tpu.vector_load %arg14[%swap3A_470, %swap3A_471] {strides = array<i32>} : memref<72x640xf32, #tpu.memory_space<vmem>>, vector<16xf32>,
              tpu.vector_store %arg14[%swap3A_470, %swap3A_471], %mul3A_469 {add = true, strides = array<i32>} : memref<72x640xf32, #tpu.memory_space<vmem>>, vector<16xf32>,
              %get3A_473 = arith.index_cast %scan3A_375 : i32 to index
              %get3A_474 = arith.constant 112 : index
              %get3A_475 = tpu.vector_load %arg13[%get3A_473, %get3A_474] {strides = array<i32>} : memref<64x256xf32, #tpu.memory_space<vmem>>, vector<16xf32>,
              %mul3A_476 = arith.mulf %get3A_475, %add3A_451 : vector<16xf32>
              %swap3A_477 = arith.index_cast %squeeze3A : i32 to index
              %swap3A_478 = arith.constant 176 : index
              %swap3A_479 = tpu.vector_load %arg14[%swap3A_477, %swap3A_478] {strides = array<i32>} : memref<72x640xf32, #tpu.memory_space<vmem>>, vector<16xf32>,
              tpu.vector_store %arg14[%swap3A_477, %swap3A_478], %mul3A_476 {add = true, strides = array<i32>} : memref<72x640xf32, #tpu.memory_space<vmem>>, vector<16xf32>,
              %slice3A_480 = vector.extract_strided_slice %get3A_383 {offsets = [3], sizes = [1], strides = [1]} : vector<16xf32> to vector<1xf32>
              %squeeze3A_481 = vector.extract %slice3A_480[0] : f32 from vector<1xf32>
              %add3A_482 = vector.broadcast %squeeze3A_481 : f32 to vector<16xf32>
              %add3A_483 = arith.addf %broadcast_in_dim3A_5, %add3A_482 : vector<16xf32>
              %get3A_484 = arith.index_cast %scan3A_375 : i32 to index
              %get3A_485 = arith.constant 64 : index
              %get3A_486 = tpu.vector_load %arg13[%get3A_484, %get3A_485] {strides = array<i32>} : memref<64x256xf32, #tpu.memory_space<vmem>>, vector<16xf32>,
              %mul3A_487 = arith.mulf %get3A_486, %add3A_483 : vector<16xf32>
              %swap3A_488 = arith.index_cast %squeeze3A : i32 to index
              %swap3A_489 = arith.constant 192 : index
              %swap3A_490 = tpu.vector_load %arg14[%swap3A_488, %swap3A_489] {strides = array<i32>} : memref<72x640xf32, #tpu.memory_space<vmem>>, vector<16xf32>,
              tpu.vector_store %arg14[%swap3A_488, %swap3A_489], %mul3A_487 {add = true, strides = array<i32>} : memref<72x640xf32, #tpu.memory_space<vmem>>, vector<16xf32>,
              %get3A_491 = arith.index_cast %scan3A_375 : i32 to index
              %get3A_492 = arith.constant 80 : index
              %get3A_493 = tpu.vector_load %arg13[%get3A_491, %get3A_492] {strides = array<i32>} : memref<64x256xf32, #tpu.memory_space<vmem>>, vector<16xf32>,
              %mul3A_494 = arith.mulf %get3A_493, %add3A_483 : vector<16xf32>
              %swap3A_495 = arith.index_cast %squeeze3A : i32 to index
              %swap3A_496 = arith.constant 208 : index
              %swap3A_497 = tpu.vector_load %arg14[%swap3A_495, %swap3A_496] {strides = array<i32>} : memref<72x640xf32, #tpu.memory_space<vmem>>, vector<16xf32>,
              tpu.vector_store %arg14[%swap3A_495, %swap3A_496], %mul3A_494 {add = true, strides = array<i32>} : memref<72x640xf32, #tpu.memory_space<vmem>>, vector<16xf32>,
              %get3A_498 = arith.index_cast %scan3A_375 : i32 to index
              %get3A_499 = arith.constant 96 : index
              %get3A_500 = tpu.vector_load %arg13[%get3A_498, %get3A_499] {strides = array<i32>} : memref<64x256xf32, #tpu.memory_space<vmem>>, vector<16xf32>,
              %mul3A_501 = arith.mulf %get3A_500, %add3A_483 : vector<16xf32>
              %swap3A_502 = arith.index_cast %squeeze3A : i32 to index
              %swap3A_503 = arith.constant 224 : index
              %swap3A_504 = tpu.vector_load %arg14[%swap3A_502, %swap3A_503] {strides = array<i32>} : memref<72x640xf32, #tpu.memory_space<vmem>>, vector<16xf32>,
              tpu.vector_store %arg14[%swap3A_502, %swap3A_503], %mul3A_501 {add = true, strides = array<i32>} : memref<72x640xf32, #tpu.memory_space<vmem>>, vector<16xf32>,
              %get3A_505 = arith.index_cast %scan3A_375 : i32 to index
              %get3A_506 = arith.constant 112 : index
              %get3A_507 = tpu.vector_load %arg13[%get3A_505, %get3A_506] {strides = array<i32>} : memref<64x256xf32, #tpu.memory_space<vmem>>, vector<16xf32>,
              %mul3A_508 = arith.mulf %get3A_507, %add3A_483 : vector<16xf32>
              %swap3A_509 = arith.index_cast %squeeze3A : i32 to index
              %swap3A_510 = arith.constant 240 : index
              %swap3A_511 = tpu.vector_load %arg14[%swap3A_509, %swap3A_510] {strides = array<i32>} : memref<72x640xf32, #tpu.memory_space<vmem>>, vector<16xf32>,
              tpu.vector_store %arg14[%swap3A_509, %swap3A_510], %mul3A_508 {add = true, strides = array<i32>} : memref<72x640xf32, #tpu.memory_space<vmem>>, vector<16xf32>,
              %slice3A_512 = vector.extract_strided_slice %get3A_383 {offsets = [4], sizes = [1], strides = [1]} : vector<16xf32> to vector<1xf32>
              %squeeze3A_513 = vector.extract %slice3A_512[0] : f32 from vector<1xf32>
              %add3A_514 = vector.broadcast %squeeze3A_513 : f32 to vector<16xf32>
              %add3A_515 = arith.addf %broadcast_in_dim3A_5, %add3A_514 : vector<16xf32>
              %get3A_516 = arith.index_cast %scan3A_375 : i32 to index
              %get3A_517 = arith.constant 128 : index
              %get3A_518 = tpu.vector_load %arg13[%get3A_516, %get3A_517] {strides = array<i32>} : memref<64x256xf32, #tpu.memory_space<vmem>>, vector<16xf32>,
              %mul3A_519 = arith.mulf %get3A_518, %add3A_515 : vector<16xf32>
              %swap3A_520 = arith.index_cast %squeeze3A : i32 to index
              %swap3A_521 = arith.constant 256 : index
              %swap3A_522 = tpu.vector_load %arg14[%swap3A_520, %swap3A_521] {strides = array<i32>} : memref<72x640xf32, #tpu.memory_space<vmem>>, vector<16xf32>,
              tpu.vector_store %arg14[%swap3A_520, %swap3A_521], %mul3A_519 {add = true, strides = array<i32>} : memref<72x640xf32, #tpu.memory_space<vmem>>, vector<16xf32>,
              %get3A_523 = arith.index_cast %scan3A_375 : i32 to index
              %get3A_524 = arith.constant 144 : index
              %get3A_525 = tpu.vector_load %arg13[%get3A_523, %get3A_524] {strides = array<i32>} : memref<64x256xf32, #tpu.memory_space<vmem>>, vector<16xf32>,
              %mul3A_526 = arith.mulf %get3A_525, %add3A_515 : vector<16xf32>
              %swap3A_527 = arith.index_cast %squeeze3A : i32 to index
              %swap3A_528 = arith.constant 272 : index
              %swap3A_529 = tpu.vector_load %arg14[%swap3A_527, %swap3A_528] {strides = array<i32>} : memref<72x640xf32, #tpu.memory_space<vmem>>, vector<16xf32>,
              tpu.vector_store %arg14[%swap3A_527, %swap3A_528], %mul3A_526 {add = true, strides = array<i32>} : memref<72x640xf32, #tpu.memory_space<vmem>>, vector<16xf32>,
              %get3A_530 = arith.index_cast %scan3A_375 : i32 to index
              %get3A_531 = arith.constant 160 : index
              %get3A_532 = tpu.vector_load %arg13[%get3A_530, %get3A_531] {strides = array<i32>} : memref<64x256xf32, #tpu.memory_space<vmem>>, vector<16xf32>,
              %mul3A_533 = arith.mulf %get3A_532, %add3A_515 : vector<16xf32>
              %swap3A_534 = arith.index_cast %squeeze3A : i32 to index
              %swap3A_535 = arith.constant 288 : index
              %swap3A_536 = tpu.vector_load %arg14[%swap3A_534, %swap3A_535] {strides = array<i32>} : memref<72x640xf32, #tpu.memory_space<vmem>>, vector<16xf32>,
              tpu.vector_store %arg14[%swap3A_534, %swap3A_535], %mul3A_533 {add = true, strides = array<i32>} : memref<72x640xf32, #tpu.memory_space<vmem>>, vector<16xf32>,
              %get3A_537 = arith.index_cast %scan3A_375 : i32 to index
              %get3A_538 = arith.constant 176 : index
              %get3A_539 = tpu.vector_load %arg13[%get3A_537, %get3A_538] {strides = array<i32>} : memref<64x256xf32, #tpu.memory_space<vmem>>, vector<16xf32>,
              %mul3A_540 = arith.mulf %get3A_539, %add3A_515 : vector<16xf32>
              %swap3A_541 = arith.index_cast %squeeze3A : i32 to index
              %swap3A_542 = arith.constant 304 : index
              %swap3A_543 = tpu.vector_load %arg14[%swap3A_541, %swap3A_542] {strides = array<i32>} : memref<72x640xf32, #tpu.memory_space<vmem>>, vector<16xf32>,
              tpu.vector_store %arg14[%swap3A_541, %swap3A_542], %mul3A_540 {add = true, strides = array<i32>} : memref<72x640xf32, #tpu.memory_space<vmem>>, vector<16xf32>,
              %slice3A_544 = vector.extract_strided_slice %get3A_383 {offsets = [5], sizes = [1], strides = [1]} : vector<16xf32> to vector<1xf32>
              %squeeze3A_545 = vector.extract %slice3A_544[0] : f32 from vector<1xf32>
              %add3A_546 = vector.broadcast %squeeze3A_545 : f32 to vector<16xf32>
              %add3A_547 = arith.addf %broadcast_in_dim3A_5, %add3A_546 : vector<16xf32>
              %get3A_548 = arith.index_cast %scan3A_375 : i32 to index
              %get3A_549 = arith.constant 128 : index
              %get3A_550 = tpu.vector_load %arg13[%get3A_548, %get3A_549] {strides = array<i32>} : memref<64x256xf32, #tpu.memory_space<vmem>>, vector<16xf32>,
              %mul3A_551 = arith.mulf %get3A_550, %add3A_547 : vector<16xf32>
              %swap3A_552 = arith.index_cast %squeeze3A : i32 to index
              %swap3A_553 = arith.constant 320 : index
              %swap3A_554 = tpu.vector_load %arg14[%swap3A_552, %swap3A_553] {strides = array<i32>} : memref<72x640xf32, #tpu.memory_space<vmem>>, vector<16xf32>,
              tpu.vector_store %arg14[%swap3A_552, %swap3A_553], %mul3A_551 {add = true, strides = array<i32>} : memref<72x640xf32, #tpu.memory_space<vmem>>, vector<16xf32>,
              %get3A_555 = arith.index_cast %scan3A_375 : i32 to index
              %get3A_556 = arith.constant 144 : index
              %get3A_557 = tpu.vector_load %arg13[%get3A_555, %get3A_556] {strides = array<i32>} : memref<64x256xf32, #tpu.memory_space<vmem>>, vector<16xf32>,
              %mul3A_558 = arith.mulf %get3A_557, %add3A_547 : vector<16xf32>
              %swap3A_559 = arith.index_cast %squeeze3A : i32 to index
              %swap3A_560 = arith.constant 336 : index
              %swap3A_561 = tpu.vector_load %arg14[%swap3A_559, %swap3A_560] {strides = array<i32>} : memref<72x640xf32, #tpu.memory_space<vmem>>, vector<16xf32>,
              tpu.vector_store %arg14[%swap3A_559, %swap3A_560], %mul3A_558 {add = true, strides = array<i32>} : memref<72x640xf32, #tpu.memory_space<vmem>>, vector<16xf32>,
              %get3A_562 = arith.index_cast %scan3A_375 : i32 to index
              %get3A_563 = arith.constant 160 : index
              %get3A_564 = tpu.vector_load %arg13[%get3A_562, %get3A_563] {strides = array<i32>} : memref<64x256xf32, #tpu.memory_space<vmem>>, vector<16xf32>,
              %mul3A_565 = arith.mulf %get3A_564, %add3A_547 : vector<16xf32>
              %swap3A_566 = arith.index_cast %squeeze3A : i32 to index
              %swap3A_567 = arith.constant 352 : index
              %swap3A_568 = tpu.vector_load %arg14[%swap3A_566, %swap3A_567] {strides = array<i32>} : memref<72x640xf32, #tpu.memory_space<vmem>>, vector<16xf32>,
              tpu.vector_store %arg14[%swap3A_566, %swap3A_567], %mul3A_565 {add = true, strides = array<i32>} : memref<72x640xf32, #tpu.memory_space<vmem>>, vector<16xf32>,
              %get3A_569 = arith.index_cast %scan3A_375 : i32 to index
              %get3A_570 = arith.constant 176 : index
              %get3A_571 = tpu.vector_load %arg13[%get3A_569, %get3A_570] {strides = array<i32>} : memref<64x256xf32, #tpu.memory_space<vmem>>, vector<16xf32>,
              %mul3A_572 = arith.mulf %get3A_571, %add3A_547 : vector<16xf32>
              %swap3A_573 = arith.index_cast %squeeze3A : i32 to index
              %swap3A_574 = arith.constant 368 : index
              %swap3A_575 = tpu.vector_load %arg14[%swap3A_573, %swap3A_574] {strides = array<i32>} : memref<72x640xf32, #tpu.memory_space<vmem>>, vector<16xf32>,
              tpu.vector_store %arg14[%swap3A_573, %swap3A_574], %mul3A_572 {add = true, strides = array<i32>} : memref<72x640xf32, #tpu.memory_space<vmem>>, vector<16xf32>,
              %slice3A_576 = vector.extract_strided_slice %get3A_383 {offsets = [6], sizes = [1], strides = [1]} : vector<16xf32> to vector<1xf32>
              %squeeze3A_577 = vector.extract %slice3A_576[0] : f32 from vector<1xf32>
              %add3A_578 = vector.broadcast %squeeze3A_577 : f32 to vector<16xf32>
              %add3A_579 = arith.addf %broadcast_in_dim3A_5, %add3A_578 : vector<16xf32>
              %get3A_580 = arith.index_cast %scan3A_375 : i32 to index
              %get3A_581 = arith.constant 128 : index
              %get3A_582 = tpu.vector_load %arg13[%get3A_580, %get3A_581] {strides = array<i32>} : memref<64x256xf32, #tpu.memory_space<vmem>>, vector<16xf32>,
              %mul3A_583 = arith.mulf %get3A_582, %add3A_579 : vector<16xf32>
              %swap3A_584 = arith.index_cast %squeeze3A : i32 to index
              %swap3A_585 = arith.constant 384 : index
              %swap3A_586 = tpu.vector_load %arg14[%swap3A_584, %swap3A_585] {strides = array<i32>} : memref<72x640xf32, #tpu.memory_space<vmem>>, vector<16xf32>,
              tpu.vector_store %arg14[%swap3A_584, %swap3A_585], %mul3A_583 {add = true, strides = array<i32>} : memref<72x640xf32, #tpu.memory_space<vmem>>, vector<16xf32>,
              %get3A_587 = arith.index_cast %scan3A_375 : i32 to index
              %get3A_588 = arith.constant 144 : index
              %get3A_589 = tpu.vector_load %arg13[%get3A_587, %get3A_588] {strides = array<i32>} : memref<64x256xf32, #tpu.memory_space<vmem>>, vector<16xf32>,
              %mul3A_590 = arith.mulf %get3A_589, %add3A_579 : vector<16xf32>
              %swap3A_591 = arith.index_cast %squeeze3A : i32 to index
              %swap3A_592 = arith.constant 400 : index
              %swap3A_593 = tpu.vector_load %arg14[%swap3A_591, %swap3A_592] {strides = array<i32>} : memref<72x640xf32, #tpu.memory_space<vmem>>, vector<16xf32>,
              tpu.vector_store %arg14[%swap3A_591, %swap3A_592], %mul3A_590 {add = true, strides = array<i32>} : memref<72x640xf32, #tpu.memory_space<vmem>>, vector<16xf32>,
              %get3A_594 = arith.index_cast %scan3A_375 : i32 to index
              %get3A_595 = arith.constant 160 : index
              %get3A_596 = tpu.vector_load %arg13[%get3A_594, %get3A_595] {strides = array<i32>} : memref<64x256xf32, #tpu.memory_space<vmem>>, vector<16xf32>,
              %mul3A_597 = arith.mulf %get3A_596, %add3A_579 : vector<16xf32>
              %swap3A_598 = arith.index_cast %squeeze3A : i32 to index
              %swap3A_599 = arith.constant 416 : index
              %swap3A_600 = tpu.vector_load %arg14[%swap3A_598, %swap3A_599] {strides = array<i32>} : memref<72x640xf32, #tpu.memory_space<vmem>>, vector<16xf32>,
              tpu.vector_store %arg14[%swap3A_598, %swap3A_599], %mul3A_597 {add = true, strides = array<i32>} : memref<72x640xf32, #tpu.memory_space<vmem>>, vector<16xf32>,
              %get3A_601 = arith.index_cast %scan3A_375 : i32 to index
              %get3A_602 = arith.constant 176 : index
              %get3A_603 = tpu.vector_load %arg13[%get3A_601, %get3A_602] {strides = array<i32>} : memref<64x256xf32, #tpu.memory_space<vmem>>, vector<16xf32>,
              %mul3A_604 = arith.mulf %get3A_603, %add3A_579 : vector<16xf32>
              %swap3A_605 = arith.index_cast %squeeze3A : i32 to index
              %swap3A_606 = arith.constant 432 : index
              %swap3A_607 = tpu.vector_load %arg14[%swap3A_605, %swap3A_606] {strides = array<i32>} : memref<72x640xf32, #tpu.memory_space<vmem>>, vector<16xf32>,
              tpu.vector_store %arg14[%swap3A_605, %swap3A_606], %mul3A_604 {add = true, strides = array<i32>} : memref<72x640xf32, #tpu.memory_space<vmem>>, vector<16xf32>,
              %slice3A_608 = vector.extract_strided_slice %get3A_383 {offsets = [7], sizes = [1], strides = [1]} : vector<16xf32> to vector<1xf32>
              %squeeze3A_609 = vector.extract %slice3A_608[0] : f32 from vector<1xf32>
              %add3A_610 = vector.broadcast %squeeze3A_609 : f32 to vector<16xf32>
              %add3A_611 = arith.addf %broadcast_in_dim3A_5, %add3A_610 : vector<16xf32>
              %get3A_612 = arith.index_cast %scan3A_375 : i32 to index
              %get3A_613 = arith.constant 128 : index
              %get3A_614 = tpu.vector_load %arg13[%get3A_612, %get3A_613] {strides = array<i32>} : memref<64x256xf32, #tpu.memory_space<vmem>>, vector<16xf32>,
              %mul3A_615 = arith.mulf %get3A_614, %add3A_611 : vector<16xf32>
              %swap3A_616 = arith.index_cast %squeeze3A : i32 to index
              %swap3A_617 = arith.constant 448 : index
              %swap3A_618 = tpu.vector_load %arg14[%swap3A_616, %swap3A_617] {strides = array<i32>} : memref<72x640xf32, #tpu.memory_space<vmem>>, vector<16xf32>,
              tpu.vector_store %arg14[%swap3A_616, %swap3A_617], %mul3A_615 {add = true, strides = array<i32>} : memref<72x640xf32, #tpu.memory_space<vmem>>, vector<16xf32>,
              %get3A_619 = arith.index_cast %scan3A_375 : i32 to index
              %get3A_620 = arith.constant 144 : index
              %get3A_621 = tpu.vector_load %arg13[%get3A_619, %get3A_620] {strides = array<i32>} : memref<64x256xf32, #tpu.memory_space<vmem>>, vector<16xf32>,
              %mul3A_622 = arith.mulf %get3A_621, %add3A_611 : vector<16xf32>
              %swap3A_623 = arith.index_cast %squeeze3A : i32 to index
              %swap3A_624 = arith.constant 464 : index
              %swap3A_625 = tpu.vector_load %arg14[%swap3A_623, %swap3A_624] {strides = array<i32>} : memref<72x640xf32, #tpu.memory_space<vmem>>, vector<16xf32>,
              tpu.vector_store %arg14[%swap3A_623, %swap3A_624], %mul3A_622 {add = true, strides = array<i32>} : memref<72x640xf32, #tpu.memory_space<vmem>>, vector<16xf32>,
              %get3A_626 = arith.index_cast %scan3A_375 : i32 to index
              %get3A_627 = arith.constant 160 : index
              %get3A_628 = tpu.vector_load %arg13[%get3A_626, %get3A_627] {strides = array<i32>} : memref<64x256xf32, #tpu.memory_space<vmem>>, vector<16xf32>,
              %mul3A_629 = arith.mulf %get3A_628, %add3A_611 : vector<16xf32>
              %swap3A_630 = arith.index_cast %squeeze3A : i32 to index
              %swap3A_631 = arith.constant 480 : index
              %swap3A_632 = tpu.vector_load %arg14[%swap3A_630, %swap3A_631] {strides = array<i32>} : memref<72x640xf32, #tpu.memory_space<vmem>>, vector<16xf32>,
              tpu.vector_store %arg14[%swap3A_630, %swap3A_631], %mul3A_629 {add = true, strides = array<i32>} : memref<72x640xf32, #tpu.memory_space<vmem>>, vector<16xf32>,
              %get3A_633 = arith.index_cast %scan3A_375 : i32 to index
              %get3A_634 = arith.constant 176 : index
              %get3A_635 = tpu.vector_load %arg13[%get3A_633, %get3A_634] {strides = array<i32>} : memref<64x256xf32, #tpu.memory_space<vmem>>, vector<16xf32>,
              %mul3A_636 = arith.mulf %get3A_635, %add3A_611 : vector<16xf32>
              %swap3A_637 = arith.index_cast %squeeze3A : i32 to index
              %swap3A_638 = arith.constant 496 : index
              %swap3A_639 = tpu.vector_load %arg14[%swap3A_637, %swap3A_638] {strides = array<i32>} : memref<72x640xf32, #tpu.memory_space<vmem>>, vector<16xf32>,
              tpu.vector_store %arg14[%swap3A_637, %swap3A_638], %mul3A_636 {add = true, strides = array<i32>} : memref<72x640xf32, #tpu.memory_space<vmem>>, vector<16xf32>,
              %slice3A_640 = vector.extract_strided_slice %get3A_383 {offsets = [8], sizes = [1], strides = [1]} : vector<16xf32> to vector<1xf32>
              %squeeze3A_641 = vector.extract %slice3A_640[0] : f32 from vector<1xf32>
              %add3A_642 = vector.broadcast %squeeze3A_641 : f32 to vector<16xf32>
              %add3A_643 = arith.addf %broadcast_in_dim3A_5, %add3A_642 : vector<16xf32>
              %get3A_644 = arith.index_cast %scan3A_375 : i32 to index
              %get3A_645 = arith.constant 128 : index
              %get3A_646 = tpu.vector_load %arg13[%get3A_644, %get3A_645] {strides = array<i32>} : memref<64x256xf32, #tpu.memory_space<vmem>>, vector<16xf32>,
              %mul3A_647 = arith.mulf %get3A_646, %add3A_643 : vector<16xf32>
              %swap3A_648 = arith.index_cast %squeeze3A : i32 to index
              %swap3A_649 = arith.constant 512 : index
              %swap3A_650 = tpu.vector_load %arg14[%swap3A_648, %swap3A_649] {strides = array<i32>} : memref<72x640xf32, #tpu.memory_space<vmem>>, vector<16xf32>,
              tpu.vector_store %arg14[%swap3A_648, %swap3A_649], %mul3A_647 {add = true, strides = array<i32>} : memref<72x640xf32, #tpu.memory_space<vmem>>, vector<16xf32>,
              %get3A_651 = arith.index_cast %scan3A_375 : i32 to index
              %get3A_652 = arith.constant 144 : index
              %get3A_653 = tpu.vector_load %arg13[%get3A_651, %get3A_652] {strides = array<i32>} : memref<64x256xf32, #tpu.memory_space<vmem>>, vector<16xf32>,
              %mul3A_654 = arith.mulf %get3A_653, %add3A_643 : vector<16xf32>
              %swap3A_655 = arith.index_cast %squeeze3A : i32 to index
              %swap3A_656 = arith.constant 528 : index
              %swap3A_657 = tpu.vector_load %arg14[%swap3A_655, %swap3A_656] {strides = array<i32>} : memref<72x640xf32, #tpu.memory_space<vmem>>, vector<16xf32>,
              tpu.vector_store %arg14[%swap3A_655, %swap3A_656], %mul3A_654 {add = true, strides = array<i32>} : memref<72x640xf32, #tpu.memory_space<vmem>>, vector<16xf32>,
              %get3A_658 = arith.index_cast %scan3A_375 : i32 to index
              %get3A_659 = arith.constant 160 : index
              %get3A_660 = tpu.vector_load %arg13[%get3A_658, %get3A_659] {strides = array<i32>} : memref<64x256xf32, #tpu.memory_space<vmem>>, vector<16xf32>,
              %mul3A_661 = arith.mulf %get3A_660, %add3A_643 : vector<16xf32>
              %swap3A_662 = arith.index_cast %squeeze3A : i32 to index
              %swap3A_663 = arith.constant 544 : index
              %swap3A_664 = tpu.vector_load %arg14[%swap3A_662, %swap3A_663] {strides = array<i32>} : memref<72x640xf32, #tpu.memory_space<vmem>>, vector<16xf32>,
              tpu.vector_store %arg14[%swap3A_662, %swap3A_663], %mul3A_661 {add = true, strides = array<i32>} : memref<72x640xf32, #tpu.memory_space<vmem>>, vector<16xf32>,
              %get3A_665 = arith.index_cast %scan3A_375 : i32 to index
              %get3A_666 = arith.constant 176 : index
              %get3A_667 = tpu.vector_load %arg13[%get3A_665, %get3A_666] {strides = array<i32>} : memref<64x256xf32, #tpu.memory_space<vmem>>, vector<16xf32>,
              %mul3A_668 = arith.mulf %get3A_667, %add3A_643 : vector<16xf32>
              %swap3A_669 = arith.index_cast %squeeze3A : i32 to index
              %swap3A_670 = arith.constant 560 : index
              %swap3A_671 = tpu.vector_load %arg14[%swap3A_669, %swap3A_670] {strides = array<i32>} : memref<72x640xf32, #tpu.memory_space<vmem>>, vector<16xf32>,
              tpu.vector_store %arg14[%swap3A_669, %swap3A_670], %mul3A_668 {add = true, strides = array<i32>} : memref<72x640xf32, #tpu.memory_space<vmem>>, vector<16xf32>,
              %slice3A_672 = vector.extract_strided_slice %get3A_383 {offsets = [9], sizes = [1], strides = [1]} : vector<16xf32> to vector<1xf32>
              %squeeze3A_673 = vector.extract %slice3A_672[0] : f32 from vector<1xf32>
              %add3A_674 = vector.broadcast %squeeze3A_673 : f32 to vector<16xf32>
              %add3A_675 = arith.addf %broadcast_in_dim3A_5, %add3A_674 : vector<16xf32>
              %get3A_676 = arith.index_cast %scan3A_375 : i32 to index
              %get3A_677 = arith.constant 128 : index
              %get3A_678 = tpu.vector_load %arg13[%get3A_676, %get3A_677] {strides = array<i32>} : memref<64x256xf32, #tpu.memory_space<vmem>>, vector<16xf32>,
              %mul3A_679 = arith.mulf %get3A_678, %add3A_675 : vector<16xf32>
              %swap3A_680 = arith.index_cast %squeeze3A : i32 to index
              %swap3A_681 = arith.constant 576 : index
              %swap3A_682 = tpu.vector_load %arg14[%swap3A_680, %swap3A_681] {strides = array<i32>} : memref<72x640xf32, #tpu.memory_space<vmem>>, vector<16xf32>,
              tpu.vector_store %arg14[%swap3A_680, %swap3A_681], %mul3A_679 {add = true, strides = array<i32>} : memref<72x640xf32, #tpu.memory_space<vmem>>, vector<16xf32>,
              %get3A_683 = arith.index_cast %scan3A_375 : i32 to index
              %get3A_684 = arith.constant 144 : index
              %get3A_685 = tpu.vector_load %arg13[%get3A_683, %get3A_684] {strides = array<i32>} : memref<64x256xf32, #tpu.memory_space<vmem>>, vector<16xf32>,
              %mul3A_686 = arith.mulf %get3A_685, %add3A_675 : vector<16xf32>
              %swap3A_687 = arith.index_cast %squeeze3A : i32 to index
              %swap3A_688 = arith.constant 592 : index
              %swap3A_689 = tpu.vector_load %arg14[%swap3A_687, %swap3A_688] {strides = array<i32>} : memref<72x640xf32, #tpu.memory_space<vmem>>, vector<16xf32>,
              tpu.vector_store %arg14[%swap3A_687, %swap3A_688], %mul3A_686 {add = true, strides = array<i32>} : memref<72x640xf32, #tpu.memory_space<vmem>>, vector<16xf32>,
              %get3A_690 = arith.index_cast %scan3A_375 : i32 to index
              %get3A_691 = arith.constant 160 : index
              %get3A_692 = tpu.vector_load %arg13[%get3A_690, %get3A_691] {strides = array<i32>} : memref<64x256xf32, #tpu.memory_space<vmem>>, vector<16xf32>,
              %mul3A_693 = arith.mulf %get3A_692, %add3A_675 : vector<16xf32>
              %swap3A_694 = arith.index_cast %squeeze3A : i32 to index
              %swap3A_695 = arith.constant 608 : index
              %swap3A_696 = tpu.vector_load %arg14[%swap3A_694, %swap3A_695] {strides = array<i32>} : memref<72x640xf32, #tpu.memory_space<vmem>>, vector<16xf32>,
              tpu.vector_store %arg14[%swap3A_694, %swap3A_695], %mul3A_693 {add = true, strides = array<i32>} : memref<72x640xf32, #tpu.memory_space<vmem>>, vector<16xf32>,
              %get3A_697 = arith.index_cast %scan3A_375 : i32 to index
              %get3A_698 = arith.constant 176 : index
              %get3A_699 = tpu.vector_load %arg13[%get3A_697, %get3A_698] {strides = array<i32>} : memref<64x256xf32, #tpu.memory_space<vmem>>, vector<16xf32>,
              %mul3A_700 = arith.mulf %get3A_699, %add3A_675 : vector<16xf32>
              %swap3A_701 = arith.index_cast %squeeze3A : i32 to index
              %swap3A_702 = arith.constant 624 : index
              %swap3A_703 = tpu.vector_load %arg14[%swap3A_701, %swap3A_702] {strides = array<i32>} : memref<72x640xf32, #tpu.memory_space<vmem>>, vector<16xf32>,
              tpu.vector_store %arg14[%swap3A_701, %swap3A_702], %mul3A_700 {add = true, strides = array<i32>} : memref<72x640xf32, #tpu.memory_space<vmem>>, vector<16xf32>,
            }
            %scan3A_374 = arith.constant 64 : i32
          }
          %while3A_275 = arith.constant 1 : i32
          scf.for %while3A_330 = %while3A_273 to %while3A_269 step %while3A_275  : i32 {
            %mul3A_331 = arith.constant 64 : i32
            %mul3A_332 = arith.muli %while3A_330, %mul3A_331 : i32
            %add3A_333 = arith.constant 0 : i32
            %add3A_334 = arith.addi %mul3A_332, %add3A_333 : i32
            %get3A_335 = arith.index_cast %add3A_334 : i32 to index
            %get3A_336 = tpu.vector_load %arg8[%get3A_335] {strides = array<i32>} : memref<640xi32, #tpu.memory_space<vmem>>, vector<16xi32>,
            %swap3A_337 = arith.constant 0 : index
            %swap3A_338 = tpu.vector_load %arg10[%swap3A_337] {strides = array<i32>} : memref<64xi32, #tpu.memory_space<vmem>>, vector<16xi32>,
            tpu.vector_store %arg10[%swap3A_337], %get3A_336 {strides = array<i32>} : memref<64xi32, #tpu.memory_space<vmem>>, vector<16xi32>,
            %mul3A_339 = arith.constant 64 : i32
            %mul3A_340 = arith.muli %while3A_330, %mul3A_339 : i32
            %add3A_341 = arith.constant 16 : i32
            %add3A_342 = arith.addi %mul3A_340, %add3A_341 : i32
            %get3A_343 = arith.index_cast %add3A_342 : i32 to index
            %get3A_344 = tpu.vector_load %arg8[%get3A_343] {strides = array<i32>} : memref<640xi32, #tpu.memory_space<vmem>>, vector<16xi32>,
            %swap3A_345 = arith.constant 16 : index
            %swap3A_346 = tpu.vector_load %arg10[%swap3A_345] {strides = array<i32>} : memref<64xi32, #tpu.memory_space<vmem>>, vector<16xi32>,
            tpu.vector_store %arg10[%swap3A_345], %get3A_344 {strides = array<i32>} : memref<64xi32, #tpu.memory_space<vmem>>, vector<16xi32>,
            %mul3A_347 = arith.constant 64 : i32
            %mul3A_348 = arith.muli %while3A_330, %mul3A_347 : i32
            %add3A_349 = arith.constant 32 : i32
            %add3A_350 = arith.addi %mul3A_348, %add3A_349 : i32
            %get3A_351 = arith.index_cast %add3A_350 : i32 to index
            %get3A_352 = tpu.vector_load %arg8[%get3A_351] {strides = array<i32>} : memref<640xi32, #tpu.memory_space<vmem>>, vector<16xi32>,
            %swap3A_353 = arith.constant 32 : index
            %swap3A_354 = tpu.vector_load %arg10[%swap3A_353] {strides = array<i32>} : memref<64xi32, #tpu.memory_space<vmem>>, vector<16xi32>,
            tpu.vector_store %arg10[%swap3A_353], %get3A_352 {strides = array<i32>} : memref<64xi32, #tpu.memory_space<vmem>>, vector<16xi32>,
            %mul3A_355 = arith.constant 64 : i32
            %mul3A_356 = arith.muli %while3A_330, %mul3A_355 : i32
            %add3A_357 = arith.constant 48 : i32
            %add3A_358 = arith.addi %mul3A_356, %add3A_357 : i32
            %get3A_359 = arith.index_cast %add3A_358 : i32 to index
            %get3A_360 = tpu.vector_load %arg8[%get3A_359] {strides = array<i32>} : memref<640xi32, #tpu.memory_space<vmem>>, vector<16xi32>,
            %swap3A_361 = arith.constant 48 : index
            %swap3A_362 = tpu.vector_load %arg10[%swap3A_361] {strides = array<i32>} : memref<64xi32, #tpu.memory_space<vmem>>, vector<16xi32>,
            tpu.vector_store %arg10[%swap3A_361], %get3A_360 {strides = array<i32>} : memref<64xi32, #tpu.memory_space<vmem>>, vector<16xi32>,
            %dma_start3A_363 = arith.constant 0 : i32
            %dma_start3A_364 = arith.constant 0 : i32
            %dma_start3A_365 = tpu.memref_slice %arg2[%dma_start3A_363, %dma_start3A_364] : memref<160000x256xf32, #tpu.memory_space<hbm>> -> memref<160000x256xf32, #tpu.memory_space<hbm>>
            tpu.enqueue_indirect_dma source(%dma_start3A_365 : memref<160000x256xf32, #tpu.memory_space<hbm>>) target(%arg13 : memref<64x256xf32, #tpu.memory_space<vmem>>) offsets(%arg10 : memref<64xi32, #tpu.memory_space<vmem>>) semaphore(%arg17 : memref<!tpu.dma_semaphore, #tpu.memory_space<semaphore_mem>>)
            %dma_wait3A_366 = arith.constant 0 : i32
            %dma_wait3A_367 = arith.constant 0 : i32
            %dma_wait3A_368 = tpu.memref_slice %arg2[%dma_wait3A_366, %dma_wait3A_367] : memref<160000x256xf32, #tpu.memory_space<hbm>> -> memref<160000x256xf32, #tpu.memory_space<hbm>>
            tpu.wait_indirect_dma semaphore(%arg17 : memref<!tpu.dma_semaphore, #tpu.memory_space<semaphore_mem>>) src(%dma_wait3A_368 : memref<160000x256xf32, #tpu.memory_space<hbm>>) dst(%arg13 : memref<64x256xf32, #tpu.memory_space<vmem>>)
            %scan3A_369 = arith.constant 0 : i32
            %scan3A_370 = arith.constant 0 : i32
            %scan3A_371 = arith.constant 64 : i32
            %scan3A_372 = arith.addi %scan3A_370, %scan3A_371 : i32
            %scan3A_373 = arith.constant 1 : i32
            scf.for %scan3A_375 = %scan3A_370 to %scan3A_372 step %scan3A_373  : i32 {
              %mul3A_376 = arith.constant 64 : i32
              %mul3A_377 = arith.muli %while3A_330, %mul3A_376 : i32
              %add3A_378 = arith.addi %mul3A_377, %scan3A_375 : i32
              %get3A_379 = arith.index_cast %add3A_378 : i32 to index
              %get3A_380 = tpu.vector_load %arg9[%get3A_379] {strides = array<i32>} : memref<640xi32, #tpu.memory_space<vmem>>, vector<16xi32>,
              %slice3A = vector.extract_strided_slice %get3A_380 {offsets = [0], sizes = [1], strides = [1]} : vector<16xi32> to vector<1xi32>
              %squeeze3A = vector.extract %slice3A[0] : i32 from vector<1xi32>
              %get3A_381 = arith.index_cast %scan3A_375 : i32 to index
              %get3A_382 = arith.constant 192 : index
              %get3A_383 = tpu.vector_load %arg13[%get3A_381, %get3A_382] {strides = array<i32>} : memref<64x256xf32, #tpu.memory_space<vmem>>, vector<16xf32>,
              %slice3A_384 = vector.extract_strided_slice %get3A_383 {offsets = [0], sizes = [1], strides = [1]} : vector<16xf32> to vector<1xf32>
              %squeeze3A_385 = vector.extract %slice3A_384[0] : f32 from vector<1xf32>
              %add3A_386 = vector.broadcast %squeeze3A_385 : f32 to vector<16xf32>
              %add3A_387 = arith.addf %broadcast_in_dim3A_5, %add3A_386 : vector<16xf32>
              %get3A_388 = arith.index_cast %scan3A_375 : i32 to index
              %get3A_389 = arith.constant 0 : index
              %get3A_390 = tpu.vector_load %arg13[%get3A_388, %get3A_389] {strides = array<i32>} : memref<64x256xf32, #tpu.memory_space<vmem>>, vector<16xf32>,
              %mul3A_391 = arith.mulf %get3A_390, %add3A_387 : vector<16xf32>
              %swap3A_392 = arith.index_cast %squeeze3A : i32 to index
              %swap3A_393 = arith.constant 0 : index
              %swap3A_394 = tpu.vector_load %arg14[%swap3A_392, %swap3A_393] {strides = array<i32>} : memref<72x640xf32, #tpu.memory_space<vmem>>, vector<16xf32>,
              tpu.vector_store %arg14[%swap3A_392, %swap3A_393], %mul3A_391 {add = true, strides = array<i32>} : memref<72x640xf32, #tpu.memory_space<vmem>>, vector<16xf32>,
              %get3A_395 = arith.index_cast %scan3A_375 : i32 to index
              %get3A_396 = arith.constant 16 : index
              %get3A_397 = tpu.vector_load %arg13[%get3A_395, %get3A_396] {strides = array<i32>} : memref<64x256xf32, #tpu.memory_space<vmem>>, vector<16xf32>,
              %mul3A_398 = arith.mulf %get3A_397, %add3A_387 : vector<16xf32>
              %swap3A_399 = arith.index_cast %squeeze3A : i32 to index
              %swap3A_400 = arith.constant 16 : index
              %swap3A_401 = tpu.vector_load %arg14[%swap3A_399, %swap3A_400] {strides = array<i32>} : memref<72x640xf32, #tpu.memory_space<vmem>>, vector<16xf32>,
              tpu.vector_store %arg14[%swap3A_399, %swap3A_400], %mul3A_398 {add = true, strides = array<i32>} : memref<72x640xf32, #tpu.memory_space<vmem>>, vector<16xf32>,
              %get3A_402 = arith.index_cast %scan3A_375 : i32 to index
              %get3A_403 = arith.constant 32 : index
              %get3A_404 = tpu.vector_load %arg13[%get3A_402, %get3A_403] {strides = array<i32>} : memref<64x256xf32, #tpu.memory_space<vmem>>, vector<16xf32>,
              %mul3A_405 = arith.mulf %get3A_404, %add3A_387 : vector<16xf32>
              %swap3A_406 = arith.index_cast %squeeze3A : i32 to index
              %swap3A_407 = arith.constant 32 : index
              %swap3A_408 = tpu.vector_load %arg14[%swap3A_406, %swap3A_407] {strides = array<i32>} : memref<72x640xf32, #tpu.memory_space<vmem>>, vector<16xf32>,
              tpu.vector_store %arg14[%swap3A_406, %swap3A_407], %mul3A_405 {add = true, strides = array<i32>} : memref<72x640xf32, #tpu.memory_space<vmem>>, vector<16xf32>,
              %get3A_409 = arith.index_cast %scan3A_375 : i32 to index
              %get3A_410 = arith.constant 48 : index
              %get3A_411 = tpu.vector_load %arg13[%get3A_409, %get3A_410] {strides = array<i32>} : memref<64x256xf32, #tpu.memory_space<vmem>>, vector<16xf32>,
              %mul3A_412 = arith.mulf %get3A_411, %add3A_387 : vector<16xf32>
              %swap3A_413 = arith.index_cast %squeeze3A : i32 to index
              %swap3A_414 = arith.constant 48 : index
              %swap3A_415 = tpu.vector_load %arg14[%swap3A_413, %swap3A_414] {strides = array<i32>} : memref<72x640xf32, #tpu.memory_space<vmem>>, vector<16xf32>,
              tpu.vector_store %arg14[%swap3A_413, %swap3A_414], %mul3A_412 {add = true, strides = array<i32>} : memref<72x640xf32, #tpu.memory_space<vmem>>, vector<16xf32>,
              %slice3A_416 = vector.extract_strided_slice %get3A_383 {offsets = [1], sizes = [1], strides = [1]} : vector<16xf32> to vector<1xf32>
              %squeeze3A_417 = vector.extract %slice3A_416[0] : f32 from vector<1xf32>
              %add3A_418 = vector.broadcast %squeeze3A_417 : f32 to vector<16xf32>
              %add3A_419 = arith.addf %broadcast_in_dim3A_5, %add3A_418 : vector<16xf32>
              %get3A_420 = arith.index_cast %scan3A_375 : i32 to index
              %get3A_421 = arith.constant 64 : index
              %get3A_422 = tpu.vector_load %arg13[%get3A_420, %get3A_421] {strides = array<i32>} : memref<64x256xf32, #tpu.memory_space<vmem>>, vector<16xf32>,
              %mul3A_423 = arith.mulf %get3A_422, %add3A_419 : vector<16xf32>
              %swap3A_424 = arith.index_cast %squeeze3A : i32 to index
              %swap3A_425 = arith.constant 64 : index
              %swap3A_426 = tpu.vector_load %arg14[%swap3A_424, %swap3A_425] {strides = array<i32>} : memref<72x640xf32, #tpu.memory_space<vmem>>, vector<16xf32>,
              tpu.vector_store %arg14[%swap3A_424, %swap3A_425], %mul3A_423 {add = true, strides = array<i32>} : memref<72x640xf32, #tpu.memory_space<vmem>>, vector<16xf32>,
              %get3A_427 = arith.index_cast %scan3A_375 : i32 to index
              %get3A_428 = arith.constant 80 : index
              %get3A_429 = tpu.vector_load %arg13[%get3A_427, %get3A_428] {strides = array<i32>} : memref<64x256xf32, #tpu.memory_space<vmem>>, vector<16xf32>,
              %mul3A_430 = arith.mulf %get3A_429, %add3A_419 : vector<16xf32>
              %swap3A_431 = arith.index_cast %squeeze3A : i32 to index
              %swap3A_432 = arith.constant 80 : index
              %swap3A_433 = tpu.vector_load %arg14[%swap3A_431, %swap3A_432] {strides = array<i32>} : memref<72x640xf32, #tpu.memory_space<vmem>>, vector<16xf32>,
              tpu.vector_store %arg14[%swap3A_431, %swap3A_432], %mul3A_430 {add = true, strides = array<i32>} : memref<72x640xf32, #tpu.memory_space<vmem>>, vector<16xf32>,
              %get3A_434 = arith.index_cast %scan3A_375 : i32 to index
              %get3A_435 = arith.constant 96 : index
              %get3A_436 = tpu.vector_load %arg13[%get3A_434, %get3A_435] {strides = array<i32>} : memref<64x256xf32, #tpu.memory_space<vmem>>, vector<16xf32>,
              %mul3A_437 = arith.mulf %get3A_436, %add3A_419 : vector<16xf32>
              %swap3A_438 = arith.index_cast %squeeze3A : i32 to index
              %swap3A_439 = arith.constant 96 : index
              %swap3A_440 = tpu.vector_load %arg14[%swap3A_438, %swap3A_439] {strides = array<i32>} : memref<72x640xf32, #tpu.memory_space<vmem>>, vector<16xf32>,
              tpu.vector_store %arg14[%swap3A_438, %swap3A_439], %mul3A_437 {add = true, strides = array<i32>} : memref<72x640xf32, #tpu.memory_space<vmem>>, vector<16xf32>,
              %get3A_441 = arith.index_cast %scan3A_375 : i32 to index
              %get3A_442 = arith.constant 112 : index
              %get3A_443 = tpu.vector_load %arg13[%get3A_441, %get3A_442] {strides = array<i32>} : memref<64x256xf32, #tpu.memory_space<vmem>>, vector<16xf32>,
              %mul3A_444 = arith.mulf %get3A_443, %add3A_419 : vector<16xf32>
              %swap3A_445 = arith.index_cast %squeeze3A : i32 to index
              %swap3A_446 = arith.constant 112 : index
              %swap3A_447 = tpu.vector_load %arg14[%swap3A_445, %swap3A_446] {strides = array<i32>} : memref<72x640xf32, #tpu.memory_space<vmem>>, vector<16xf32>,
              tpu.vector_store %arg14[%swap3A_445, %swap3A_446], %mul3A_444 {add = true, strides = array<i32>} : memref<72x640xf32, #tpu.memory_space<vmem>>, vector<16xf32>,
              %slice3A_448 = vector.extract_strided_slice %get3A_383 {offsets = [2], sizes = [1], strides = [1]} : vector<16xf32> to vector<1xf32>
              %squeeze3A_449 = vector.extract %slice3A_448[0] : f32 from vector<1xf32>
              %add3A_450 = vector.broadcast %squeeze3A_449 : f32 to vector<16xf32>
              %add3A_451 = arith.addf %broadcast_in_dim3A_5, %add3A_450 : vector<16xf32>
              %get3A_452 = arith.index_cast %scan3A_375 : i32 to index
              %get3A_453 = arith.constant 64 : index
              %get3A_454 = tpu.vector_load %arg13[%get3A_452, %get3A_453] {strides = array<i32>} : memref<64x256xf32, #tpu.memory_space<vmem>>, vector<16xf32>,
              %mul3A_455 = arith.mulf %get3A_454, %add3A_451 : vector<16xf32>
              %swap3A_456 = arith.index_cast %squeeze3A : i32 to index
              %swap3A_457 = arith.constant 128 : index
              %swap3A_458 = tpu.vector_load %arg14[%swap3A_456, %swap3A_457] {strides = array<i32>} : memref<72x640xf32, #tpu.memory_space<vmem>>, vector<16xf32>,
              tpu.vector_store %arg14[%swap3A_456, %swap3A_457], %mul3A_455 {add = true, strides = array<i32>} : memref<72x640xf32, #tpu.memory_space<vmem>>, vector<16xf32>,
              %get3A_459 = arith.index_cast %scan3A_375 : i32 to index
              %get3A_460 = arith.constant 80 : index
              %get3A_461 = tpu.vector_load %arg13[%get3A_459, %get3A_460] {strides = array<i32>} : memref<64x256xf32, #tpu.memory_space<vmem>>, vector<16xf32>,
              %mul3A_462 = arith.mulf %get3A_461, %add3A_451 : vector<16xf32>
              %swap3A_463 = arith.index_cast %squeeze3A : i32 to index
              %swap3A_464 = arith.constant 144 : index
              %swap3A_465 = tpu.vector_load %arg14[%swap3A_463, %swap3A_464] {strides = array<i32>} : memref<72x640xf32, #tpu.memory_space<vmem>>, vector<16xf32>,
              tpu.vector_store %arg14[%swap3A_463, %swap3A_464], %mul3A_462 {add = true, strides = array<i32>} : memref<72x640xf32, #tpu.memory_space<vmem>>, vector<16xf32>,
              %get3A_466 = arith.index_cast %scan3A_375 : i32 to index
              %get3A_467 = arith.constant 96 : index
              %get3A_468 = tpu.vector_load %arg13[%get3A_466, %get3A_467] {strides = array<i32>} : memref<64x256xf32, #tpu.memory_space<vmem>>, vector<16xf32>,
              %mul3A_469 = arith.mulf %get3A_468, %add3A_451 : vector<16xf32>
              %swap3A_470 = arith.index_cast %squeeze3A : i32 to index
              %swap3A_471 = arith.constant 160 : index
              %swap3A_472 = tpu.vector_load %arg14[%swap3A_470, %swap3A_471] {strides = array<i32>} : memref<72x640xf32, #tpu.memory_space<vmem>>, vector<16xf32>,
              tpu.vector_store %arg14[%swap3A_470, %swap3A_471], %mul3A_469 {add = true, strides = array<i32>} : memref<72x640xf32, #tpu.memory_space<vmem>>, vector<16xf32>,
              %get3A_473 = arith.index_cast %scan3A_375 : i32 to index
              %get3A_474 = arith.constant 112 : index
              %get3A_475 = tpu.vector_load %arg13[%get3A_473, %get3A_474] {strides = array<i32>} : memref<64x256xf32, #tpu.memory_space<vmem>>, vector<16xf32>,
              %mul3A_476 = arith.mulf %get3A_475, %add3A_451 : vector<16xf32>
              %swap3A_477 = arith.index_cast %squeeze3A : i32 to index
              %swap3A_478 = arith.constant 176 : index
              %swap3A_479 = tpu.vector_load %arg14[%swap3A_477, %swap3A_478] {strides = array<i32>} : memref<72x640xf32, #tpu.memory_space<vmem>>, vector<16xf32>,
              tpu.vector_store %arg14[%swap3A_477, %swap3A_478], %mul3A_476 {add = true, strides = array<i32>} : memref<72x640xf32, #tpu.memory_space<vmem>>, vector<16xf32>,
              %slice3A_480 = vector.extract_strided_slice %get3A_383 {offsets = [3], sizes = [1], strides = [1]} : vector<16xf32> to vector<1xf32>
              %squeeze3A_481 = vector.extract %slice3A_480[0] : f32 from vector<1xf32>
              %add3A_482 = vector.broadcast %squeeze3A_481 : f32 to vector<16xf32>
              %add3A_483 = arith.addf %broadcast_in_dim3A_5, %add3A_482 : vector<16xf32>
              %get3A_484 = arith.index_cast %scan3A_375 : i32 to index
              %get3A_485 = arith.constant 64 : index
              %get3A_486 = tpu.vector_load %arg13[%get3A_484, %get3A_485] {strides = array<i32>} : memref<64x256xf32, #tpu.memory_space<vmem>>, vector<16xf32>,
              %mul3A_487 = arith.mulf %get3A_486, %add3A_483 : vector<16xf32>
              %swap3A_488 = arith.index_cast %squeeze3A : i32 to index
              %swap3A_489 = arith.constant 192 : index
              %swap3A_490 = tpu.vector_load %arg14[%swap3A_488, %swap3A_489] {strides = array<i32>} : memref<72x640xf32, #tpu.memory_space<vmem>>, vector<16xf32>,
              tpu.vector_store %arg14[%swap3A_488, %swap3A_489], %mul3A_487 {add = true, strides = array<i32>} : memref<72x640xf32, #tpu.memory_space<vmem>>, vector<16xf32>,
              %get3A_491 = arith.index_cast %scan3A_375 : i32 to index
              %get3A_492 = arith.constant 80 : index
              %get3A_493 = tpu.vector_load %arg13[%get3A_491, %get3A_492] {strides = array<i32>} : memref<64x256xf32, #tpu.memory_space<vmem>>, vector<16xf32>,
              %mul3A_494 = arith.mulf %get3A_493, %add3A_483 : vector<16xf32>
              %swap3A_495 = arith.index_cast %squeeze3A : i32 to index
              %swap3A_496 = arith.constant 208 : index
              %swap3A_497 = tpu.vector_load %arg14[%swap3A_495, %swap3A_496] {strides = array<i32>} : memref<72x640xf32, #tpu.memory_space<vmem>>, vector<16xf32>,
              tpu.vector_store %arg14[%swap3A_495, %swap3A_496], %mul3A_494 {add = true, strides = array<i32>} : memref<72x640xf32, #tpu.memory_space<vmem>>, vector<16xf32>,
              %get3A_498 = arith.index_cast %scan3A_375 : i32 to index
              %get3A_499 = arith.constant 96 : index
              %get3A_500 = tpu.vector_load %arg13[%get3A_498, %get3A_499] {strides = array<i32>} : memref<64x256xf32, #tpu.memory_space<vmem>>, vector<16xf32>,
              %mul3A_501 = arith.mulf %get3A_500, %add3A_483 : vector<16xf32>
              %swap3A_502 = arith.index_cast %squeeze3A : i32 to index
              %swap3A_503 = arith.constant 224 : index
              %swap3A_504 = tpu.vector_load %arg14[%swap3A_502, %swap3A_503] {strides = array<i32>} : memref<72x640xf32, #tpu.memory_space<vmem>>, vector<16xf32>,
              tpu.vector_store %arg14[%swap3A_502, %swap3A_503], %mul3A_501 {add = true, strides = array<i32>} : memref<72x640xf32, #tpu.memory_space<vmem>>, vector<16xf32>,
              %get3A_505 = arith.index_cast %scan3A_375 : i32 to index
              %get3A_506 = arith.constant 112 : index
              %get3A_507 = tpu.vector_load %arg13[%get3A_505, %get3A_506] {strides = array<i32>} : memref<64x256xf32, #tpu.memory_space<vmem>>, vector<16xf32>,
              %mul3A_508 = arith.mulf %get3A_507, %add3A_483 : vector<16xf32>
              %swap3A_509 = arith.index_cast %squeeze3A : i32 to index
              %swap3A_510 = arith.constant 240 : index
              %swap3A_511 = tpu.vector_load %arg14[%swap3A_509, %swap3A_510] {strides = array<i32>} : memref<72x640xf32, #tpu.memory_space<vmem>>, vector<16xf32>,
              tpu.vector_store %arg14[%swap3A_509, %swap3A_510], %mul3A_508 {add = true, strides = array<i32>} : memref<72x640xf32, #tpu.memory_space<vmem>>, vector<16xf32>,
              %slice3A_512 = vector.extract_strided_slice %get3A_383 {offsets = [4], sizes = [1], strides = [1]} : vector<16xf32> to vector<1xf32>
              %squeeze3A_513 = vector.extract %slice3A_512[0] : f32 from vector<1xf32>
              %add3A_514 = vector.broadcast %squeeze3A_513 : f32 to vector<16xf32>
              %add3A_515 = arith.addf %broadcast_in_dim3A_5, %add3A_514 : vector<16xf32>
              %get3A_516 = arith.index_cast %scan3A_375 : i32 to index
              %get3A_517 = arith.constant 128 : index
              %get3A_518 = tpu.vector_load %arg13[%get3A_516, %get3A_517] {strides = array<i32>} : memref<64x256xf32, #tpu.memory_space<vmem>>, vector<16xf32>,
              %mul3A_519 = arith.mulf %get3A_518, %add3A_515 : vector<16xf32>
              %swap3A_520 = arith.index_cast %squeeze3A : i32 to index
              %swap3A_521 = arith.constant 256 : index
              %swap3A_522 = tpu.vector_load %arg14[%swap3A_520, %swap3A_521] {strides = array<i32>} : memref<72x640xf32, #tpu.memory_space<vmem>>, vector<16xf32>,
              tpu.vector_store %arg14[%swap3A_520, %swap3A_521], %mul3A_519 {add = true, strides = array<i32>} : memref<72x640xf32, #tpu.memory_space<vmem>>, vector<16xf32>,
              %get3A_523 = arith.index_cast %scan3A_375 : i32 to index
              %get3A_524 = arith.constant 144 : index
              %get3A_525 = tpu.vector_load %arg13[%get3A_523, %get3A_524] {strides = array<i32>} : memref<64x256xf32, #tpu.memory_space<vmem>>, vector<16xf32>,
              %mul3A_526 = arith.mulf %get3A_525, %add3A_515 : vector<16xf32>
              %swap3A_527 = arith.index_cast %squeeze3A : i32 to index
              %swap3A_528 = arith.constant 272 : index
              %swap3A_529 = tpu.vector_load %arg14[%swap3A_527, %swap3A_528] {strides = array<i32>} : memref<72x640xf32, #tpu.memory_space<vmem>>, vector<16xf32>,
              tpu.vector_store %arg14[%swap3A_527, %swap3A_528], %mul3A_526 {add = true, strides = array<i32>} : memref<72x640xf32, #tpu.memory_space<vmem>>, vector<16xf32>,
              %get3A_530 = arith.index_cast %scan3A_375 : i32 to index
              %get3A_531 = arith.constant 160 : index
              %get3A_532 = tpu.vector_load %arg13[%get3A_530, %get3A_531] {strides = array<i32>} : memref<64x256xf32, #tpu.memory_space<vmem>>, vector<16xf32>,
              %mul3A_533 = arith.mulf %get3A_532, %add3A_515 : vector<16xf32>
              %swap3A_534 = arith.index_cast %squeeze3A : i32 to index
              %swap3A_535 = arith.constant 288 : index
              %swap3A_536 = tpu.vector_load %arg14[%swap3A_534, %swap3A_535] {strides = array<i32>} : memref<72x640xf32, #tpu.memory_space<vmem>>, vector<16xf32>,
              tpu.vector_store %arg14[%swap3A_534, %swap3A_535], %mul3A_533 {add = true, strides = array<i32>} : memref<72x640xf32, #tpu.memory_space<vmem>>, vector<16xf32>,
              %get3A_537 = arith.index_cast %scan3A_375 : i32 to index
              %get3A_538 = arith.constant 176 : index
              %get3A_539 = tpu.vector_load %arg13[%get3A_537, %get3A_538] {strides = array<i32>} : memref<64x256xf32, #tpu.memory_space<vmem>>, vector<16xf32>,
              %mul3A_540 = arith.mulf %get3A_539, %add3A_515 : vector<16xf32>
              %swap3A_541 = arith.index_cast %squeeze3A : i32 to index
              %swap3A_542 = arith.constant 304 : index
              %swap3A_543 = tpu.vector_load %arg14[%swap3A_541, %swap3A_542] {strides = array<i32>} : memref<72x640xf32, #tpu.memory_space<vmem>>, vector<16xf32>,
              tpu.vector_store %arg14[%swap3A_541, %swap3A_542], %mul3A_540 {add = true, strides = array<i32>} : memref<72x640xf32, #tpu.memory_space<vmem>>, vector<16xf32>,
              %slice3A_544 = vector.extract_strided_slice %get3A_383 {offsets = [5], sizes = [1], strides = [1]} : vector<16xf32> to vector<1xf32>
              %squeeze3A_545 = vector.extract %slice3A_544[0] : f32 from vector<1xf32>
              %add3A_546 = vector.broadcast %squeeze3A_545 : f32 to vector<16xf32>
              %add3A_547 = arith.addf %broadcast_in_dim3A_5, %add3A_546 : vector<16xf32>
              %get3A_548 = arith.index_cast %scan3A_375 : i32 to index
              %get3A_549 = arith.constant 128 : index
              %get3A_550 = tpu.vector_load %arg13[%get3A_548, %get3A_549] {strides = array<i32>} : memref<64x256xf32, #tpu.memory_space<vmem>>, vector<16xf32>,
              %mul3A_551 = arith.mulf %get3A_550, %add3A_547 : vector<16xf32>
              %swap3A_552 = arith.index_cast %squeeze3A : i32 to index
              %swap3A_553 = arith.constant 320 : index
              %swap3A_554 = tpu.vector_load %arg14[%swap3A_552, %swap3A_553] {strides = array<i32>} : memref<72x640xf32, #tpu.memory_space<vmem>>, vector<16xf32>,
              tpu.vector_store %arg14[%swap3A_552, %swap3A_553], %mul3A_551 {add = true, strides = array<i32>} : memref<72x640xf32, #tpu.memory_space<vmem>>, vector<16xf32>,
              %get3A_555 = arith.index_cast %scan3A_375 : i32 to index
              %get3A_556 = arith.constant 144 : index
              %get3A_557 = tpu.vector_load %arg13[%get3A_555, %get3A_556] {strides = array<i32>} : memref<64x256xf32, #tpu.memory_space<vmem>>, vector<16xf32>,
              %mul3A_558 = arith.mulf %get3A_557, %add3A_547 : vector<16xf32>
              %swap3A_559 = arith.index_cast %squeeze3A : i32 to index
              %swap3A_560 = arith.constant 336 : index
              %swap3A_561 = tpu.vector_load %arg14[%swap3A_559, %swap3A_560] {strides = array<i32>} : memref<72x640xf32, #tpu.memory_space<vmem>>, vector<16xf32>,
              tpu.vector_store %arg14[%swap3A_559, %swap3A_560], %mul3A_558 {add = true, strides = array<i32>} : memref<72x640xf32, #tpu.memory_space<vmem>>, vector<16xf32>,
              %get3A_562 = arith.index_cast %scan3A_375 : i32 to index
              %get3A_563 = arith.constant 160 : index
              %get3A_564 = tpu.vector_load %arg13[%get3A_562, %get3A_563] {strides = array<i32>} : memref<64x256xf32, #tpu.memory_space<vmem>>, vector<16xf32>,
              %mul3A_565 = arith.mulf %get3A_564, %add3A_547 : vector<16xf32>
              %swap3A_566 = arith.index_cast %squeeze3A : i32 to index
              %swap3A_567 = arith.constant 352 : index
              %swap3A_568 = tpu.vector_load %arg14[%swap3A_566, %swap3A_567] {strides = array<i32>} : memref<72x640xf32, #tpu.memory_space<vmem>>, vector<16xf32>,
              tpu.vector_store %arg14[%swap3A_566, %swap3A_567], %mul3A_565 {add = true, strides = array<i32>} : memref<72x640xf32, #tpu.memory_space<vmem>>, vector<16xf32>,
              %get3A_569 = arith.index_cast %scan3A_375 : i32 to index
              %get3A_570 = arith.constant 176 : index
              %get3A_571 = tpu.vector_load %arg13[%get3A_569, %get3A_570] {strides = array<i32>} : memref<64x256xf32, #tpu.memory_space<vmem>>, vector<16xf32>,
              %mul3A_572 = arith.mulf %get3A_571, %add3A_547 : vector<16xf32>
              %swap3A_573 = arith.index_cast %squeeze3A : i32 to index
              %swap3A_574 = arith.constant 368 : index
              %swap3A_575 = tpu.vector_load %arg14[%swap3A_573, %swap3A_574] {strides = array<i32>} : memref<72x640xf32, #tpu.memory_space<vmem>>, vector<16xf32>,
              tpu.vector_store %arg14[%swap3A_573, %swap3A_574], %mul3A_572 {add = true, strides = array<i32>} : memref<72x640xf32, #tpu.memory_space<vmem>>, vector<16xf32>,
              %slice3A_576 = vector.extract_strided_slice %get3A_383 {offsets = [6], sizes = [1], strides = [1]} : vector<16xf32> to vector<1xf32>
              %squeeze3A_577 = vector.extract %slice3A_576[0] : f32 from vector<1xf32>
              %add3A_578 = vector.broadcast %squeeze3A_577 : f32 to vector<16xf32>
              %add3A_579 = arith.addf %broadcast_in_dim3A_5, %add3A_578 : vector<16xf32>
              %get3A_580 = arith.index_cast %scan3A_375 : i32 to index
              %get3A_581 = arith.constant 128 : index
              %get3A_582 = tpu.vector_load %arg13[%get3A_580, %get3A_581] {strides = array<i32>} : memref<64x256xf32, #tpu.memory_space<vmem>>, vector<16xf32>,
              %mul3A_583 = arith.mulf %get3A_582, %add3A_579 : vector<16xf32>
              %swap3A_584 = arith.index_cast %squeeze3A : i32 to index
              %swap3A_585 = arith.constant 384 : index
              %swap3A_586 = tpu.vector_load %arg14[%swap3A_584, %swap3A_585] {strides = array<i32>} : memref<72x640xf32, #tpu.memory_space<vmem>>, vector<16xf32>,
              tpu.vector_store %arg14[%swap3A_584, %swap3A_585], %mul3A_583 {add = true, strides = array<i32>} : memref<72x640xf32, #tpu.memory_space<vmem>>, vector<16xf32>,
              %get3A_587 = arith.index_cast %scan3A_375 : i32 to index
              %get3A_588 = arith.constant 144 : index
              %get3A_589 = tpu.vector_load %arg13[%get3A_587, %get3A_588] {strides = array<i32>} : memref<64x256xf32, #tpu.memory_space<vmem>>, vector<16xf32>,
              %mul3A_590 = arith.mulf %get3A_589, %add3A_579 : vector<16xf32>
              %swap3A_591 = arith.index_cast %squeeze3A : i32 to index
              %swap3A_592 = arith.constant 400 : index
              %swap3A_593 = tpu.vector_load %arg14[%swap3A_591, %swap3A_592] {strides = array<i32>} : memref<72x640xf32, #tpu.memory_space<vmem>>, vector<16xf32>,
              tpu.vector_store %arg14[%swap3A_591, %swap3A_592], %mul3A_590 {add = true, strides = array<i32>} : memref<72x640xf32, #tpu.memory_space<vmem>>, vector<16xf32>,
              %get3A_594 = arith.index_cast %scan3A_375 : i32 to index
              %get3A_595 = arith.constant 160 : index
              %get3A_596 = tpu.vector_load %arg13[%get3A_594, %get3A_595] {strides = array<i32>} : memref<64x256xf32, #tpu.memory_space<vmem>>, vector<16xf32>,
              %mul3A_597 = arith.mulf %get3A_596, %add3A_579 : vector<16xf32>
              %swap3A_598 = arith.index_cast %squeeze3A : i32 to index
              %swap3A_599 = arith.constant 416 : index
              %swap3A_600 = tpu.vector_load %arg14[%swap3A_598, %swap3A_599] {strides = array<i32>} : memref<72x640xf32, #tpu.memory_space<vmem>>, vector<16xf32>,
              tpu.vector_store %arg14[%swap3A_598, %swap3A_599], %mul3A_597 {add = true, strides = array<i32>} : memref<72x640xf32, #tpu.memory_space<vmem>>, vector<16xf32>,
              %get3A_601 = arith.index_cast %scan3A_375 : i32 to index
              %get3A_602 = arith.constant 176 : index
              %get3A_603 = tpu.vector_load %arg13[%get3A_601, %get3A_602] {strides = array<i32>} : memref<64x256xf32, #tpu.memory_space<vmem>>, vector<16xf32>,
              %mul3A_604 = arith.mulf %get3A_603, %add3A_579 : vector<16xf32>
              %swap3A_605 = arith.index_cast %squeeze3A : i32 to index
              %swap3A_606 = arith.constant 432 : index
              %swap3A_607 = tpu.vector_load %arg14[%swap3A_605, %swap3A_606] {strides = array<i32>} : memref<72x640xf32, #tpu.memory_space<vmem>>, vector<16xf32>,
              tpu.vector_store %arg14[%swap3A_605, %swap3A_606], %mul3A_604 {add = true, strides = array<i32>} : memref<72x640xf32, #tpu.memory_space<vmem>>, vector<16xf32>,
              %slice3A_608 = vector.extract_strided_slice %get3A_383 {offsets = [7], sizes = [1], strides = [1]} : vector<16xf32> to vector<1xf32>
              %squeeze3A_609 = vector.extract %slice3A_608[0] : f32 from vector<1xf32>
              %add3A_610 = vector.broadcast %squeeze3A_609 : f32 to vector<16xf32>
              %add3A_611 = arith.addf %broadcast_in_dim3A_5, %add3A_610 : vector<16xf32>
              %get3A_612 = arith.index_cast %scan3A_375 : i32 to index
              %get3A_613 = arith.constant 128 : index
              %get3A_614 = tpu.vector_load %arg13[%get3A_612, %get3A_613] {strides = array<i32>} : memref<64x256xf32, #tpu.memory_space<vmem>>, vector<16xf32>,
              %mul3A_615 = arith.mulf %get3A_614, %add3A_611 : vector<16xf32>
              %swap3A_616 = arith.index_cast %squeeze3A : i32 to index
              %swap3A_617 = arith.constant 448 : index
              %swap3A_618 = tpu.vector_load %arg14[%swap3A_616, %swap3A_617] {strides = array<i32>} : memref<72x640xf32, #tpu.memory_space<vmem>>, vector<16xf32>,
              tpu.vector_store %arg14[%swap3A_616, %swap3A_617], %mul3A_615 {add = true, strides = array<i32>} : memref<72x640xf32, #tpu.memory_space<vmem>>, vector<16xf32>,
              %get3A_619 = arith.index_cast %scan3A_375 : i32 to index
              %get3A_620 = arith.constant 144 : index
              %get3A_621 = tpu.vector_load %arg13[%get3A_619, %get3A_620] {strides = array<i32>} : memref<64x256xf32, #tpu.memory_space<vmem>>, vector<16xf32>,
              %mul3A_622 = arith.mulf %get3A_621, %add3A_611 : vector<16xf32>
              %swap3A_623 = arith.index_cast %squeeze3A : i32 to index
              %swap3A_624 = arith.constant 464 : index
              %swap3A_625 = tpu.vector_load %arg14[%swap3A_623, %swap3A_624] {strides = array<i32>} : memref<72x640xf32, #tpu.memory_space<vmem>>, vector<16xf32>,
              tpu.vector_store %arg14[%swap3A_623, %swap3A_624], %mul3A_622 {add = true, strides = array<i32>} : memref<72x640xf32, #tpu.memory_space<vmem>>, vector<16xf32>,
              %get3A_626 = arith.index_cast %scan3A_375 : i32 to index
              %get3A_627 = arith.constant 160 : index
              %get3A_628 = tpu.vector_load %arg13[%get3A_626, %get3A_627] {strides = array<i32>} : memref<64x256xf32, #tpu.memory_space<vmem>>, vector<16xf32>,
              %mul3A_629 = arith.mulf %get3A_628, %add3A_611 : vector<16xf32>
              %swap3A_630 = arith.index_cast %squeeze3A : i32 to index
              %swap3A_631 = arith.constant 480 : index
              %swap3A_632 = tpu.vector_load %arg14[%swap3A_630, %swap3A_631] {strides = array<i32>} : memref<72x640xf32, #tpu.memory_space<vmem>>, vector<16xf32>,
              tpu.vector_store %arg14[%swap3A_630, %swap3A_631], %mul3A_629 {add = true, strides = array<i32>} : memref<72x640xf32, #tpu.memory_space<vmem>>, vector<16xf32>,
              %get3A_633 = arith.index_cast %scan3A_375 : i32 to index
              %get3A_634 = arith.constant 176 : index
              %get3A_635 = tpu.vector_load %arg13[%get3A_633, %get3A_634] {strides = array<i32>} : memref<64x256xf32, #tpu.memory_space<vmem>>, vector<16xf32>,
              %mul3A_636 = arith.mulf %get3A_635, %add3A_611 : vector<16xf32>
              %swap3A_637 = arith.index_cast %squeeze3A : i32 to index
              %swap3A_638 = arith.constant 496 : index
              %swap3A_639 = tpu.vector_load %arg14[%swap3A_637, %swap3A_638] {strides = array<i32>} : memref<72x640xf32, #tpu.memory_space<vmem>>, vector<16xf32>,
              tpu.vector_store %arg14[%swap3A_637, %swap3A_638], %mul3A_636 {add = true, strides = array<i32>} : memref<72x640xf32, #tpu.memory_space<vmem>>, vector<16xf32>,
              %slice3A_640 = vector.extract_strided_slice %get3A_383 {offsets = [8], sizes = [1], strides = [1]} : vector<16xf32> to vector<1xf32>
              %squeeze3A_641 = vector.extract %slice3A_640[0] : f32 from vector<1xf32>
              %add3A_642 = vector.broadcast %squeeze3A_641 : f32 to vector<16xf32>
              %add3A_643 = arith.addf %broadcast_in_dim3A_5, %add3A_642 : vector<16xf32>
              %get3A_644 = arith.index_cast %scan3A_375 : i32 to index
              %get3A_645 = arith.constant 128 : index
              %get3A_646 = tpu.vector_load %arg13[%get3A_644, %get3A_645] {strides = array<i32>} : memref<64x256xf32, #tpu.memory_space<vmem>>, vector<16xf32>,
              %mul3A_647 = arith.mulf %get3A_646, %add3A_643 : vector<16xf32>
              %swap3A_648 = arith.index_cast %squeeze3A : i32 to index
              %swap3A_649 = arith.constant 512 : index
              %swap3A_650 = tpu.vector_load %arg14[%swap3A_648, %swap3A_649] {strides = array<i32>} : memref<72x640xf32, #tpu.memory_space<vmem>>, vector<16xf32>,
              tpu.vector_store %arg14[%swap3A_648, %swap3A_649], %mul3A_647 {add = true, strides = array<i32>} : memref<72x640xf32, #tpu.memory_space<vmem>>, vector<16xf32>,
              %get3A_651 = arith.index_cast %scan3A_375 : i32 to index
              %get3A_652 = arith.constant 144 : index
              %get3A_653 = tpu.vector_load %arg13[%get3A_651, %get3A_652] {strides = array<i32>} : memref<64x256xf32, #tpu.memory_space<vmem>>, vector<16xf32>,
              %mul3A_654 = arith.mulf %get3A_653, %add3A_643 : vector<16xf32>
              %swap3A_655 = arith.index_cast %squeeze3A : i32 to index
              %swap3A_656 = arith.constant 528 : index
              %swap3A_657 = tpu.vector_load %arg14[%swap3A_655, %swap3A_656] {strides = array<i32>} : memref<72x640xf32, #tpu.memory_space<vmem>>, vector<16xf32>,
              tpu.vector_store %arg14[%swap3A_655, %swap3A_656], %mul3A_654 {add = true, strides = array<i32>} : memref<72x640xf32, #tpu.memory_space<vmem>>, vector<16xf32>,
              %get3A_658 = arith.index_cast %scan3A_375 : i32 to index
              %get3A_659 = arith.constant 160 : index
              %get3A_660 = tpu.vector_load %arg13[%get3A_658, %get3A_659] {strides = array<i32>} : memref<64x256xf32, #tpu.memory_space<vmem>>, vector<16xf32>,
              %mul3A_661 = arith.mulf %get3A_660, %add3A_643 : vector<16xf32>
              %swap3A_662 = arith.index_cast %squeeze3A : i32 to index
              %swap3A_663 = arith.constant 544 : index
              %swap3A_664 = tpu.vector_load %arg14[%swap3A_662, %swap3A_663] {strides = array<i32>} : memref<72x640xf32, #tpu.memory_space<vmem>>, vector<16xf32>,
              tpu.vector_store %arg14[%swap3A_662, %swap3A_663], %mul3A_661 {add = true, strides = array<i32>} : memref<72x640xf32, #tpu.memory_space<vmem>>, vector<16xf32>,
              %get3A_665 = arith.index_cast %scan3A_375 : i32 to index
              %get3A_666 = arith.constant 176 : index
              %get3A_667 = tpu.vector_load %arg13[%get3A_665, %get3A_666] {strides = array<i32>} : memref<64x256xf32, #tpu.memory_space<vmem>>, vector<16xf32>,
              %mul3A_668 = arith.mulf %get3A_667, %add3A_643 : vector<16xf32>
              %swap3A_669 = arith.index_cast %squeeze3A : i32 to index
              %swap3A_670 = arith.constant 560 : index
              %swap3A_671 = tpu.vector_load %arg14[%swap3A_669, %swap3A_670] {strides = array<i32>} : memref<72x640xf32, #tpu.memory_space<vmem>>, vector<16xf32>,
              tpu.vector_store %arg14[%swap3A_669, %swap3A_670], %mul3A_668 {add = true, strides = array<i32>} : memref<72x640xf32, #tpu.memory_space<vmem>>, vector<16xf32>,
              %slice3A_672 = vector.extract_strided_slice %get3A_383 {offsets = [9], sizes = [1], strides = [1]} : vector<16xf32> to vector<1xf32>
              %squeeze3A_673 = vector.extract %slice3A_672[0] : f32 from vector<1xf32>
              %add3A_674 = vector.broadcast %squeeze3A_673 : f32 to vector<16xf32>
              %add3A_675 = arith.addf %broadcast_in_dim3A_5, %add3A_674 : vector<16xf32>
              %get3A_676 = arith.index_cast %scan3A_375 : i32 to index
              %get3A_677 = arith.constant 128 : index
              %get3A_678 = tpu.vector_load %arg13[%get3A_676, %get3A_677] {strides = array<i32>} : memref<64x256xf32, #tpu.memory_space<vmem>>, vector<16xf32>,
              %mul3A_679 = arith.mulf %get3A_678, %add3A_675 : vector<16xf32>
              %swap3A_680 = arith.index_cast %squeeze3A : i32 to index
              %swap3A_681 = arith.constant 576 : index
              %swap3A_682 = tpu.vector_load %arg14[%swap3A_680, %swap3A_681] {strides = array<i32>} : memref<72x640xf32, #tpu.memory_space<vmem>>, vector<16xf32>,
              tpu.vector_store %arg14[%swap3A_680, %swap3A_681], %mul3A_679 {add = true, strides = array<i32>} : memref<72x640xf32, #tpu.memory_space<vmem>>, vector<16xf32>,
              %get3A_683 = arith.index_cast %scan3A_375 : i32 to index
              %get3A_684 = arith.constant 144 : index
              %get3A_685 = tpu.vector_load %arg13[%get3A_683, %get3A_684] {strides = array<i32>} : memref<64x256xf32, #tpu.memory_space<vmem>>, vector<16xf32>,
              %mul3A_686 = arith.mulf %get3A_685, %add3A_675 : vector<16xf32>
              %swap3A_687 = arith.index_cast %squeeze3A : i32 to index
              %swap3A_688 = arith.constant 592 : index
              %swap3A_689 = tpu.vector_load %arg14[%swap3A_687, %swap3A_688] {strides = array<i32>} : memref<72x640xf32, #tpu.memory_space<vmem>>, vector<16xf32>,
              tpu.vector_store %arg14[%swap3A_687, %swap3A_688], %mul3A_686 {add = true, strides = array<i32>} : memref<72x640xf32, #tpu.memory_space<vmem>>, vector<16xf32>,
              %get3A_690 = arith.index_cast %scan3A_375 : i32 to index
              %get3A_691 = arith.constant 160 : index
              %get3A_692 = tpu.vector_load %arg13[%get3A_690, %get3A_691] {strides = array<i32>} : memref<64x256xf32, #tpu.memory_space<vmem>>, vector<16xf32>,
              %mul3A_693 = arith.mulf %get3A_692, %add3A_675 : vector<16xf32>
              %swap3A_694 = arith.index_cast %squeeze3A : i32 to index
              %swap3A_695 = arith.constant 608 : index
              %swap3A_696 = tpu.vector_load %arg14[%swap3A_694, %swap3A_695] {strides = array<i32>} : memref<72x640xf32, #tpu.memory_space<vmem>>, vector<16xf32>,
              tpu.vector_store %arg14[%swap3A_694, %swap3A_695], %mul3A_693 {add = true, strides = array<i32>} : memref<72x640xf32, #tpu.memory_space<vmem>>, vector<16xf32>,
              %get3A_697 = arith.index_cast %scan3A_375 : i32 to index
              %get3A_698 = arith.constant 176 : index
              %get3A_699 = tpu.vector_load %arg13[%get3A_697, %get3A_698] {strides = array<i32>} : memref<64x256xf32, #tpu.memory_space<vmem>>, vector<16xf32>,
              %mul3A_700 = arith.mulf %get3A_699, %add3A_675 : vector<16xf32>
              %swap3A_701 = arith.index_cast %squeeze3A : i32 to index
              %swap3A_702 = arith.constant 624 : index
              %swap3A_703 = tpu.vector_load %arg14[%swap3A_701, %swap3A_702] {strides = array<i32>} : memref<72x640xf32, #tpu.memory_space<vmem>>, vector<16xf32>,
              tpu.vector_store %arg14[%swap3A_701, %swap3A_702], %mul3A_700 {add = true, strides = array<i32>} : memref<72x640xf32, #tpu.memory_space<vmem>>, vector<16xf32>,
            }
            %scan3A_374 = arith.constant 64 : i32
          }
          %mul3A_276 = arith.constant 64 : i32
          %mul3A_277 = arith.muli %select_n3A_265, %mul3A_276 : i32
          %multiple_of3A_278 = tpu.assume_multiple %mul3A_277, 16 : i32
          %add3A_279 = arith.constant 0 : i32
          %add3A_280 = arith.addi %multiple_of3A_278, %add3A_279 : i32
          %get3A_281 = arith.index_cast %add3A_280 : i32 to index
          %get3A_282 = tpu.vector_load %arg8[%get3A_281] {strides = array<i32>} : memref<640xi32, #tpu.memory_space<vmem>>, vector<16xi32>,
          %add3A_283 = arith.constant 0 : i32
          %add3A_284 = arith.addi %multiple_of3A_278, %add3A_283 : i32
          %get3A_285 = arith.index_cast %add3A_284 : i32 to index
          %get3A_286 = tpu.vector_load %arg9[%get3A_285] {strides = array<i32>} : memref<640xi32, #tpu.memory_space<vmem>>, vector<16xi32>,
          %swap3A_287 = arith.constant 0 : index
          %swap3A_288 = tpu.vector_load %arg8[%swap3A_287] {strides = array<i32>} : memref<640xi32, #tpu.memory_space<vmem>>, vector<16xi32>,
          tpu.vector_store %arg8[%swap3A_287], %get3A_282 {strides = array<i32>} : memref<640xi32, #tpu.memory_space<vmem>>, vector<16xi32>,
          %swap3A_289 = arith.constant 0 : index
          %swap3A_290 = tpu.vector_load %arg9[%swap3A_289] {strides = array<i32>} : memref<640xi32, #tpu.memory_space<vmem>>, vector<16xi32>,
          tpu.vector_store %arg9[%swap3A_289], %get3A_286 {strides = array<i32>} : memref<640xi32, #tpu.memory_space<vmem>>, vector<16xi32>,
          %add3A_291 = arith.constant 16 : i32
          %add3A_292 = arith.addi %multiple_of3A_278, %add3A_291 : i32
          %get3A_293 = arith.index_cast %add3A_292 : i32 to index
          %get3A_294 = tpu.vector_load %arg8[%get3A_293] {strides = array<i32>} : memref<640xi32, #tpu.memory_space<vmem>>, vector<16xi32>,
          %add3A_295 = arith.constant 16 : i32
          %add3A_296 = arith.addi %multiple_of3A_278, %add3A_295 : i32
          %get3A_297 = arith.index_cast %add3A_296 : i32 to index
          %get3A_298 = tpu.vector_load %arg9[%get3A_297] {strides = array<i32>} : memref<640xi32, #tpu.memory_space<vmem>>, vector<16xi32>,
          %swap3A_299 = arith.constant 16 : index
          %swap3A_300 = tpu.vector_load %arg8[%swap3A_299] {strides = array<i32>} : memref<640xi32, #tpu.memory_space<vmem>>, vector<16xi32>,
          tpu.vector_store %arg8[%swap3A_299], %get3A_294 {strides = array<i32>} : memref<640xi32, #tpu.memory_space<vmem>>, vector<16xi32>,
          %swap3A_301 = arith.constant 16 : index
          %swap3A_302 = tpu.vector_load %arg9[%swap3A_301] {strides = array<i32>} : memref<640xi32, #tpu.memory_space<vmem>>, vector<16xi32>,
          tpu.vector_store %arg9[%swap3A_301], %get3A_298 {strides = array<i32>} : memref<640xi32, #tpu.memory_space<vmem>>, vector<16xi32>,
          %add3A_303 = arith.constant 32 : i32
          %add3A_304 = arith.addi %multiple_of3A_278, %add3A_303 : i32
          %get3A_305 = arith.index_cast %add3A_304 : i32 to index
          %get3A_306 = tpu.vector_load %arg8[%get3A_305] {strides = array<i32>} : memref<640xi32, #tpu.memory_space<vmem>>, vector<16xi32>,
          %add3A_307 = arith.constant 32 : i32
          %add3A_308 = arith.addi %multiple_of3A_278, %add3A_307 : i32
          %get3A_309 = arith.index_cast %add3A_308 : i32 to index
          %get3A_310 = tpu.vector_load %arg9[%get3A_309] {strides = array<i32>} : memref<640xi32, #tpu.memory_space<vmem>>, vector<16xi32>,
          %swap3A_311 = arith.constant 32 : index
          %swap3A_312 = tpu.vector_load %arg8[%swap3A_311] {strides = array<i32>} : memref<640xi32, #tpu.memory_space<vmem>>, vector<16xi32>,
          tpu.vector_store %arg8[%swap3A_311], %get3A_306 {strides = array<i32>} : memref<640xi32, #tpu.memory_space<vmem>>, vector<16xi32>,
          %swap3A_313 = arith.constant 32 : index
          %swap3A_314 = tpu.vector_load %arg9[%swap3A_313] {strides = array<i32>} : memref<640xi32, #tpu.memory_space<vmem>>, vector<16xi32>,
          tpu.vector_store %arg9[%swap3A_313], %get3A_310 {strides = array<i32>} : memref<640xi32, #tpu.memory_space<vmem>>, vector<16xi32>,
          %add3A_315 = arith.constant 48 : i32
          %add3A_316 = arith.addi %multiple_of3A_278, %add3A_315 : i32
          %get3A_317 = arith.index_cast %add3A_316 : i32 to index
          %get3A_318 = tpu.vector_load %arg8[%get3A_317] {strides = array<i32>} : memref<640xi32, #tpu.memory_space<vmem>>, vector<16xi32>,
          %add3A_319 = arith.constant 48 : i32
          %add3A_320 = arith.addi %multiple_of3A_278, %add3A_319 : i32
          %get3A_321 = arith.index_cast %add3A_320 : i32 to index
          %get3A_322 = tpu.vector_load %arg9[%get3A_321] {strides = array<i32>} : memref<640xi32, #tpu.memory_space<vmem>>, vector<16xi32>,
          %swap3A_323 = arith.constant 48 : index
          %swap3A_324 = tpu.vector_load %arg8[%swap3A_323] {strides = array<i32>} : memref<640xi32, #tpu.memory_space<vmem>>, vector<16xi32>,
          tpu.vector_store %arg8[%swap3A_323], %get3A_318 {strides = array<i32>} : memref<640xi32, #tpu.memory_space<vmem>>, vector<16xi32>,
          %swap3A_325 = arith.constant 48 : index
          %swap3A_326 = tpu.vector_load %arg9[%swap3A_325] {strides = array<i32>} : memref<640xi32, #tpu.memory_space<vmem>>, vector<16xi32>,
          tpu.vector_store %arg9[%swap3A_325], %get3A_322 {strides = array<i32>} : memref<640xi32, #tpu.memory_space<vmem>>, vector<16xi32>,
          %mul3A_327 = arith.constant 64 : i32
          %mul3A_328 = arith.muli %select_n3A_265, %mul3A_327 : i32
          %sub3A_329 = arith.subi %scan3A_240, %mul3A_328 : i32
          scf.yield %sub3A_329 : i32
        }
        %while3A_226 = arith.constant 1 : i32
        %while3A_227 = scf.for %while3A_228 = %while3A_223 to %while3A_219 step %while3A_226 iter_args(%while3A_229 = %while3A_225) -> (i32)  : i32 {
          %mul3A_230 = arith.constant 10240 : i32
          %mul3A_231 = arith.muli %scan3A_179, %mul3A_230 : i32
          %mul3A_232 = arith.constant 512 : i32
          %mul3A_233 = arith.muli %while3A_228, %mul3A_232 : i32
          %add3A_234 = arith.addi %mul3A_231, %mul3A_233 : i32
          %multiple_of3A_235 = tpu.assume_multiple %add3A_234, 8 : i32
          "tpu.region"() ({
            %run_scoped3A = tpu.sem_alloc : memref<!tpu.dma_semaphore, #tpu.memory_space<semaphore_mem>>
            %dma_start3A_330 = tpu.memref_slice %arg15[%multiple_of3A_235] : memref<163840xi32, #tpu.memory_space<vmem_shared>> -> memref<512xi32, #tpu.memory_space<vmem_shared>>
            %dma_start3A_331 = tpu.memref_slice %arg15[%multiple_of3A_235] : memref<163840xi32, #tpu.memory_space<vmem_shared>> -> memref<512xi32, #tpu.memory_space<vmem_shared>>
            tpu.enqueue_dma source(%dma_start3A_331 : memref<512xi32, #tpu.memory_space<vmem_shared>>) target(%arg7 : memref<512xi32, #tpu.memory_space<vmem>>) target_semaphore(%run_scoped3A : memref<!tpu.dma_semaphore, #tpu.memory_space<semaphore_mem>>)
            %dma_wait3A_332 = tpu.memref_slice %arg15[%multiple_of3A_235] : memref<163840xi32, #tpu.memory_space<vmem_shared>> -> memref<512xi32, #tpu.memory_space<vmem_shared>>
            %dma_wait3A_333 = tpu.memref_slice %arg15[%multiple_of3A_235] : memref<163840xi32, #tpu.memory_space<vmem_shared>> -> memref<512xi32, #tpu.memory_space<vmem_shared>>
            tpu.wait_dma2 semaphore(%run_scoped3A : memref<!tpu.dma_semaphore, #tpu.memory_space<semaphore_mem>>) src(%dma_wait3A_333 : memref<512xi32, #tpu.memory_space<vmem_shared>>) dst(%arg7 : memref<512xi32, #tpu.memory_space<vmem>>)
            tpu.yield
          }) : () -> ()
          %scan3A_236 = arith.constant 0 : i32
          %scan3A_237 = arith.constant 32 : i32
          %scan3A_238 = arith.addi %scan3A_236, %scan3A_237 : i32
          %scan3A_239 = arith.constant 1 : i32
          %scan3A_240 = scf.for %scan3A_330 = %scan3A_236 to %scan3A_238 step %scan3A_239 iter_args(%scan3A_331 = %while3A_229) -> (i32)  : i32 {
            %mul3A_332 = arith.constant 16 : i32
            %mul3A_333 = arith.muli %scan3A_330, %mul3A_332 : i32
            %get3A_334 = arith.index_cast %mul3A_333 : i32 to index
            %get3A_335 = tpu.vector_load %arg7[%get3A_334] {strides = array<i32>} : memref<512xi32, #tpu.memory_space<vmem>>, vector<16xi32>,
            %and3A_336 = arith.andi %get3A_335, %broadcast_in_dim3A_15 : vector<16xi32>
            %shift_right_logical3A = arith.constant 18 : i32
            %shift_right_logical3A_337 = vector.broadcast %shift_right_logical3A : i32 to vector<16xi32>
            %shift_right_logical3A_338 = arith.shrui %get3A_335, %shift_right_logical3A_337 : vector<16xi32>
            %sub3A_339 = arith.subi %shift_right_logical3A_338, %add3A_109 : vector<16xi32>
            %ge3A = arith.cmpi sge, %sub3A_339, %broadcast_in_dim3A_1 : vector<16xi32>
            %lt3A = arith.cmpi slt, %sub3A_339, %broadcast_in_dim3A_11 : vector<16xi32>
            %and3A_340 = arith.andi %ge3A, %lt3A : vector<16xi1>
            %select_n3A_341 = arith.select %and3A_340, %broadcast_in_dim3A_3, %broadcast_in_dim3A_1 : vector<16xi1>, vector<16xi32>
            %broadcast_in_dim3A_342 = arith.constant true
            %broadcast_in_dim3A_343 = vector.broadcast %broadcast_in_dim3A_342 : i1 to vector<16xi1>
            %masked_cumsum3A = tpu.scan <sum>, %select_n3A_341 masked %broadcast_in_dim3A_343 : vector<16xi32>, vector<16xi1> -> vector<16xi32>
            %add3A_344 = vector.broadcast %scan3A_331 : i32 to vector<16xi32>
            %add3A_345 = arith.addi %add3A_344, %masked_cumsum3A : vector<16xi32>
            %sub3A_346 = arith.constant 1 : i32
            %sub3A_347 = vector.broadcast %sub3A_346 : i32 to vector<16xi32>
            %sub3A_348 = arith.subi %add3A_345, %sub3A_347 : vector<16xi32>
            tpu.vector_store_idx %arg8[%sub3A_348], %and3A_336 masked %and3A_340 : memref<640xi32, #tpu.memory_space<vmem>>[vector<16xi32>], vector<16xi32>, vector<16xi1>
            tpu.vector_store_idx %arg9[%sub3A_348], %sub3A_339 masked %and3A_340 : memref<640xi32, #tpu.memory_space<vmem>>[vector<16xi32>], vector<16xi32>, vector<16xi1>
            %reduce_sum3A = arith.constant true
            %reduce_sum3A_349 = vector.broadcast %reduce_sum3A : i1 to vector<16xi1>
            %reduce_sum3A_350 = tpu.scan <sum>, %select_n3A_341 masked %reduce_sum3A_349 : vector<16xi32>, vector<16xi1> -> vector<16xi32>
            %reduce_sum3A_351 = vector.extract %reduce_sum3A_350[15] : i32 from vector<16xi32>
            %add3A_352 = arith.addi %scan3A_331, %reduce_sum3A_351 : i32
            scf.yield %add3A_352 : i32
          }
          %scan3A_241 = arith.constant 32 : i32
          %jit3A_242 = arith.constant 64 : i32
          %div3A_243 = arith.divsi %scan3A_240, %jit3A_242 : i32
          %sign3A_244 = arith.constant 0 : i32
          %sign3A_245 = arith.cmpi sgt, %scan3A_240, %sign3A_244 : i32
          %sign3A_246 = arith.extui %sign3A_245 : i1 to i32
          %sign3A_247 = arith.constant 0 : i32
          %sign3A_248 = arith.cmpi slt, %scan3A_240, %sign3A_247 : i32
          %sign3A_249 = arith.extui %sign3A_248 : i1 to i32
          %sign3A_250 = arith.subi %sign3A_246, %sign3A_249 : i32
          %sign3A_251 = arith.constant 0 : i32
          %sign3A_252 = arith.cmpi sgt, %jit3A_242, %sign3A_251 : i32
          %sign3A_253 = arith.extui %sign3A_252 : i1 to i32
          %sign3A_254 = arith.constant 0 : i32
          %sign3A_255 = arith.cmpi slt, %jit3A_242, %sign3A_254 : i32
          %sign3A_256 = arith.extui %sign3A_255 : i1 to i32
          %sign3A_257 = arith.subi %sign3A_253, %sign3A_256 : i32
          %ne3A_258 = arith.cmpi ne, %sign3A_250, %sign3A_257 : i32
          %rem3A_259 = arith.remsi %scan3A_240, %jit3A_242 : i32
          %ne3A_260 = arith.constant 0 : i32
          %ne3A_261 = arith.cmpi ne, %rem3A_259, %ne3A_260 : i32
          %and3A_262 = arith.andi %ne3A_258, %ne3A_261 : i1
          %sub3A_263 = arith.constant 1 : i32
          %sub3A_264 = arith.subi %div3A_243, %sub3A_263 : i32
          %select_n3A_265 = arith.select %and3A_262, %sub3A_264, %div3A_243 : i32
          %while3A_266 = arith.constant 0 : i32
          %while3A_267 = arith.constant 0 : i32
          %while3A_268 = arith.subi %select_n3A_265, %while3A_267 : i32
          %while3A_269 = arith.addi %while3A_267, %while3A_268 : i32
          %while3A_270 = arith.constant 1 : i32
          %while3A_271 = arith.divsi %while3A_268, %while3A_270 : i32
          %while3A_272 = arith.muli %while3A_271, %while3A_270 : i32
          %while3A_273 = arith.addi %while3A_267, %while3A_272 : i32
          %while3A_274 = arith.constant 1 : i32
          scf.for %while3A_330 = %while3A_267 to %while3A_273 step %while3A_274  : i32 {
            %mul3A_331 = arith.constant 64 : i32
            %mul3A_332 = arith.muli %while3A_330, %mul3A_331 : i32
            %add3A_333 = arith.constant 0 : i32
            %add3A_334 = arith.addi %mul3A_332, %add3A_333 : i32
            %get3A_335 = arith.index_cast %add3A_334 : i32 to index
            %get3A_336 = tpu.vector_load %arg8[%get3A_335] {strides = array<i32>} : memref<640xi32, #tpu.memory_space<vmem>>, vector<16xi32>,
            %swap3A_337 = arith.constant 0 : index
            %swap3A_338 = tpu.vector_load %arg10[%swap3A_337] {strides = array<i32>} : memref<64xi32, #tpu.memory_space<vmem>>, vector<16xi32>,
            tpu.vector_store %arg10[%swap3A_337], %get3A_336 {strides = array<i32>} : memref<64xi32, #tpu.memory_space<vmem>>, vector<16xi32>,
            %mul3A_339 = arith.constant 64 : i32
            %mul3A_340 = arith.muli %while3A_330, %mul3A_339 : i32
            %add3A_341 = arith.constant 16 : i32
            %add3A_342 = arith.addi %mul3A_340, %add3A_341 : i32
            %get3A_343 = arith.index_cast %add3A_342 : i32 to index
            %get3A_344 = tpu.vector_load %arg8[%get3A_343] {strides = array<i32>} : memref<640xi32, #tpu.memory_space<vmem>>, vector<16xi32>,
            %swap3A_345 = arith.constant 16 : index
            %swap3A_346 = tpu.vector_load %arg10[%swap3A_345] {strides = array<i32>} : memref<64xi32, #tpu.memory_space<vmem>>, vector<16xi32>,
            tpu.vector_store %arg10[%swap3A_345], %get3A_344 {strides = array<i32>} : memref<64xi32, #tpu.memory_space<vmem>>, vector<16xi32>,
            %mul3A_347 = arith.constant 64 : i32
            %mul3A_348 = arith.muli %while3A_330, %mul3A_347 : i32
            %add3A_349 = arith.constant 32 : i32
            %add3A_350 = arith.addi %mul3A_348, %add3A_349 : i32
            %get3A_351 = arith.index_cast %add3A_350 : i32 to index
            %get3A_352 = tpu.vector_load %arg8[%get3A_351] {strides = array<i32>} : memref<640xi32, #tpu.memory_space<vmem>>, vector<16xi32>,
            %swap3A_353 = arith.constant 32 : index
            %swap3A_354 = tpu.vector_load %arg10[%swap3A_353] {strides = array<i32>} : memref<64xi32, #tpu.memory_space<vmem>>, vector<16xi32>,
            tpu.vector_store %arg10[%swap3A_353], %get3A_352 {strides = array<i32>} : memref<64xi32, #tpu.memory_space<vmem>>, vector<16xi32>,
            %mul3A_355 = arith.constant 64 : i32
            %mul3A_356 = arith.muli %while3A_330, %mul3A_355 : i32
            %add3A_357 = arith.constant 48 : i32
            %add3A_358 = arith.addi %mul3A_356, %add3A_357 : i32
            %get3A_359 = arith.index_cast %add3A_358 : i32 to index
            %get3A_360 = tpu.vector_load %arg8[%get3A_359] {strides = array<i32>} : memref<640xi32, #tpu.memory_space<vmem>>, vector<16xi32>,
            %swap3A_361 = arith.constant 48 : index
            %swap3A_362 = tpu.vector_load %arg10[%swap3A_361] {strides = array<i32>} : memref<64xi32, #tpu.memory_space<vmem>>, vector<16xi32>,
            tpu.vector_store %arg10[%swap3A_361], %get3A_360 {strides = array<i32>} : memref<64xi32, #tpu.memory_space<vmem>>, vector<16xi32>,
            %dma_start3A_363 = arith.constant 0 : i32
            %dma_start3A_364 = arith.constant 0 : i32
            %dma_start3A_365 = tpu.memref_slice %arg2[%dma_start3A_363, %dma_start3A_364] : memref<160000x256xf32, #tpu.memory_space<hbm>> -> memref<160000x256xf32, #tpu.memory_space<hbm>>
            tpu.enqueue_indirect_dma source(%dma_start3A_365 : memref<160000x256xf32, #tpu.memory_space<hbm>>) target(%arg13 : memref<64x256xf32, #tpu.memory_space<vmem>>) offsets(%arg10 : memref<64xi32, #tpu.memory_space<vmem>>) semaphore(%arg17 : memref<!tpu.dma_semaphore, #tpu.memory_space<semaphore_mem>>)
            %dma_wait3A_366 = arith.constant 0 : i32
            %dma_wait3A_367 = arith.constant 0 : i32
            %dma_wait3A_368 = tpu.memref_slice %arg2[%dma_wait3A_366, %dma_wait3A_367] : memref<160000x256xf32, #tpu.memory_space<hbm>> -> memref<160000x256xf32, #tpu.memory_space<hbm>>
            tpu.wait_indirect_dma semaphore(%arg17 : memref<!tpu.dma_semaphore, #tpu.memory_space<semaphore_mem>>) src(%dma_wait3A_368 : memref<160000x256xf32, #tpu.memory_space<hbm>>) dst(%arg13 : memref<64x256xf32, #tpu.memory_space<vmem>>)
            %scan3A_369 = arith.constant 0 : i32
            %scan3A_370 = arith.constant 0 : i32
            %scan3A_371 = arith.constant 64 : i32
            %scan3A_372 = arith.addi %scan3A_370, %scan3A_371 : i32
            %scan3A_373 = arith.constant 1 : i32
            scf.for %scan3A_375 = %scan3A_370 to %scan3A_372 step %scan3A_373  : i32 {
              %mul3A_376 = arith.constant 64 : i32
              %mul3A_377 = arith.muli %while3A_330, %mul3A_376 : i32
              %add3A_378 = arith.addi %mul3A_377, %scan3A_375 : i32
              %get3A_379 = arith.index_cast %add3A_378 : i32 to index
              %get3A_380 = tpu.vector_load %arg9[%get3A_379] {strides = array<i32>} : memref<640xi32, #tpu.memory_space<vmem>>, vector<16xi32>,
              %slice3A = vector.extract_strided_slice %get3A_380 {offsets = [0], sizes = [1], strides = [1]} : vector<16xi32> to vector<1xi32>
              %squeeze3A = vector.extract %slice3A[0] : i32 from vector<1xi32>
              %get3A_381 = arith.index_cast %scan3A_375 : i32 to index
              %get3A_382 = arith.constant 192 : index
              %get3A_383 = tpu.vector_load %arg13[%get3A_381, %get3A_382] {strides = array<i32>} : memref<64x256xf32, #tpu.memory_space<vmem>>, vector<16xf32>,
              %slice3A_384 = vector.extract_strided_slice %get3A_383 {offsets = [0], sizes = [1], strides = [1]} : vector<16xf32> to vector<1xf32>
              %squeeze3A_385 = vector.extract %slice3A_384[0] : f32 from vector<1xf32>
              %add3A_386 = vector.broadcast %squeeze3A_385 : f32 to vector<16xf32>
              %add3A_387 = arith.addf %broadcast_in_dim3A_5, %add3A_386 : vector<16xf32>
              %get3A_388 = arith.index_cast %scan3A_375 : i32 to index
              %get3A_389 = arith.constant 0 : index
              %get3A_390 = tpu.vector_load %arg13[%get3A_388, %get3A_389] {strides = array<i32>} : memref<64x256xf32, #tpu.memory_space<vmem>>, vector<16xf32>,
              %mul3A_391 = arith.mulf %get3A_390, %add3A_387 : vector<16xf32>
              %swap3A_392 = arith.index_cast %squeeze3A : i32 to index
              %swap3A_393 = arith.constant 0 : index
              %swap3A_394 = tpu.vector_load %arg14[%swap3A_392, %swap3A_393] {strides = array<i32>} : memref<72x640xf32, #tpu.memory_space<vmem>>, vector<16xf32>,
              tpu.vector_store %arg14[%swap3A_392, %swap3A_393], %mul3A_391 {add = true, strides = array<i32>} : memref<72x640xf32, #tpu.memory_space<vmem>>, vector<16xf32>,
              %get3A_395 = arith.index_cast %scan3A_375 : i32 to index
              %get3A_396 = arith.constant 16 : index
              %get3A_397 = tpu.vector_load %arg13[%get3A_395, %get3A_396] {strides = array<i32>} : memref<64x256xf32, #tpu.memory_space<vmem>>, vector<16xf32>,
              %mul3A_398 = arith.mulf %get3A_397, %add3A_387 : vector<16xf32>
              %swap3A_399 = arith.index_cast %squeeze3A : i32 to index
              %swap3A_400 = arith.constant 16 : index
              %swap3A_401 = tpu.vector_load %arg14[%swap3A_399, %swap3A_400] {strides = array<i32>} : memref<72x640xf32, #tpu.memory_space<vmem>>, vector<16xf32>,
              tpu.vector_store %arg14[%swap3A_399, %swap3A_400], %mul3A_398 {add = true, strides = array<i32>} : memref<72x640xf32, #tpu.memory_space<vmem>>, vector<16xf32>,
              %get3A_402 = arith.index_cast %scan3A_375 : i32 to index
              %get3A_403 = arith.constant 32 : index
              %get3A_404 = tpu.vector_load %arg13[%get3A_402, %get3A_403] {strides = array<i32>} : memref<64x256xf32, #tpu.memory_space<vmem>>, vector<16xf32>,
              %mul3A_405 = arith.mulf %get3A_404, %add3A_387 : vector<16xf32>
              %swap3A_406 = arith.index_cast %squeeze3A : i32 to index
              %swap3A_407 = arith.constant 32 : index
              %swap3A_408 = tpu.vector_load %arg14[%swap3A_406, %swap3A_407] {strides = array<i32>} : memref<72x640xf32, #tpu.memory_space<vmem>>, vector<16xf32>,
              tpu.vector_store %arg14[%swap3A_406, %swap3A_407], %mul3A_405 {add = true, strides = array<i32>} : memref<72x640xf32, #tpu.memory_space<vmem>>, vector<16xf32>,
              %get3A_409 = arith.index_cast %scan3A_375 : i32 to index
              %get3A_410 = arith.constant 48 : index
              %get3A_411 = tpu.vector_load %arg13[%get3A_409, %get3A_410] {strides = array<i32>} : memref<64x256xf32, #tpu.memory_space<vmem>>, vector<16xf32>,
              %mul3A_412 = arith.mulf %get3A_411, %add3A_387 : vector<16xf32>
              %swap3A_413 = arith.index_cast %squeeze3A : i32 to index
              %swap3A_414 = arith.constant 48 : index
              %swap3A_415 = tpu.vector_load %arg14[%swap3A_413, %swap3A_414] {strides = array<i32>} : memref<72x640xf32, #tpu.memory_space<vmem>>, vector<16xf32>,
              tpu.vector_store %arg14[%swap3A_413, %swap3A_414], %mul3A_412 {add = true, strides = array<i32>} : memref<72x640xf32, #tpu.memory_space<vmem>>, vector<16xf32>,
              %slice3A_416 = vector.extract_strided_slice %get3A_383 {offsets = [1], sizes = [1], strides = [1]} : vector<16xf32> to vector<1xf32>
              %squeeze3A_417 = vector.extract %slice3A_416[0] : f32 from vector<1xf32>
              %add3A_418 = vector.broadcast %squeeze3A_417 : f32 to vector<16xf32>
              %add3A_419 = arith.addf %broadcast_in_dim3A_5, %add3A_418 : vector<16xf32>
              %get3A_420 = arith.index_cast %scan3A_375 : i32 to index
              %get3A_421 = arith.constant 64 : index
              %get3A_422 = tpu.vector_load %arg13[%get3A_420, %get3A_421] {strides = array<i32>} : memref<64x256xf32, #tpu.memory_space<vmem>>, vector<16xf32>,
              %mul3A_423 = arith.mulf %get3A_422, %add3A_419 : vector<16xf32>
              %swap3A_424 = arith.index_cast %squeeze3A : i32 to index
              %swap3A_425 = arith.constant 64 : index
              %swap3A_426 = tpu.vector_load %arg14[%swap3A_424, %swap3A_425] {strides = array<i32>} : memref<72x640xf32, #tpu.memory_space<vmem>>, vector<16xf32>,
              tpu.vector_store %arg14[%swap3A_424, %swap3A_425], %mul3A_423 {add = true, strides = array<i32>} : memref<72x640xf32, #tpu.memory_space<vmem>>, vector<16xf32>,
              %get3A_427 = arith.index_cast %scan3A_375 : i32 to index
              %get3A_428 = arith.constant 80 : index
              %get3A_429 = tpu.vector_load %arg13[%get3A_427, %get3A_428] {strides = array<i32>} : memref<64x256xf32, #tpu.memory_space<vmem>>, vector<16xf32>,
              %mul3A_430 = arith.mulf %get3A_429, %add3A_419 : vector<16xf32>
              %swap3A_431 = arith.index_cast %squeeze3A : i32 to index
              %swap3A_432 = arith.constant 80 : index
              %swap3A_433 = tpu.vector_load %arg14[%swap3A_431, %swap3A_432] {strides = array<i32>} : memref<72x640xf32, #tpu.memory_space<vmem>>, vector<16xf32>,
              tpu.vector_store %arg14[%swap3A_431, %swap3A_432], %mul3A_430 {add = true, strides = array<i32>} : memref<72x640xf32, #tpu.memory_space<vmem>>, vector<16xf32>,
              %get3A_434 = arith.index_cast %scan3A_375 : i32 to index
              %get3A_435 = arith.constant 96 : index
              %get3A_436 = tpu.vector_load %arg13[%get3A_434, %get3A_435] {strides = array<i32>} : memref<64x256xf32, #tpu.memory_space<vmem>>, vector<16xf32>,
              %mul3A_437 = arith.mulf %get3A_436, %add3A_419 : vector<16xf32>
              %swap3A_438 = arith.index_cast %squeeze3A : i32 to index
              %swap3A_439 = arith.constant 96 : index
              %swap3A_440 = tpu.vector_load %arg14[%swap3A_438, %swap3A_439] {strides = array<i32>} : memref<72x640xf32, #tpu.memory_space<vmem>>, vector<16xf32>,
              tpu.vector_store %arg14[%swap3A_438, %swap3A_439], %mul3A_437 {add = true, strides = array<i32>} : memref<72x640xf32, #tpu.memory_space<vmem>>, vector<16xf32>,
              %get3A_441 = arith.index_cast %scan3A_375 : i32 to index
              %get3A_442 = arith.constant 112 : index
              %get3A_443 = tpu.vector_load %arg13[%get3A_441, %get3A_442] {strides = array<i32>} : memref<64x256xf32, #tpu.memory_space<vmem>>, vector<16xf32>,
              %mul3A_444 = arith.mulf %get3A_443, %add3A_419 : vector<16xf32>
              %swap3A_445 = arith.index_cast %squeeze3A : i32 to index
              %swap3A_446 = arith.constant 112 : index
              %swap3A_447 = tpu.vector_load %arg14[%swap3A_445, %swap3A_446] {strides = array<i32>} : memref<72x640xf32, #tpu.memory_space<vmem>>, vector<16xf32>,
              tpu.vector_store %arg14[%swap3A_445, %swap3A_446], %mul3A_444 {add = true, strides = array<i32>} : memref<72x640xf32, #tpu.memory_space<vmem>>, vector<16xf32>,
              %slice3A_448 = vector.extract_strided_slice %get3A_383 {offsets = [2], sizes = [1], strides = [1]} : vector<16xf32> to vector<1xf32>
              %squeeze3A_449 = vector.extract %slice3A_448[0] : f32 from vector<1xf32>
              %add3A_450 = vector.broadcast %squeeze3A_449 : f32 to vector<16xf32>
              %add3A_451 = arith.addf %broadcast_in_dim3A_5, %add3A_450 : vector<16xf32>
              %get3A_452 = arith.index_cast %scan3A_375 : i32 to index
              %get3A_453 = arith.constant 64 : index
              %get3A_454 = tpu.vector_load %arg13[%get3A_452, %get3A_453] {strides = array<i32>} : memref<64x256xf32, #tpu.memory_space<vmem>>, vector<16xf32>,
              %mul3A_455 = arith.mulf %get3A_454, %add3A_451 : vector<16xf32>
              %swap3A_456 = arith.index_cast %squeeze3A : i32 to index
              %swap3A_457 = arith.constant 128 : index
              %swap3A_458 = tpu.vector_load %arg14[%swap3A_456, %swap3A_457] {strides = array<i32>} : memref<72x640xf32, #tpu.memory_space<vmem>>, vector<16xf32>,
              tpu.vector_store %arg14[%swap3A_456, %swap3A_457], %mul3A_455 {add = true, strides = array<i32>} : memref<72x640xf32, #tpu.memory_space<vmem>>, vector<16xf32>,
              %get3A_459 = arith.index_cast %scan3A_375 : i32 to index
              %get3A_460 = arith.constant 80 : index
              %get3A_461 = tpu.vector_load %arg13[%get3A_459, %get3A_460] {strides = array<i32>} : memref<64x256xf32, #tpu.memory_space<vmem>>, vector<16xf32>,
              %mul3A_462 = arith.mulf %get3A_461, %add3A_451 : vector<16xf32>
              %swap3A_463 = arith.index_cast %squeeze3A : i32 to index
              %swap3A_464 = arith.constant 144 : index
              %swap3A_465 = tpu.vector_load %arg14[%swap3A_463, %swap3A_464] {strides = array<i32>} : memref<72x640xf32, #tpu.memory_space<vmem>>, vector<16xf32>,
              tpu.vector_store %arg14[%swap3A_463, %swap3A_464], %mul3A_462 {add = true, strides = array<i32>} : memref<72x640xf32, #tpu.memory_space<vmem>>, vector<16xf32>,
              %get3A_466 = arith.index_cast %scan3A_375 : i32 to index
              %get3A_467 = arith.constant 96 : index
              %get3A_468 = tpu.vector_load %arg13[%get3A_466, %get3A_467] {strides = array<i32>} : memref<64x256xf32, #tpu.memory_space<vmem>>, vector<16xf32>,
              %mul3A_469 = arith.mulf %get3A_468, %add3A_451 : vector<16xf32>
              %swap3A_470 = arith.index_cast %squeeze3A : i32 to index
              %swap3A_471 = arith.constant 160 : index
              %swap3A_472 = tpu.vector_load %arg14[%swap3A_470, %swap3A_471] {strides = array<i32>} : memref<72x640xf32, #tpu.memory_space<vmem>>, vector<16xf32>,
              tpu.vector_store %arg14[%swap3A_470, %swap3A_471], %mul3A_469 {add = true, strides = array<i32>} : memref<72x640xf32, #tpu.memory_space<vmem>>, vector<16xf32>,
              %get3A_473 = arith.index_cast %scan3A_375 : i32 to index
              %get3A_474 = arith.constant 112 : index
              %get3A_475 = tpu.vector_load %arg13[%get3A_473, %get3A_474] {strides = array<i32>} : memref<64x256xf32, #tpu.memory_space<vmem>>, vector<16xf32>,
              %mul3A_476 = arith.mulf %get3A_475, %add3A_451 : vector<16xf32>
              %swap3A_477 = arith.index_cast %squeeze3A : i32 to index
              %swap3A_478 = arith.constant 176 : index
              %swap3A_479 = tpu.vector_load %arg14[%swap3A_477, %swap3A_478] {strides = array<i32>} : memref<72x640xf32, #tpu.memory_space<vmem>>, vector<16xf32>,
              tpu.vector_store %arg14[%swap3A_477, %swap3A_478], %mul3A_476 {add = true, strides = array<i32>} : memref<72x640xf32, #tpu.memory_space<vmem>>, vector<16xf32>,
              %slice3A_480 = vector.extract_strided_slice %get3A_383 {offsets = [3], sizes = [1], strides = [1]} : vector<16xf32> to vector<1xf32>
              %squeeze3A_481 = vector.extract %slice3A_480[0] : f32 from vector<1xf32>
              %add3A_482 = vector.broadcast %squeeze3A_481 : f32 to vector<16xf32>
              %add3A_483 = arith.addf %broadcast_in_dim3A_5, %add3A_482 : vector<16xf32>
              %get3A_484 = arith.index_cast %scan3A_375 : i32 to index
              %get3A_485 = arith.constant 64 : index
              %get3A_486 = tpu.vector_load %arg13[%get3A_484, %get3A_485] {strides = array<i32>} : memref<64x256xf32, #tpu.memory_space<vmem>>, vector<16xf32>,
              %mul3A_487 = arith.mulf %get3A_486, %add3A_483 : vector<16xf32>
              %swap3A_488 = arith.index_cast %squeeze3A : i32 to index
              %swap3A_489 = arith.constant 192 : index
              %swap3A_490 = tpu.vector_load %arg14[%swap3A_488, %swap3A_489] {strides = array<i32>} : memref<72x640xf32, #tpu.memory_space<vmem>>, vector<16xf32>,
              tpu.vector_store %arg14[%swap3A_488, %swap3A_489], %mul3A_487 {add = true, strides = array<i32>} : memref<72x640xf32, #tpu.memory_space<vmem>>, vector<16xf32>,
              %get3A_491 = arith.index_cast %scan3A_375 : i32 to index
              %get3A_492 = arith.constant 80 : index
              %get3A_493 = tpu.vector_load %arg13[%get3A_491, %get3A_492] {strides = array<i32>} : memref<64x256xf32, #tpu.memory_space<vmem>>, vector<16xf32>,
              %mul3A_494 = arith.mulf %get3A_493, %add3A_483 : vector<16xf32>
              %swap3A_495 = arith.index_cast %squeeze3A : i32 to index
              %swap3A_496 = arith.constant 208 : index
              %swap3A_497 = tpu.vector_load %arg14[%swap3A_495, %swap3A_496] {strides = array<i32>} : memref<72x640xf32, #tpu.memory_space<vmem>>, vector<16xf32>,
              tpu.vector_store %arg14[%swap3A_495, %swap3A_496], %mul3A_494 {add = true, strides = array<i32>} : memref<72x640xf32, #tpu.memory_space<vmem>>, vector<16xf32>,
              %get3A_498 = arith.index_cast %scan3A_375 : i32 to index
              %get3A_499 = arith.constant 96 : index
              %get3A_500 = tpu.vector_load %arg13[%get3A_498, %get3A_499] {strides = array<i32>} : memref<64x256xf32, #tpu.memory_space<vmem>>, vector<16xf32>,
              %mul3A_501 = arith.mulf %get3A_500, %add3A_483 : vector<16xf32>
              %swap3A_502 = arith.index_cast %squeeze3A : i32 to index
              %swap3A_503 = arith.constant 224 : index
              %swap3A_504 = tpu.vector_load %arg14[%swap3A_502, %swap3A_503] {strides = array<i32>} : memref<72x640xf32, #tpu.memory_space<vmem>>, vector<16xf32>,
              tpu.vector_store %arg14[%swap3A_502, %swap3A_503], %mul3A_501 {add = true, strides = array<i32>} : memref<72x640xf32, #tpu.memory_space<vmem>>, vector<16xf32>,
              %get3A_505 = arith.index_cast %scan3A_375 : i32 to index
              %get3A_506 = arith.constant 112 : index
              %get3A_507 = tpu.vector_load %arg13[%get3A_505, %get3A_506] {strides = array<i32>} : memref<64x256xf32, #tpu.memory_space<vmem>>, vector<16xf32>,
              %mul3A_508 = arith.mulf %get3A_507, %add3A_483 : vector<16xf32>
              %swap3A_509 = arith.index_cast %squeeze3A : i32 to index
              %swap3A_510 = arith.constant 240 : index
              %swap3A_511 = tpu.vector_load %arg14[%swap3A_509, %swap3A_510] {strides = array<i32>} : memref<72x640xf32, #tpu.memory_space<vmem>>, vector<16xf32>,
              tpu.vector_store %arg14[%swap3A_509, %swap3A_510], %mul3A_508 {add = true, strides = array<i32>} : memref<72x640xf32, #tpu.memory_space<vmem>>, vector<16xf32>,
              %slice3A_512 = vector.extract_strided_slice %get3A_383 {offsets = [4], sizes = [1], strides = [1]} : vector<16xf32> to vector<1xf32>
              %squeeze3A_513 = vector.extract %slice3A_512[0] : f32 from vector<1xf32>
              %add3A_514 = vector.broadcast %squeeze3A_513 : f32 to vector<16xf32>
              %add3A_515 = arith.addf %broadcast_in_dim3A_5, %add3A_514 : vector<16xf32>
              %get3A_516 = arith.index_cast %scan3A_375 : i32 to index
              %get3A_517 = arith.constant 128 : index
              %get3A_518 = tpu.vector_load %arg13[%get3A_516, %get3A_517] {strides = array<i32>} : memref<64x256xf32, #tpu.memory_space<vmem>>, vector<16xf32>,
              %mul3A_519 = arith.mulf %get3A_518, %add3A_515 : vector<16xf32>
              %swap3A_520 = arith.index_cast %squeeze3A : i32 to index
              %swap3A_521 = arith.constant 256 : index
              %swap3A_522 = tpu.vector_load %arg14[%swap3A_520, %swap3A_521] {strides = array<i32>} : memref<72x640xf32, #tpu.memory_space<vmem>>, vector<16xf32>,
              tpu.vector_store %arg14[%swap3A_520, %swap3A_521], %mul3A_519 {add = true, strides = array<i32>} : memref<72x640xf32, #tpu.memory_space<vmem>>, vector<16xf32>,
              %get3A_523 = arith.index_cast %scan3A_375 : i32 to index
              %get3A_524 = arith.constant 144 : index
              %get3A_525 = tpu.vector_load %arg13[%get3A_523, %get3A_524] {strides = array<i32>} : memref<64x256xf32, #tpu.memory_space<vmem>>, vector<16xf32>,
              %mul3A_526 = arith.mulf %get3A_525, %add3A_515 : vector<16xf32>
              %swap3A_527 = arith.index_cast %squeeze3A : i32 to index
              %swap3A_528 = arith.constant 272 : index
              %swap3A_529 = tpu.vector_load %arg14[%swap3A_527, %swap3A_528] {strides = array<i32>} : memref<72x640xf32, #tpu.memory_space<vmem>>, vector<16xf32>,
              tpu.vector_store %arg14[%swap3A_527, %swap3A_528], %mul3A_526 {add = true, strides = array<i32>} : memref<72x640xf32, #tpu.memory_space<vmem>>, vector<16xf32>,
              %get3A_530 = arith.index_cast %scan3A_375 : i32 to index
              %get3A_531 = arith.constant 160 : index
              %get3A_532 = tpu.vector_load %arg13[%get3A_530, %get3A_531] {strides = array<i32>} : memref<64x256xf32, #tpu.memory_space<vmem>>, vector<16xf32>,
              %mul3A_533 = arith.mulf %get3A_532, %add3A_515 : vector<16xf32>
              %swap3A_534 = arith.index_cast %squeeze3A : i32 to index
              %swap3A_535 = arith.constant 288 : index
              %swap3A_536 = tpu.vector_load %arg14[%swap3A_534, %swap3A_535] {strides = array<i32>} : memref<72x640xf32, #tpu.memory_space<vmem>>, vector<16xf32>,
              tpu.vector_store %arg14[%swap3A_534, %swap3A_535], %mul3A_533 {add = true, strides = array<i32>} : memref<72x640xf32, #tpu.memory_space<vmem>>, vector<16xf32>,
              %get3A_537 = arith.index_cast %scan3A_375 : i32 to index
              %get3A_538 = arith.constant 176 : index
              %get3A_539 = tpu.vector_load %arg13[%get3A_537, %get3A_538] {strides = array<i32>} : memref<64x256xf32, #tpu.memory_space<vmem>>, vector<16xf32>,
              %mul3A_540 = arith.mulf %get3A_539, %add3A_515 : vector<16xf32>
              %swap3A_541 = arith.index_cast %squeeze3A : i32 to index
              %swap3A_542 = arith.constant 304 : index
              %swap3A_543 = tpu.vector_load %arg14[%swap3A_541, %swap3A_542] {strides = array<i32>} : memref<72x640xf32, #tpu.memory_space<vmem>>, vector<16xf32>,
              tpu.vector_store %arg14[%swap3A_541, %swap3A_542], %mul3A_540 {add = true, strides = array<i32>} : memref<72x640xf32, #tpu.memory_space<vmem>>, vector<16xf32>,
              %slice3A_544 = vector.extract_strided_slice %get3A_383 {offsets = [5], sizes = [1], strides = [1]} : vector<16xf32> to vector<1xf32>
              %squeeze3A_545 = vector.extract %slice3A_544[0] : f32 from vector<1xf32>
              %add3A_546 = vector.broadcast %squeeze3A_545 : f32 to vector<16xf32>
              %add3A_547 = arith.addf %broadcast_in_dim3A_5, %add3A_546 : vector<16xf32>
              %get3A_548 = arith.index_cast %scan3A_375 : i32 to index
              %get3A_549 = arith.constant 128 : index
              %get3A_550 = tpu.vector_load %arg13[%get3A_548, %get3A_549] {strides = array<i32>} : memref<64x256xf32, #tpu.memory_space<vmem>>, vector<16xf32>,
              %mul3A_551 = arith.mulf %get3A_550, %add3A_547 : vector<16xf32>
              %swap3A_552 = arith.index_cast %squeeze3A : i32 to index
              %swap3A_553 = arith.constant 320 : index
              %swap3A_554 = tpu.vector_load %arg14[%swap3A_552, %swap3A_553] {strides = array<i32>} : memref<72x640xf32, #tpu.memory_space<vmem>>, vector<16xf32>,
              tpu.vector_store %arg14[%swap3A_552, %swap3A_553], %mul3A_551 {add = true, strides = array<i32>} : memref<72x640xf32, #tpu.memory_space<vmem>>, vector<16xf32>,
              %get3A_555 = arith.index_cast %scan3A_375 : i32 to index
              %get3A_556 = arith.constant 144 : index
              %get3A_557 = tpu.vector_load %arg13[%get3A_555, %get3A_556] {strides = array<i32>} : memref<64x256xf32, #tpu.memory_space<vmem>>, vector<16xf32>,
              %mul3A_558 = arith.mulf %get3A_557, %add3A_547 : vector<16xf32>
              %swap3A_559 = arith.index_cast %squeeze3A : i32 to index
              %swap3A_560 = arith.constant 336 : index
              %swap3A_561 = tpu.vector_load %arg14[%swap3A_559, %swap3A_560] {strides = array<i32>} : memref<72x640xf32, #tpu.memory_space<vmem>>, vector<16xf32>,
              tpu.vector_store %arg14[%swap3A_559, %swap3A_560], %mul3A_558 {add = true, strides = array<i32>} : memref<72x640xf32, #tpu.memory_space<vmem>>, vector<16xf32>,
              %get3A_562 = arith.index_cast %scan3A_375 : i32 to index
              %get3A_563 = arith.constant 160 : index
              %get3A_564 = tpu.vector_load %arg13[%get3A_562, %get3A_563] {strides = array<i32>} : memref<64x256xf32, #tpu.memory_space<vmem>>, vector<16xf32>,
              %mul3A_565 = arith.mulf %get3A_564, %add3A_547 : vector<16xf32>
              %swap3A_566 = arith.index_cast %squeeze3A : i32 to index
              %swap3A_567 = arith.constant 352 : index
              %swap3A_568 = tpu.vector_load %arg14[%swap3A_566, %swap3A_567] {strides = array<i32>} : memref<72x640xf32, #tpu.memory_space<vmem>>, vector<16xf32>,
              tpu.vector_store %arg14[%swap3A_566, %swap3A_567], %mul3A_565 {add = true, strides = array<i32>} : memref<72x640xf32, #tpu.memory_space<vmem>>, vector<16xf32>,
              %get3A_569 = arith.index_cast %scan3A_375 : i32 to index
              %get3A_570 = arith.constant 176 : index
              %get3A_571 = tpu.vector_load %arg13[%get3A_569, %get3A_570] {strides = array<i32>} : memref<64x256xf32, #tpu.memory_space<vmem>>, vector<16xf32>,
              %mul3A_572 = arith.mulf %get3A_571, %add3A_547 : vector<16xf32>
              %swap3A_573 = arith.index_cast %squeeze3A : i32 to index
              %swap3A_574 = arith.constant 368 : index
              %swap3A_575 = tpu.vector_load %arg14[%swap3A_573, %swap3A_574] {strides = array<i32>} : memref<72x640xf32, #tpu.memory_space<vmem>>, vector<16xf32>,
              tpu.vector_store %arg14[%swap3A_573, %swap3A_574], %mul3A_572 {add = true, strides = array<i32>} : memref<72x640xf32, #tpu.memory_space<vmem>>, vector<16xf32>,
              %slice3A_576 = vector.extract_strided_slice %get3A_383 {offsets = [6], sizes = [1], strides = [1]} : vector<16xf32> to vector<1xf32>
              %squeeze3A_577 = vector.extract %slice3A_576[0] : f32 from vector<1xf32>
              %add3A_578 = vector.broadcast %squeeze3A_577 : f32 to vector<16xf32>
              %add3A_579 = arith.addf %broadcast_in_dim3A_5, %add3A_578 : vector<16xf32>
              %get3A_580 = arith.index_cast %scan3A_375 : i32 to index
              %get3A_581 = arith.constant 128 : index
              %get3A_582 = tpu.vector_load %arg13[%get3A_580, %get3A_581] {strides = array<i32>} : memref<64x256xf32, #tpu.memory_space<vmem>>, vector<16xf32>,
              %mul3A_583 = arith.mulf %get3A_582, %add3A_579 : vector<16xf32>
              %swap3A_584 = arith.index_cast %squeeze3A : i32 to index
              %swap3A_585 = arith.constant 384 : index
              %swap3A_586 = tpu.vector_load %arg14[%swap3A_584, %swap3A_585] {strides = array<i32>} : memref<72x640xf32, #tpu.memory_space<vmem>>, vector<16xf32>,
              tpu.vector_store %arg14[%swap3A_584, %swap3A_585], %mul3A_583 {add = true, strides = array<i32>} : memref<72x640xf32, #tpu.memory_space<vmem>>, vector<16xf32>,
              %get3A_587 = arith.index_cast %scan3A_375 : i32 to index
              %get3A_588 = arith.constant 144 : index
              %get3A_589 = tpu.vector_load %arg13[%get3A_587, %get3A_588] {strides = array<i32>} : memref<64x256xf32, #tpu.memory_space<vmem>>, vector<16xf32>,
              %mul3A_590 = arith.mulf %get3A_589, %add3A_579 : vector<16xf32>
              %swap3A_591 = arith.index_cast %squeeze3A : i32 to index
              %swap3A_592 = arith.constant 400 : index
              %swap3A_593 = tpu.vector_load %arg14[%swap3A_591, %swap3A_592] {strides = array<i32>} : memref<72x640xf32, #tpu.memory_space<vmem>>, vector<16xf32>,
              tpu.vector_store %arg14[%swap3A_591, %swap3A_592], %mul3A_590 {add = true, strides = array<i32>} : memref<72x640xf32, #tpu.memory_space<vmem>>, vector<16xf32>,
              %get3A_594 = arith.index_cast %scan3A_375 : i32 to index
              %get3A_595 = arith.constant 160 : index
              %get3A_596 = tpu.vector_load %arg13[%get3A_594, %get3A_595] {strides = array<i32>} : memref<64x256xf32, #tpu.memory_space<vmem>>, vector<16xf32>,
              %mul3A_597 = arith.mulf %get3A_596, %add3A_579 : vector<16xf32>
              %swap3A_598 = arith.index_cast %squeeze3A : i32 to index
              %swap3A_599 = arith.constant 416 : index
              %swap3A_600 = tpu.vector_load %arg14[%swap3A_598, %swap3A_599] {strides = array<i32>} : memref<72x640xf32, #tpu.memory_space<vmem>>, vector<16xf32>,
              tpu.vector_store %arg14[%swap3A_598, %swap3A_599], %mul3A_597 {add = true, strides = array<i32>} : memref<72x640xf32, #tpu.memory_space<vmem>>, vector<16xf32>,
              %get3A_601 = arith.index_cast %scan3A_375 : i32 to index
              %get3A_602 = arith.constant 176 : index
              %get3A_603 = tpu.vector_load %arg13[%get3A_601, %get3A_602] {strides = array<i32>} : memref<64x256xf32, #tpu.memory_space<vmem>>, vector<16xf32>,
              %mul3A_604 = arith.mulf %get3A_603, %add3A_579 : vector<16xf32>
              %swap3A_605 = arith.index_cast %squeeze3A : i32 to index
              %swap3A_606 = arith.constant 432 : index
              %swap3A_607 = tpu.vector_load %arg14[%swap3A_605, %swap3A_606] {strides = array<i32>} : memref<72x640xf32, #tpu.memory_space<vmem>>, vector<16xf32>,
              tpu.vector_store %arg14[%swap3A_605, %swap3A_606], %mul3A_604 {add = true, strides = array<i32>} : memref<72x640xf32, #tpu.memory_space<vmem>>, vector<16xf32>,
              %slice3A_608 = vector.extract_strided_slice %get3A_383 {offsets = [7], sizes = [1], strides = [1]} : vector<16xf32> to vector<1xf32>
              %squeeze3A_609 = vector.extract %slice3A_608[0] : f32 from vector<1xf32>
              %add3A_610 = vector.broadcast %squeeze3A_609 : f32 to vector<16xf32>
              %add3A_611 = arith.addf %broadcast_in_dim3A_5, %add3A_610 : vector<16xf32>
              %get3A_612 = arith.index_cast %scan3A_375 : i32 to index
              %get3A_613 = arith.constant 128 : index
              %get3A_614 = tpu.vector_load %arg13[%get3A_612, %get3A_613] {strides = array<i32>} : memref<64x256xf32, #tpu.memory_space<vmem>>, vector<16xf32>,
              %mul3A_615 = arith.mulf %get3A_614, %add3A_611 : vector<16xf32>
              %swap3A_616 = arith.index_cast %squeeze3A : i32 to index
              %swap3A_617 = arith.constant 448 : index
              %swap3A_618 = tpu.vector_load %arg14[%swap3A_616, %swap3A_617] {strides = array<i32>} : memref<72x640xf32, #tpu.memory_space<vmem>>, vector<16xf32>,
              tpu.vector_store %arg14[%swap3A_616, %swap3A_617], %mul3A_615 {add = true, strides = array<i32>} : memref<72x640xf32, #tpu.memory_space<vmem>>, vector<16xf32>,
              %get3A_619 = arith.index_cast %scan3A_375 : i32 to index
              %get3A_620 = arith.constant 144 : index
              %get3A_621 = tpu.vector_load %arg13[%get3A_619, %get3A_620] {strides = array<i32>} : memref<64x256xf32, #tpu.memory_space<vmem>>, vector<16xf32>,
              %mul3A_622 = arith.mulf %get3A_621, %add3A_611 : vector<16xf32>
              %swap3A_623 = arith.index_cast %squeeze3A : i32 to index
              %swap3A_624 = arith.constant 464 : index
              %swap3A_625 = tpu.vector_load %arg14[%swap3A_623, %swap3A_624] {strides = array<i32>} : memref<72x640xf32, #tpu.memory_space<vmem>>, vector<16xf32>,
              tpu.vector_store %arg14[%swap3A_623, %swap3A_624], %mul3A_622 {add = true, strides = array<i32>} : memref<72x640xf32, #tpu.memory_space<vmem>>, vector<16xf32>,
              %get3A_626 = arith.index_cast %scan3A_375 : i32 to index
              %get3A_627 = arith.constant 160 : index
              %get3A_628 = tpu.vector_load %arg13[%get3A_626, %get3A_627] {strides = array<i32>} : memref<64x256xf32, #tpu.memory_space<vmem>>, vector<16xf32>,
              %mul3A_629 = arith.mulf %get3A_628, %add3A_611 : vector<16xf32>
              %swap3A_630 = arith.index_cast %squeeze3A : i32 to index
              %swap3A_631 = arith.constant 480 : index
              %swap3A_632 = tpu.vector_load %arg14[%swap3A_630, %swap3A_631] {strides = array<i32>} : memref<72x640xf32, #tpu.memory_space<vmem>>, vector<16xf32>,
              tpu.vector_store %arg14[%swap3A_630, %swap3A_631], %mul3A_629 {add = true, strides = array<i32>} : memref<72x640xf32, #tpu.memory_space<vmem>>, vector<16xf32>,
              %get3A_633 = arith.index_cast %scan3A_375 : i32 to index
              %get3A_634 = arith.constant 176 : index
              %get3A_635 = tpu.vector_load %arg13[%get3A_633, %get3A_634] {strides = array<i32>} : memref<64x256xf32, #tpu.memory_space<vmem>>, vector<16xf32>,
              %mul3A_636 = arith.mulf %get3A_635, %add3A_611 : vector<16xf32>
              %swap3A_637 = arith.index_cast %squeeze3A : i32 to index
              %swap3A_638 = arith.constant 496 : index
              %swap3A_639 = tpu.vector_load %arg14[%swap3A_637, %swap3A_638] {strides = array<i32>} : memref<72x640xf32, #tpu.memory_space<vmem>>, vector<16xf32>,
              tpu.vector_store %arg14[%swap3A_637, %swap3A_638], %mul3A_636 {add = true, strides = array<i32>} : memref<72x640xf32, #tpu.memory_space<vmem>>, vector<16xf32>,
              %slice3A_640 = vector.extract_strided_slice %get3A_383 {offsets = [8], sizes = [1], strides = [1]} : vector<16xf32> to vector<1xf32>
              %squeeze3A_641 = vector.extract %slice3A_640[0] : f32 from vector<1xf32>
              %add3A_642 = vector.broadcast %squeeze3A_641 : f32 to vector<16xf32>
              %add3A_643 = arith.addf %broadcast_in_dim3A_5, %add3A_642 : vector<16xf32>
              %get3A_644 = arith.index_cast %scan3A_375 : i32 to index
              %get3A_645 = arith.constant 128 : index
              %get3A_646 = tpu.vector_load %arg13[%get3A_644, %get3A_645] {strides = array<i32>} : memref<64x256xf32, #tpu.memory_space<vmem>>, vector<16xf32>,
              %mul3A_647 = arith.mulf %get3A_646, %add3A_643 : vector<16xf32>
              %swap3A_648 = arith.index_cast %squeeze3A : i32 to index
              %swap3A_649 = arith.constant 512 : index
              %swap3A_650 = tpu.vector_load %arg14[%swap3A_648, %swap3A_649] {strides = array<i32>} : memref<72x640xf32, #tpu.memory_space<vmem>>, vector<16xf32>,
              tpu.vector_store %arg14[%swap3A_648, %swap3A_649], %mul3A_647 {add = true, strides = array<i32>} : memref<72x640xf32, #tpu.memory_space<vmem>>, vector<16xf32>,
              %get3A_651 = arith.index_cast %scan3A_375 : i32 to index
              %get3A_652 = arith.constant 144 : index
              %get3A_653 = tpu.vector_load %arg13[%get3A_651, %get3A_652] {strides = array<i32>} : memref<64x256xf32, #tpu.memory_space<vmem>>, vector<16xf32>,
              %mul3A_654 = arith.mulf %get3A_653, %add3A_643 : vector<16xf32>
              %swap3A_655 = arith.index_cast %squeeze3A : i32 to index
              %swap3A_656 = arith.constant 528 : index
              %swap3A_657 = tpu.vector_load %arg14[%swap3A_655, %swap3A_656] {strides = array<i32>} : memref<72x640xf32, #tpu.memory_space<vmem>>, vector<16xf32>,
              tpu.vector_store %arg14[%swap3A_655, %swap3A_656], %mul3A_654 {add = true, strides = array<i32>} : memref<72x640xf32, #tpu.memory_space<vmem>>, vector<16xf32>,
              %get3A_658 = arith.index_cast %scan3A_375 : i32 to index
              %get3A_659 = arith.constant 160 : index
              %get3A_660 = tpu.vector_load %arg13[%get3A_658, %get3A_659] {strides = array<i32>} : memref<64x256xf32, #tpu.memory_space<vmem>>, vector<16xf32>,
              %mul3A_661 = arith.mulf %get3A_660, %add3A_643 : vector<16xf32>
              %swap3A_662 = arith.index_cast %squeeze3A : i32 to index
              %swap3A_663 = arith.constant 544 : index
              %swap3A_664 = tpu.vector_load %arg14[%swap3A_662, %swap3A_663] {strides = array<i32>} : memref<72x640xf32, #tpu.memory_space<vmem>>, vector<16xf32>,
              tpu.vector_store %arg14[%swap3A_662, %swap3A_663], %mul3A_661 {add = true, strides = array<i32>} : memref<72x640xf32, #tpu.memory_space<vmem>>, vector<16xf32>,
              %get3A_665 = arith.index_cast %scan3A_375 : i32 to index
              %get3A_666 = arith.constant 176 : index
              %get3A_667 = tpu.vector_load %arg13[%get3A_665, %get3A_666] {strides = array<i32>} : memref<64x256xf32, #tpu.memory_space<vmem>>, vector<16xf32>,
              %mul3A_668 = arith.mulf %get3A_667, %add3A_643 : vector<16xf32>
              %swap3A_669 = arith.index_cast %squeeze3A : i32 to index
              %swap3A_670 = arith.constant 560 : index
              %swap3A_671 = tpu.vector_load %arg14[%swap3A_669, %swap3A_670] {strides = array<i32>} : memref<72x640xf32, #tpu.memory_space<vmem>>, vector<16xf32>,
              tpu.vector_store %arg14[%swap3A_669, %swap3A_670], %mul3A_668 {add = true, strides = array<i32>} : memref<72x640xf32, #tpu.memory_space<vmem>>, vector<16xf32>,
              %slice3A_672 = vector.extract_strided_slice %get3A_383 {offsets = [9], sizes = [1], strides = [1]} : vector<16xf32> to vector<1xf32>
              %squeeze3A_673 = vector.extract %slice3A_672[0] : f32 from vector<1xf32>
              %add3A_674 = vector.broadcast %squeeze3A_673 : f32 to vector<16xf32>
              %add3A_675 = arith.addf %broadcast_in_dim3A_5, %add3A_674 : vector<16xf32>
              %get3A_676 = arith.index_cast %scan3A_375 : i32 to index
              %get3A_677 = arith.constant 128 : index
              %get3A_678 = tpu.vector_load %arg13[%get3A_676, %get3A_677] {strides = array<i32>} : memref<64x256xf32, #tpu.memory_space<vmem>>, vector<16xf32>,
              %mul3A_679 = arith.mulf %get3A_678, %add3A_675 : vector<16xf32>
              %swap3A_680 = arith.index_cast %squeeze3A : i32 to index
              %swap3A_681 = arith.constant 576 : index
              %swap3A_682 = tpu.vector_load %arg14[%swap3A_680, %swap3A_681] {strides = array<i32>} : memref<72x640xf32, #tpu.memory_space<vmem>>, vector<16xf32>,
              tpu.vector_store %arg14[%swap3A_680, %swap3A_681], %mul3A_679 {add = true, strides = array<i32>} : memref<72x640xf32, #tpu.memory_space<vmem>>, vector<16xf32>,
              %get3A_683 = arith.index_cast %scan3A_375 : i32 to index
              %get3A_684 = arith.constant 144 : index
              %get3A_685 = tpu.vector_load %arg13[%get3A_683, %get3A_684] {strides = array<i32>} : memref<64x256xf32, #tpu.memory_space<vmem>>, vector<16xf32>,
              %mul3A_686 = arith.mulf %get3A_685, %add3A_675 : vector<16xf32>
              %swap3A_687 = arith.index_cast %squeeze3A : i32 to index
              %swap3A_688 = arith.constant 592 : index
              %swap3A_689 = tpu.vector_load %arg14[%swap3A_687, %swap3A_688] {strides = array<i32>} : memref<72x640xf32, #tpu.memory_space<vmem>>, vector<16xf32>,
              tpu.vector_store %arg14[%swap3A_687, %swap3A_688], %mul3A_686 {add = true, strides = array<i32>} : memref<72x640xf32, #tpu.memory_space<vmem>>, vector<16xf32>,
              %get3A_690 = arith.index_cast %scan3A_375 : i32 to index
              %get3A_691 = arith.constant 160 : index
              %get3A_692 = tpu.vector_load %arg13[%get3A_690, %get3A_691] {strides = array<i32>} : memref<64x256xf32, #tpu.memory_space<vmem>>, vector<16xf32>,
              %mul3A_693 = arith.mulf %get3A_692, %add3A_675 : vector<16xf32>
              %swap3A_694 = arith.index_cast %squeeze3A : i32 to index
              %swap3A_695 = arith.constant 608 : index
              %swap3A_696 = tpu.vector_load %arg14[%swap3A_694, %swap3A_695] {strides = array<i32>} : memref<72x640xf32, #tpu.memory_space<vmem>>, vector<16xf32>,
              tpu.vector_store %arg14[%swap3A_694, %swap3A_695], %mul3A_693 {add = true, strides = array<i32>} : memref<72x640xf32, #tpu.memory_space<vmem>>, vector<16xf32>,
              %get3A_697 = arith.index_cast %scan3A_375 : i32 to index
              %get3A_698 = arith.constant 176 : index
              %get3A_699 = tpu.vector_load %arg13[%get3A_697, %get3A_698] {strides = array<i32>} : memref<64x256xf32, #tpu.memory_space<vmem>>, vector<16xf32>,
              %mul3A_700 = arith.mulf %get3A_699, %add3A_675 : vector<16xf32>
              %swap3A_701 = arith.index_cast %squeeze3A : i32 to index
              %swap3A_702 = arith.constant 624 : index
              %swap3A_703 = tpu.vector_load %arg14[%swap3A_701, %swap3A_702] {strides = array<i32>} : memref<72x640xf32, #tpu.memory_space<vmem>>, vector<16xf32>,
              tpu.vector_store %arg14[%swap3A_701, %swap3A_702], %mul3A_700 {add = true, strides = array<i32>} : memref<72x640xf32, #tpu.memory_space<vmem>>, vector<16xf32>,
            }
            %scan3A_374 = arith.constant 64 : i32
          }
          %while3A_275 = arith.constant 1 : i32
          scf.for %while3A_330 = %while3A_273 to %while3A_269 step %while3A_275  : i32 {
            %mul3A_331 = arith.constant 64 : i32
            %mul3A_332 = arith.muli %while3A_330, %mul3A_331 : i32
            %add3A_333 = arith.constant 0 : i32
            %add3A_334 = arith.addi %mul3A_332, %add3A_333 : i32
            %get3A_335 = arith.index_cast %add3A_334 : i32 to index
            %get3A_336 = tpu.vector_load %arg8[%get3A_335] {strides = array<i32>} : memref<640xi32, #tpu.memory_space<vmem>>, vector<16xi32>,
            %swap3A_337 = arith.constant 0 : index
            %swap3A_338 = tpu.vector_load %arg10[%swap3A_337] {strides = array<i32>} : memref<64xi32, #tpu.memory_space<vmem>>, vector<16xi32>,
            tpu.vector_store %arg10[%swap3A_337], %get3A_336 {strides = array<i32>} : memref<64xi32, #tpu.memory_space<vmem>>, vector<16xi32>,
            %mul3A_339 = arith.constant 64 : i32
            %mul3A_340 = arith.muli %while3A_330, %mul3A_339 : i32
            %add3A_341 = arith.constant 16 : i32
            %add3A_342 = arith.addi %mul3A_340, %add3A_341 : i32
            %get3A_343 = arith.index_cast %add3A_342 : i32 to index
            %get3A_344 = tpu.vector_load %arg8[%get3A_343] {strides = array<i32>} : memref<640xi32, #tpu.memory_space<vmem>>, vector<16xi32>,
            %swap3A_345 = arith.constant 16 : index
            %swap3A_346 = tpu.vector_load %arg10[%swap3A_345] {strides = array<i32>} : memref<64xi32, #tpu.memory_space<vmem>>, vector<16xi32>,
            tpu.vector_store %arg10[%swap3A_345], %get3A_344 {strides = array<i32>} : memref<64xi32, #tpu.memory_space<vmem>>, vector<16xi32>,
            %mul3A_347 = arith.constant 64 : i32
            %mul3A_348 = arith.muli %while3A_330, %mul3A_347 : i32
            %add3A_349 = arith.constant 32 : i32
            %add3A_350 = arith.addi %mul3A_348, %add3A_349 : i32
            %get3A_351 = arith.index_cast %add3A_350 : i32 to index
            %get3A_352 = tpu.vector_load %arg8[%get3A_351] {strides = array<i32>} : memref<640xi32, #tpu.memory_space<vmem>>, vector<16xi32>,
            %swap3A_353 = arith.constant 32 : index
            %swap3A_354 = tpu.vector_load %arg10[%swap3A_353] {strides = array<i32>} : memref<64xi32, #tpu.memory_space<vmem>>, vector<16xi32>,
            tpu.vector_store %arg10[%swap3A_353], %get3A_352 {strides = array<i32>} : memref<64xi32, #tpu.memory_space<vmem>>, vector<16xi32>,
            %mul3A_355 = arith.constant 64 : i32
            %mul3A_356 = arith.muli %while3A_330, %mul3A_355 : i32
            %add3A_357 = arith.constant 48 : i32
            %add3A_358 = arith.addi %mul3A_356, %add3A_357 : i32
            %get3A_359 = arith.index_cast %add3A_358 : i32 to index
            %get3A_360 = tpu.vector_load %arg8[%get3A_359] {strides = array<i32>} : memref<640xi32, #tpu.memory_space<vmem>>, vector<16xi32>,
            %swap3A_361 = arith.constant 48 : index
            %swap3A_362 = tpu.vector_load %arg10[%swap3A_361] {strides = array<i32>} : memref<64xi32, #tpu.memory_space<vmem>>, vector<16xi32>,
            tpu.vector_store %arg10[%swap3A_361], %get3A_360 {strides = array<i32>} : memref<64xi32, #tpu.memory_space<vmem>>, vector<16xi32>,
            %dma_start3A_363 = arith.constant 0 : i32
            %dma_start3A_364 = arith.constant 0 : i32
            %dma_start3A_365 = tpu.memref_slice %arg2[%dma_start3A_363, %dma_start3A_364] : memref<160000x256xf32, #tpu.memory_space<hbm>> -> memref<160000x256xf32, #tpu.memory_space<hbm>>
            tpu.enqueue_indirect_dma source(%dma_start3A_365 : memref<160000x256xf32, #tpu.memory_space<hbm>>) target(%arg13 : memref<64x256xf32, #tpu.memory_space<vmem>>) offsets(%arg10 : memref<64xi32, #tpu.memory_space<vmem>>) semaphore(%arg17 : memref<!tpu.dma_semaphore, #tpu.memory_space<semaphore_mem>>)
            %dma_wait3A_366 = arith.constant 0 : i32
            %dma_wait3A_367 = arith.constant 0 : i32
            %dma_wait3A_368 = tpu.memref_slice %arg2[%dma_wait3A_366, %dma_wait3A_367] : memref<160000x256xf32, #tpu.memory_space<hbm>> -> memref<160000x256xf32, #tpu.memory_space<hbm>>
            tpu.wait_indirect_dma semaphore(%arg17 : memref<!tpu.dma_semaphore, #tpu.memory_space<semaphore_mem>>) src(%dma_wait3A_368 : memref<160000x256xf32, #tpu.memory_space<hbm>>) dst(%arg13 : memref<64x256xf32, #tpu.memory_space<vmem>>)
            %scan3A_369 = arith.constant 0 : i32
            %scan3A_370 = arith.constant 0 : i32
            %scan3A_371 = arith.constant 64 : i32
            %scan3A_372 = arith.addi %scan3A_370, %scan3A_371 : i32
            %scan3A_373 = arith.constant 1 : i32
            scf.for %scan3A_375 = %scan3A_370 to %scan3A_372 step %scan3A_373  : i32 {
              %mul3A_376 = arith.constant 64 : i32
              %mul3A_377 = arith.muli %while3A_330, %mul3A_376 : i32
              %add3A_378 = arith.addi %mul3A_377, %scan3A_375 : i32
              %get3A_379 = arith.index_cast %add3A_378 : i32 to index
              %get3A_380 = tpu.vector_load %arg9[%get3A_379] {strides = array<i32>} : memref<640xi32, #tpu.memory_space<vmem>>, vector<16xi32>,
              %slice3A = vector.extract_strided_slice %get3A_380 {offsets = [0], sizes = [1], strides = [1]} : vector<16xi32> to vector<1xi32>
              %squeeze3A = vector.extract %slice3A[0] : i32 from vector<1xi32>
              %get3A_381 = arith.index_cast %scan3A_375 : i32 to index
              %get3A_382 = arith.constant 192 : index
              %get3A_383 = tpu.vector_load %arg13[%get3A_381, %get3A_382] {strides = array<i32>} : memref<64x256xf32, #tpu.memory_space<vmem>>, vector<16xf32>,
              %slice3A_384 = vector.extract_strided_slice %get3A_383 {offsets = [0], sizes = [1], strides = [1]} : vector<16xf32> to vector<1xf32>
              %squeeze3A_385 = vector.extract %slice3A_384[0] : f32 from vector<1xf32>
              %add3A_386 = vector.broadcast %squeeze3A_385 : f32 to vector<16xf32>
              %add3A_387 = arith.addf %broadcast_in_dim3A_5, %add3A_386 : vector<16xf32>
              %get3A_388 = arith.index_cast %scan3A_375 : i32 to index
              %get3A_389 = arith.constant 0 : index
              %get3A_390 = tpu.vector_load %arg13[%get3A_388, %get3A_389] {strides = array<i32>} : memref<64x256xf32, #tpu.memory_space<vmem>>, vector<16xf32>,
              %mul3A_391 = arith.mulf %get3A_390, %add3A_387 : vector<16xf32>
              %swap3A_392 = arith.index_cast %squeeze3A : i32 to index
              %swap3A_393 = arith.constant 0 : index
              %swap3A_394 = tpu.vector_load %arg14[%swap3A_392, %swap3A_393] {strides = array<i32>} : memref<72x640xf32, #tpu.memory_space<vmem>>, vector<16xf32>,
              tpu.vector_store %arg14[%swap3A_392, %swap3A_393], %mul3A_391 {add = true, strides = array<i32>} : memref<72x640xf32, #tpu.memory_space<vmem>>, vector<16xf32>,
              %get3A_395 = arith.index_cast %scan3A_375 : i32 to index
              %get3A_396 = arith.constant 16 : index
              %get3A_397 = tpu.vector_load %arg13[%get3A_395, %get3A_396] {strides = array<i32>} : memref<64x256xf32, #tpu.memory_space<vmem>>, vector<16xf32>,
              %mul3A_398 = arith.mulf %get3A_397, %add3A_387 : vector<16xf32>
              %swap3A_399 = arith.index_cast %squeeze3A : i32 to index
              %swap3A_400 = arith.constant 16 : index
              %swap3A_401 = tpu.vector_load %arg14[%swap3A_399, %swap3A_400] {strides = array<i32>} : memref<72x640xf32, #tpu.memory_space<vmem>>, vector<16xf32>,
              tpu.vector_store %arg14[%swap3A_399, %swap3A_400], %mul3A_398 {add = true, strides = array<i32>} : memref<72x640xf32, #tpu.memory_space<vmem>>, vector<16xf32>,
              %get3A_402 = arith.index_cast %scan3A_375 : i32 to index
              %get3A_403 = arith.constant 32 : index
              %get3A_404 = tpu.vector_load %arg13[%get3A_402, %get3A_403] {strides = array<i32>} : memref<64x256xf32, #tpu.memory_space<vmem>>, vector<16xf32>,
              %mul3A_405 = arith.mulf %get3A_404, %add3A_387 : vector<16xf32>
              %swap3A_406 = arith.index_cast %squeeze3A : i32 to index
              %swap3A_407 = arith.constant 32 : index
              %swap3A_408 = tpu.vector_load %arg14[%swap3A_406, %swap3A_407] {strides = array<i32>} : memref<72x640xf32, #tpu.memory_space<vmem>>, vector<16xf32>,
              tpu.vector_store %arg14[%swap3A_406, %swap3A_407], %mul3A_405 {add = true, strides = array<i32>} : memref<72x640xf32, #tpu.memory_space<vmem>>, vector<16xf32>,
              %get3A_409 = arith.index_cast %scan3A_375 : i32 to index
              %get3A_410 = arith.constant 48 : index
              %get3A_411 = tpu.vector_load %arg13[%get3A_409, %get3A_410] {strides = array<i32>} : memref<64x256xf32, #tpu.memory_space<vmem>>, vector<16xf32>,
              %mul3A_412 = arith.mulf %get3A_411, %add3A_387 : vector<16xf32>
              %swap3A_413 = arith.index_cast %squeeze3A : i32 to index
              %swap3A_414 = arith.constant 48 : index
              %swap3A_415 = tpu.vector_load %arg14[%swap3A_413, %swap3A_414] {strides = array<i32>} : memref<72x640xf32, #tpu.memory_space<vmem>>, vector<16xf32>,
              tpu.vector_store %arg14[%swap3A_413, %swap3A_414], %mul3A_412 {add = true, strides = array<i32>} : memref<72x640xf32, #tpu.memory_space<vmem>>, vector<16xf32>,
              %slice3A_416 = vector.extract_strided_slice %get3A_383 {offsets = [1], sizes = [1], strides = [1]} : vector<16xf32> to vector<1xf32>
              %squeeze3A_417 = vector.extract %slice3A_416[0] : f32 from vector<1xf32>
              %add3A_418 = vector.broadcast %squeeze3A_417 : f32 to vector<16xf32>
              %add3A_419 = arith.addf %broadcast_in_dim3A_5, %add3A_418 : vector<16xf32>
              %get3A_420 = arith.index_cast %scan3A_375 : i32 to index
              %get3A_421 = arith.constant 64 : index
              %get3A_422 = tpu.vector_load %arg13[%get3A_420, %get3A_421] {strides = array<i32>} : memref<64x256xf32, #tpu.memory_space<vmem>>, vector<16xf32>,
              %mul3A_423 = arith.mulf %get3A_422, %add3A_419 : vector<16xf32>
              %swap3A_424 = arith.index_cast %squeeze3A : i32 to index
              %swap3A_425 = arith.constant 64 : index
              %swap3A_426 = tpu.vector_load %arg14[%swap3A_424, %swap3A_425] {strides = array<i32>} : memref<72x640xf32, #tpu.memory_space<vmem>>, vector<16xf32>,
              tpu.vector_store %arg14[%swap3A_424, %swap3A_425], %mul3A_423 {add = true, strides = array<i32>} : memref<72x640xf32, #tpu.memory_space<vmem>>, vector<16xf32>,
              %get3A_427 = arith.index_cast %scan3A_375 : i32 to index
              %get3A_428 = arith.constant 80 : index
              %get3A_429 = tpu.vector_load %arg13[%get3A_427, %get3A_428] {strides = array<i32>} : memref<64x256xf32, #tpu.memory_space<vmem>>, vector<16xf32>,
              %mul3A_430 = arith.mulf %get3A_429, %add3A_419 : vector<16xf32>
              %swap3A_431 = arith.index_cast %squeeze3A : i32 to index
              %swap3A_432 = arith.constant 80 : index
              %swap3A_433 = tpu.vector_load %arg14[%swap3A_431, %swap3A_432] {strides = array<i32>} : memref<72x640xf32, #tpu.memory_space<vmem>>, vector<16xf32>,
              tpu.vector_store %arg14[%swap3A_431, %swap3A_432], %mul3A_430 {add = true, strides = array<i32>} : memref<72x640xf32, #tpu.memory_space<vmem>>, vector<16xf32>,
              %get3A_434 = arith.index_cast %scan3A_375 : i32 to index
              %get3A_435 = arith.constant 96 : index
              %get3A_436 = tpu.vector_load %arg13[%get3A_434, %get3A_435] {strides = array<i32>} : memref<64x256xf32, #tpu.memory_space<vmem>>, vector<16xf32>,
              %mul3A_437 = arith.mulf %get3A_436, %add3A_419 : vector<16xf32>
              %swap3A_438 = arith.index_cast %squeeze3A : i32 to index
              %swap3A_439 = arith.constant 96 : index
              %swap3A_440 = tpu.vector_load %arg14[%swap3A_438, %swap3A_439] {strides = array<i32>} : memref<72x640xf32, #tpu.memory_space<vmem>>, vector<16xf32>,
              tpu.vector_store %arg14[%swap3A_438, %swap3A_439], %mul3A_437 {add = true, strides = array<i32>} : memref<72x640xf32, #tpu.memory_space<vmem>>, vector<16xf32>,
              %get3A_441 = arith.index_cast %scan3A_375 : i32 to index
              %get3A_442 = arith.constant 112 : index
              %get3A_443 = tpu.vector_load %arg13[%get3A_441, %get3A_442] {strides = array<i32>} : memref<64x256xf32, #tpu.memory_space<vmem>>, vector<16xf32>,
              %mul3A_444 = arith.mulf %get3A_443, %add3A_419 : vector<16xf32>
              %swap3A_445 = arith.index_cast %squeeze3A : i32 to index
              %swap3A_446 = arith.constant 112 : index
              %swap3A_447 = tpu.vector_load %arg14[%swap3A_445, %swap3A_446] {strides = array<i32>} : memref<72x640xf32, #tpu.memory_space<vmem>>, vector<16xf32>,
              tpu.vector_store %arg14[%swap3A_445, %swap3A_446], %mul3A_444 {add = true, strides = array<i32>} : memref<72x640xf32, #tpu.memory_space<vmem>>, vector<16xf32>,
              %slice3A_448 = vector.extract_strided_slice %get3A_383 {offsets = [2], sizes = [1], strides = [1]} : vector<16xf32> to vector<1xf32>
              %squeeze3A_449 = vector.extract %slice3A_448[0] : f32 from vector<1xf32>
              %add3A_450 = vector.broadcast %squeeze3A_449 : f32 to vector<16xf32>
              %add3A_451 = arith.addf %broadcast_in_dim3A_5, %add3A_450 : vector<16xf32>
              %get3A_452 = arith.index_cast %scan3A_375 : i32 to index
              %get3A_453 = arith.constant 64 : index
              %get3A_454 = tpu.vector_load %arg13[%get3A_452, %get3A_453] {strides = array<i32>} : memref<64x256xf32, #tpu.memory_space<vmem>>, vector<16xf32>,
              %mul3A_455 = arith.mulf %get3A_454, %add3A_451 : vector<16xf32>
              %swap3A_456 = arith.index_cast %squeeze3A : i32 to index
              %swap3A_457 = arith.constant 128 : index
              %swap3A_458 = tpu.vector_load %arg14[%swap3A_456, %swap3A_457] {strides = array<i32>} : memref<72x640xf32, #tpu.memory_space<vmem>>, vector<16xf32>,
              tpu.vector_store %arg14[%swap3A_456, %swap3A_457], %mul3A_455 {add = true, strides = array<i32>} : memref<72x640xf32, #tpu.memory_space<vmem>>, vector<16xf32>,
              %get3A_459 = arith.index_cast %scan3A_375 : i32 to index
              %get3A_460 = arith.constant 80 : index
              %get3A_461 = tpu.vector_load %arg13[%get3A_459, %get3A_460] {strides = array<i32>} : memref<64x256xf32, #tpu.memory_space<vmem>>, vector<16xf32>,
              %mul3A_462 = arith.mulf %get3A_461, %add3A_451 : vector<16xf32>
              %swap3A_463 = arith.index_cast %squeeze3A : i32 to index
              %swap3A_464 = arith.constant 144 : index
              %swap3A_465 = tpu.vector_load %arg14[%swap3A_463, %swap3A_464] {strides = array<i32>} : memref<72x640xf32, #tpu.memory_space<vmem>>, vector<16xf32>,
              tpu.vector_store %arg14[%swap3A_463, %swap3A_464], %mul3A_462 {add = true, strides = array<i32>} : memref<72x640xf32, #tpu.memory_space<vmem>>, vector<16xf32>,
              %get3A_466 = arith.index_cast %scan3A_375 : i32 to index
              %get3A_467 = arith.constant 96 : index
              %get3A_468 = tpu.vector_load %arg13[%get3A_466, %get3A_467] {strides = array<i32>} : memref<64x256xf32, #tpu.memory_space<vmem>>, vector<16xf32>,
              %mul3A_469 = arith.mulf %get3A_468, %add3A_451 : vector<16xf32>
              %swap3A_470 = arith.index_cast %squeeze3A : i32 to index
              %swap3A_471 = arith.constant 160 : index
              %swap3A_472 = tpu.vector_load %arg14[%swap3A_470, %swap3A_471] {strides = array<i32>} : memref<72x640xf32, #tpu.memory_space<vmem>>, vector<16xf32>,
              tpu.vector_store %arg14[%swap3A_470, %swap3A_471], %mul3A_469 {add = true, strides = array<i32>} : memref<72x640xf32, #tpu.memory_space<vmem>>, vector<16xf32>,
              %get3A_473 = arith.index_cast %scan3A_375 : i32 to index
              %get3A_474 = arith.constant 112 : index
              %get3A_475 = tpu.vector_load %arg13[%get3A_473, %get3A_474] {strides = array<i32>} : memref<64x256xf32, #tpu.memory_space<vmem>>, vector<16xf32>,
              %mul3A_476 = arith.mulf %get3A_475, %add3A_451 : vector<16xf32>
              %swap3A_477 = arith.index_cast %squeeze3A : i32 to index
              %swap3A_478 = arith.constant 176 : index
              %swap3A_479 = tpu.vector_load %arg14[%swap3A_477, %swap3A_478] {strides = array<i32>} : memref<72x640xf32, #tpu.memory_space<vmem>>, vector<16xf32>,
              tpu.vector_store %arg14[%swap3A_477, %swap3A_478], %mul3A_476 {add = true, strides = array<i32>} : memref<72x640xf32, #tpu.memory_space<vmem>>, vector<16xf32>,
              %slice3A_480 = vector.extract_strided_slice %get3A_383 {offsets = [3], sizes = [1], strides = [1]} : vector<16xf32> to vector<1xf32>
              %squeeze3A_481 = vector.extract %slice3A_480[0] : f32 from vector<1xf32>
              %add3A_482 = vector.broadcast %squeeze3A_481 : f32 to vector<16xf32>
              %add3A_483 = arith.addf %broadcast_in_dim3A_5, %add3A_482 : vector<16xf32>
              %get3A_484 = arith.index_cast %scan3A_375 : i32 to index
              %get3A_485 = arith.constant 64 : index
              %get3A_486 = tpu.vector_load %arg13[%get3A_484, %get3A_485] {strides = array<i32>} : memref<64x256xf32, #tpu.memory_space<vmem>>, vector<16xf32>,
              %mul3A_487 = arith.mulf %get3A_486, %add3A_483 : vector<16xf32>
              %swap3A_488 = arith.index_cast %squeeze3A : i32 to index
              %swap3A_489 = arith.constant 192 : index
              %swap3A_490 = tpu.vector_load %arg14[%swap3A_488, %swap3A_489] {strides = array<i32>} : memref<72x640xf32, #tpu.memory_space<vmem>>, vector<16xf32>,
              tpu.vector_store %arg14[%swap3A_488, %swap3A_489], %mul3A_487 {add = true, strides = array<i32>} : memref<72x640xf32, #tpu.memory_space<vmem>>, vector<16xf32>,
              %get3A_491 = arith.index_cast %scan3A_375 : i32 to index
              %get3A_492 = arith.constant 80 : index
              %get3A_493 = tpu.vector_load %arg13[%get3A_491, %get3A_492] {strides = array<i32>} : memref<64x256xf32, #tpu.memory_space<vmem>>, vector<16xf32>,
              %mul3A_494 = arith.mulf %get3A_493, %add3A_483 : vector<16xf32>
              %swap3A_495 = arith.index_cast %squeeze3A : i32 to index
              %swap3A_496 = arith.constant 208 : index
              %swap3A_497 = tpu.vector_load %arg14[%swap3A_495, %swap3A_496] {strides = array<i32>} : memref<72x640xf32, #tpu.memory_space<vmem>>, vector<16xf32>,
              tpu.vector_store %arg14[%swap3A_495, %swap3A_496], %mul3A_494 {add = true, strides = array<i32>} : memref<72x640xf32, #tpu.memory_space<vmem>>, vector<16xf32>,
              %get3A_498 = arith.index_cast %scan3A_375 : i32 to index
              %get3A_499 = arith.constant 96 : index
              %get3A_500 = tpu.vector_load %arg13[%get3A_498, %get3A_499] {strides = array<i32>} : memref<64x256xf32, #tpu.memory_space<vmem>>, vector<16xf32>,
              %mul3A_501 = arith.mulf %get3A_500, %add3A_483 : vector<16xf32>
              %swap3A_502 = arith.index_cast %squeeze3A : i32 to index
              %swap3A_503 = arith.constant 224 : index
              %swap3A_504 = tpu.vector_load %arg14[%swap3A_502, %swap3A_503] {strides = array<i32>} : memref<72x640xf32, #tpu.memory_space<vmem>>, vector<16xf32>,
              tpu.vector_store %arg14[%swap3A_502, %swap3A_503], %mul3A_501 {add = true, strides = array<i32>} : memref<72x640xf32, #tpu.memory_space<vmem>>, vector<16xf32>,
              %get3A_505 = arith.index_cast %scan3A_375 : i32 to index
              %get3A_506 = arith.constant 112 : index
              %get3A_507 = tpu.vector_load %arg13[%get3A_505, %get3A_506] {strides = array<i32>} : memref<64x256xf32, #tpu.memory_space<vmem>>, vector<16xf32>,
              %mul3A_508 = arith.mulf %get3A_507, %add3A_483 : vector<16xf32>
              %swap3A_509 = arith.index_cast %squeeze3A : i32 to index
              %swap3A_510 = arith.constant 240 : index
              %swap3A_511 = tpu.vector_load %arg14[%swap3A_509, %swap3A_510] {strides = array<i32>} : memref<72x640xf32, #tpu.memory_space<vmem>>, vector<16xf32>,
              tpu.vector_store %arg14[%swap3A_509, %swap3A_510], %mul3A_508 {add = true, strides = array<i32>} : memref<72x640xf32, #tpu.memory_space<vmem>>, vector<16xf32>,
              %slice3A_512 = vector.extract_strided_slice %get3A_383 {offsets = [4], sizes = [1], strides = [1]} : vector<16xf32> to vector<1xf32>
              %squeeze3A_513 = vector.extract %slice3A_512[0] : f32 from vector<1xf32>
              %add3A_514 = vector.broadcast %squeeze3A_513 : f32 to vector<16xf32>
              %add3A_515 = arith.addf %broadcast_in_dim3A_5, %add3A_514 : vector<16xf32>
              %get3A_516 = arith.index_cast %scan3A_375 : i32 to index
              %get3A_517 = arith.constant 128 : index
              %get3A_518 = tpu.vector_load %arg13[%get3A_516, %get3A_517] {strides = array<i32>} : memref<64x256xf32, #tpu.memory_space<vmem>>, vector<16xf32>,
              %mul3A_519 = arith.mulf %get3A_518, %add3A_515 : vector<16xf32>
              %swap3A_520 = arith.index_cast %squeeze3A : i32 to index
              %swap3A_521 = arith.constant 256 : index
              %swap3A_522 = tpu.vector_load %arg14[%swap3A_520, %swap3A_521] {strides = array<i32>} : memref<72x640xf32, #tpu.memory_space<vmem>>, vector<16xf32>,
              tpu.vector_store %arg14[%swap3A_520, %swap3A_521], %mul3A_519 {add = true, strides = array<i32>} : memref<72x640xf32, #tpu.memory_space<vmem>>, vector<16xf32>,
              %get3A_523 = arith.index_cast %scan3A_375 : i32 to index
              %get3A_524 = arith.constant 144 : index
              %get3A_525 = tpu.vector_load %arg13[%get3A_523, %get3A_524] {strides = array<i32>} : memref<64x256xf32, #tpu.memory_space<vmem>>, vector<16xf32>,
              %mul3A_526 = arith.mulf %get3A_525, %add3A_515 : vector<16xf32>
              %swap3A_527 = arith.index_cast %squeeze3A : i32 to index
              %swap3A_528 = arith.constant 272 : index
              %swap3A_529 = tpu.vector_load %arg14[%swap3A_527, %swap3A_528] {strides = array<i32>} : memref<72x640xf32, #tpu.memory_space<vmem>>, vector<16xf32>,
              tpu.vector_store %arg14[%swap3A_527, %swap3A_528], %mul3A_526 {add = true, strides = array<i32>} : memref<72x640xf32, #tpu.memory_space<vmem>>, vector<16xf32>,
              %get3A_530 = arith.index_cast %scan3A_375 : i32 to index
              %get3A_531 = arith.constant 160 : index
              %get3A_532 = tpu.vector_load %arg13[%get3A_530, %get3A_531] {strides = array<i32>} : memref<64x256xf32, #tpu.memory_space<vmem>>, vector<16xf32>,
              %mul3A_533 = arith.mulf %get3A_532, %add3A_515 : vector<16xf32>
              %swap3A_534 = arith.index_cast %squeeze3A : i32 to index
              %swap3A_535 = arith.constant 288 : index
              %swap3A_536 = tpu.vector_load %arg14[%swap3A_534, %swap3A_535] {strides = array<i32>} : memref<72x640xf32, #tpu.memory_space<vmem>>, vector<16xf32>,
              tpu.vector_store %arg14[%swap3A_534, %swap3A_535], %mul3A_533 {add = true, strides = array<i32>} : memref<72x640xf32, #tpu.memory_space<vmem>>, vector<16xf32>,
              %get3A_537 = arith.index_cast %scan3A_375 : i32 to index
              %get3A_538 = arith.constant 176 : index
              %get3A_539 = tpu.vector_load %arg13[%get3A_537, %get3A_538] {strides = array<i32>} : memref<64x256xf32, #tpu.memory_space<vmem>>, vector<16xf32>,
              %mul3A_540 = arith.mulf %get3A_539, %add3A_515 : vector<16xf32>
              %swap3A_541 = arith.index_cast %squeeze3A : i32 to index
              %swap3A_542 = arith.constant 304 : index
              %swap3A_543 = tpu.vector_load %arg14[%swap3A_541, %swap3A_542] {strides = array<i32>} : memref<72x640xf32, #tpu.memory_space<vmem>>, vector<16xf32>,
              tpu.vector_store %arg14[%swap3A_541, %swap3A_542], %mul3A_540 {add = true, strides = array<i32>} : memref<72x640xf32, #tpu.memory_space<vmem>>, vector<16xf32>,
              %slice3A_544 = vector.extract_strided_slice %get3A_383 {offsets = [5], sizes = [1], strides = [1]} : vector<16xf32> to vector<1xf32>
              %squeeze3A_545 = vector.extract %slice3A_544[0] : f32 from vector<1xf32>
              %add3A_546 = vector.broadcast %squeeze3A_545 : f32 to vector<16xf32>
              %add3A_547 = arith.addf %broadcast_in_dim3A_5, %add3A_546 : vector<16xf32>
              %get3A_548 = arith.index_cast %scan3A_375 : i32 to index
              %get3A_549 = arith.constant 128 : index
              %get3A_550 = tpu.vector_load %arg13[%get3A_548, %get3A_549] {strides = array<i32>} : memref<64x256xf32, #tpu.memory_space<vmem>>, vector<16xf32>,
              %mul3A_551 = arith.mulf %get3A_550, %add3A_547 : vector<16xf32>
              %swap3A_552 = arith.index_cast %squeeze3A : i32 to index
              %swap3A_553 = arith.constant 320 : index
              %swap3A_554 = tpu.vector_load %arg14[%swap3A_552, %swap3A_553] {strides = array<i32>} : memref<72x640xf32, #tpu.memory_space<vmem>>, vector<16xf32>,
              tpu.vector_store %arg14[%swap3A_552, %swap3A_553], %mul3A_551 {add = true, strides = array<i32>} : memref<72x640xf32, #tpu.memory_space<vmem>>, vector<16xf32>,
              %get3A_555 = arith.index_cast %scan3A_375 : i32 to index
              %get3A_556 = arith.constant 144 : index
              %get3A_557 = tpu.vector_load %arg13[%get3A_555, %get3A_556] {strides = array<i32>} : memref<64x256xf32, #tpu.memory_space<vmem>>, vector<16xf32>,
              %mul3A_558 = arith.mulf %get3A_557, %add3A_547 : vector<16xf32>
              %swap3A_559 = arith.index_cast %squeeze3A : i32 to index
              %swap3A_560 = arith.constant 336 : index
              %swap3A_561 = tpu.vector_load %arg14[%swap3A_559, %swap3A_560] {strides = array<i32>} : memref<72x640xf32, #tpu.memory_space<vmem>>, vector<16xf32>,
              tpu.vector_store %arg14[%swap3A_559, %swap3A_560], %mul3A_558 {add = true, strides = array<i32>} : memref<72x640xf32, #tpu.memory_space<vmem>>, vector<16xf32>,
              %get3A_562 = arith.index_cast %scan3A_375 : i32 to index
              %get3A_563 = arith.constant 160 : index
              %get3A_564 = tpu.vector_load %arg13[%get3A_562, %get3A_563] {strides = array<i32>} : memref<64x256xf32, #tpu.memory_space<vmem>>, vector<16xf32>,
              %mul3A_565 = arith.mulf %get3A_564, %add3A_547 : vector<16xf32>
              %swap3A_566 = arith.index_cast %squeeze3A : i32 to index
              %swap3A_567 = arith.constant 352 : index
              %swap3A_568 = tpu.vector_load %arg14[%swap3A_566, %swap3A_567] {strides = array<i32>} : memref<72x640xf32, #tpu.memory_space<vmem>>, vector<16xf32>,
              tpu.vector_store %arg14[%swap3A_566, %swap3A_567], %mul3A_565 {add = true, strides = array<i32>} : memref<72x640xf32, #tpu.memory_space<vmem>>, vector<16xf32>,
              %get3A_569 = arith.index_cast %scan3A_375 : i32 to index
              %get3A_570 = arith.constant 176 : index
              %get3A_571 = tpu.vector_load %arg13[%get3A_569, %get3A_570] {strides = array<i32>} : memref<64x256xf32, #tpu.memory_space<vmem>>, vector<16xf32>,
              %mul3A_572 = arith.mulf %get3A_571, %add3A_547 : vector<16xf32>
              %swap3A_573 = arith.index_cast %squeeze3A : i32 to index
              %swap3A_574 = arith.constant 368 : index
              %swap3A_575 = tpu.vector_load %arg14[%swap3A_573, %swap3A_574] {strides = array<i32>} : memref<72x640xf32, #tpu.memory_space<vmem>>, vector<16xf32>,
              tpu.vector_store %arg14[%swap3A_573, %swap3A_574], %mul3A_572 {add = true, strides = array<i32>} : memref<72x640xf32, #tpu.memory_space<vmem>>, vector<16xf32>,
              %slice3A_576 = vector.extract_strided_slice %get3A_383 {offsets = [6], sizes = [1], strides = [1]} : vector<16xf32> to vector<1xf32>
              %squeeze3A_577 = vector.extract %slice3A_576[0] : f32 from vector<1xf32>
              %add3A_578 = vector.broadcast %squeeze3A_577 : f32 to vector<16xf32>
              %add3A_579 = arith.addf %broadcast_in_dim3A_5, %add3A_578 : vector<16xf32>
              %get3A_580 = arith.index_cast %scan3A_375 : i32 to index
              %get3A_581 = arith.constant 128 : index
              %get3A_582 = tpu.vector_load %arg13[%get3A_580, %get3A_581] {strides = array<i32>} : memref<64x256xf32, #tpu.memory_space<vmem>>, vector<16xf32>,
              %mul3A_583 = arith.mulf %get3A_582, %add3A_579 : vector<16xf32>
              %swap3A_584 = arith.index_cast %squeeze3A : i32 to index
              %swap3A_585 = arith.constant 384 : index
              %swap3A_586 = tpu.vector_load %arg14[%swap3A_584, %swap3A_585] {strides = array<i32>} : memref<72x640xf32, #tpu.memory_space<vmem>>, vector<16xf32>,
              tpu.vector_store %arg14[%swap3A_584, %swap3A_585], %mul3A_583 {add = true, strides = array<i32>} : memref<72x640xf32, #tpu.memory_space<vmem>>, vector<16xf32>,
              %get3A_587 = arith.index_cast %scan3A_375 : i32 to index
              %get3A_588 = arith.constant 144 : index
              %get3A_589 = tpu.vector_load %arg13[%get3A_587, %get3A_588] {strides = array<i32>} : memref<64x256xf32, #tpu.memory_space<vmem>>, vector<16xf32>,
              %mul3A_590 = arith.mulf %get3A_589, %add3A_579 : vector<16xf32>
              %swap3A_591 = arith.index_cast %squeeze3A : i32 to index
              %swap3A_592 = arith.constant 400 : index
              %swap3A_593 = tpu.vector_load %arg14[%swap3A_591, %swap3A_592] {strides = array<i32>} : memref<72x640xf32, #tpu.memory_space<vmem>>, vector<16xf32>,
              tpu.vector_store %arg14[%swap3A_591, %swap3A_592], %mul3A_590 {add = true, strides = array<i32>} : memref<72x640xf32, #tpu.memory_space<vmem>>, vector<16xf32>,
              %get3A_594 = arith.index_cast %scan3A_375 : i32 to index
              %get3A_595 = arith.constant 160 : index
              %get3A_596 = tpu.vector_load %arg13[%get3A_594, %get3A_595] {strides = array<i32>} : memref<64x256xf32, #tpu.memory_space<vmem>>, vector<16xf32>,
              %mul3A_597 = arith.mulf %get3A_596, %add3A_579 : vector<16xf32>
              %swap3A_598 = arith.index_cast %squeeze3A : i32 to index
              %swap3A_599 = arith.constant 416 : index
              %swap3A_600 = tpu.vector_load %arg14[%swap3A_598, %swap3A_599] {strides = array<i32>} : memref<72x640xf32, #tpu.memory_space<vmem>>, vector<16xf32>,
              tpu.vector_store %arg14[%swap3A_598, %swap3A_599], %mul3A_597 {add = true, strides = array<i32>} : memref<72x640xf32, #tpu.memory_space<vmem>>, vector<16xf32>,
              %get3A_601 = arith.index_cast %scan3A_375 : i32 to index
              %get3A_602 = arith.constant 176 : index
              %get3A_603 = tpu.vector_load %arg13[%get3A_601, %get3A_602] {strides = array<i32>} : memref<64x256xf32, #tpu.memory_space<vmem>>, vector<16xf32>,
              %mul3A_604 = arith.mulf %get3A_603, %add3A_579 : vector<16xf32>
              %swap3A_605 = arith.index_cast %squeeze3A : i32 to index
              %swap3A_606 = arith.constant 432 : index
              %swap3A_607 = tpu.vector_load %arg14[%swap3A_605, %swap3A_606] {strides = array<i32>} : memref<72x640xf32, #tpu.memory_space<vmem>>, vector<16xf32>,
              tpu.vector_store %arg14[%swap3A_605, %swap3A_606], %mul3A_604 {add = true, strides = array<i32>} : memref<72x640xf32, #tpu.memory_space<vmem>>, vector<16xf32>,
              %slice3A_608 = vector.extract_strided_slice %get3A_383 {offsets = [7], sizes = [1], strides = [1]} : vector<16xf32> to vector<1xf32>
              %squeeze3A_609 = vector.extract %slice3A_608[0] : f32 from vector<1xf32>
              %add3A_610 = vector.broadcast %squeeze3A_609 : f32 to vector<16xf32>
              %add3A_611 = arith.addf %broadcast_in_dim3A_5, %add3A_610 : vector<16xf32>
              %get3A_612 = arith.index_cast %scan3A_375 : i32 to index
              %get3A_613 = arith.constant 128 : index
              %get3A_614 = tpu.vector_load %arg13[%get3A_612, %get3A_613] {strides = array<i32>} : memref<64x256xf32, #tpu.memory_space<vmem>>, vector<16xf32>,
              %mul3A_615 = arith.mulf %get3A_614, %add3A_611 : vector<16xf32>
              %swap3A_616 = arith.index_cast %squeeze3A : i32 to index
              %swap3A_617 = arith.constant 448 : index
              %swap3A_618 = tpu.vector_load %arg14[%swap3A_616, %swap3A_617] {strides = array<i32>} : memref<72x640xf32, #tpu.memory_space<vmem>>, vector<16xf32>,
              tpu.vector_store %arg14[%swap3A_616, %swap3A_617], %mul3A_615 {add = true, strides = array<i32>} : memref<72x640xf32, #tpu.memory_space<vmem>>, vector<16xf32>,
              %get3A_619 = arith.index_cast %scan3A_375 : i32 to index
              %get3A_620 = arith.constant 144 : index
              %get3A_621 = tpu.vector_load %arg13[%get3A_619, %get3A_620] {strides = array<i32>} : memref<64x256xf32, #tpu.memory_space<vmem>>, vector<16xf32>,
              %mul3A_622 = arith.mulf %get3A_621, %add3A_611 : vector<16xf32>
              %swap3A_623 = arith.index_cast %squeeze3A : i32 to index
              %swap3A_624 = arith.constant 464 : index
              %swap3A_625 = tpu.vector_load %arg14[%swap3A_623, %swap3A_624] {strides = array<i32>} : memref<72x640xf32, #tpu.memory_space<vmem>>, vector<16xf32>,
              tpu.vector_store %arg14[%swap3A_623, %swap3A_624], %mul3A_622 {add = true, strides = array<i32>} : memref<72x640xf32, #tpu.memory_space<vmem>>, vector<16xf32>,
              %get3A_626 = arith.index_cast %scan3A_375 : i32 to index
              %get3A_627 = arith.constant 160 : index
              %get3A_628 = tpu.vector_load %arg13[%get3A_626, %get3A_627] {strides = array<i32>} : memref<64x256xf32, #tpu.memory_space<vmem>>, vector<16xf32>,
              %mul3A_629 = arith.mulf %get3A_628, %add3A_611 : vector<16xf32>
              %swap3A_630 = arith.index_cast %squeeze3A : i32 to index
              %swap3A_631 = arith.constant 480 : index
              %swap3A_632 = tpu.vector_load %arg14[%swap3A_630, %swap3A_631] {strides = array<i32>} : memref<72x640xf32, #tpu.memory_space<vmem>>, vector<16xf32>,
              tpu.vector_store %arg14[%swap3A_630, %swap3A_631], %mul3A_629 {add = true, strides = array<i32>} : memref<72x640xf32, #tpu.memory_space<vmem>>, vector<16xf32>,
              %get3A_633 = arith.index_cast %scan3A_375 : i32 to index
              %get3A_634 = arith.constant 176 : index
              %get3A_635 = tpu.vector_load %arg13[%get3A_633, %get3A_634] {strides = array<i32>} : memref<64x256xf32, #tpu.memory_space<vmem>>, vector<16xf32>,
              %mul3A_636 = arith.mulf %get3A_635, %add3A_611 : vector<16xf32>
              %swap3A_637 = arith.index_cast %squeeze3A : i32 to index
              %swap3A_638 = arith.constant 496 : index
              %swap3A_639 = tpu.vector_load %arg14[%swap3A_637, %swap3A_638] {strides = array<i32>} : memref<72x640xf32, #tpu.memory_space<vmem>>, vector<16xf32>,
              tpu.vector_store %arg14[%swap3A_637, %swap3A_638], %mul3A_636 {add = true, strides = array<i32>} : memref<72x640xf32, #tpu.memory_space<vmem>>, vector<16xf32>,
              %slice3A_640 = vector.extract_strided_slice %get3A_383 {offsets = [8], sizes = [1], strides = [1]} : vector<16xf32> to vector<1xf32>
              %squeeze3A_641 = vector.extract %slice3A_640[0] : f32 from vector<1xf32>
              %add3A_642 = vector.broadcast %squeeze3A_641 : f32 to vector<16xf32>
              %add3A_643 = arith.addf %broadcast_in_dim3A_5, %add3A_642 : vector<16xf32>
              %get3A_644 = arith.index_cast %scan3A_375 : i32 to index
              %get3A_645 = arith.constant 128 : index
              %get3A_646 = tpu.vector_load %arg13[%get3A_644, %get3A_645] {strides = array<i32>} : memref<64x256xf32, #tpu.memory_space<vmem>>, vector<16xf32>,
              %mul3A_647 = arith.mulf %get3A_646, %add3A_643 : vector<16xf32>
              %swap3A_648 = arith.index_cast %squeeze3A : i32 to index
              %swap3A_649 = arith.constant 512 : index
              %swap3A_650 = tpu.vector_load %arg14[%swap3A_648, %swap3A_649] {strides = array<i32>} : memref<72x640xf32, #tpu.memory_space<vmem>>, vector<16xf32>,
              tpu.vector_store %arg14[%swap3A_648, %swap3A_649], %mul3A_647 {add = true, strides = array<i32>} : memref<72x640xf32, #tpu.memory_space<vmem>>, vector<16xf32>,
              %get3A_651 = arith.index_cast %scan3A_375 : i32 to index
              %get3A_652 = arith.constant 144 : index
              %get3A_653 = tpu.vector_load %arg13[%get3A_651, %get3A_652] {strides = array<i32>} : memref<64x256xf32, #tpu.memory_space<vmem>>, vector<16xf32>,
              %mul3A_654 = arith.mulf %get3A_653, %add3A_643 : vector<16xf32>
              %swap3A_655 = arith.index_cast %squeeze3A : i32 to index
              %swap3A_656 = arith.constant 528 : index
              %swap3A_657 = tpu.vector_load %arg14[%swap3A_655, %swap3A_656] {strides = array<i32>} : memref<72x640xf32, #tpu.memory_space<vmem>>, vector<16xf32>,
              tpu.vector_store %arg14[%swap3A_655, %swap3A_656], %mul3A_654 {add = true, strides = array<i32>} : memref<72x640xf32, #tpu.memory_space<vmem>>, vector<16xf32>,
              %get3A_658 = arith.index_cast %scan3A_375 : i32 to index
              %get3A_659 = arith.constant 160 : index
              %get3A_660 = tpu.vector_load %arg13[%get3A_658, %get3A_659] {strides = array<i32>} : memref<64x256xf32, #tpu.memory_space<vmem>>, vector<16xf32>,
              %mul3A_661 = arith.mulf %get3A_660, %add3A_643 : vector<16xf32>
              %swap3A_662 = arith.index_cast %squeeze3A : i32 to index
              %swap3A_663 = arith.constant 544 : index
              %swap3A_664 = tpu.vector_load %arg14[%swap3A_662, %swap3A_663] {strides = array<i32>} : memref<72x640xf32, #tpu.memory_space<vmem>>, vector<16xf32>,
              tpu.vector_store %arg14[%swap3A_662, %swap3A_663], %mul3A_661 {add = true, strides = array<i32>} : memref<72x640xf32, #tpu.memory_space<vmem>>, vector<16xf32>,
              %get3A_665 = arith.index_cast %scan3A_375 : i32 to index
              %get3A_666 = arith.constant 176 : index
              %get3A_667 = tpu.vector_load %arg13[%get3A_665, %get3A_666] {strides = array<i32>} : memref<64x256xf32, #tpu.memory_space<vmem>>, vector<16xf32>,
              %mul3A_668 = arith.mulf %get3A_667, %add3A_643 : vector<16xf32>
              %swap3A_669 = arith.index_cast %squeeze3A : i32 to index
              %swap3A_670 = arith.constant 560 : index
              %swap3A_671 = tpu.vector_load %arg14[%swap3A_669, %swap3A_670] {strides = array<i32>} : memref<72x640xf32, #tpu.memory_space<vmem>>, vector<16xf32>,
              tpu.vector_store %arg14[%swap3A_669, %swap3A_670], %mul3A_668 {add = true, strides = array<i32>} : memref<72x640xf32, #tpu.memory_space<vmem>>, vector<16xf32>,
              %slice3A_672 = vector.extract_strided_slice %get3A_383 {offsets = [9], sizes = [1], strides = [1]} : vector<16xf32> to vector<1xf32>
              %squeeze3A_673 = vector.extract %slice3A_672[0] : f32 from vector<1xf32>
              %add3A_674 = vector.broadcast %squeeze3A_673 : f32 to vector<16xf32>
              %add3A_675 = arith.addf %broadcast_in_dim3A_5, %add3A_674 : vector<16xf32>
              %get3A_676 = arith.index_cast %scan3A_375 : i32 to index
              %get3A_677 = arith.constant 128 : index
              %get3A_678 = tpu.vector_load %arg13[%get3A_676, %get3A_677] {strides = array<i32>} : memref<64x256xf32, #tpu.memory_space<vmem>>, vector<16xf32>,
              %mul3A_679 = arith.mulf %get3A_678, %add3A_675 : vector<16xf32>
              %swap3A_680 = arith.index_cast %squeeze3A : i32 to index
              %swap3A_681 = arith.constant 576 : index
              %swap3A_682 = tpu.vector_load %arg14[%swap3A_680, %swap3A_681] {strides = array<i32>} : memref<72x640xf32, #tpu.memory_space<vmem>>, vector<16xf32>,
              tpu.vector_store %arg14[%swap3A_680, %swap3A_681], %mul3A_679 {add = true, strides = array<i32>} : memref<72x640xf32, #tpu.memory_space<vmem>>, vector<16xf32>,
              %get3A_683 = arith.index_cast %scan3A_375 : i32 to index
              %get3A_684 = arith.constant 144 : index
              %get3A_685 = tpu.vector_load %arg13[%get3A_683, %get3A_684] {strides = array<i32>} : memref<64x256xf32, #tpu.memory_space<vmem>>, vector<16xf32>,
              %mul3A_686 = arith.mulf %get3A_685, %add3A_675 : vector<16xf32>
              %swap3A_687 = arith.index_cast %squeeze3A : i32 to index
              %swap3A_688 = arith.constant 592 : index
              %swap3A_689 = tpu.vector_load %arg14[%swap3A_687, %swap3A_688] {strides = array<i32>} : memref<72x640xf32, #tpu.memory_space<vmem>>, vector<16xf32>,
              tpu.vector_store %arg14[%swap3A_687, %swap3A_688], %mul3A_686 {add = true, strides = array<i32>} : memref<72x640xf32, #tpu.memory_space<vmem>>, vector<16xf32>,
              %get3A_690 = arith.index_cast %scan3A_375 : i32 to index
              %get3A_691 = arith.constant 160 : index
              %get3A_692 = tpu.vector_load %arg13[%get3A_690, %get3A_691] {strides = array<i32>} : memref<64x256xf32, #tpu.memory_space<vmem>>, vector<16xf32>,
              %mul3A_693 = arith.mulf %get3A_692, %add3A_675 : vector<16xf32>
              %swap3A_694 = arith.index_cast %squeeze3A : i32 to index
              %swap3A_695 = arith.constant 608 : index
              %swap3A_696 = tpu.vector_load %arg14[%swap3A_694, %swap3A_695] {strides = array<i32>} : memref<72x640xf32, #tpu.memory_space<vmem>>, vector<16xf32>,
              tpu.vector_store %arg14[%swap3A_694, %swap3A_695], %mul3A_693 {add = true, strides = array<i32>} : memref<72x640xf32, #tpu.memory_space<vmem>>, vector<16xf32>,
              %get3A_697 = arith.index_cast %scan3A_375 : i32 to index
              %get3A_698 = arith.constant 176 : index
              %get3A_699 = tpu.vector_load %arg13[%get3A_697, %get3A_698] {strides = array<i32>} : memref<64x256xf32, #tpu.memory_space<vmem>>, vector<16xf32>,
              %mul3A_700 = arith.mulf %get3A_699, %add3A_675 : vector<16xf32>
              %swap3A_701 = arith.index_cast %squeeze3A : i32 to index
              %swap3A_702 = arith.constant 624 : index
              %swap3A_703 = tpu.vector_load %arg14[%swap3A_701, %swap3A_702] {strides = array<i32>} : memref<72x640xf32, #tpu.memory_space<vmem>>, vector<16xf32>,
              tpu.vector_store %arg14[%swap3A_701, %swap3A_702], %mul3A_700 {add = true, strides = array<i32>} : memref<72x640xf32, #tpu.memory_space<vmem>>, vector<16xf32>,
            }
            %scan3A_374 = arith.constant 64 : i32
          }
          %mul3A_276 = arith.constant 64 : i32
          %mul3A_277 = arith.muli %select_n3A_265, %mul3A_276 : i32
          %multiple_of3A_278 = tpu.assume_multiple %mul3A_277, 16 : i32
          %add3A_279 = arith.constant 0 : i32
          %add3A_280 = arith.addi %multiple_of3A_278, %add3A_279 : i32
          %get3A_281 = arith.index_cast %add3A_280 : i32 to index
          %get3A_282 = tpu.vector_load %arg8[%get3A_281] {strides = array<i32>} : memref<640xi32, #tpu.memory_space<vmem>>, vector<16xi32>,
          %add3A_283 = arith.constant 0 : i32
          %add3A_284 = arith.addi %multiple_of3A_278, %add3A_283 : i32
          %get3A_285 = arith.index_cast %add3A_284 : i32 to index
          %get3A_286 = tpu.vector_load %arg9[%get3A_285] {strides = array<i32>} : memref<640xi32, #tpu.memory_space<vmem>>, vector<16xi32>,
          %swap3A_287 = arith.constant 0 : index
          %swap3A_288 = tpu.vector_load %arg8[%swap3A_287] {strides = array<i32>} : memref<640xi32, #tpu.memory_space<vmem>>, vector<16xi32>,
          tpu.vector_store %arg8[%swap3A_287], %get3A_282 {strides = array<i32>} : memref<640xi32, #tpu.memory_space<vmem>>, vector<16xi32>,
          %swap3A_289 = arith.constant 0 : index
          %swap3A_290 = tpu.vector_load %arg9[%swap3A_289] {strides = array<i32>} : memref<640xi32, #tpu.memory_space<vmem>>, vector<16xi32>,
          tpu.vector_store %arg9[%swap3A_289], %get3A_286 {strides = array<i32>} : memref<640xi32, #tpu.memory_space<vmem>>, vector<16xi32>,
          %add3A_291 = arith.constant 16 : i32
          %add3A_292 = arith.addi %multiple_of3A_278, %add3A_291 : i32
          %get3A_293 = arith.index_cast %add3A_292 : i32 to index
          %get3A_294 = tpu.vector_load %arg8[%get3A_293] {strides = array<i32>} : memref<640xi32, #tpu.memory_space<vmem>>, vector<16xi32>,
          %add3A_295 = arith.constant 16 : i32
          %add3A_296 = arith.addi %multiple_of3A_278, %add3A_295 : i32
          %get3A_297 = arith.index_cast %add3A_296 : i32 to index
          %get3A_298 = tpu.vector_load %arg9[%get3A_297] {strides = array<i32>} : memref<640xi32, #tpu.memory_space<vmem>>, vector<16xi32>,
          %swap3A_299 = arith.constant 16 : index
          %swap3A_300 = tpu.vector_load %arg8[%swap3A_299] {strides = array<i32>} : memref<640xi32, #tpu.memory_space<vmem>>, vector<16xi32>,
          tpu.vector_store %arg8[%swap3A_299], %get3A_294 {strides = array<i32>} : memref<640xi32, #tpu.memory_space<vmem>>, vector<16xi32>,
          %swap3A_301 = arith.constant 16 : index
          %swap3A_302 = tpu.vector_load %arg9[%swap3A_301] {strides = array<i32>} : memref<640xi32, #tpu.memory_space<vmem>>, vector<16xi32>,
          tpu.vector_store %arg9[%swap3A_301], %get3A_298 {strides = array<i32>} : memref<640xi32, #tpu.memory_space<vmem>>, vector<16xi32>,
          %add3A_303 = arith.constant 32 : i32
          %add3A_304 = arith.addi %multiple_of3A_278, %add3A_303 : i32
          %get3A_305 = arith.index_cast %add3A_304 : i32 to index
          %get3A_306 = tpu.vector_load %arg8[%get3A_305] {strides = array<i32>} : memref<640xi32, #tpu.memory_space<vmem>>, vector<16xi32>,
          %add3A_307 = arith.constant 32 : i32
          %add3A_308 = arith.addi %multiple_of3A_278, %add3A_307 : i32
          %get3A_309 = arith.index_cast %add3A_308 : i32 to index
          %get3A_310 = tpu.vector_load %arg9[%get3A_309] {strides = array<i32>} : memref<640xi32, #tpu.memory_space<vmem>>, vector<16xi32>,
          %swap3A_311 = arith.constant 32 : index
          %swap3A_312 = tpu.vector_load %arg8[%swap3A_311] {strides = array<i32>} : memref<640xi32, #tpu.memory_space<vmem>>, vector<16xi32>,
          tpu.vector_store %arg8[%swap3A_311], %get3A_306 {strides = array<i32>} : memref<640xi32, #tpu.memory_space<vmem>>, vector<16xi32>,
          %swap3A_313 = arith.constant 32 : index
          %swap3A_314 = tpu.vector_load %arg9[%swap3A_313] {strides = array<i32>} : memref<640xi32, #tpu.memory_space<vmem>>, vector<16xi32>,
          tpu.vector_store %arg9[%swap3A_313], %get3A_310 {strides = array<i32>} : memref<640xi32, #tpu.memory_space<vmem>>, vector<16xi32>,
          %add3A_315 = arith.constant 48 : i32
          %add3A_316 = arith.addi %multiple_of3A_278, %add3A_315 : i32
          %get3A_317 = arith.index_cast %add3A_316 : i32 to index
          %get3A_318 = tpu.vector_load %arg8[%get3A_317] {strides = array<i32>} : memref<640xi32, #tpu.memory_space<vmem>>, vector<16xi32>,
          %add3A_319 = arith.constant 48 : i32
          %add3A_320 = arith.addi %multiple_of3A_278, %add3A_319 : i32
          %get3A_321 = arith.index_cast %add3A_320 : i32 to index
          %get3A_322 = tpu.vector_load %arg9[%get3A_321] {strides = array<i32>} : memref<640xi32, #tpu.memory_space<vmem>>, vector<16xi32>,
          %swap3A_323 = arith.constant 48 : index
          %swap3A_324 = tpu.vector_load %arg8[%swap3A_323] {strides = array<i32>} : memref<640xi32, #tpu.memory_space<vmem>>, vector<16xi32>,
          tpu.vector_store %arg8[%swap3A_323], %get3A_318 {strides = array<i32>} : memref<640xi32, #tpu.memory_space<vmem>>, vector<16xi32>,
          %swap3A_325 = arith.constant 48 : index
          %swap3A_326 = tpu.vector_load %arg9[%swap3A_325] {strides = array<i32>} : memref<640xi32, #tpu.memory_space<vmem>>, vector<16xi32>,
          tpu.vector_store %arg9[%swap3A_325], %get3A_322 {strides = array<i32>} : memref<640xi32, #tpu.memory_space<vmem>>, vector<16xi32>,
          %mul3A_327 = arith.constant 64 : i32
          %mul3A_328 = arith.muli %select_n3A_265, %mul3A_327 : i32
          %sub3A_329 = arith.subi %scan3A_240, %mul3A_328 : i32
          scf.yield %sub3A_329 : i32
        }
        scf.yield %while3A_227 : i32
      }
      %scan3A_116 = arith.constant 16 : i32
      %add3A_117 = arith.constant 0 : i32
      %add3A_118 = arith.addi %scan3A_115, %add3A_117 : i32
      %swap3A_119 = arith.index_cast %add3A_118 : i32 to index
      %swap3A_120 = tpu.vector_load %arg8[%swap3A_119] {strides = array<i32>} : memref<640xi32, #tpu.memory_space<vmem>>, vector<16xi32>,
      tpu.vector_store %arg8[%swap3A_119], %broadcast_in_dim3A_1 {strides = array<i32>} : memref<640xi32, #tpu.memory_space<vmem>>, vector<16xi32>,
      %add3A_121 = arith.constant 0 : i32
      %add3A_122 = arith.addi %scan3A_115, %add3A_121 : i32
      %swap3A_123 = arith.index_cast %add3A_122 : i32 to index
      %swap3A_124 = tpu.vector_load %arg9[%swap3A_123] {strides = array<i32>} : memref<640xi32, #tpu.memory_space<vmem>>, vector<16xi32>,
      tpu.vector_store %arg9[%swap3A_123], %broadcast_in_dim3A_9 {strides = array<i32>} : memref<640xi32, #tpu.memory_space<vmem>>, vector<16xi32>,
      %add3A_125 = arith.constant 16 : i32
      %add3A_126 = arith.addi %scan3A_115, %add3A_125 : i32
      %swap3A_127 = arith.index_cast %add3A_126 : i32 to index
      %swap3A_128 = tpu.vector_load %arg8[%swap3A_127] {strides = array<i32>} : memref<640xi32, #tpu.memory_space<vmem>>, vector<16xi32>,
      tpu.vector_store %arg8[%swap3A_127], %broadcast_in_dim3A_1 {strides = array<i32>} : memref<640xi32, #tpu.memory_space<vmem>>, vector<16xi32>,
      %add3A_129 = arith.constant 16 : i32
      %add3A_130 = arith.addi %scan3A_115, %add3A_129 : i32
      %swap3A_131 = arith.index_cast %add3A_130 : i32 to index
      %swap3A_132 = tpu.vector_load %arg9[%swap3A_131] {strides = array<i32>} : memref<640xi32, #tpu.memory_space<vmem>>, vector<16xi32>,
      tpu.vector_store %arg9[%swap3A_131], %broadcast_in_dim3A_9 {strides = array<i32>} : memref<640xi32, #tpu.memory_space<vmem>>, vector<16xi32>,
      %add3A_133 = arith.constant 32 : i32
      %add3A_134 = arith.addi %scan3A_115, %add3A_133 : i32
      %swap3A_135 = arith.index_cast %add3A_134 : i32 to index
      %swap3A_136 = tpu.vector_load %arg8[%swap3A_135] {strides = array<i32>} : memref<640xi32, #tpu.memory_space<vmem>>, vector<16xi32>,
      tpu.vector_store %arg8[%swap3A_135], %broadcast_in_dim3A_1 {strides = array<i32>} : memref<640xi32, #tpu.memory_space<vmem>>, vector<16xi32>,
      %add3A_137 = arith.constant 32 : i32
      %add3A_138 = arith.addi %scan3A_115, %add3A_137 : i32
      %swap3A_139 = arith.index_cast %add3A_138 : i32 to index
      %swap3A_140 = tpu.vector_load %arg9[%swap3A_139] {strides = array<i32>} : memref<640xi32, #tpu.memory_space<vmem>>, vector<16xi32>,
      tpu.vector_store %arg9[%swap3A_139], %broadcast_in_dim3A_9 {strides = array<i32>} : memref<640xi32, #tpu.memory_space<vmem>>, vector<16xi32>,
      %add3A_141 = arith.constant 48 : i32
      %add3A_142 = arith.addi %scan3A_115, %add3A_141 : i32
      %swap3A_143 = arith.index_cast %add3A_142 : i32 to index
      %swap3A_144 = tpu.vector_load %arg8[%swap3A_143] {strides = array<i32>} : memref<640xi32, #tpu.memory_space<vmem>>, vector<16xi32>,
      tpu.vector_store %arg8[%swap3A_143], %broadcast_in_dim3A_1 {strides = array<i32>} : memref<640xi32, #tpu.memory_space<vmem>>, vector<16xi32>,
      %add3A_145 = arith.constant 48 : i32
      %add3A_146 = arith.addi %scan3A_115, %add3A_145 : i32
      %swap3A_147 = arith.index_cast %add3A_146 : i32 to index
      %swap3A_148 = tpu.vector_load %arg9[%swap3A_147] {strides = array<i32>} : memref<640xi32, #tpu.memory_space<vmem>>, vector<16xi32>,
      tpu.vector_store %arg9[%swap3A_147], %broadcast_in_dim3A_9 {strides = array<i32>} : memref<640xi32, #tpu.memory_space<vmem>>, vector<16xi32>,
      %get3A = arith.constant 0 : index
      %get3A_149 = tpu.vector_load %arg8[%get3A] {strides = array<i32>} : memref<640xi32, #tpu.memory_space<vmem>>, vector<16xi32>,
      %swap3A_150 = arith.constant 0 : index
      %swap3A_151 = tpu.vector_load %arg10[%swap3A_150] {strides = array<i32>} : memref<64xi32, #tpu.memory_space<vmem>>, vector<16xi32>,
      tpu.vector_store %arg10[%swap3A_150], %get3A_149 {strides = array<i32>} : memref<64xi32, #tpu.memory_space<vmem>>, vector<16xi32>,
      %get3A_152 = arith.constant 16 : index
      %get3A_153 = tpu.vector_load %arg8[%get3A_152] {strides = array<i32>} : memref<640xi32, #tpu.memory_space<vmem>>, vector<16xi32>,
      %swap3A_154 = arith.constant 16 : index
      %swap3A_155 = tpu.vector_load %arg10[%swap3A_154] {strides = array<i32>} : memref<64xi32, #tpu.memory_space<vmem>>, vector<16xi32>,
      tpu.vector_store %arg10[%swap3A_154], %get3A_153 {strides = array<i32>} : memref<64xi32, #tpu.memory_space<vmem>>, vector<16xi32>,
      %get3A_156 = arith.constant 32 : index
      %get3A_157 = tpu.vector_load %arg8[%get3A_156] {strides = array<i32>} : memref<640xi32, #tpu.memory_space<vmem>>, vector<16xi32>,
      %swap3A_158 = arith.constant 32 : index
      %swap3A_159 = tpu.vector_load %arg10[%swap3A_158] {strides = array<i32>} : memref<64xi32, #tpu.memory_space<vmem>>, vector<16xi32>,
      tpu.vector_store %arg10[%swap3A_158], %get3A_157 {strides = array<i32>} : memref<64xi32, #tpu.memory_space<vmem>>, vector<16xi32>,
      %get3A_160 = arith.constant 48 : index
      %get3A_161 = tpu.vector_load %arg8[%get3A_160] {strides = array<i32>} : memref<640xi32, #tpu.memory_space<vmem>>, vector<16xi32>,
      %swap3A_162 = arith.constant 48 : index
      %swap3A_163 = tpu.vector_load %arg10[%swap3A_162] {strides = array<i32>} : memref<64xi32, #tpu.memory_space<vmem>>, vector<16xi32>,
      tpu.vector_store %arg10[%swap3A_162], %get3A_161 {strides = array<i32>} : memref<64xi32, #tpu.memory_space<vmem>>, vector<16xi32>,
      %dma_start3A = arith.constant 0 : i32
      %dma_start3A_164 = arith.constant 0 : i32
      %dma_start3A_165 = tpu.memref_slice %arg2[%dma_start3A, %dma_start3A_164] : memref<160000x256xf32, #tpu.memory_space<hbm>> -> memref<160000x256xf32, #tpu.memory_space<hbm>>
      tpu.enqueue_indirect_dma source(%dma_start3A_165 : memref<160000x256xf32, #tpu.memory_space<hbm>>) target(%arg13 : memref<64x256xf32, #tpu.memory_space<vmem>>) offsets(%arg10 : memref<64xi32, #tpu.memory_space<vmem>>) semaphore(%arg17 : memref<!tpu.dma_semaphore, #tpu.memory_space<semaphore_mem>>)
      %dma_wait3A = arith.constant 0 : i32
      %dma_wait3A_166 = arith.constant 0 : i32
      %dma_wait3A_167 = tpu.memref_slice %arg2[%dma_wait3A, %dma_wait3A_166] : memref<160000x256xf32, #tpu.memory_space<hbm>> -> memref<160000x256xf32, #tpu.memory_space<hbm>>
      tpu.wait_indirect_dma semaphore(%arg17 : memref<!tpu.dma_semaphore, #tpu.memory_space<semaphore_mem>>) src(%dma_wait3A_167 : memref<160000x256xf32, #tpu.memory_space<hbm>>) dst(%arg13 : memref<64x256xf32, #tpu.memory_space<vmem>>)
      %scan3A_168 = arith.constant 0 : i32
      %scan3A_169 = arith.constant 0 : i32
      %scan3A_170 = arith.constant 64 : i32
      %scan3A_171 = arith.addi %scan3A_169, %scan3A_170 : i32
      %scan3A_172 = arith.constant 1 : i32
      scf.for %scan3A_179 = %scan3A_169 to %scan3A_171 step %scan3A_172  : i32 {
        %add3A_180 = arith.constant 0 : i32
        %add3A_181 = arith.addi %add3A_180, %scan3A_179 : i32
        %get3A_182 = arith.index_cast %add3A_181 : i32 to index
        %get3A_183 = tpu.vector_load %arg9[%get3A_182] {strides = array<i32>} : memref<640xi32, #tpu.memory_space<vmem>>, vector<16xi32>,
        %slice3A = vector.extract_strided_slice %get3A_183 {offsets = [0], sizes = [1], strides = [1]} : vector<16xi32> to vector<1xi32>
        %squeeze3A = vector.extract %slice3A[0] : i32 from vector<1xi32>
        %get3A_184 = arith.index_cast %scan3A_179 : i32 to index
        %get3A_185 = arith.constant 192 : index
        %get3A_186 = tpu.vector_load %arg13[%get3A_184, %get3A_185] {strides = array<i32>} : memref<64x256xf32, #tpu.memory_space<vmem>>, vector<16xf32>,
        %slice3A_187 = vector.extract_strided_slice %get3A_186 {offsets = [0], sizes = [1], strides = [1]} : vector<16xf32> to vector<1xf32>
        %squeeze3A_188 = vector.extract %slice3A_187[0] : f32 from vector<1xf32>
        %add3A_189 = vector.broadcast %squeeze3A_188 : f32 to vector<16xf32>
        %add3A_190 = arith.addf %broadcast_in_dim3A_5, %add3A_189 : vector<16xf32>
        %get3A_191 = arith.index_cast %scan3A_179 : i32 to index
        %get3A_192 = arith.constant 0 : index
        %get3A_193 = tpu.vector_load %arg13[%get3A_191, %get3A_192] {strides = array<i32>} : memref<64x256xf32, #tpu.memory_space<vmem>>, vector<16xf32>,
        %mul3A_194 = arith.mulf %get3A_193, %add3A_190 : vector<16xf32>
        %swap3A_195 = arith.index_cast %squeeze3A : i32 to index
        %swap3A_196 = arith.constant 0 : index
        %swap3A_197 = tpu.vector_load %arg14[%swap3A_195, %swap3A_196] {strides = array<i32>} : memref<72x640xf32, #tpu.memory_space<vmem>>, vector<16xf32>,
        tpu.vector_store %arg14[%swap3A_195, %swap3A_196], %mul3A_194 {add = true, strides = array<i32>} : memref<72x640xf32, #tpu.memory_space<vmem>>, vector<16xf32>,
        %get3A_198 = arith.index_cast %scan3A_179 : i32 to index
        %get3A_199 = arith.constant 16 : index
        %get3A_200 = tpu.vector_load %arg13[%get3A_198, %get3A_199] {strides = array<i32>} : memref<64x256xf32, #tpu.memory_space<vmem>>, vector<16xf32>,
        %mul3A_201 = arith.mulf %get3A_200, %add3A_190 : vector<16xf32>
        %swap3A_202 = arith.index_cast %squeeze3A : i32 to index
        %swap3A_203 = arith.constant 16 : index
        %swap3A_204 = tpu.vector_load %arg14[%swap3A_202, %swap3A_203] {strides = array<i32>} : memref<72x640xf32, #tpu.memory_space<vmem>>, vector<16xf32>,
        tpu.vector_store %arg14[%swap3A_202, %swap3A_203], %mul3A_201 {add = true, strides = array<i32>} : memref<72x640xf32, #tpu.memory_space<vmem>>, vector<16xf32>,
        %get3A_205 = arith.index_cast %scan3A_179 : i32 to index
        %get3A_206 = arith.constant 32 : index
        %get3A_207 = tpu.vector_load %arg13[%get3A_205, %get3A_206] {strides = array<i32>} : memref<64x256xf32, #tpu.memory_space<vmem>>, vector<16xf32>,
        %mul3A_208 = arith.mulf %get3A_207, %add3A_190 : vector<16xf32>
        %swap3A_209 = arith.index_cast %squeeze3A : i32 to index
        %swap3A_210 = arith.constant 32 : index
        %swap3A_211 = tpu.vector_load %arg14[%swap3A_209, %swap3A_210] {strides = array<i32>} : memref<72x640xf32, #tpu.memory_space<vmem>>, vector<16xf32>,
        tpu.vector_store %arg14[%swap3A_209, %swap3A_210], %mul3A_208 {add = true, strides = array<i32>} : memref<72x640xf32, #tpu.memory_space<vmem>>, vector<16xf32>,
        %get3A_212 = arith.index_cast %scan3A_179 : i32 to index
        %get3A_213 = arith.constant 48 : index
        %get3A_214 = tpu.vector_load %arg13[%get3A_212, %get3A_213] {strides = array<i32>} : memref<64x256xf32, #tpu.memory_space<vmem>>, vector<16xf32>,
        %mul3A_215 = arith.mulf %get3A_214, %add3A_190 : vector<16xf32>
        %swap3A_216 = arith.index_cast %squeeze3A : i32 to index
        %swap3A_217 = arith.constant 48 : index
        %swap3A_218 = tpu.vector_load %arg14[%swap3A_216, %swap3A_217] {strides = array<i32>} : memref<72x640xf32, #tpu.memory_space<vmem>>, vector<16xf32>,
        tpu.vector_store %arg14[%swap3A_216, %swap3A_217], %mul3A_215 {add = true, strides = array<i32>} : memref<72x640xf32, #tpu.memory_space<vmem>>, vector<16xf32>,
        %slice3A_219 = vector.extract_strided_slice %get3A_186 {offsets = [1], sizes = [1], strides = [1]} : vector<16xf32> to vector<1xf32>
        %squeeze3A_220 = vector.extract %slice3A_219[0] : f32 from vector<1xf32>
        %add3A_221 = vector.broadcast %squeeze3A_220 : f32 to vector<16xf32>
        %add3A_222 = arith.addf %broadcast_in_dim3A_5, %add3A_221 : vector<16xf32>
        %get3A_223 = arith.index_cast %scan3A_179 : i32 to index
        %get3A_224 = arith.constant 64 : index
        %get3A_225 = tpu.vector_load %arg13[%get3A_223, %get3A_224] {strides = array<i32>} : memref<64x256xf32, #tpu.memory_space<vmem>>, vector<16xf32>,
        %mul3A_226 = arith.mulf %get3A_225, %add3A_222 : vector<16xf32>
        %swap3A_227 = arith.index_cast %squeeze3A : i32 to index
        %swap3A_228 = arith.constant 64 : index
        %swap3A_229 = tpu.vector_load %arg14[%swap3A_227, %swap3A_228] {strides = array<i32>} : memref<72x640xf32, #tpu.memory_space<vmem>>, vector<16xf32>,
        tpu.vector_store %arg14[%swap3A_227, %swap3A_228], %mul3A_226 {add = true, strides = array<i32>} : memref<72x640xf32, #tpu.memory_space<vmem>>, vector<16xf32>,
        %get3A_230 = arith.index_cast %scan3A_179 : i32 to index
        %get3A_231 = arith.constant 80 : index
        %get3A_232 = tpu.vector_load %arg13[%get3A_230, %get3A_231] {strides = array<i32>} : memref<64x256xf32, #tpu.memory_space<vmem>>, vector<16xf32>,
        %mul3A_233 = arith.mulf %get3A_232, %add3A_222 : vector<16xf32>
        %swap3A_234 = arith.index_cast %squeeze3A : i32 to index
        %swap3A_235 = arith.constant 80 : index
        %swap3A_236 = tpu.vector_load %arg14[%swap3A_234, %swap3A_235] {strides = array<i32>} : memref<72x640xf32, #tpu.memory_space<vmem>>, vector<16xf32>,
        tpu.vector_store %arg14[%swap3A_234, %swap3A_235], %mul3A_233 {add = true, strides = array<i32>} : memref<72x640xf32, #tpu.memory_space<vmem>>, vector<16xf32>,
        %get3A_237 = arith.index_cast %scan3A_179 : i32 to index
        %get3A_238 = arith.constant 96 : index
        %get3A_239 = tpu.vector_load %arg13[%get3A_237, %get3A_238] {strides = array<i32>} : memref<64x256xf32, #tpu.memory_space<vmem>>, vector<16xf32>,
        %mul3A_240 = arith.mulf %get3A_239, %add3A_222 : vector<16xf32>
        %swap3A_241 = arith.index_cast %squeeze3A : i32 to index
        %swap3A_242 = arith.constant 96 : index
        %swap3A_243 = tpu.vector_load %arg14[%swap3A_241, %swap3A_242] {strides = array<i32>} : memref<72x640xf32, #tpu.memory_space<vmem>>, vector<16xf32>,
        tpu.vector_store %arg14[%swap3A_241, %swap3A_242], %mul3A_240 {add = true, strides = array<i32>} : memref<72x640xf32, #tpu.memory_space<vmem>>, vector<16xf32>,
        %get3A_244 = arith.index_cast %scan3A_179 : i32 to index
        %get3A_245 = arith.constant 112 : index
        %get3A_246 = tpu.vector_load %arg13[%get3A_244, %get3A_245] {strides = array<i32>} : memref<64x256xf32, #tpu.memory_space<vmem>>, vector<16xf32>,
        %mul3A_247 = arith.mulf %get3A_246, %add3A_222 : vector<16xf32>
        %swap3A_248 = arith.index_cast %squeeze3A : i32 to index
        %swap3A_249 = arith.constant 112 : index
        %swap3A_250 = tpu.vector_load %arg14[%swap3A_248, %swap3A_249] {strides = array<i32>} : memref<72x640xf32, #tpu.memory_space<vmem>>, vector<16xf32>,
        tpu.vector_store %arg14[%swap3A_248, %swap3A_249], %mul3A_247 {add = true, strides = array<i32>} : memref<72x640xf32, #tpu.memory_space<vmem>>, vector<16xf32>,
        %slice3A_251 = vector.extract_strided_slice %get3A_186 {offsets = [2], sizes = [1], strides = [1]} : vector<16xf32> to vector<1xf32>
        %squeeze3A_252 = vector.extract %slice3A_251[0] : f32 from vector<1xf32>
        %add3A_253 = vector.broadcast %squeeze3A_252 : f32 to vector<16xf32>
        %add3A_254 = arith.addf %broadcast_in_dim3A_5, %add3A_253 : vector<16xf32>
        %get3A_255 = arith.index_cast %scan3A_179 : i32 to index
        %get3A_256 = arith.constant 64 : index
        %get3A_257 = tpu.vector_load %arg13[%get3A_255, %get3A_256] {strides = array<i32>} : memref<64x256xf32, #tpu.memory_space<vmem>>, vector<16xf32>,
        %mul3A_258 = arith.mulf %get3A_257, %add3A_254 : vector<16xf32>
        %swap3A_259 = arith.index_cast %squeeze3A : i32 to index
        %swap3A_260 = arith.constant 128 : index
        %swap3A_261 = tpu.vector_load %arg14[%swap3A_259, %swap3A_260] {strides = array<i32>} : memref<72x640xf32, #tpu.memory_space<vmem>>, vector<16xf32>,
        tpu.vector_store %arg14[%swap3A_259, %swap3A_260], %mul3A_258 {add = true, strides = array<i32>} : memref<72x640xf32, #tpu.memory_space<vmem>>, vector<16xf32>,
        %get3A_262 = arith.index_cast %scan3A_179 : i32 to index
        %get3A_263 = arith.constant 80 : index
        %get3A_264 = tpu.vector_load %arg13[%get3A_262, %get3A_263] {strides = array<i32>} : memref<64x256xf32, #tpu.memory_space<vmem>>, vector<16xf32>,
        %mul3A_265 = arith.mulf %get3A_264, %add3A_254 : vector<16xf32>
        %swap3A_266 = arith.index_cast %squeeze3A : i32 to index
        %swap3A_267 = arith.constant 144 : index
        %swap3A_268 = tpu.vector_load %arg14[%swap3A_266, %swap3A_267] {strides = array<i32>} : memref<72x640xf32, #tpu.memory_space<vmem>>, vector<16xf32>,
        tpu.vector_store %arg14[%swap3A_266, %swap3A_267], %mul3A_265 {add = true, strides = array<i32>} : memref<72x640xf32, #tpu.memory_space<vmem>>, vector<16xf32>,
        %get3A_269 = arith.index_cast %scan3A_179 : i32 to index
        %get3A_270 = arith.constant 96 : index
        %get3A_271 = tpu.vector_load %arg13[%get3A_269, %get3A_270] {strides = array<i32>} : memref<64x256xf32, #tpu.memory_space<vmem>>, vector<16xf32>,
        %mul3A_272 = arith.mulf %get3A_271, %add3A_254 : vector<16xf32>
        %swap3A_273 = arith.index_cast %squeeze3A : i32 to index
        %swap3A_274 = arith.constant 160 : index
        %swap3A_275 = tpu.vector_load %arg14[%swap3A_273, %swap3A_274] {strides = array<i32>} : memref<72x640xf32, #tpu.memory_space<vmem>>, vector<16xf32>,
        tpu.vector_store %arg14[%swap3A_273, %swap3A_274], %mul3A_272 {add = true, strides = array<i32>} : memref<72x640xf32, #tpu.memory_space<vmem>>, vector<16xf32>,
        %get3A_276 = arith.index_cast %scan3A_179 : i32 to index
        %get3A_277 = arith.constant 112 : index
        %get3A_278 = tpu.vector_load %arg13[%get3A_276, %get3A_277] {strides = array<i32>} : memref<64x256xf32, #tpu.memory_space<vmem>>, vector<16xf32>,
        %mul3A_279 = arith.mulf %get3A_278, %add3A_254 : vector<16xf32>
        %swap3A_280 = arith.index_cast %squeeze3A : i32 to index
        %swap3A_281 = arith.constant 176 : index
        %swap3A_282 = tpu.vector_load %arg14[%swap3A_280, %swap3A_281] {strides = array<i32>} : memref<72x640xf32, #tpu.memory_space<vmem>>, vector<16xf32>,
        tpu.vector_store %arg14[%swap3A_280, %swap3A_281], %mul3A_279 {add = true, strides = array<i32>} : memref<72x640xf32, #tpu.memory_space<vmem>>, vector<16xf32>,
        %slice3A_283 = vector.extract_strided_slice %get3A_186 {offsets = [3], sizes = [1], strides = [1]} : vector<16xf32> to vector<1xf32>
        %squeeze3A_284 = vector.extract %slice3A_283[0] : f32 from vector<1xf32>
        %add3A_285 = vector.broadcast %squeeze3A_284 : f32 to vector<16xf32>
        %add3A_286 = arith.addf %broadcast_in_dim3A_5, %add3A_285 : vector<16xf32>
        %get3A_287 = arith.index_cast %scan3A_179 : i32 to index
        %get3A_288 = arith.constant 64 : index
        %get3A_289 = tpu.vector_load %arg13[%get3A_287, %get3A_288] {strides = array<i32>} : memref<64x256xf32, #tpu.memory_space<vmem>>, vector<16xf32>,
        %mul3A_290 = arith.mulf %get3A_289, %add3A_286 : vector<16xf32>
        %swap3A_291 = arith.index_cast %squeeze3A : i32 to index
        %swap3A_292 = arith.constant 192 : index
        %swap3A_293 = tpu.vector_load %arg14[%swap3A_291, %swap3A_292] {strides = array<i32>} : memref<72x640xf32, #tpu.memory_space<vmem>>, vector<16xf32>,
        tpu.vector_store %arg14[%swap3A_291, %swap3A_292], %mul3A_290 {add = true, strides = array<i32>} : memref<72x640xf32, #tpu.memory_space<vmem>>, vector<16xf32>,
        %get3A_294 = arith.index_cast %scan3A_179 : i32 to index
        %get3A_295 = arith.constant 80 : index
        %get3A_296 = tpu.vector_load %arg13[%get3A_294, %get3A_295] {strides = array<i32>} : memref<64x256xf32, #tpu.memory_space<vmem>>, vector<16xf32>,
        %mul3A_297 = arith.mulf %get3A_296, %add3A_286 : vector<16xf32>
        %swap3A_298 = arith.index_cast %squeeze3A : i32 to index
        %swap3A_299 = arith.constant 208 : index
        %swap3A_300 = tpu.vector_load %arg14[%swap3A_298, %swap3A_299] {strides = array<i32>} : memref<72x640xf32, #tpu.memory_space<vmem>>, vector<16xf32>,
        tpu.vector_store %arg14[%swap3A_298, %swap3A_299], %mul3A_297 {add = true, strides = array<i32>} : memref<72x640xf32, #tpu.memory_space<vmem>>, vector<16xf32>,
        %get3A_301 = arith.index_cast %scan3A_179 : i32 to index
        %get3A_302 = arith.constant 96 : index
        %get3A_303 = tpu.vector_load %arg13[%get3A_301, %get3A_302] {strides = array<i32>} : memref<64x256xf32, #tpu.memory_space<vmem>>, vector<16xf32>,
        %mul3A_304 = arith.mulf %get3A_303, %add3A_286 : vector<16xf32>
        %swap3A_305 = arith.index_cast %squeeze3A : i32 to index
        %swap3A_306 = arith.constant 224 : index
        %swap3A_307 = tpu.vector_load %arg14[%swap3A_305, %swap3A_306] {strides = array<i32>} : memref<72x640xf32, #tpu.memory_space<vmem>>, vector<16xf32>,
        tpu.vector_store %arg14[%swap3A_305, %swap3A_306], %mul3A_304 {add = true, strides = array<i32>} : memref<72x640xf32, #tpu.memory_space<vmem>>, vector<16xf32>,
        %get3A_308 = arith.index_cast %scan3A_179 : i32 to index
        %get3A_309 = arith.constant 112 : index
        %get3A_310 = tpu.vector_load %arg13[%get3A_308, %get3A_309] {strides = array<i32>} : memref<64x256xf32, #tpu.memory_space<vmem>>, vector<16xf32>,
        %mul3A_311 = arith.mulf %get3A_310, %add3A_286 : vector<16xf32>
        %swap3A_312 = arith.index_cast %squeeze3A : i32 to index
        %swap3A_313 = arith.constant 240 : index
        %swap3A_314 = tpu.vector_load %arg14[%swap3A_312, %swap3A_313] {strides = array<i32>} : memref<72x640xf32, #tpu.memory_space<vmem>>, vector<16xf32>,
        tpu.vector_store %arg14[%swap3A_312, %swap3A_313], %mul3A_311 {add = true, strides = array<i32>} : memref<72x640xf32, #tpu.memory_space<vmem>>, vector<16xf32>,
        %slice3A_315 = vector.extract_strided_slice %get3A_186 {offsets = [4], sizes = [1], strides = [1]} : vector<16xf32> to vector<1xf32>
        %squeeze3A_316 = vector.extract %slice3A_315[0] : f32 from vector<1xf32>
        %add3A_317 = vector.broadcast %squeeze3A_316 : f32 to vector<16xf32>
        %add3A_318 = arith.addf %broadcast_in_dim3A_5, %add3A_317 : vector<16xf32>
        %get3A_319 = arith.index_cast %scan3A_179 : i32 to index
        %get3A_320 = arith.constant 128 : index
        %get3A_321 = tpu.vector_load %arg13[%get3A_319, %get3A_320] {strides = array<i32>} : memref<64x256xf32, #tpu.memory_space<vmem>>, vector<16xf32>,
        %mul3A_322 = arith.mulf %get3A_321, %add3A_318 : vector<16xf32>
        %swap3A_323 = arith.index_cast %squeeze3A : i32 to index
        %swap3A_324 = arith.constant 256 : index
        %swap3A_325 = tpu.vector_load %arg14[%swap3A_323, %swap3A_324] {strides = array<i32>} : memref<72x640xf32, #tpu.memory_space<vmem>>, vector<16xf32>,
        tpu.vector_store %arg14[%swap3A_323, %swap3A_324], %mul3A_322 {add = true, strides = array<i32>} : memref<72x640xf32, #tpu.memory_space<vmem>>, vector<16xf32>,
        %get3A_326 = arith.index_cast %scan3A_179 : i32 to index
        %get3A_327 = arith.constant 144 : index
        %get3A_328 = tpu.vector_load %arg13[%get3A_326, %get3A_327] {strides = array<i32>} : memref<64x256xf32, #tpu.memory_space<vmem>>, vector<16xf32>,
        %mul3A_329 = arith.mulf %get3A_328, %add3A_318 : vector<16xf32>
        %swap3A_330 = arith.index_cast %squeeze3A : i32 to index
        %swap3A_331 = arith.constant 272 : index
        %swap3A_332 = tpu.vector_load %arg14[%swap3A_330, %swap3A_331] {strides = array<i32>} : memref<72x640xf32, #tpu.memory_space<vmem>>, vector<16xf32>,
        tpu.vector_store %arg14[%swap3A_330, %swap3A_331], %mul3A_329 {add = true, strides = array<i32>} : memref<72x640xf32, #tpu.memory_space<vmem>>, vector<16xf32>,
        %get3A_333 = arith.index_cast %scan3A_179 : i32 to index
        %get3A_334 = arith.constant 160 : index
        %get3A_335 = tpu.vector_load %arg13[%get3A_333, %get3A_334] {strides = array<i32>} : memref<64x256xf32, #tpu.memory_space<vmem>>, vector<16xf32>,
        %mul3A_336 = arith.mulf %get3A_335, %add3A_318 : vector<16xf32>
        %swap3A_337 = arith.index_cast %squeeze3A : i32 to index
        %swap3A_338 = arith.constant 288 : index
        %swap3A_339 = tpu.vector_load %arg14[%swap3A_337, %swap3A_338] {strides = array<i32>} : memref<72x640xf32, #tpu.memory_space<vmem>>, vector<16xf32>,
        tpu.vector_store %arg14[%swap3A_337, %swap3A_338], %mul3A_336 {add = true, strides = array<i32>} : memref<72x640xf32, #tpu.memory_space<vmem>>, vector<16xf32>,
        %get3A_340 = arith.index_cast %scan3A_179 : i32 to index
        %get3A_341 = arith.constant 176 : index
        %get3A_342 = tpu.vector_load %arg13[%get3A_340, %get3A_341] {strides = array<i32>} : memref<64x256xf32, #tpu.memory_space<vmem>>, vector<16xf32>,
        %mul3A_343 = arith.mulf %get3A_342, %add3A_318 : vector<16xf32>
        %swap3A_344 = arith.index_cast %squeeze3A : i32 to index
        %swap3A_345 = arith.constant 304 : index
        %swap3A_346 = tpu.vector_load %arg14[%swap3A_344, %swap3A_345] {strides = array<i32>} : memref<72x640xf32, #tpu.memory_space<vmem>>, vector<16xf32>,
        tpu.vector_store %arg14[%swap3A_344, %swap3A_345], %mul3A_343 {add = true, strides = array<i32>} : memref<72x640xf32, #tpu.memory_space<vmem>>, vector<16xf32>,
        %slice3A_347 = vector.extract_strided_slice %get3A_186 {offsets = [5], sizes = [1], strides = [1]} : vector<16xf32> to vector<1xf32>
        %squeeze3A_348 = vector.extract %slice3A_347[0] : f32 from vector<1xf32>
        %add3A_349 = vector.broadcast %squeeze3A_348 : f32 to vector<16xf32>
        %add3A_350 = arith.addf %broadcast_in_dim3A_5, %add3A_349 : vector<16xf32>
        %get3A_351 = arith.index_cast %scan3A_179 : i32 to index
        %get3A_352 = arith.constant 128 : index
        %get3A_353 = tpu.vector_load %arg13[%get3A_351, %get3A_352] {strides = array<i32>} : memref<64x256xf32, #tpu.memory_space<vmem>>, vector<16xf32>,
        %mul3A_354 = arith.mulf %get3A_353, %add3A_350 : vector<16xf32>
        %swap3A_355 = arith.index_cast %squeeze3A : i32 to index
        %swap3A_356 = arith.constant 320 : index
        %swap3A_357 = tpu.vector_load %arg14[%swap3A_355, %swap3A_356] {strides = array<i32>} : memref<72x640xf32, #tpu.memory_space<vmem>>, vector<16xf32>,
        tpu.vector_store %arg14[%swap3A_355, %swap3A_356], %mul3A_354 {add = true, strides = array<i32>} : memref<72x640xf32, #tpu.memory_space<vmem>>, vector<16xf32>,
        %get3A_358 = arith.index_cast %scan3A_179 : i32 to index
        %get3A_359 = arith.constant 144 : index
        %get3A_360 = tpu.vector_load %arg13[%get3A_358, %get3A_359] {strides = array<i32>} : memref<64x256xf32, #tpu.memory_space<vmem>>, vector<16xf32>,
        %mul3A_361 = arith.mulf %get3A_360, %add3A_350 : vector<16xf32>
        %swap3A_362 = arith.index_cast %squeeze3A : i32 to index
        %swap3A_363 = arith.constant 336 : index
        %swap3A_364 = tpu.vector_load %arg14[%swap3A_362, %swap3A_363] {strides = array<i32>} : memref<72x640xf32, #tpu.memory_space<vmem>>, vector<16xf32>,
        tpu.vector_store %arg14[%swap3A_362, %swap3A_363], %mul3A_361 {add = true, strides = array<i32>} : memref<72x640xf32, #tpu.memory_space<vmem>>, vector<16xf32>,
        %get3A_365 = arith.index_cast %scan3A_179 : i32 to index
        %get3A_366 = arith.constant 160 : index
        %get3A_367 = tpu.vector_load %arg13[%get3A_365, %get3A_366] {strides = array<i32>} : memref<64x256xf32, #tpu.memory_space<vmem>>, vector<16xf32>,
        %mul3A_368 = arith.mulf %get3A_367, %add3A_350 : vector<16xf32>
        %swap3A_369 = arith.index_cast %squeeze3A : i32 to index
        %swap3A_370 = arith.constant 352 : index
        %swap3A_371 = tpu.vector_load %arg14[%swap3A_369, %swap3A_370] {strides = array<i32>} : memref<72x640xf32, #tpu.memory_space<vmem>>, vector<16xf32>,
        tpu.vector_store %arg14[%swap3A_369, %swap3A_370], %mul3A_368 {add = true, strides = array<i32>} : memref<72x640xf32, #tpu.memory_space<vmem>>, vector<16xf32>,
        %get3A_372 = arith.index_cast %scan3A_179 : i32 to index
        %get3A_373 = arith.constant 176 : index
        %get3A_374 = tpu.vector_load %arg13[%get3A_372, %get3A_373] {strides = array<i32>} : memref<64x256xf32, #tpu.memory_space<vmem>>, vector<16xf32>,
        %mul3A_375 = arith.mulf %get3A_374, %add3A_350 : vector<16xf32>
        %swap3A_376 = arith.index_cast %squeeze3A : i32 to index
        %swap3A_377 = arith.constant 368 : index
        %swap3A_378 = tpu.vector_load %arg14[%swap3A_376, %swap3A_377] {strides = array<i32>} : memref<72x640xf32, #tpu.memory_space<vmem>>, vector<16xf32>,
        tpu.vector_store %arg14[%swap3A_376, %swap3A_377], %mul3A_375 {add = true, strides = array<i32>} : memref<72x640xf32, #tpu.memory_space<vmem>>, vector<16xf32>,
        %slice3A_379 = vector.extract_strided_slice %get3A_186 {offsets = [6], sizes = [1], strides = [1]} : vector<16xf32> to vector<1xf32>
        %squeeze3A_380 = vector.extract %slice3A_379[0] : f32 from vector<1xf32>
        %add3A_381 = vector.broadcast %squeeze3A_380 : f32 to vector<16xf32>
        %add3A_382 = arith.addf %broadcast_in_dim3A_5, %add3A_381 : vector<16xf32>
        %get3A_383 = arith.index_cast %scan3A_179 : i32 to index
        %get3A_384 = arith.constant 128 : index
        %get3A_385 = tpu.vector_load %arg13[%get3A_383, %get3A_384] {strides = array<i32>} : memref<64x256xf32, #tpu.memory_space<vmem>>, vector<16xf32>,
        %mul3A_386 = arith.mulf %get3A_385, %add3A_382 : vector<16xf32>
        %swap3A_387 = arith.index_cast %squeeze3A : i32 to index
        %swap3A_388 = arith.constant 384 : index
        %swap3A_389 = tpu.vector_load %arg14[%swap3A_387, %swap3A_388] {strides = array<i32>} : memref<72x640xf32, #tpu.memory_space<vmem>>, vector<16xf32>,
        tpu.vector_store %arg14[%swap3A_387, %swap3A_388], %mul3A_386 {add = true, strides = array<i32>} : memref<72x640xf32, #tpu.memory_space<vmem>>, vector<16xf32>,
        %get3A_390 = arith.index_cast %scan3A_179 : i32 to index
        %get3A_391 = arith.constant 144 : index
        %get3A_392 = tpu.vector_load %arg13[%get3A_390, %get3A_391] {strides = array<i32>} : memref<64x256xf32, #tpu.memory_space<vmem>>, vector<16xf32>,
        %mul3A_393 = arith.mulf %get3A_392, %add3A_382 : vector<16xf32>
        %swap3A_394 = arith.index_cast %squeeze3A : i32 to index
        %swap3A_395 = arith.constant 400 : index
        %swap3A_396 = tpu.vector_load %arg14[%swap3A_394, %swap3A_395] {strides = array<i32>} : memref<72x640xf32, #tpu.memory_space<vmem>>, vector<16xf32>,
        tpu.vector_store %arg14[%swap3A_394, %swap3A_395], %mul3A_393 {add = true, strides = array<i32>} : memref<72x640xf32, #tpu.memory_space<vmem>>, vector<16xf32>,
        %get3A_397 = arith.index_cast %scan3A_179 : i32 to index
        %get3A_398 = arith.constant 160 : index
        %get3A_399 = tpu.vector_load %arg13[%get3A_397, %get3A_398] {strides = array<i32>} : memref<64x256xf32, #tpu.memory_space<vmem>>, vector<16xf32>,
        %mul3A_400 = arith.mulf %get3A_399, %add3A_382 : vector<16xf32>
        %swap3A_401 = arith.index_cast %squeeze3A : i32 to index
        %swap3A_402 = arith.constant 416 : index
        %swap3A_403 = tpu.vector_load %arg14[%swap3A_401, %swap3A_402] {strides = array<i32>} : memref<72x640xf32, #tpu.memory_space<vmem>>, vector<16xf32>,
        tpu.vector_store %arg14[%swap3A_401, %swap3A_402], %mul3A_400 {add = true, strides = array<i32>} : memref<72x640xf32, #tpu.memory_space<vmem>>, vector<16xf32>,
        %get3A_404 = arith.index_cast %scan3A_179 : i32 to index
        %get3A_405 = arith.constant 176 : index
        %get3A_406 = tpu.vector_load %arg13[%get3A_404, %get3A_405] {strides = array<i32>} : memref<64x256xf32, #tpu.memory_space<vmem>>, vector<16xf32>,
        %mul3A_407 = arith.mulf %get3A_406, %add3A_382 : vector<16xf32>
        %swap3A_408 = arith.index_cast %squeeze3A : i32 to index
        %swap3A_409 = arith.constant 432 : index
        %swap3A_410 = tpu.vector_load %arg14[%swap3A_408, %swap3A_409] {strides = array<i32>} : memref<72x640xf32, #tpu.memory_space<vmem>>, vector<16xf32>,
        tpu.vector_store %arg14[%swap3A_408, %swap3A_409], %mul3A_407 {add = true, strides = array<i32>} : memref<72x640xf32, #tpu.memory_space<vmem>>, vector<16xf32>,
        %slice3A_411 = vector.extract_strided_slice %get3A_186 {offsets = [7], sizes = [1], strides = [1]} : vector<16xf32> to vector<1xf32>
        %squeeze3A_412 = vector.extract %slice3A_411[0] : f32 from vector<1xf32>
        %add3A_413 = vector.broadcast %squeeze3A_412 : f32 to vector<16xf32>
        %add3A_414 = arith.addf %broadcast_in_dim3A_5, %add3A_413 : vector<16xf32>
        %get3A_415 = arith.index_cast %scan3A_179 : i32 to index
        %get3A_416 = arith.constant 128 : index
        %get3A_417 = tpu.vector_load %arg13[%get3A_415, %get3A_416] {strides = array<i32>} : memref<64x256xf32, #tpu.memory_space<vmem>>, vector<16xf32>,
        %mul3A_418 = arith.mulf %get3A_417, %add3A_414 : vector<16xf32>
        %swap3A_419 = arith.index_cast %squeeze3A : i32 to index
        %swap3A_420 = arith.constant 448 : index
        %swap3A_421 = tpu.vector_load %arg14[%swap3A_419, %swap3A_420] {strides = array<i32>} : memref<72x640xf32, #tpu.memory_space<vmem>>, vector<16xf32>,
        tpu.vector_store %arg14[%swap3A_419, %swap3A_420], %mul3A_418 {add = true, strides = array<i32>} : memref<72x640xf32, #tpu.memory_space<vmem>>, vector<16xf32>,
        %get3A_422 = arith.index_cast %scan3A_179 : i32 to index
        %get3A_423 = arith.constant 144 : index
        %get3A_424 = tpu.vector_load %arg13[%get3A_422, %get3A_423] {strides = array<i32>} : memref<64x256xf32, #tpu.memory_space<vmem>>, vector<16xf32>,
        %mul3A_425 = arith.mulf %get3A_424, %add3A_414 : vector<16xf32>
        %swap3A_426 = arith.index_cast %squeeze3A : i32 to index
        %swap3A_427 = arith.constant 464 : index
        %swap3A_428 = tpu.vector_load %arg14[%swap3A_426, %swap3A_427] {strides = array<i32>} : memref<72x640xf32, #tpu.memory_space<vmem>>, vector<16xf32>,
        tpu.vector_store %arg14[%swap3A_426, %swap3A_427], %mul3A_425 {add = true, strides = array<i32>} : memref<72x640xf32, #tpu.memory_space<vmem>>, vector<16xf32>,
        %get3A_429 = arith.index_cast %scan3A_179 : i32 to index
        %get3A_430 = arith.constant 160 : index
        %get3A_431 = tpu.vector_load %arg13[%get3A_429, %get3A_430] {strides = array<i32>} : memref<64x256xf32, #tpu.memory_space<vmem>>, vector<16xf32>,
        %mul3A_432 = arith.mulf %get3A_431, %add3A_414 : vector<16xf32>
        %swap3A_433 = arith.index_cast %squeeze3A : i32 to index
        %swap3A_434 = arith.constant 480 : index
        %swap3A_435 = tpu.vector_load %arg14[%swap3A_433, %swap3A_434] {strides = array<i32>} : memref<72x640xf32, #tpu.memory_space<vmem>>, vector<16xf32>,
        tpu.vector_store %arg14[%swap3A_433, %swap3A_434], %mul3A_432 {add = true, strides = array<i32>} : memref<72x640xf32, #tpu.memory_space<vmem>>, vector<16xf32>,
        %get3A_436 = arith.index_cast %scan3A_179 : i32 to index
        %get3A_437 = arith.constant 176 : index
        %get3A_438 = tpu.vector_load %arg13[%get3A_436, %get3A_437] {strides = array<i32>} : memref<64x256xf32, #tpu.memory_space<vmem>>, vector<16xf32>,
        %mul3A_439 = arith.mulf %get3A_438, %add3A_414 : vector<16xf32>
        %swap3A_440 = arith.index_cast %squeeze3A : i32 to index
        %swap3A_441 = arith.constant 496 : index
        %swap3A_442 = tpu.vector_load %arg14[%swap3A_440, %swap3A_441] {strides = array<i32>} : memref<72x640xf32, #tpu.memory_space<vmem>>, vector<16xf32>,
        tpu.vector_store %arg14[%swap3A_440, %swap3A_441], %mul3A_439 {add = true, strides = array<i32>} : memref<72x640xf32, #tpu.memory_space<vmem>>, vector<16xf32>,
        %slice3A_443 = vector.extract_strided_slice %get3A_186 {offsets = [8], sizes = [1], strides = [1]} : vector<16xf32> to vector<1xf32>
        %squeeze3A_444 = vector.extract %slice3A_443[0] : f32 from vector<1xf32>
        %add3A_445 = vector.broadcast %squeeze3A_444 : f32 to vector<16xf32>
        %add3A_446 = arith.addf %broadcast_in_dim3A_5, %add3A_445 : vector<16xf32>
        %get3A_447 = arith.index_cast %scan3A_179 : i32 to index
        %get3A_448 = arith.constant 128 : index
        %get3A_449 = tpu.vector_load %arg13[%get3A_447, %get3A_448] {strides = array<i32>} : memref<64x256xf32, #tpu.memory_space<vmem>>, vector<16xf32>,
        %mul3A_450 = arith.mulf %get3A_449, %add3A_446 : vector<16xf32>
        %swap3A_451 = arith.index_cast %squeeze3A : i32 to index
        %swap3A_452 = arith.constant 512 : index
        %swap3A_453 = tpu.vector_load %arg14[%swap3A_451, %swap3A_452] {strides = array<i32>} : memref<72x640xf32, #tpu.memory_space<vmem>>, vector<16xf32>,
        tpu.vector_store %arg14[%swap3A_451, %swap3A_452], %mul3A_450 {add = true, strides = array<i32>} : memref<72x640xf32, #tpu.memory_space<vmem>>, vector<16xf32>,
        %get3A_454 = arith.index_cast %scan3A_179 : i32 to index
        %get3A_455 = arith.constant 144 : index
        %get3A_456 = tpu.vector_load %arg13[%get3A_454, %get3A_455] {strides = array<i32>} : memref<64x256xf32, #tpu.memory_space<vmem>>, vector<16xf32>,
        %mul3A_457 = arith.mulf %get3A_456, %add3A_446 : vector<16xf32>
        %swap3A_458 = arith.index_cast %squeeze3A : i32 to index
        %swap3A_459 = arith.constant 528 : index
        %swap3A_460 = tpu.vector_load %arg14[%swap3A_458, %swap3A_459] {strides = array<i32>} : memref<72x640xf32, #tpu.memory_space<vmem>>, vector<16xf32>,
        tpu.vector_store %arg14[%swap3A_458, %swap3A_459], %mul3A_457 {add = true, strides = array<i32>} : memref<72x640xf32, #tpu.memory_space<vmem>>, vector<16xf32>,
        %get3A_461 = arith.index_cast %scan3A_179 : i32 to index
        %get3A_462 = arith.constant 160 : index
        %get3A_463 = tpu.vector_load %arg13[%get3A_461, %get3A_462] {strides = array<i32>} : memref<64x256xf32, #tpu.memory_space<vmem>>, vector<16xf32>,
        %mul3A_464 = arith.mulf %get3A_463, %add3A_446 : vector<16xf32>
        %swap3A_465 = arith.index_cast %squeeze3A : i32 to index
        %swap3A_466 = arith.constant 544 : index
        %swap3A_467 = tpu.vector_load %arg14[%swap3A_465, %swap3A_466] {strides = array<i32>} : memref<72x640xf32, #tpu.memory_space<vmem>>, vector<16xf32>,
        tpu.vector_store %arg14[%swap3A_465, %swap3A_466], %mul3A_464 {add = true, strides = array<i32>} : memref<72x640xf32, #tpu.memory_space<vmem>>, vector<16xf32>,
        %get3A_468 = arith.index_cast %scan3A_179 : i32 to index
        %get3A_469 = arith.constant 176 : index
        %get3A_470 = tpu.vector_load %arg13[%get3A_468, %get3A_469] {strides = array<i32>} : memref<64x256xf32, #tpu.memory_space<vmem>>, vector<16xf32>,
        %mul3A_471 = arith.mulf %get3A_470, %add3A_446 : vector<16xf32>
        %swap3A_472 = arith.index_cast %squeeze3A : i32 to index
        %swap3A_473 = arith.constant 560 : index
        %swap3A_474 = tpu.vector_load %arg14[%swap3A_472, %swap3A_473] {strides = array<i32>} : memref<72x640xf32, #tpu.memory_space<vmem>>, vector<16xf32>,
        tpu.vector_store %arg14[%swap3A_472, %swap3A_473], %mul3A_471 {add = true, strides = array<i32>} : memref<72x640xf32, #tpu.memory_space<vmem>>, vector<16xf32>,
        %slice3A_475 = vector.extract_strided_slice %get3A_186 {offsets = [9], sizes = [1], strides = [1]} : vector<16xf32> to vector<1xf32>
        %squeeze3A_476 = vector.extract %slice3A_475[0] : f32 from vector<1xf32>
        %add3A_477 = vector.broadcast %squeeze3A_476 : f32 to vector<16xf32>
        %add3A_478 = arith.addf %broadcast_in_dim3A_5, %add3A_477 : vector<16xf32>
        %get3A_479 = arith.index_cast %scan3A_179 : i32 to index
        %get3A_480 = arith.constant 128 : index
        %get3A_481 = tpu.vector_load %arg13[%get3A_479, %get3A_480] {strides = array<i32>} : memref<64x256xf32, #tpu.memory_space<vmem>>, vector<16xf32>,
        %mul3A_482 = arith.mulf %get3A_481, %add3A_478 : vector<16xf32>
        %swap3A_483 = arith.index_cast %squeeze3A : i32 to index
        %swap3A_484 = arith.constant 576 : index
        %swap3A_485 = tpu.vector_load %arg14[%swap3A_483, %swap3A_484] {strides = array<i32>} : memref<72x640xf32, #tpu.memory_space<vmem>>, vector<16xf32>,
        tpu.vector_store %arg14[%swap3A_483, %swap3A_484], %mul3A_482 {add = true, strides = array<i32>} : memref<72x640xf32, #tpu.memory_space<vmem>>, vector<16xf32>,
        %get3A_486 = arith.index_cast %scan3A_179 : i32 to index
        %get3A_487 = arith.constant 144 : index
        %get3A_488 = tpu.vector_load %arg13[%get3A_486, %get3A_487] {strides = array<i32>} : memref<64x256xf32, #tpu.memory_space<vmem>>, vector<16xf32>,
        %mul3A_489 = arith.mulf %get3A_488, %add3A_478 : vector<16xf32>
        %swap3A_490 = arith.index_cast %squeeze3A : i32 to index
        %swap3A_491 = arith.constant 592 : index
        %swap3A_492 = tpu.vector_load %arg14[%swap3A_490, %swap3A_491] {strides = array<i32>} : memref<72x640xf32, #tpu.memory_space<vmem>>, vector<16xf32>,
        tpu.vector_store %arg14[%swap3A_490, %swap3A_491], %mul3A_489 {add = true, strides = array<i32>} : memref<72x640xf32, #tpu.memory_space<vmem>>, vector<16xf32>,
        %get3A_493 = arith.index_cast %scan3A_179 : i32 to index
        %get3A_494 = arith.constant 160 : index
        %get3A_495 = tpu.vector_load %arg13[%get3A_493, %get3A_494] {strides = array<i32>} : memref<64x256xf32, #tpu.memory_space<vmem>>, vector<16xf32>,
        %mul3A_496 = arith.mulf %get3A_495, %add3A_478 : vector<16xf32>
        %swap3A_497 = arith.index_cast %squeeze3A : i32 to index
        %swap3A_498 = arith.constant 608 : index
        %swap3A_499 = tpu.vector_load %arg14[%swap3A_497, %swap3A_498] {strides = array<i32>} : memref<72x640xf32, #tpu.memory_space<vmem>>, vector<16xf32>,
        tpu.vector_store %arg14[%swap3A_497, %swap3A_498], %mul3A_496 {add = true, strides = array<i32>} : memref<72x640xf32, #tpu.memory_space<vmem>>, vector<16xf32>,
        %get3A_500 = arith.index_cast %scan3A_179 : i32 to index
        %get3A_501 = arith.constant 176 : index
        %get3A_502 = tpu.vector_load %arg13[%get3A_500, %get3A_501] {strides = array<i32>} : memref<64x256xf32, #tpu.memory_space<vmem>>, vector<16xf32>,
        %mul3A_503 = arith.mulf %get3A_502, %add3A_478 : vector<16xf32>
        %swap3A_504 = arith.index_cast %squeeze3A : i32 to index
        %swap3A_505 = arith.constant 624 : index
        %swap3A_506 = tpu.vector_load %arg14[%swap3A_504, %swap3A_505] {strides = array<i32>} : memref<72x640xf32, #tpu.memory_space<vmem>>, vector<16xf32>,
        tpu.vector_store %arg14[%swap3A_504, %swap3A_505], %mul3A_503 {add = true, strides = array<i32>} : memref<72x640xf32, #tpu.memory_space<vmem>>, vector<16xf32>,
      }
      %scan3A_173 = arith.constant 64 : i32
      %mul3A_174 = arith.constant 64 : i32
      %mul3A_175 = arith.muli %arg1, %mul3A_174 : i32
      %add3A_176 = arith.addi %mul3A_25, %mul3A_175 : i32
      %multiple_of3A_177 = tpu.assume_multiple %add3A_176, 8 : i32
      "tpu.region"() ({
        %run_scoped3A = tpu.sem_alloc : memref<!tpu.dma_semaphore, #tpu.memory_space<semaphore_mem>>
        %dma_start3A_179 = arith.constant 0 : i32
        %dma_start3A_180 = arith.constant 0 : i32
        %dma_start3A_181 = tpu.memref_slice %arg14[%dma_start3A_179, %dma_start3A_180] : memref<72x640xf32, #tpu.memory_space<vmem>> -> memref<64x640xf32, #tpu.memory_space<vmem>>
        %dma_start3A_182 = arith.constant 0 : i32
        %dma_start3A_183 = tpu.memref_slice %arg4[%multiple_of3A_177, %dma_start3A_182] : memref<10240x640xf32, #tpu.memory_space<hbm>> -> memref<64x640xf32, #tpu.memory_space<hbm>>
        %dma_start3A_184 = arith.constant 0 : i32
        %dma_start3A_185 = tpu.memref_slice %arg4[%multiple_of3A_177, %dma_start3A_184] : memref<10240x640xf32, #tpu.memory_space<hbm>> -> memref<64x640xf32, #tpu.memory_space<hbm>>
        %dma_start3A_186 = arith.constant 0 : i32
        %dma_start3A_187 = arith.constant 0 : i32
        %dma_start3A_188 = tpu.memref_slice %arg14[%dma_start3A_186, %dma_start3A_187] : memref<72x640xf32, #tpu.memory_space<vmem>> -> memref<64x640xf32, #tpu.memory_space<vmem>>
        tpu.enqueue_dma source(%dma_start3A_188 : memref<64x640xf32, #tpu.memory_space<vmem>>) target(%dma_start3A_185 : memref<64x640xf32, #tpu.memory_space<hbm>>) target_semaphore(%run_scoped3A : memref<!tpu.dma_semaphore, #tpu.memory_space<semaphore_mem>>)
        %dma_wait3A_189 = arith.constant 0 : i32
        %dma_wait3A_190 = arith.constant 0 : i32
        %dma_wait3A_191 = tpu.memref_slice %arg14[%dma_wait3A_189, %dma_wait3A_190] : memref<72x640xf32, #tpu.memory_space<vmem>> -> memref<64x640xf32, #tpu.memory_space<vmem>>
        %dma_wait3A_192 = arith.constant 0 : i32
        %dma_wait3A_193 = tpu.memref_slice %arg4[%multiple_of3A_177, %dma_wait3A_192] : memref<10240x640xf32, #tpu.memory_space<hbm>> -> memref<64x640xf32, #tpu.memory_space<hbm>>
        %dma_wait3A_194 = arith.constant 0 : i32
        %dma_wait3A_195 = tpu.memref_slice %arg4[%multiple_of3A_177, %dma_wait3A_194] : memref<10240x640xf32, #tpu.memory_space<hbm>> -> memref<64x640xf32, #tpu.memory_space<hbm>>
        %dma_wait3A_196 = arith.constant 0 : i32
        %dma_wait3A_197 = arith.constant 0 : i32
        %dma_wait3A_198 = tpu.memref_slice %arg14[%dma_wait3A_196, %dma_wait3A_197] : memref<72x640xf32, #tpu.memory_space<vmem>> -> memref<64x640xf32, #tpu.memory_space<vmem>>
        tpu.wait_dma2 semaphore(%run_scoped3A : memref<!tpu.dma_semaphore, #tpu.memory_space<semaphore_mem>>) src(%dma_wait3A_198 : memref<64x640xf32, #tpu.memory_space<vmem>>) dst(%dma_wait3A_195 : memref<64x640xf32, #tpu.memory_space<hbm>>)
        tpu.yield
      }) : () -> ()
      %barrier3A_178 = arith.constant 0 : index
      tpu.barrier barrier_id(%barrier3A_178)
    }
    %scan3A_20 = arith.constant 5 : i32
    return
  }
}

module attributes {stable_mosaic.version = 14 : i64} {
  func.func @_edge_kernel(%arg0: i32, %arg1: memref<1000x128xf32, #tpu.memory_space<vmem>>, %arg2: memref<1000x128xf32, #tpu.memory_space<vmem>>, %arg3: memref<1000x1xf32, #tpu.memory_space<vmem>>, %arg4: memref<1000x3xf32, #tpu.memory_space<vmem>>, %arg5: memref<64x64xf32, #tpu.memory_space<vmem>>, %arg6: memref<64x64xf32, #tpu.memory_space<vmem>>, %arg7: memref<1x64xf32, #tpu.memory_space<vmem>>, %arg8: memref<32x64xf32, #tpu.memory_space<vmem>>, %arg9: memref<32x64xf32, #tpu.memory_space<vmem>>, %arg10: memref<32x64xf32, #tpu.memory_space<vmem>>, %arg11: memref<1x64xf32, #tpu.memory_space<vmem>>, %arg12: memref<1x64xf32, #tpu.memory_space<vmem>>, %arg13: memref<1x64xf32, #tpu.memory_space<vmem>>, %arg14: memref<1x32xf32, #tpu.memory_space<vmem>>, %arg15: memref<1000x256xf32, #tpu.memory_space<vmem>>) attributes {dimension_semantics = [#tpu.dimension_semantics<arbitrary>], iteration_bounds = array<i64: 160>, scalar_prefetch = 0 : i64, scratch_operands = 0 : i64, tpu.core_type = #tpu.core_type<tc>, window_params = [{transform_indices = @transform_0, window_bounds = array<i64: 1000, 128>}, {transform_indices = @transform_1, window_bounds = array<i64: 1000, 128>}, {transform_indices = @transform_2, window_bounds = array<i64: 1000, 1>}, {transform_indices = @transform_3, window_bounds = array<i64: 1000, 3>}, {pipeline_mode = #tpu.pipeline_mode<synchronous>, transform_indices = @transform_4, window_bounds = array<i64: 64, 64>}, {pipeline_mode = #tpu.pipeline_mode<synchronous>, transform_indices = @transform_5, window_bounds = array<i64: 64, 64>}, {pipeline_mode = #tpu.pipeline_mode<synchronous>, transform_indices = @transform_6, window_bounds = array<i64: 1, 64>}, {pipeline_mode = #tpu.pipeline_mode<synchronous>, transform_indices = @transform_7, window_bounds = array<i64: 32, 64>}, {pipeline_mode = #tpu.pipeline_mode<synchronous>, transform_indices = @transform_8, window_bounds = array<i64: 32, 64>}, {pipeline_mode = #tpu.pipeline_mode<synchronous>, transform_indices = @transform_9, window_bounds = array<i64: 32, 64>}, {pipeline_mode = #tpu.pipeline_mode<synchronous>, transform_indices = @transform_10, window_bounds = array<i64: 1, 64>}, {pipeline_mode = #tpu.pipeline_mode<synchronous>, transform_indices = @transform_11, window_bounds = array<i64: 1, 64>}, {pipeline_mode = #tpu.pipeline_mode<synchronous>, transform_indices = @transform_12, window_bounds = array<i64: 1, 64>}, {pipeline_mode = #tpu.pipeline_mode<synchronous>, transform_indices = @transform_13, window_bounds = array<i64: 1, 32>}, {transform_indices = @transform_14, window_bounds = array<i64: 1000, 256>}]} {
    %get3A = arith.constant 0 : index
    %get3A_0 = arith.constant 0 : index
    %get3A_1 = vector.load %arg3[%get3A, %get3A_0] : memref<1000x1xf32, #tpu.memory_space<vmem>>, vector<1000x1xf32>
    %get3A_2 = arith.constant 0 : index
    %get3A_3 = arith.constant 0 : index
    %get3A_4 = vector.load %arg1[%get3A_2, %get3A_3] : memref<1000x128xf32, #tpu.memory_space<vmem>>, vector<1000x64xf32>
    %get3A_5 = arith.constant 0 : index
    %get3A_6 = arith.constant 0 : index
    %get3A_7 = vector.load %arg2[%get3A_5, %get3A_6] : memref<1000x128xf32, #tpu.memory_space<vmem>>, vector<1000x64xf32>
    %add3A = arith.addf %get3A_4, %get3A_7 : vector<1000x64xf32>
    %get3A_8 = arith.constant 0 : index
    %get3A_9 = arith.constant 0 : index
    %get3A_10 = vector.load %arg7[%get3A_8, %get3A_9] : memref<1x64xf32, #tpu.memory_space<vmem>>, vector<1x64xf32>
    %add3A_11 = vector.broadcast %get3A_10 : vector<1x64xf32> to vector<1000x64xf32>
    %add3A_12 = arith.addf %add3A, %add3A_11 : vector<1000x64xf32>
    %mul3A = arith.constant 0.628318548 : f32
    %mul3A_13 = vector.broadcast %mul3A : f32 to vector<1000x1xf32>
    %mul3A_14 = arith.mulf %get3A_1, %mul3A_13 : vector<1000x1xf32>
    %cos3A = math.cos %mul3A_14 : vector<1000x1xf32>
    %add3A_15 = arith.constant 1.000000e+00 : f32
    %add3A_16 = vector.broadcast %add3A_15 : f32 to vector<1000x1xf32>
    %add3A_17 = arith.addf %cos3A, %add3A_16 : vector<1000x1xf32>
    %mul3A_18 = arith.constant 5.000000e-01 : f32
    %mul3A_19 = vector.broadcast %mul3A_18 : f32 to vector<1000x1xf32>
    %mul3A_20 = arith.mulf %mul3A_19, %add3A_17 : vector<1000x1xf32>
    %lt3A = arith.constant 5.000000e+00 : f32
    %lt3A_21 = vector.broadcast %lt3A : f32 to vector<1000x1xf32>
    %lt3A_22 = arith.cmpf olt, %get3A_1, %lt3A_21 : vector<1000x1xf32>
    %convert_element_type3A = arith.extui %lt3A_22 : vector<1000x1xi1> to vector<1000x1xi32>
    %convert_element_type3A_23 = arith.sitofp %convert_element_type3A : vector<1000x1xi32> to vector<1000x1xf32>
    %mul3A_24 = arith.mulf %mul3A_20, %convert_element_type3A_23 : vector<1000x1xf32>
    %mul3A_25 = arith.constant -1.000000e+00 : f32
    %mul3A_26 = vector.broadcast %mul3A_25 : f32 to vector<1000x1xf32>
    %mul3A_27 = arith.mulf %mul3A_26, %get3A_1 : vector<1000x1xf32>
    %exp3A = math.exp %mul3A_27 : vector<1000x1xf32>
    %get3A_28 = arith.constant 0 : index
    %get3A_29 = arith.constant 0 : index
    %get3A_30 = vector.load %arg14[%get3A_28, %get3A_29] : memref<1x32xf32, #tpu.memory_space<vmem>>, vector<1x32xf32>
    %sub3A = vector.broadcast %exp3A : vector<1000x1xf32> to vector<1000x32xf32>
    %sub3A_31 = vector.broadcast %get3A_30 : vector<1x32xf32> to vector<1000x32xf32>
    %sub3A_32 = arith.subf %sub3A, %sub3A_31 : vector<1000x32xf32>
    %integer_pow3A = arith.mulf %sub3A_32, %sub3A_32 : vector<1000x32xf32>
    %mul3A_33 = arith.constant -259.485016 : f32
    %mul3A_34 = vector.broadcast %mul3A_33 : f32 to vector<1000x32xf32>
    %mul3A_35 = arith.mulf %mul3A_34, %integer_pow3A : vector<1000x32xf32>
    %exp3A_36 = math.exp %mul3A_35 : vector<1000x32xf32>
    %mul3A_37 = vector.broadcast %mul3A_24 : vector<1000x1xf32> to vector<1000x32xf32>
    %mul3A_38 = arith.mulf %exp3A_36, %mul3A_37 : vector<1000x32xf32>
    %get3A_39 = arith.constant 0 : index
    %get3A_40 = arith.constant 0 : index
    %get3A_41 = vector.load %arg8[%get3A_39, %get3A_40] : memref<32x64xf32, #tpu.memory_space<vmem>>, vector<32x64xf32>
    %dot_general3A = arith.constant dense<0.000000e+00> : vector<1000x64xf32>
    %dot_general3A_42 = tpu.matmul %mul3A_38, %get3A_41, %dot_general3A {dimension_numbers = #tpu.dot_dimension_numbers<[1], [0], [0], [1], [0, 0, 1, 1], [], []>, transpose_lhs_hint = false} : vector<1000x32xf32>, vector<32x64xf32>, vector<1000x64xf32> -> vector<1000x64xf32>
    %get3A_43 = arith.constant 0 : index
    %get3A_44 = arith.constant 0 : index
    %get3A_45 = vector.load %arg11[%get3A_43, %get3A_44] : memref<1x64xf32, #tpu.memory_space<vmem>>, vector<1x64xf32>
    %add3A_46 = vector.broadcast %get3A_45 : vector<1x64xf32> to vector<1000x64xf32>
    %add3A_47 = arith.addf %dot_general3A_42, %add3A_46 : vector<1000x64xf32>
    %get3A_48 = arith.constant 0 : index
    %get3A_49 = arith.constant 0 : index
    %get3A_50 = vector.load %arg9[%get3A_48, %get3A_49] : memref<32x64xf32, #tpu.memory_space<vmem>>, vector<32x64xf32>
    %dot_general3A_51 = arith.constant dense<0.000000e+00> : vector<1000x64xf32>
    %dot_general3A_52 = tpu.matmul %mul3A_38, %get3A_50, %dot_general3A_51 {dimension_numbers = #tpu.dot_dimension_numbers<[1], [0], [0], [1], [0, 0, 1, 1], [], []>, transpose_lhs_hint = false} : vector<1000x32xf32>, vector<32x64xf32>, vector<1000x64xf32> -> vector<1000x64xf32>
    %get3A_53 = arith.constant 0 : index
    %get3A_54 = arith.constant 0 : index
    %get3A_55 = vector.load %arg12[%get3A_53, %get3A_54] : memref<1x64xf32, #tpu.memory_space<vmem>>, vector<1x64xf32>
    %add3A_56 = vector.broadcast %get3A_55 : vector<1x64xf32> to vector<1000x64xf32>
    %add3A_57 = arith.addf %dot_general3A_52, %add3A_56 : vector<1000x64xf32>
    %get3A_58 = arith.constant 0 : index
    %get3A_59 = arith.constant 0 : index
    %get3A_60 = vector.load %arg10[%get3A_58, %get3A_59] : memref<32x64xf32, #tpu.memory_space<vmem>>, vector<32x64xf32>
    %dot_general3A_61 = arith.constant dense<0.000000e+00> : vector<1000x64xf32>
    %dot_general3A_62 = tpu.matmul %mul3A_38, %get3A_60, %dot_general3A_61 {dimension_numbers = #tpu.dot_dimension_numbers<[1], [0], [0], [1], [0, 0, 1, 1], [], []>, transpose_lhs_hint = false} : vector<1000x32xf32>, vector<32x64xf32>, vector<1000x64xf32> -> vector<1000x64xf32>
    %get3A_63 = arith.constant 0 : index
    %get3A_64 = arith.constant 0 : index
    %get3A_65 = vector.load %arg13[%get3A_63, %get3A_64] : memref<1x64xf32, #tpu.memory_space<vmem>>, vector<1x64xf32>
    %add3A_66 = vector.broadcast %get3A_65 : vector<1x64xf32> to vector<1000x64xf32>
    %add3A_67 = arith.addf %dot_general3A_62, %add3A_66 : vector<1000x64xf32>
    %mul3A_68 = vector.broadcast %mul3A_24 : vector<1000x1xf32> to vector<1000x64xf32>
    %mul3A_69 = arith.mulf %mul3A_68, %add3A_12 : vector<1000x64xf32>
    %mul3A_70 = arith.mulf %mul3A_69, %add3A_47 : vector<1000x64xf32>
    %mul3A_71 = arith.mulf %mul3A_69, %add3A_57 : vector<1000x64xf32>
    %mul3A_72 = arith.mulf %mul3A_69, %add3A_67 : vector<1000x64xf32>
    %div3A = arith.constant 1.000000e+00 : f32
    %div3A_73 = vector.broadcast %div3A : f32 to vector<1000x1xf32>
    %div3A_74 = arith.divf %div3A_73, %get3A_1 : vector<1000x1xf32>
    %get3A_75 = arith.constant 0 : index
    %get3A_76 = arith.constant 0 : index
    %get3A_77 = vector.load %arg4[%get3A_75, %get3A_76] : memref<1000x3xf32, #tpu.memory_space<vmem>>, vector<1000x1xf32>
    %mul3A_78 = arith.mulf %get3A_77, %div3A_74 : vector<1000x1xf32>
    %get3A_79 = arith.constant 0 : index
    %get3A_80 = arith.constant 1 : index
    %get3A_81 = vector.load %arg4[%get3A_79, %get3A_80] : memref<1000x3xf32, #tpu.memory_space<vmem>>, vector<1000x1xf32>
    %mul3A_82 = arith.mulf %get3A_81, %div3A_74 : vector<1000x1xf32>
    %get3A_83 = arith.constant 0 : index
    %get3A_84 = arith.constant 2 : index
    %get3A_85 = vector.load %arg4[%get3A_83, %get3A_84] : memref<1000x3xf32, #tpu.memory_space<vmem>>, vector<1000x1xf32>
    %mul3A_86 = arith.mulf %get3A_85, %div3A_74 : vector<1000x1xf32>
    %swap3A = arith.constant 0 : index
    %swap3A_87 = arith.constant 0 : index
    %swap3A_88 = vector.load %arg15[%swap3A, %swap3A_87] : memref<1000x256xf32, #tpu.memory_space<vmem>>, vector<1000x64xf32>
    tpu.vector_store %arg15[%swap3A, %swap3A_87], %mul3A_70 {strides = array<i32>} : memref<1000x256xf32, #tpu.memory_space<vmem>>, vector<1000x64xf32>,
    %swap3A_89 = arith.constant 0 : index
    %swap3A_90 = arith.constant 64 : index
    %swap3A_91 = vector.load %arg15[%swap3A_89, %swap3A_90] : memref<1000x256xf32, #tpu.memory_space<vmem>>, vector<1000x64xf32>
    tpu.vector_store %arg15[%swap3A_89, %swap3A_90], %mul3A_71 {strides = array<i32>} : memref<1000x256xf32, #tpu.memory_space<vmem>>, vector<1000x64xf32>,
    %swap3A_92 = arith.constant 0 : index
    %swap3A_93 = arith.constant 128 : index
    %swap3A_94 = vector.load %arg15[%swap3A_92, %swap3A_93] : memref<1000x256xf32, #tpu.memory_space<vmem>>, vector<1000x64xf32>
    tpu.vector_store %arg15[%swap3A_92, %swap3A_93], %mul3A_72 {strides = array<i32>} : memref<1000x256xf32, #tpu.memory_space<vmem>>, vector<1000x64xf32>,
    %broadcast_in_dim3A = arith.constant 1.000000e+00 : f32
    %broadcast_in_dim3A_95 = vector.broadcast %broadcast_in_dim3A : f32 to vector<1000x1xf32>
    %swap3A_96 = arith.constant 0 : index
    %swap3A_97 = arith.constant 192 : index
    %swap3A_98 = vector.load %arg15[%swap3A_96, %swap3A_97] : memref<1000x256xf32, #tpu.memory_space<vmem>>, vector<1000x1xf32>
    tpu.vector_store %arg15[%swap3A_96, %swap3A_97], %broadcast_in_dim3A_95 {strides = array<i32>} : memref<1000x256xf32, #tpu.memory_space<vmem>>, vector<1000x1xf32>,
    %swap3A_99 = arith.constant 0 : index
    %swap3A_100 = arith.constant 193 : index
    %swap3A_101 = vector.load %arg15[%swap3A_99, %swap3A_100] : memref<1000x256xf32, #tpu.memory_space<vmem>>, vector<1000x1xf32>
    tpu.vector_store %arg15[%swap3A_99, %swap3A_100], %mul3A_78 {strides = array<i32>} : memref<1000x256xf32, #tpu.memory_space<vmem>>, vector<1000x1xf32>,
    %swap3A_102 = arith.constant 0 : index
    %swap3A_103 = arith.constant 194 : index
    %swap3A_104 = vector.load %arg15[%swap3A_102, %swap3A_103] : memref<1000x256xf32, #tpu.memory_space<vmem>>, vector<1000x1xf32>
    tpu.vector_store %arg15[%swap3A_102, %swap3A_103], %mul3A_82 {strides = array<i32>} : memref<1000x256xf32, #tpu.memory_space<vmem>>, vector<1000x1xf32>,
    %swap3A_105 = arith.constant 0 : index
    %swap3A_106 = arith.constant 195 : index
    %swap3A_107 = vector.load %arg15[%swap3A_105, %swap3A_106] : memref<1000x256xf32, #tpu.memory_space<vmem>>, vector<1000x1xf32>
    tpu.vector_store %arg15[%swap3A_105, %swap3A_106], %mul3A_86 {strides = array<i32>} : memref<1000x256xf32, #tpu.memory_space<vmem>>, vector<1000x1xf32>,
    %mul3A_108 = arith.mulf %mul3A_78, %mul3A_78 : vector<1000x1xf32>
    %swap3A_109 = arith.constant 0 : index
    %swap3A_110 = arith.constant 196 : index
    %swap3A_111 = vector.load %arg15[%swap3A_109, %swap3A_110] : memref<1000x256xf32, #tpu.memory_space<vmem>>, vector<1000x1xf32>
    tpu.vector_store %arg15[%swap3A_109, %swap3A_110], %mul3A_108 {strides = array<i32>} : memref<1000x256xf32, #tpu.memory_space<vmem>>, vector<1000x1xf32>,
    %mul3A_112 = arith.mulf %mul3A_78, %mul3A_82 : vector<1000x1xf32>
    %swap3A_113 = arith.constant 0 : index
    %swap3A_114 = arith.constant 197 : index
    %swap3A_115 = vector.load %arg15[%swap3A_113, %swap3A_114] : memref<1000x256xf32, #tpu.memory_space<vmem>>, vector<1000x1xf32>
    tpu.vector_store %arg15[%swap3A_113, %swap3A_114], %mul3A_112 {strides = array<i32>} : memref<1000x256xf32, #tpu.memory_space<vmem>>, vector<1000x1xf32>,
    %mul3A_116 = arith.mulf %mul3A_78, %mul3A_86 : vector<1000x1xf32>
    %swap3A_117 = arith.constant 0 : index
    %swap3A_118 = arith.constant 198 : index
    %swap3A_119 = vector.load %arg15[%swap3A_117, %swap3A_118] : memref<1000x256xf32, #tpu.memory_space<vmem>>, vector<1000x1xf32>
    tpu.vector_store %arg15[%swap3A_117, %swap3A_118], %mul3A_116 {strides = array<i32>} : memref<1000x256xf32, #tpu.memory_space<vmem>>, vector<1000x1xf32>,
    %mul3A_120 = arith.mulf %mul3A_82, %mul3A_82 : vector<1000x1xf32>
    %swap3A_121 = arith.constant 0 : index
    %swap3A_122 = arith.constant 199 : index
    %swap3A_123 = vector.load %arg15[%swap3A_121, %swap3A_122] : memref<1000x256xf32, #tpu.memory_space<vmem>>, vector<1000x1xf32>
    tpu.vector_store %arg15[%swap3A_121, %swap3A_122], %mul3A_120 {strides = array<i32>} : memref<1000x256xf32, #tpu.memory_space<vmem>>, vector<1000x1xf32>,
    %mul3A_124 = arith.mulf %mul3A_82, %mul3A_86 : vector<1000x1xf32>
    %swap3A_125 = arith.constant 0 : index
    %swap3A_126 = arith.constant 200 : index
    %swap3A_127 = vector.load %arg15[%swap3A_125, %swap3A_126] : memref<1000x256xf32, #tpu.memory_space<vmem>>, vector<1000x1xf32>
    tpu.vector_store %arg15[%swap3A_125, %swap3A_126], %mul3A_124 {strides = array<i32>} : memref<1000x256xf32, #tpu.memory_space<vmem>>, vector<1000x1xf32>,
    %mul3A_128 = arith.mulf %mul3A_86, %mul3A_86 : vector<1000x1xf32>
    %swap3A_129 = arith.constant 0 : index
    %swap3A_130 = arith.constant 201 : index
    %swap3A_131 = vector.load %arg15[%swap3A_129, %swap3A_130] : memref<1000x256xf32, #tpu.memory_space<vmem>>, vector<1000x1xf32>
    tpu.vector_store %arg15[%swap3A_129, %swap3A_130], %mul3A_128 {strides = array<i32>} : memref<1000x256xf32, #tpu.memory_space<vmem>>, vector<1000x1xf32>,
    %broadcast_in_dim3A_132 = arith.constant 0.000000e+00 : f32
    %broadcast_in_dim3A_133 = vector.broadcast %broadcast_in_dim3A_132 : f32 to vector<1000x54xf32>
    %swap3A_134 = arith.constant 0 : index
    %swap3A_135 = arith.constant 202 : index
    %swap3A_136 = vector.load %arg15[%swap3A_134, %swap3A_135] : memref<1000x256xf32, #tpu.memory_space<vmem>>, vector<1000x54xf32>
    tpu.vector_store %arg15[%swap3A_134, %swap3A_135], %broadcast_in_dim3A_133 {strides = array<i32>} : memref<1000x256xf32, #tpu.memory_space<vmem>>, vector<1000x54xf32>,
    return
  }
  func.func @transform_0(%arg0: i32) -> (i32, i32) {
    %c0_i32 = arith.constant 0 : i32
    %c0_i32_0 = arith.constant 0 : i32
    return %arg0, %c0_i32 : i32, i32
  }
  func.func @transform_1(%arg0: i32) -> (i32, i32) {
    %c0_i32 = arith.constant 0 : i32
    %c0_i32_0 = arith.constant 0 : i32
    return %arg0, %c0_i32 : i32, i32
  }
  func.func @transform_2(%arg0: i32) -> (i32, i32) {
    %c0_i32 = arith.constant 0 : i32
    %c0_i32_0 = arith.constant 0 : i32
    return %arg0, %c0_i32 : i32, i32
  }
  func.func @transform_3(%arg0: i32) -> (i32, i32) {
    %c0_i32 = arith.constant 0 : i32
    %c0_i32_0 = arith.constant 0 : i32
    return %arg0, %c0_i32 : i32, i32
  }
  func.func @transform_4(%arg0: i32) -> (i32, i32) {
    %c0_i32 = arith.constant 0 : i32
    %c0_i32_0 = arith.constant 0 : i32
    %c0_i32_1 = arith.constant 0 : i32
    return %c0_i32, %c0_i32_0 : i32, i32
  }
  func.func @transform_5(%arg0: i32) -> (i32, i32) {
    %c0_i32 = arith.constant 0 : i32
    %c0_i32_0 = arith.constant 0 : i32
    %c0_i32_1 = arith.constant 0 : i32
    return %c0_i32, %c0_i32_0 : i32, i32
  }
  func.func @transform_6(%arg0: i32) -> (i32, i32) {
    %c0_i32 = arith.constant 0 : i32
    %c0_i32_0 = arith.constant 0 : i32
    %c0_i32_1 = arith.constant 0 : i32
    return %c0_i32, %c0_i32_0 : i32, i32
  }
  func.func @transform_7(%arg0: i32) -> (i32, i32) {
    %c0_i32 = arith.constant 0 : i32
    %c0_i32_0 = arith.constant 0 : i32
    %c0_i32_1 = arith.constant 0 : i32
    return %c0_i32, %c0_i32_0 : i32, i32
  }
  func.func @transform_8(%arg0: i32) -> (i32, i32) {
    %c0_i32 = arith.constant 0 : i32
    %c0_i32_0 = arith.constant 0 : i32
    %c0_i32_1 = arith.constant 0 : i32
    return %c0_i32, %c0_i32_0 : i32, i32
  }
  func.func @transform_9(%arg0: i32) -> (i32, i32) {
    %c0_i32 = arith.constant 0 : i32
    %c0_i32_0 = arith.constant 0 : i32
    %c0_i32_1 = arith.constant 0 : i32
    return %c0_i32, %c0_i32_0 : i32, i32
  }
  func.func @transform_10(%arg0: i32) -> (i32, i32) {
    %c0_i32 = arith.constant 0 : i32
    %c0_i32_0 = arith.constant 0 : i32
    %c0_i32_1 = arith.constant 0 : i32
    return %c0_i32, %c0_i32_0 : i32, i32
  }
  func.func @transform_11(%arg0: i32) -> (i32, i32) {
    %c0_i32 = arith.constant 0 : i32
    %c0_i32_0 = arith.constant 0 : i32
    %c0_i32_1 = arith.constant 0 : i32
    return %c0_i32, %c0_i32_0 : i32, i32
  }
  func.func @transform_12(%arg0: i32) -> (i32, i32) {
    %c0_i32 = arith.constant 0 : i32
    %c0_i32_0 = arith.constant 0 : i32
    %c0_i32_1 = arith.constant 0 : i32
    return %c0_i32, %c0_i32_0 : i32, i32
  }
  func.func @transform_13(%arg0: i32) -> (i32, i32) {
    %c0_i32 = arith.constant 0 : i32
    %c0_i32_0 = arith.constant 0 : i32
    %c0_i32_1 = arith.constant 0 : i32
    return %c0_i32, %c0_i32_0 : i32, i32
  }
  func.func @transform_14(%arg0: i32) -> (i32, i32) {
    %c0_i32 = arith.constant 0 : i32
    %c0_i32_0 = arith.constant 0 : i32
    return %arg0, %c0_i32 : i32, i32
  }
}

module attributes {stable_mosaic.version = 14 : i64} {
  func.func @_atom_kernel(%arg0: i32, %arg1: memref<1000x640xf32, #tpu.memory_space<vmem>>, %arg2: memref<64x64xf32, #tpu.memory_space<vmem>>, %arg3: memref<64x64xf32, #tpu.memory_space<vmem>>, %arg4: memref<64x64xf32, #tpu.memory_space<vmem>>, %arg5: memref<64x128xf32, #tpu.memory_space<vmem>>, %arg6: memref<1x128xf32, #tpu.memory_space<vmem>>, %arg7: memref<128x192xf32, #tpu.memory_space<vmem>>, %arg8: memref<1x192xf32, #tpu.memory_space<vmem>>, %arg9: memref<1x64xf32, #tpu.memory_space<vmem>>, %arg10: memref<1x64xf32, #tpu.memory_space<vmem>>, %arg11: memref<1000x9x64xf32, #tpu.memory_space<vmem>>) attributes {dimension_semantics = [#tpu.dimension_semantics<arbitrary>], iteration_bounds = array<i64: 10>, scalar_prefetch = 0 : i64, scratch_operands = 0 : i64, tpu.core_type = #tpu.core_type<tc>, window_params = [{transform_indices = @transform_0, window_bounds = array<i64: 1000, 640>}, {pipeline_mode = #tpu.pipeline_mode<synchronous>, transform_indices = @transform_1, window_bounds = array<i64: 64, 64>}, {pipeline_mode = #tpu.pipeline_mode<synchronous>, transform_indices = @transform_2, window_bounds = array<i64: 64, 64>}, {pipeline_mode = #tpu.pipeline_mode<synchronous>, transform_indices = @transform_3, window_bounds = array<i64: 64, 64>}, {pipeline_mode = #tpu.pipeline_mode<synchronous>, transform_indices = @transform_4, window_bounds = array<i64: 64, 128>}, {pipeline_mode = #tpu.pipeline_mode<synchronous>, transform_indices = @transform_5, window_bounds = array<i64: 1, 128>}, {pipeline_mode = #tpu.pipeline_mode<synchronous>, transform_indices = @transform_6, window_bounds = array<i64: 128, 192>}, {pipeline_mode = #tpu.pipeline_mode<synchronous>, transform_indices = @transform_7, window_bounds = array<i64: 1, 192>}, {pipeline_mode = #tpu.pipeline_mode<synchronous>, transform_indices = @transform_8, window_bounds = array<i64: 1, 64>}, {pipeline_mode = #tpu.pipeline_mode<synchronous>, transform_indices = @transform_9, window_bounds = array<i64: 1, 64>}, {transform_indices = @transform_10, window_bounds = array<i64: 1000, 9, 64>}]} {
    %get3A = arith.constant 0 : index
    %get3A_0 = arith.constant 0 : index
    %get3A_1 = vector.load %arg1[%get3A, %get3A_0] : memref<1000x640xf32, #tpu.memory_space<vmem>>, vector<1000x64xf32>
    %get3A_2 = arith.constant 0 : index
    %get3A_3 = arith.constant 64 : index
    %get3A_4 = vector.load %arg1[%get3A_2, %get3A_3] : memref<1000x640xf32, #tpu.memory_space<vmem>>, vector<1000x64xf32>
    %get3A_5 = arith.constant 0 : index
    %get3A_6 = arith.constant 128 : index
    %get3A_7 = vector.load %arg1[%get3A_5, %get3A_6] : memref<1000x640xf32, #tpu.memory_space<vmem>>, vector<1000x64xf32>
    %get3A_8 = arith.constant 0 : index
    %get3A_9 = arith.constant 192 : index
    %get3A_10 = vector.load %arg1[%get3A_8, %get3A_9] : memref<1000x640xf32, #tpu.memory_space<vmem>>, vector<1000x64xf32>
    %get3A_11 = arith.constant 0 : index
    %get3A_12 = arith.constant 256 : index
    %get3A_13 = vector.load %arg1[%get3A_11, %get3A_12] : memref<1000x640xf32, #tpu.memory_space<vmem>>, vector<1000x64xf32>
    %get3A_14 = arith.constant 0 : index
    %get3A_15 = arith.constant 320 : index
    %get3A_16 = vector.load %arg1[%get3A_14, %get3A_15] : memref<1000x640xf32, #tpu.memory_space<vmem>>, vector<1000x64xf32>
    %get3A_17 = arith.constant 0 : index
    %get3A_18 = arith.constant 384 : index
    %get3A_19 = vector.load %arg1[%get3A_17, %get3A_18] : memref<1000x640xf32, #tpu.memory_space<vmem>>, vector<1000x64xf32>
    %get3A_20 = arith.constant 0 : index
    %get3A_21 = arith.constant 448 : index
    %get3A_22 = vector.load %arg1[%get3A_20, %get3A_21] : memref<1000x640xf32, #tpu.memory_space<vmem>>, vector<1000x64xf32>
    %get3A_23 = arith.constant 0 : index
    %get3A_24 = arith.constant 512 : index
    %get3A_25 = vector.load %arg1[%get3A_23, %get3A_24] : memref<1000x640xf32, #tpu.memory_space<vmem>>, vector<1000x64xf32>
    %get3A_26 = arith.constant 0 : index
    %get3A_27 = arith.constant 576 : index
    %get3A_28 = vector.load %arg1[%get3A_26, %get3A_27] : memref<1000x640xf32, #tpu.memory_space<vmem>>, vector<1000x64xf32>
    %add3A = arith.addf %get3A_13, %get3A_22 : vector<1000x64xf32>
    %add3A_29 = arith.addf %add3A, %get3A_28 : vector<1000x64xf32>
    %mul3A = arith.constant 33.3333321 : f32
    %mul3A_30 = vector.broadcast %mul3A : f32 to vector<1000x64xf32>
    %mul3A_31 = arith.mulf %add3A_29, %mul3A_30 : vector<1000x64xf32>
    %mul3A_32 = arith.constant 1.000000e+02 : f32
    %mul3A_33 = vector.broadcast %mul3A_32 : f32 to vector<1000x64xf32>
    %mul3A_34 = arith.mulf %mul3A_33, %get3A_13 : vector<1000x64xf32>
    %add3A_35 = arith.addf %get3A_1, %mul3A_34 : vector<1000x64xf32>
    %sub3A = arith.subf %add3A_35, %mul3A_31 : vector<1000x64xf32>
    %mul3A_36 = arith.constant 1.000000e+02 : f32
    %mul3A_37 = vector.broadcast %mul3A_36 : f32 to vector<1000x64xf32>
    %mul3A_38 = arith.mulf %mul3A_37, %get3A_22 : vector<1000x64xf32>
    %add3A_39 = arith.addf %get3A_1, %mul3A_38 : vector<1000x64xf32>
    %sub3A_40 = arith.subf %add3A_39, %mul3A_31 : vector<1000x64xf32>
    %mul3A_41 = arith.constant 1.000000e+02 : f32
    %mul3A_42 = vector.broadcast %mul3A_41 : f32 to vector<1000x64xf32>
    %mul3A_43 = arith.mulf %mul3A_42, %get3A_28 : vector<1000x64xf32>
    %add3A_44 = arith.addf %get3A_1, %mul3A_43 : vector<1000x64xf32>
    %sub3A_45 = arith.subf %add3A_44, %mul3A_31 : vector<1000x64xf32>
    %mul3A_46 = arith.constant 1.000000e+02 : f32
    %mul3A_47 = vector.broadcast %mul3A_46 : f32 to vector<1000x64xf32>
    %mul3A_48 = arith.mulf %mul3A_47, %get3A_16 : vector<1000x64xf32>
    %mul3A_49 = arith.constant 1.000000e+02 : f32
    %mul3A_50 = vector.broadcast %mul3A_49 : f32 to vector<1000x64xf32>
    %mul3A_51 = arith.mulf %mul3A_50, %get3A_19 : vector<1000x64xf32>
    %mul3A_52 = arith.constant 1.000000e+02 : f32
    %mul3A_53 = vector.broadcast %mul3A_52 : f32 to vector<1000x64xf32>
    %mul3A_54 = arith.mulf %mul3A_53, %get3A_25 : vector<1000x64xf32>
    %mul3A_55 = arith.constant 1.000000e+01 : f32
    %mul3A_56 = vector.broadcast %mul3A_55 : f32 to vector<1000x64xf32>
    %mul3A_57 = arith.mulf %mul3A_56, %get3A_4 : vector<1000x64xf32>
    %mul3A_58 = arith.constant 1.000000e+01 : f32
    %mul3A_59 = vector.broadcast %mul3A_58 : f32 to vector<1000x64xf32>
    %mul3A_60 = arith.mulf %mul3A_59, %get3A_7 : vector<1000x64xf32>
    %mul3A_61 = arith.constant 1.000000e+01 : f32
    %mul3A_62 = vector.broadcast %mul3A_61 : f32 to vector<1000x64xf32>
    %mul3A_63 = arith.mulf %mul3A_62, %get3A_10 : vector<1000x64xf32>
    %mul3A_64 = arith.mulf %sub3A, %sub3A : vector<1000x64xf32>
    %mul3A_65 = arith.mulf %sub3A_40, %sub3A_40 : vector<1000x64xf32>
    %add3A_66 = arith.addf %mul3A_64, %mul3A_65 : vector<1000x64xf32>
    %mul3A_67 = arith.mulf %sub3A_45, %sub3A_45 : vector<1000x64xf32>
    %add3A_68 = arith.addf %add3A_66, %mul3A_67 : vector<1000x64xf32>
    %sub3A_69 = arith.subf %mul3A_48, %mul3A_63 : vector<1000x64xf32>
    %integer_pow3A = arith.mulf %sub3A_69, %sub3A_69 : vector<1000x64xf32>
    %add3A_70 = arith.addf %add3A_68, %integer_pow3A : vector<1000x64xf32>
    %add3A_71 = arith.addf %mul3A_48, %mul3A_63 : vector<1000x64xf32>
    %integer_pow3A_72 = arith.mulf %add3A_71, %add3A_71 : vector<1000x64xf32>
    %add3A_73 = arith.addf %add3A_70, %integer_pow3A_72 : vector<1000x64xf32>
    %add3A_74 = arith.addf %mul3A_51, %mul3A_60 : vector<1000x64xf32>
    %integer_pow3A_75 = arith.mulf %add3A_74, %add3A_74 : vector<1000x64xf32>
    %add3A_76 = arith.addf %add3A_73, %integer_pow3A_75 : vector<1000x64xf32>
    %sub3A_77 = arith.subf %mul3A_51, %mul3A_60 : vector<1000x64xf32>
    %integer_pow3A_78 = arith.mulf %sub3A_77, %sub3A_77 : vector<1000x64xf32>
    %add3A_79 = arith.addf %add3A_76, %integer_pow3A_78 : vector<1000x64xf32>
    %sub3A_80 = arith.subf %mul3A_54, %mul3A_57 : vector<1000x64xf32>
    %integer_pow3A_81 = arith.mulf %sub3A_80, %sub3A_80 : vector<1000x64xf32>
    %add3A_82 = arith.addf %add3A_79, %integer_pow3A_81 : vector<1000x64xf32>
    %add3A_83 = arith.addf %mul3A_54, %mul3A_57 : vector<1000x64xf32>
    %integer_pow3A_84 = arith.mulf %add3A_83, %add3A_83 : vector<1000x64xf32>
    %add3A_85 = arith.addf %add3A_82, %integer_pow3A_84 : vector<1000x64xf32>
    %reduce_sum3A = arith.constant dense<0.000000e+00> : vector<1000xf32>
    %reduce_sum3A_86 = vector.multi_reduction <add>, %add3A_85, %reduce_sum3A [1] : vector<1000x64xf32> to vector<1000xf32>
    %broadcast_in_dim3A = vector.shape_cast %reduce_sum3A_86 : vector<1000xf32> to vector<1000x1xf32>
    %div3A = arith.constant 6.400000e+01 : f32
    %div3A_87 = vector.broadcast %div3A : f32 to vector<1000x1xf32>
    %div3A_88 = arith.divf %broadcast_in_dim3A, %div3A_87 : vector<1000x1xf32>
    %sub3A_89 = vector.broadcast %div3A_88 : vector<1000x1xf32> to vector<1000x64xf32>
    %sub3A_90 = arith.subf %add3A_85, %sub3A_89 : vector<1000x64xf32>
    %integer_pow3A_91 = arith.mulf %sub3A_90, %sub3A_90 : vector<1000x64xf32>
    %reduce_sum3A_92 = arith.constant dense<0.000000e+00> : vector<1000xf32>
    %reduce_sum3A_93 = vector.multi_reduction <add>, %integer_pow3A_91, %reduce_sum3A_92 [1] : vector<1000x64xf32> to vector<1000xf32>
    %broadcast_in_dim3A_94 = vector.shape_cast %reduce_sum3A_93 : vector<1000xf32> to vector<1000x1xf32>
    %div3A_95 = arith.constant 6.400000e+01 : f32
    %div3A_96 = vector.broadcast %div3A_95 : f32 to vector<1000x1xf32>
    %div3A_97 = arith.divf %broadcast_in_dim3A_94, %div3A_96 : vector<1000x1xf32>
    %sub3A_98 = vector.broadcast %div3A_88 : vector<1000x1xf32> to vector<1000x64xf32>
    %sub3A_99 = arith.subf %add3A_85, %sub3A_98 : vector<1000x64xf32>
    %add3A_100 = arith.constant 9.99999974E-6 : f32
    %add3A_101 = vector.broadcast %add3A_100 : f32 to vector<1000x1xf32>
    %add3A_102 = arith.addf %div3A_97, %add3A_101 : vector<1000x1xf32>
    %rsqrt3A = math.rsqrt %add3A_102 : vector<1000x1xf32>
    %mul3A_103 = vector.broadcast %rsqrt3A : vector<1000x1xf32> to vector<1000x64xf32>
    %mul3A_104 = arith.mulf %sub3A_99, %mul3A_103 : vector<1000x64xf32>
    %get3A_105 = arith.constant 0 : index
    %get3A_106 = arith.constant 0 : index
    %get3A_107 = vector.load %arg9[%get3A_105, %get3A_106] : memref<1x64xf32, #tpu.memory_space<vmem>>, vector<1x64xf32>
    %mul3A_108 = vector.broadcast %get3A_107 : vector<1x64xf32> to vector<1000x64xf32>
    %mul3A_109 = arith.mulf %mul3A_104, %mul3A_108 : vector<1000x64xf32>
    %get3A_110 = arith.constant 0 : index
    %get3A_111 = arith.constant 0 : index
    %get3A_112 = vector.load %arg10[%get3A_110, %get3A_111] : memref<1x64xf32, #tpu.memory_space<vmem>>, vector<1x64xf32>
    %add3A_113 = vector.broadcast %get3A_112 : vector<1x64xf32> to vector<1000x64xf32>
    %add3A_114 = arith.addf %mul3A_109, %add3A_113 : vector<1000x64xf32>
    %get3A_115 = arith.constant 0 : index
    %get3A_116 = arith.constant 0 : index
    %get3A_117 = vector.load %arg5[%get3A_115, %get3A_116] : memref<64x128xf32, #tpu.memory_space<vmem>>, vector<64x128xf32>
    %dot_general3A = arith.constant dense<0.000000e+00> : vector<1000x128xf32>
    %dot_general3A_118 = tpu.matmul %add3A_114, %get3A_117, %dot_general3A {dimension_numbers = #tpu.dot_dimension_numbers<[1], [0], [0], [1], [0, 0, 1, 1], [], []>, transpose_lhs_hint = false} : vector<1000x64xf32>, vector<64x128xf32>, vector<1000x128xf32> -> vector<1000x128xf32>
    %get3A_119 = arith.constant 0 : index
    %get3A_120 = arith.constant 0 : index
    %get3A_121 = vector.load %arg6[%get3A_119, %get3A_120] : memref<1x128xf32, #tpu.memory_space<vmem>>, vector<1x128xf32>
    %add3A_122 = vector.broadcast %get3A_121 : vector<1x128xf32> to vector<1000x128xf32>
    %add3A_123 = arith.addf %dot_general3A_118, %add3A_122 : vector<1000x128xf32>
    %neg3A = arith.constant 0.000000e+00 : f32
    %neg3A_124 = vector.broadcast %neg3A : f32 to vector<1000x128xf32>
    %neg3A_125 = arith.subf %neg3A_124, %add3A_123 : vector<1000x128xf32>
    %exp3A = math.exp %neg3A_125 : vector<1000x128xf32>
    %add3A_126 = arith.constant 1.000000e+00 : f32
    %add3A_127 = vector.broadcast %add3A_126 : f32 to vector<1000x128xf32>
    %add3A_128 = arith.addf %add3A_127, %exp3A : vector<1000x128xf32>
    %div3A_129 = arith.constant 1.000000e+00 : f32
    %div3A_130 = vector.broadcast %div3A_129 : f32 to vector<1000x128xf32>
    %div3A_131 = arith.divf %div3A_130, %add3A_128 : vector<1000x128xf32>
    %mul3A_132 = arith.mulf %add3A_123, %div3A_131 : vector<1000x128xf32>
    %get3A_133 = arith.constant 0 : index
    %get3A_134 = arith.constant 0 : index
    %get3A_135 = vector.load %arg7[%get3A_133, %get3A_134] : memref<128x192xf32, #tpu.memory_space<vmem>>, vector<128x192xf32>
    %dot_general3A_136 = arith.constant dense<0.000000e+00> : vector<1000x192xf32>
    %dot_general3A_137 = tpu.matmul %mul3A_132, %get3A_135, %dot_general3A_136 {dimension_numbers = #tpu.dot_dimension_numbers<[1], [0], [0], [1], [0, 0, 1, 1], [], []>, transpose_lhs_hint = false} : vector<1000x128xf32>, vector<128x192xf32>, vector<1000x192xf32> -> vector<1000x192xf32>
    %get3A_138 = arith.constant 0 : index
    %get3A_139 = arith.constant 0 : index
    %get3A_140 = vector.load %arg8[%get3A_138, %get3A_139] : memref<1x192xf32, #tpu.memory_space<vmem>>, vector<1x192xf32>
    %add3A_141 = vector.broadcast %get3A_140 : vector<1x192xf32> to vector<1000x192xf32>
    %add3A_142 = arith.addf %dot_general3A_137, %add3A_141 : vector<1000x192xf32>
    %neg3A_143 = arith.constant 0.000000e+00 : f32
    %neg3A_144 = vector.broadcast %neg3A_143 : f32 to vector<1000x192xf32>
    %neg3A_145 = arith.subf %neg3A_144, %add3A_142 : vector<1000x192xf32>
    %exp3A_146 = math.exp %neg3A_145 : vector<1000x192xf32>
    %add3A_147 = arith.constant 1.000000e+00 : f32
    %add3A_148 = vector.broadcast %add3A_147 : f32 to vector<1000x192xf32>
    %add3A_149 = arith.addf %add3A_148, %exp3A_146 : vector<1000x192xf32>
    %div3A_150 = arith.constant 1.000000e+00 : f32
    %div3A_151 = vector.broadcast %div3A_150 : f32 to vector<1000x192xf32>
    %div3A_152 = arith.divf %div3A_151, %add3A_149 : vector<1000x192xf32>
    %mul3A_153 = arith.mulf %add3A_142, %div3A_152 : vector<1000x192xf32>
    %slice3A = vector.extract_strided_slice %mul3A_153 {offsets = [0, 0], sizes = [1000, 64], strides = [1, 1]} : vector<1000x192xf32> to vector<1000x64xf32>
    %slice3A_154 = vector.extract_strided_slice %mul3A_153 {offsets = [0, 64], sizes = [1000, 64], strides = [1, 1]} : vector<1000x192xf32> to vector<1000x64xf32>
    %slice3A_155 = vector.extract_strided_slice %mul3A_153 {offsets = [0, 128], sizes = [1000, 64], strides = [1, 1]} : vector<1000x192xf32> to vector<1000x64xf32>
    %get3A_156 = arith.constant 0 : index
    %get3A_157 = arith.constant 0 : index
    %get3A_158 = vector.load %arg2[%get3A_156, %get3A_157] : memref<64x64xf32, #tpu.memory_space<vmem>>, vector<64x64xf32>
    %get3A_159 = arith.constant 0 : index
    %get3A_160 = arith.constant 0 : index
    %get3A_161 = vector.load %arg3[%get3A_159, %get3A_160] : memref<64x64xf32, #tpu.memory_space<vmem>>, vector<64x64xf32>
    %get3A_162 = arith.constant 0 : index
    %get3A_163 = arith.constant 0 : index
    %get3A_164 = vector.load %arg4[%get3A_162, %get3A_163] : memref<64x64xf32, #tpu.memory_space<vmem>>, vector<64x64xf32>
    %dot_general3A_165 = arith.constant dense<0.000000e+00> : vector<1000x64xf32>
    %dot_general3A_166 = tpu.matmul %get3A_1, %get3A_158, %dot_general3A_165 {dimension_numbers = #tpu.dot_dimension_numbers<[1], [0], [0], [1], [0, 0, 1, 1], [], []>, transpose_lhs_hint = false} : vector<1000x64xf32>, vector<64x64xf32>, vector<1000x64xf32> -> vector<1000x64xf32>
    %dot_general3A_167 = arith.constant dense<0.000000e+00> : vector<1000x64xf32>
    %dot_general3A_168 = tpu.matmul %get3A_4, %get3A_161, %dot_general3A_167 {dimension_numbers = #tpu.dot_dimension_numbers<[1], [0], [0], [1], [0, 0, 1, 1], [], []>, transpose_lhs_hint = false} : vector<1000x64xf32>, vector<64x64xf32>, vector<1000x64xf32> -> vector<1000x64xf32>
    %dot_general3A_169 = arith.constant dense<0.000000e+00> : vector<1000x64xf32>
    %dot_general3A_170 = tpu.matmul %get3A_7, %get3A_161, %dot_general3A_169 {dimension_numbers = #tpu.dot_dimension_numbers<[1], [0], [0], [1], [0, 0, 1, 1], [], []>, transpose_lhs_hint = false} : vector<1000x64xf32>, vector<64x64xf32>, vector<1000x64xf32> -> vector<1000x64xf32>
    %dot_general3A_171 = arith.constant dense<0.000000e+00> : vector<1000x64xf32>
    %dot_general3A_172 = tpu.matmul %get3A_10, %get3A_161, %dot_general3A_171 {dimension_numbers = #tpu.dot_dimension_numbers<[1], [0], [0], [1], [0, 0, 1, 1], [], []>, transpose_lhs_hint = false} : vector<1000x64xf32>, vector<64x64xf32>, vector<1000x64xf32> -> vector<1000x64xf32>
    %dot_general3A_173 = arith.constant dense<0.000000e+00> : vector<1000x64xf32>
    %dot_general3A_174 = tpu.matmul %get3A_13, %get3A_164, %dot_general3A_173 {dimension_numbers = #tpu.dot_dimension_numbers<[1], [0], [0], [1], [0, 0, 1, 1], [], []>, transpose_lhs_hint = false} : vector<1000x64xf32>, vector<64x64xf32>, vector<1000x64xf32> -> vector<1000x64xf32>
    %dot_general3A_175 = arith.constant dense<0.000000e+00> : vector<1000x64xf32>
    %dot_general3A_176 = tpu.matmul %get3A_16, %get3A_164, %dot_general3A_175 {dimension_numbers = #tpu.dot_dimension_numbers<[1], [0], [0], [1], [0, 0, 1, 1], [], []>, transpose_lhs_hint = false} : vector<1000x64xf32>, vector<64x64xf32>, vector<1000x64xf32> -> vector<1000x64xf32>
    %dot_general3A_177 = arith.constant dense<0.000000e+00> : vector<1000x64xf32>
    %dot_general3A_178 = tpu.matmul %get3A_19, %get3A_164, %dot_general3A_177 {dimension_numbers = #tpu.dot_dimension_numbers<[1], [0], [0], [1], [0, 0, 1, 1], [], []>, transpose_lhs_hint = false} : vector<1000x64xf32>, vector<64x64xf32>, vector<1000x64xf32> -> vector<1000x64xf32>
    %dot_general3A_179 = arith.constant dense<0.000000e+00> : vector<1000x64xf32>
    %dot_general3A_180 = tpu.matmul %get3A_22, %get3A_164, %dot_general3A_179 {dimension_numbers = #tpu.dot_dimension_numbers<[1], [0], [0], [1], [0, 0, 1, 1], [], []>, transpose_lhs_hint = false} : vector<1000x64xf32>, vector<64x64xf32>, vector<1000x64xf32> -> vector<1000x64xf32>
    %dot_general3A_181 = arith.constant dense<0.000000e+00> : vector<1000x64xf32>
    %dot_general3A_182 = tpu.matmul %get3A_25, %get3A_164, %dot_general3A_181 {dimension_numbers = #tpu.dot_dimension_numbers<[1], [0], [0], [1], [0, 0, 1, 1], [], []>, transpose_lhs_hint = false} : vector<1000x64xf32>, vector<64x64xf32>, vector<1000x64xf32> -> vector<1000x64xf32>
    %dot_general3A_183 = arith.constant dense<0.000000e+00> : vector<1000x64xf32>
    %dot_general3A_184 = tpu.matmul %get3A_28, %get3A_164, %dot_general3A_183 {dimension_numbers = #tpu.dot_dimension_numbers<[1], [0], [0], [1], [0, 0, 1, 1], [], []>, transpose_lhs_hint = false} : vector<1000x64xf32>, vector<64x64xf32>, vector<1000x64xf32> -> vector<1000x64xf32>
    %add3A_185 = arith.addf %dot_general3A_174, %dot_general3A_180 : vector<1000x64xf32>
    %add3A_186 = arith.addf %add3A_185, %dot_general3A_184 : vector<1000x64xf32>
    %mul3A_187 = arith.constant 33.3333321 : f32
    %mul3A_188 = vector.broadcast %mul3A_187 : f32 to vector<1000x64xf32>
    %mul3A_189 = arith.mulf %add3A_186, %mul3A_188 : vector<1000x64xf32>
    %mul3A_190 = arith.mulf %slice3A, %dot_general3A_166 : vector<1000x64xf32>
    %mul3A_191 = arith.constant 1.000000e+02 : f32
    %mul3A_192 = vector.broadcast %mul3A_191 : f32 to vector<1000x64xf32>
    %mul3A_193 = arith.mulf %slice3A_155, %mul3A_192 : vector<1000x64xf32>
    %mul3A_194 = arith.mulf %mul3A_193, %dot_general3A_176 : vector<1000x64xf32>
    %mul3A_195 = arith.constant 1.000000e+02 : f32
    %mul3A_196 = vector.broadcast %mul3A_195 : f32 to vector<1000x64xf32>
    %mul3A_197 = arith.mulf %slice3A_155, %mul3A_196 : vector<1000x64xf32>
    %mul3A_198 = arith.mulf %mul3A_197, %dot_general3A_178 : vector<1000x64xf32>
    %mul3A_199 = arith.constant 1.000000e+02 : f32
    %mul3A_200 = vector.broadcast %mul3A_199 : f32 to vector<1000x64xf32>
    %mul3A_201 = arith.mulf %slice3A_155, %mul3A_200 : vector<1000x64xf32>
    %mul3A_202 = arith.mulf %mul3A_201, %dot_general3A_182 : vector<1000x64xf32>
    %mul3A_203 = arith.constant 1.000000e+01 : f32
    %mul3A_204 = vector.broadcast %mul3A_203 : f32 to vector<1000x64xf32>
    %mul3A_205 = arith.mulf %slice3A_154, %mul3A_204 : vector<1000x64xf32>
    %mul3A_206 = arith.mulf %mul3A_205, %dot_general3A_168 : vector<1000x64xf32>
    %mul3A_207 = arith.constant 1.000000e+01 : f32
    %mul3A_208 = vector.broadcast %mul3A_207 : f32 to vector<1000x64xf32>
    %mul3A_209 = arith.mulf %slice3A_154, %mul3A_208 : vector<1000x64xf32>
    %mul3A_210 = arith.mulf %mul3A_209, %dot_general3A_170 : vector<1000x64xf32>
    %mul3A_211 = arith.constant 1.000000e+01 : f32
    %mul3A_212 = vector.broadcast %mul3A_211 : f32 to vector<1000x64xf32>
    %mul3A_213 = arith.mulf %slice3A_154, %mul3A_212 : vector<1000x64xf32>
    %mul3A_214 = arith.mulf %mul3A_213, %dot_general3A_172 : vector<1000x64xf32>
    %mul3A_215 = arith.constant 1.000000e+02 : f32
    %mul3A_216 = vector.broadcast %mul3A_215 : f32 to vector<1000x64xf32>
    %mul3A_217 = arith.mulf %mul3A_216, %dot_general3A_174 : vector<1000x64xf32>
    %sub3A_218 = arith.subf %mul3A_217, %mul3A_189 : vector<1000x64xf32>
    %mul3A_219 = arith.mulf %slice3A_155, %sub3A_218 : vector<1000x64xf32>
    %add3A_220 = arith.addf %mul3A_190, %mul3A_219 : vector<1000x64xf32>
    %swap3A = arith.constant 0 : index
    %swap3A_221 = arith.constant 0 : index
    %swap3A_222 = arith.constant 0 : index
    %swap3A_223 = vector.load %arg11[%swap3A, %swap3A_221, %swap3A_222] : memref<1000x9x64xf32, #tpu.memory_space<vmem>>, vector<1000x1x64xf32>
    %swap3A_224 = vector.shape_cast %swap3A_223 : vector<1000x1x64xf32> to vector<1000x64xf32>
    %swap3A_225 = vector.shape_cast %add3A_220 : vector<1000x64xf32> to vector<1000x1x64xf32>
    tpu.vector_store %arg11[%swap3A, %swap3A_221, %swap3A_222], %swap3A_225 {strides = array<i32>} : memref<1000x9x64xf32, #tpu.memory_space<vmem>>, vector<1000x1x64xf32>,
    %sub3A_226 = arith.subf %mul3A_194, %mul3A_214 : vector<1000x64xf32>
    %swap3A_227 = arith.constant 0 : index
    %swap3A_228 = arith.constant 1 : index
    %swap3A_229 = arith.constant 0 : index
    %swap3A_230 = vector.load %arg11[%swap3A_227, %swap3A_228, %swap3A_229] : memref<1000x9x64xf32, #tpu.memory_space<vmem>>, vector<1000x1x64xf32>
    %swap3A_231 = vector.shape_cast %swap3A_230 : vector<1000x1x64xf32> to vector<1000x64xf32>
    %swap3A_232 = vector.shape_cast %sub3A_226 : vector<1000x64xf32> to vector<1000x1x64xf32>
    tpu.vector_store %arg11[%swap3A_227, %swap3A_228, %swap3A_229], %swap3A_232 {strides = array<i32>} : memref<1000x9x64xf32, #tpu.memory_space<vmem>>, vector<1000x1x64xf32>,
    %add3A_233 = arith.addf %mul3A_198, %mul3A_210 : vector<1000x64xf32>
    %swap3A_234 = arith.constant 0 : index
    %swap3A_235 = arith.constant 2 : index
    %swap3A_236 = arith.constant 0 : index
    %swap3A_237 = vector.load %arg11[%swap3A_234, %swap3A_235, %swap3A_236] : memref<1000x9x64xf32, #tpu.memory_space<vmem>>, vector<1000x1x64xf32>
    %swap3A_238 = vector.shape_cast %swap3A_237 : vector<1000x1x64xf32> to vector<1000x64xf32>
    %swap3A_239 = vector.shape_cast %add3A_233 : vector<1000x64xf32> to vector<1000x1x64xf32>
    tpu.vector_store %arg11[%swap3A_234, %swap3A_235, %swap3A_236], %swap3A_239 {strides = array<i32>} : memref<1000x9x64xf32, #tpu.memory_space<vmem>>, vector<1000x1x64xf32>,
    %add3A_240 = arith.addf %mul3A_194, %mul3A_214 : vector<1000x64xf32>
    %swap3A_241 = arith.constant 0 : index
    %swap3A_242 = arith.constant 3 : index
    %swap3A_243 = arith.constant 0 : index
    %swap3A_244 = vector.load %arg11[%swap3A_241, %swap3A_242, %swap3A_243] : memref<1000x9x64xf32, #tpu.memory_space<vmem>>, vector<1000x1x64xf32>
    %swap3A_245 = vector.shape_cast %swap3A_244 : vector<1000x1x64xf32> to vector<1000x64xf32>
    %swap3A_246 = vector.shape_cast %add3A_240 : vector<1000x64xf32> to vector<1000x1x64xf32>
    tpu.vector_store %arg11[%swap3A_241, %swap3A_242, %swap3A_243], %swap3A_246 {strides = array<i32>} : memref<1000x9x64xf32, #tpu.memory_space<vmem>>, vector<1000x1x64xf32>,
    %mul3A_247 = arith.constant 1.000000e+02 : f32
    %mul3A_248 = vector.broadcast %mul3A_247 : f32 to vector<1000x64xf32>
    %mul3A_249 = arith.mulf %mul3A_248, %dot_general3A_180 : vector<1000x64xf32>
    %sub3A_250 = arith.subf %mul3A_249, %mul3A_189 : vector<1000x64xf32>
    %mul3A_251 = arith.mulf %slice3A_155, %sub3A_250 : vector<1000x64xf32>
    %add3A_252 = arith.addf %mul3A_190, %mul3A_251 : vector<1000x64xf32>
    %swap3A_253 = arith.constant 0 : index
    %swap3A_254 = arith.constant 4 : index
    %swap3A_255 = arith.constant 0 : index
    %swap3A_256 = vector.load %arg11[%swap3A_253, %swap3A_254, %swap3A_255] : memref<1000x9x64xf32, #tpu.memory_space<vmem>>, vector<1000x1x64xf32>
    %swap3A_257 = vector.shape_cast %swap3A_256 : vector<1000x1x64xf32> to vector<1000x64xf32>
    %swap3A_258 = vector.shape_cast %add3A_252 : vector<1000x64xf32> to vector<1000x1x64xf32>
    tpu.vector_store %arg11[%swap3A_253, %swap3A_254, %swap3A_255], %swap3A_258 {strides = array<i32>} : memref<1000x9x64xf32, #tpu.memory_space<vmem>>, vector<1000x1x64xf32>,
    %sub3A_259 = arith.subf %mul3A_202, %mul3A_206 : vector<1000x64xf32>
    %swap3A_260 = arith.constant 0 : index
    %swap3A_261 = arith.constant 5 : index
    %swap3A_262 = arith.constant 0 : index
    %swap3A_263 = vector.load %arg11[%swap3A_260, %swap3A_261, %swap3A_262] : memref<1000x9x64xf32, #tpu.memory_space<vmem>>, vector<1000x1x64xf32>
    %swap3A_264 = vector.shape_cast %swap3A_263 : vector<1000x1x64xf32> to vector<1000x64xf32>
    %swap3A_265 = vector.shape_cast %sub3A_259 : vector<1000x64xf32> to vector<1000x1x64xf32>
    tpu.vector_store %arg11[%swap3A_260, %swap3A_261, %swap3A_262], %swap3A_265 {strides = array<i32>} : memref<1000x9x64xf32, #tpu.memory_space<vmem>>, vector<1000x1x64xf32>,
    %sub3A_266 = arith.subf %mul3A_198, %mul3A_210 : vector<1000x64xf32>
    %swap3A_267 = arith.constant 0 : index
    %swap3A_268 = arith.constant 6 : index
    %swap3A_269 = arith.constant 0 : index
    %swap3A_270 = vector.load %arg11[%swap3A_267, %swap3A_268, %swap3A_269] : memref<1000x9x64xf32, #tpu.memory_space<vmem>>, vector<1000x1x64xf32>
    %swap3A_271 = vector.shape_cast %swap3A_270 : vector<1000x1x64xf32> to vector<1000x64xf32>
    %swap3A_272 = vector.shape_cast %sub3A_266 : vector<1000x64xf32> to vector<1000x1x64xf32>
    tpu.vector_store %arg11[%swap3A_267, %swap3A_268, %swap3A_269], %swap3A_272 {strides = array<i32>} : memref<1000x9x64xf32, #tpu.memory_space<vmem>>, vector<1000x1x64xf32>,
    %add3A_273 = arith.addf %mul3A_202, %mul3A_206 : vector<1000x64xf32>
    %swap3A_274 = arith.constant 0 : index
    %swap3A_275 = arith.constant 7 : index
    %swap3A_276 = arith.constant 0 : index
    %swap3A_277 = vector.load %arg11[%swap3A_274, %swap3A_275, %swap3A_276] : memref<1000x9x64xf32, #tpu.memory_space<vmem>>, vector<1000x1x64xf32>
    %swap3A_278 = vector.shape_cast %swap3A_277 : vector<1000x1x64xf32> to vector<1000x64xf32>
    %swap3A_279 = vector.shape_cast %add3A_273 : vector<1000x64xf32> to vector<1000x1x64xf32>
    tpu.vector_store %arg11[%swap3A_274, %swap3A_275, %swap3A_276], %swap3A_279 {strides = array<i32>} : memref<1000x9x64xf32, #tpu.memory_space<vmem>>, vector<1000x1x64xf32>,
    %mul3A_280 = arith.constant 1.000000e+02 : f32
    %mul3A_281 = vector.broadcast %mul3A_280 : f32 to vector<1000x64xf32>
    %mul3A_282 = arith.mulf %mul3A_281, %dot_general3A_184 : vector<1000x64xf32>
    %sub3A_283 = arith.subf %mul3A_282, %mul3A_189 : vector<1000x64xf32>
    %mul3A_284 = arith.mulf %slice3A_155, %sub3A_283 : vector<1000x64xf32>
    %add3A_285 = arith.addf %mul3A_190, %mul3A_284 : vector<1000x64xf32>
    %swap3A_286 = arith.constant 0 : index
    %swap3A_287 = arith.constant 8 : index
    %swap3A_288 = arith.constant 0 : index
    %swap3A_289 = vector.load %arg11[%swap3A_286, %swap3A_287, %swap3A_288] : memref<1000x9x64xf32, #tpu.memory_space<vmem>>, vector<1000x1x64xf32>
    %swap3A_290 = vector.shape_cast %swap3A_289 : vector<1000x1x64xf32> to vector<1000x64xf32>
    %swap3A_291 = vector.shape_cast %add3A_285 : vector<1000x64xf32> to vector<1000x1x64xf32>
    tpu.vector_store %arg11[%swap3A_286, %swap3A_287, %swap3A_288], %swap3A_291 {strides = array<i32>} : memref<1000x9x64xf32, #tpu.memory_space<vmem>>, vector<1000x1x64xf32>,
    return
  }
  func.func @transform_0(%arg0: i32) -> (i32, i32) {
    %c0_i32 = arith.constant 0 : i32
    %c0_i32_0 = arith.constant 0 : i32
    return %arg0, %c0_i32 : i32, i32
  }
  func.func @transform_1(%arg0: i32) -> (i32, i32) {
    %c0_i32 = arith.constant 0 : i32
    %c0_i32_0 = arith.constant 0 : i32
    %c0_i32_1 = arith.constant 0 : i32
    return %c0_i32, %c0_i32_0 : i32, i32
  }
  func.func @transform_2(%arg0: i32) -> (i32, i32) {
    %c0_i32 = arith.constant 0 : i32
    %c0_i32_0 = arith.constant 0 : i32
    %c0_i32_1 = arith.constant 0 : i32
    return %c0_i32, %c0_i32_0 : i32, i32
  }
  func.func @transform_3(%arg0: i32) -> (i32, i32) {
    %c0_i32 = arith.constant 0 : i32
    %c0_i32_0 = arith.constant 0 : i32
    %c0_i32_1 = arith.constant 0 : i32
    return %c0_i32, %c0_i32_0 : i32, i32
  }
  func.func @transform_4(%arg0: i32) -> (i32, i32) {
    %c0_i32 = arith.constant 0 : i32
    %c0_i32_0 = arith.constant 0 : i32
    %c0_i32_1 = arith.constant 0 : i32
    return %c0_i32, %c0_i32_0 : i32, i32
  }
  func.func @transform_5(%arg0: i32) -> (i32, i32) {
    %c0_i32 = arith.constant 0 : i32
    %c0_i32_0 = arith.constant 0 : i32
    %c0_i32_1 = arith.constant 0 : i32
    return %c0_i32, %c0_i32_0 : i32, i32
  }
  func.func @transform_6(%arg0: i32) -> (i32, i32) {
    %c0_i32 = arith.constant 0 : i32
    %c0_i32_0 = arith.constant 0 : i32
    %c0_i32_1 = arith.constant 0 : i32
    return %c0_i32, %c0_i32_0 : i32, i32
  }
  func.func @transform_7(%arg0: i32) -> (i32, i32) {
    %c0_i32 = arith.constant 0 : i32
    %c0_i32_0 = arith.constant 0 : i32
    %c0_i32_1 = arith.constant 0 : i32
    return %c0_i32, %c0_i32_0 : i32, i32
  }
  func.func @transform_8(%arg0: i32) -> (i32, i32) {
    %c0_i32 = arith.constant 0 : i32
    %c0_i32_0 = arith.constant 0 : i32
    %c0_i32_1 = arith.constant 0 : i32
    return %c0_i32, %c0_i32_0 : i32, i32
  }
  func.func @transform_9(%arg0: i32) -> (i32, i32) {
    %c0_i32 = arith.constant 0 : i32
    %c0_i32_0 = arith.constant 0 : i32
    %c0_i32_1 = arith.constant 0 : i32
    return %c0_i32, %c0_i32_0 : i32, i32
  }
  func.func @transform_10(%arg0: i32) -> (i32, i32, i32) {
    %c0_i32 = arith.constant 0 : i32
    %c0_i32_0 = arith.constant 0 : i32
    %c0_i32_1 = arith.constant 0 : i32
    return %arg0, %c0_i32, %c0_i32_0 : i32, i32, i32
  }
}

</mosaic_0001>

<sc_bundles>
// kernel: kernel.6.cloned.1.call-start
scs
__scs_entry_jumppad:
0x0: {  	(pc) =	sbr.rel $0x88, $3  }
0x1: {  	(tag) =	ssettag $0x0;
	lr =	simm.s32 $0x1  }
0x2: {  	[smem:$0x3F8B] =	sst lr;
	_ =	strace $0xD0000000  }
0x3: {  	_ = 	snop  }
0x4: {  	_ = 	snop  }
0x5: {  	_ = 	snop  }
0x6: {  	_ = 	snop  }
0x7: {  	_ = 	snop  }
__scs_overlays_trampoline_lowered:
0x8: {  	[smem:$0x3F9A] =	sst s0  }
0x9: {  	[smem:$0x3F9B] =	sst s1  }
0xa: {  	[smem:$0x3F9C] =	sst s2  }
0xb: {  	[smem:$0x3F9D] =	sst s3  }
0xc: {  	[smem:$0x3F9E] =	sst s4  }
0xd: {  	[smem:$0x3F9F] =	sst s5  }
0xe: {  	[smem:$0x3FA0] =	sst s6  }
0xf: {  	[smem:$0x3FA1] =	sst s7  }
0x10: {  	[smem:$0x3FA2] =	sst s8  }
0x11: {  	[smem:$0x3FA3] =	sst s9;
	s0 =	simm.s32 @!p0 $0x0  }
0x12: {  	s1 =	sld [smem:$0x3F89];
	s0 =	simm.s32 @p0 $0x1  }
0x13: {  	[smem:$0x3FA4] =	sst s0;
	s0 =	simm.s32 @!p1 $0x0  }
0x14: {  	s2 =	sld [smem:$0x3F88];
	s0 =	simm.s32 @p1 $0x1  }
0x15: {  	[smem:$0x3FA5] =	sst s0;
	s0 =	simm.s32 @!p2 $0x0  }
0x16: {  	s3 =	sld [smem:$0x3FDB];
	s0 =	simm.s32 @p2 $0x1  }
0x17: {  	s4 =	simm.s32 $0x1BF5;
	[smem:$0x3FA7] =	sst s0  }
0x18: {  	s0 =	sld [smem:$0x3F8A];
	_ =	swait.ge [sflag:s4], $0x0  }
0x19: {  	s7 =	sld [smem:$0x3F8B]  }
0x1a: {  	s8 =	sadd.s32 $0xFFFFE003, lr  }
0x1b: {  	s9 =	sadd.s32 $0xFFFFFEF7, lr;
	s5 =	simm.s32 $0xFFFFFFFF;
	p2 =	slt.u32 s8, $0xFFFFF086  }
0x1c: {  	p1 =	slt.u32 s9, $0xF7A;
	s5 =	simm.s32 @!p2 $0x0  }
0x1d: {  	s5 =	simm.s32 @p1 $0x1;
	p0 =	seq.s32 s7, s2  }
0x1e: {  	s7 =	smul.u32 @!p0 $0xF7A, s2;
	p2 =	seq.s32 @!p0 s5, $0x0  }
0x1f: {  	s9 =	smul.u32 $0xF7A, s1;
	s8 =	simm.s32 @!p0 $0x1BF5;
	p2 =	por !p2, p0  }
0x20: {  	[sflag:s8] =	ssyncset.s32 @!p0 $0xFFFFF086;
	s6 =	sadd.s32 @!p0 s3, s7;
	s7 =	simm.s32 @!p0 $0x108  }
0x21: {  	s3 =	sadd.s32 s3, s9;
	s6 =	sadd.s32 @!p0 $0x88, s6;
	s7 =	simm.s32 @p2 $0x1082  }
0x22: {  	[simem:s7], [sflag:s8] =	dma.local @!p0 [hbm:s6], $0xF7A  }
0x23: {  	s9 =	sor.u32 $0xD0000000, s2;
	s6 =	simm.s32 $0x108;
	_ =	swait.ge @!p0 [sflag:s8], $0x0  }
0x24: {  	s3 =	sadd.s32 $0x88, s3;
	s6 =	simm.s32 @!p1 $0x1082;
	[sflag:s4] =	ssyncset.s32 $0xFFFFF086  }
0x25: {  	[simem:s6], [sflag:s4] =	dma.local [hbm:s3], $0xF7A  }
0x26: {  	[smem:$0x3F8B] =	sst s1;
	(tag) =	ssettag s2;
	_ =	strace s9  }
0x27: {  	s1 =	sld [smem:$0x3F9B]  }
0x28: {  	s2 =	sld [smem:$0x3F9C]  }
0x29: {  	s4 =	sld [smem:$0x3F9E]  }
0x2a: {  	p0 =	seq.s32 s5, $0x0;
	s5 =	sld [smem:$0x3F9F]  }
0x2b: {  	s6 =	sld [smem:$0x3FA0]  }
0x2c: {  	s7 =	sld [smem:$0x3FA1]  }
0x2d: {  	s3 =	simm.s32 $0x108;
	s8 =	sld [smem:$0x3FA2]  }
0x2e: {  	s3 =	simm.s32 @!p0 $0x1082;
	s9 =	sld [smem:$0x3FA3]  }
0x2f: {  	lr =	sadd.s32 s0, s3;
	s0 =	sld [smem:$0x3F9A]  }
0x30: {  	s3 =	sld [smem:$0x3F9D]  }
0x31: {  	[smem:$0x3FA6] =	sst s10  }
0x32: {  	s10 =	sld [smem:$0x3FA4];
	_ =	sdelay $0x3  }
0x33: {  	p0 =	seq.s32 s10, $0x1;
	s10 =	sld [smem:$0x3FA6];
	_ =	sdelay $0x3  }
0x34: {  	[smem:$0x3FA6] =	sst s10  }
0x35: {  	s10 =	sld [smem:$0x3FA5];
	_ =	sdelay $0x3  }
0x36: {  	p1 =	seq.s32 s10, $0x1;
	s10 =	sld [smem:$0x3FA6];
	_ =	sdelay $0x3  }
0x37: {  	[smem:$0x3FA6] =	sst s10  }
0x38: {  	s10 =	sld [smem:$0x3FA7]  }
0x39: {  	_ = 	snop;
	(pc) =	sbr.ind lr, $3  }
0x3a: {  	_ = 	snop  }
0x3b: {  	_ = 	snop  }
0x3c: {  	p2 =	seq.s32 s10, $0x1;
	s10 =	sld [smem:$0x3FA6]  }
0x3d: {  	_ =	shalt  }
0x3e: {  	_ =	shalt  }
0x3f: {  	_ =	shalt  }
0x40: {  	_ =	shalt  }
0x41: {  	_ =	shalt  }
0x42: {  	_ =	shalt  }
0x43: {  	_ =	shalt  }
0x44: {  	_ =	shalt  }
0x45: {  	_ =	shalt  }
0x46: {  	_ =	shalt  }
0x47: {  	_ =	shalt  }
0x48: {  	_ =	shalt  }
0x49: {  	_ =	shalt  }
0x4a: {  	_ =	shalt  }
0x4b: {  	_ =	shalt  }
0x4c: {  	_ =	shalt  }
0x4d: {  	_ =	shalt  }
0x4e: {  	_ =	shalt  }
0x4f: {  	_ =	shalt  }
0x50: {  	_ =	shalt  }
0x51: {  	_ =	shalt  }
0x52: {  	_ =	shalt  }
0x53: {  	_ =	shalt  }
0x54: {  	_ =	shalt  }
0x55: {  	_ =	shalt  }
0x56: {  	_ =	shalt  }
0x57: {  	_ =	shalt  }
0x58: {  	_ =	shalt  }
0x59: {  	_ =	shalt  }
0x5a: {  	_ =	shalt  }
0x5b: {  	_ =	shalt  }
0x5c: {  	_ =	shalt  }
0x5d: {  	_ =	shalt  }
0x5e: {  	_ =	shalt  }
0x5f: {  	_ =	shalt  }
0x60: {  	_ =	shalt  }
0x61: {  	_ =	shalt  }
0x62: {  	_ =	shalt  }
0x63: {  	_ =	shalt  }
0x64: {  	_ =	shalt  }
0x65: {  	_ =	shalt  }
0x66: {  	_ =	shalt  }
0x67: {  	_ =	shalt  }
0x68: {  	_ =	shalt  }
0x69: {  	_ =	shalt  }
0x6a: {  	_ =	shalt  }
0x6b: {  	_ =	shalt  }
0x6c: {  	_ =	shalt  }
0x6d: {  	_ =	shalt  }
0x6e: {  	_ =	shalt  }
0x6f: {  	_ =	shalt  }
0x70: {  	_ =	shalt  }
0x71: {  	_ =	shalt  }
0x72: {  	_ =	shalt  }
0x73: {  	_ =	shalt  }
0x74: {  	_ =	shalt  }
0x75: {  	_ =	shalt  }
0x76: {  	_ =	shalt  }
0x77: {  	_ =	shalt  }
0x78: {  	_ =	shalt  }
0x79: {  	_ =	shalt  }
0x7a: {  	_ =	shalt  }
0x7b: {  	_ =	shalt  }
0x7c: {  	_ =	shalt  }
0x7d: {  	_ =	shalt  }
0x7e: {  	_ =	shalt  }
0x7f: {  	_ =	shalt  }
0x80: {  	_ =	shalt  }
0x81: {  	_ =	shalt  }
0x82: {  	_ =	shalt  }
0x83: {  	_ =	shalt  }
0x84: {  	_ =	shalt  }
0x85: {  	_ =	shalt  }
0x86: {  	_ =	shalt  }
0x87: {  	_ =	shalt  }
.Lfunc_end0:
.L_simem_size_0:
called_computation_lowered:
.L_overlay_start_0:
0x88: {  	s2 =	sld [smem:$0x3FD9]  }
0x89: {  	s3 =	sld [smem:$0x3FFE];
	_ =	sdelay $0x1  }
0x8a: {  	s1 =	srdreg.scid  }
0x8b: {  	s0 =	sand.u32 $0x1, s1  }
0x8c: {  	s17 =	sshll.u32 s0, $0xA;
	s2 =	sadd.s32 s3, s2  }
0x8d: {  	s2 =	sadd.s32 s2, s17  }
0x8e: {  	[smem:$0x3FB2] =	sst s2  }
0x8f: {  	_ = 	snop  }
0x90: {  	s2 =	sld [smem:$0x3FD0];
	(tm) =	ssettm $0x1  }
0x91: {  	s18 =	sld [smem:$0x3FFB];
	_ =	sdelay $0x3  }
0x92: {  	_ =	strace s18  }
0x93: {  	s3 =	sld [smem:$0x3FFC];
	_ =	sdelay $0x3  }
0x94: {  	_ =	strace s3  }
0x95: {  	s3 =	sld [smem:$0x3FFD];
	_ =	sdelay $0x3  }
0x96: {  	_ =	strace s3  }
0x97: {  	_ =	strace $0x8FFFFFFF  }
0x98: {  	s19 =	sld [smem:$0x3FDB];
	_ =	sdelay $0x1  }
0x99: {  	s4 =	simm.s32 $_scs_section_size  }
0x9a: {  	s5 =	simm.s32 $_size__tile_overlayer_lowered;
	s6 =	simm.s32 $_tile_overlayer_lowered  }
0x9b: {  	s22 =	simm.s32 $0x1BFF;
	s21 =	sshll.u32 s6, $0x1;
	s3 =	sadd.s32 s4, s19  }
0x9c: {  	s7 =	simm.s32 $0x0;
	s20 =	sshll.u32 s5, $0x1;
	s5 =	sadd.s32 s21, s3  }
0x9d: {  	[timem:s7], [sflag:s22] =	dma.local [hbm:s5], s20  }
0x9e: {  	_ =	swait.ge [sflag:s22], s20  }
0x9f: {  	s4 =	ssub.s32 $0x0, s20;
	[sflag:s22] =	ssyncset.done $0x0  }
0xa0: {  	[sflag:s22] =	ssyncadd.s32 s4;
	_ =	sdelay $0x1  }
0xa1: {  	s23 =	simm.s32 $0x1B8B  }
0xa2: {  	_ =	swait.ge [sflag:s23], $0x1  }
0xa3: {  	[sflag:s23] =	ssyncset.done $0x0  }
0xa4: {  	s25 =	simm.s32 $0x1B8E;
	s24 =	sld [smem:$0x3FFE];
	[sflag:s23] =	ssyncadd.s32 $0xFFFFFFFF  }
0xa5: {  	s26 =	simm.s32 $execute0_lowered;
	[smem:$0x3FD2] =	sst s25  }
0xa6: {  	s5 =	sshll.u32 s26, $0x1;
	_ =	strace $0x80000046;
	[dreg:$0x1] =	wrdreg $0xFFFFFFFF  }
0xa7: {  	s28 =	simm.s32 $_size_execute0_lowered;
	s3 =	sadd.s32 s3, s5;
	[dreg:$0x0] =	wrdreg $0x0  }
0xa8: {  	s5 =	sshll.u32 s28, $0x1;
	[dreg:$0x2] =	wrdreg s3  }
0xa9: {  	[dreg:$0x3] =	wrdreg s5  }
0xaa: {  	[dreg:$0x4] =	wrdreg $0xC0  }
0xab: {  	_ =	task [dreg:s7], $0x5FFFF  }
0xac: {  	[dreg:$0x1] =	wrdreg $0xFFFFFFFF  }
0xad: {  	[dreg:$0x0] =	wrdreg $0x60  }
0xae: {  	[dreg:$0x2] =	wrdreg s24  }
0xaf: {  	[dreg:$0x3] =	wrdreg s2  }
0xb0: {  	[dreg:$0x4] =	wrdreg $0x9  }
0xb1: {  	_ =	task.clear_ibuf [dreg:s7], $0x5FFFF;
	_ =	strace $0x90000046  }
0xb2: {  	s29 =	simm.s32 $0x9;
	_ =	strace $0x80000048  }
0xb3: {  	_ =	swait.ge [sflag:s29], $0x1  }
0xb4: {  	[sflag:s29] =	ssyncadd.s32 $0xFFFFFFFF  }
0xb5: {  	_ =	strace $0x90000048  }
0xb6: {  	_ =	sfence  }
0xb7: {  	s30 =	sld [smem:$0x0];
	_ =	sdelay $0x2  }
0xb8: {  	s31 =	sshll.u32 s1, $0xD;
	s1 =	sshrl.u32 s1, $0x2  }
0xb9: {  	s3 =	sand.u32 $0x4000, s31;
	s1 =	sadd.s32 s1, s30  }
0xba: {  	s0 =	sor.u32 s3, s0;
	s1 =	sshll.u32 s1, $0x11  }
0xbb: {  	s0 =	sor.u32 s1, s0  }
0xbc: {  	s0 =	sadd.s32 $0x8F2B, s0  }
0xbd: {  	[sflag:s0] =	ssyncadd.remote.s32 $0x1  }
0xbe: {  	_ =	sfence.sel $0xFFFF  }
0xbf: {  	[dreg:$0x0] =	wrdreg $0xFFFFFFFF;
	(pc) =	sbr.abs _section_cstart, $3  }
0xc0: {  	[dreg:$0x1] =	wrdreg $0xFFFFFFFF  }
0xc1: {  	_ =	task.clear_ibuf [dreg:s7], $0x2FFFF;
	_ =	strace $0x9FFFFFFF  }
0xc2: {  	(tm) =	ssettm $0x7FFFFFFF  }
0xc3: {  	_ =	shalt  }
tec
execute0_lowered:
.L_overlay_start_1:
0x0: {  	(tag) =	ssettag $0x1  }
0x1: {  	s5 =	rddreg [dreg:$0x0];
	s1 =	srdreg.scid  }
0x2: {  	s0 =	stileid.u32;
	s2 =	rddreg [dreg:$0x1];
	s3 =	simm.s32 $0x0  }
0x3: {  	s11 =	simm.s32 $0x28;
	s12 =	simm.s32 $0x1400;
	s13 =	simm.s32 $0x1  }
0x4: {  	s14 =	simm.s32 $0x0;
	s6 =	sand.u32 $0x1, s1;
	s4 =	sshll.u32 s0, $0x1  }
0x5: {  	[smem:$0x7FF] =	sst s3;
	s8 =	smul.u32 $0x27100, s0;
	s4 =	sor.u32 s6, s4  }
0x6: {  	s1 =	rddreg [dreg:$0x2];
	_ =	strace $0x80000047;
	s7 =	smul.u32 $0x1388, s4  }
0x7: {  	s9 =	ssub.s32 $0x2, s6;
	s6 =	smul.u32 $0x13880, s6;
	s4 =	sadd.s32 $0xD200, s5  }
0x8: {  	s8 =	sadd.s32 s8, s5;
	s31 =	sshrl.u32 s9, $0x1;
	s7 =	sshrl.u32 s7, $0x3  }
0x9: {  	s9 =	ssub.s32 s9, s31;
	s10 =	sadd.s32 s6, s8;
	s7 =	sadd.s32 s7, s5  }
0xa: {  	s8 =	sadd.s32 $0x34400, s10;
	s5 =	sadd.s32 $0x8200, s7;
	s6 =	sadd.s32 $0x3200, s7  }
0xb: {  	s7 =	smax.u32 s9, $0x1;
	s9 =	sadd.s32 $0x2A5400, s10;
	s10 =	simm.s32 $0x2  }
.LBB2_1:
0xc: {  	[tilespmem:s3], [sflag:$0x2] =	stream.linear.gather [hbm4b:s5+s3], $0x1388, $0x38;
	[tilespmem:$0x2800] =	vst v63  }
0xd: {  	_ =	swait.ge [sflag:s10], $0x1388  }
0xe: {  	[sflag:s10] =	ssyncset.done $0x0  }
0xf: {  	s15 =	simm.s32 $0x0;
	[sflag:s10] =	ssyncadd.s32 $0xFFFFEC78  }
0x10: {  	[tilespmem:s12], [sflag:$0x1] =	stream.indirect.gather [hbm4b:s4+s11], $0x80, s15, s11, $0xb8;
	[tilespmem:$0x2800] =	vst v63  }
0x11: {  	_ =	swait.ge [sflag:s13], $0x1400  }
0x12: {  	[sflag:s13] =	ssyncset.done $0x0  }
0x13: {  	[sflag:s13] =	ssyncadd.s32 $0xFFFFEC00  }
0x14: {  	[hbm4b:s8+s3] =	stream.linear.scatter [tilespmem:s12], [sflag:$0x2], $0x1400, $0x38;
	[tilespmem:$0x2800] =	vst v63  }
0x15: {  	s16 =	simm.s32 $0xA0;
	_ =	swait.ge [sflag:s10], $0x1400  }
0x16: {  	s17 =	simm.s32 $0x140;
	s15 =	sadd.s32 $0x280, s8;
	[sflag:s10] =	ssyncset.done $0x0  }
.LBB2_2:
0x17: {  	s18 =	sshra.s32 s16, $0x2  }
0x18: {  	[sflag:s10] =	ssyncadd.s32 $0xFFFFEC00;
	s16 =	smov.u32 s17;
	s19 =	sadd.s32 $0xA0, s17  }
0x19: {  	[tilespmem:s12], [sflag:$0x1] =	stream.indirect.gather [hbm4b:s4+s11], $0x80, s18, s11, $0xb8;
	[tilespmem:$0x2800] =	vst v63  }
0x1a: {  	p0 =	sne.s32 s17, $0x4D80;
	_ =	swait.ge [sflag:s13], $0x1400  }
.Ltmp0:
0x1b: {  	[sflag:s13] =	ssyncset.done $0x0;
	(pc) =	sbr.rel @p0 .LBB2_2-.Ltmp0, $4  }
0x1c: {  	[sflag:s13] =	ssyncadd.s32 $0xFFFFEC00  }
0x1d: {  	[hbm4b:s15+s3] =	stream.linear.scatter [tilespmem:s12], [sflag:$0x2], $0x1400, $0x38;
	[tilespmem:$0x2800] =	vst v63  }
0x1e: {  	_ =	swait.ge [sflag:s10], $0x1400  }
0x1f: {  	s17 =	smov.u32 s19;
	s15 =	sadd.s32 $0x280, s15;
	[sflag:s10] =	ssyncset.done $0x0  }
0x20: {  	s16 =	sshra.s32 s16, $0x2;
	[sflag:s10] =	ssyncadd.s32 $0xFFFFEC00  }
0x21: {  	[tilespmem:s12], [sflag:$0x1] =	stream.indirect.gather [hbm4b:s4+s11], $0x80, s16, s11, $0xb8;
	[tilespmem:$0x2800] =	vst v63  }
0x22: {  	_ =	swait.ge [sflag:s13], $0x1400  }
0x23: {  	[sflag:s13] =	ssyncset.done $0x0  }
0x24: {  	[sflag:s13] =	ssyncadd.s32 $0xFFFFEC00  }
0x25: {  	[hbm4b:s15+s3] =	stream.linear.scatter [tilespmem:s12], [sflag:$0x2], $0x1400, $0x38;
	[tilespmem:$0x2800] =	vst v63  }
0x26: {  	_ =	swait.ge [sflag:s10], $0x1400  }
0x27: {  	[sflag:s10] =	ssyncset.done $0x0  }
0x28: {  	s30 =	simm.s32 $0x0;
	[sflag:s10] =	ssyncadd.s32 $0xFFFFEC00  }
0x29: {  	[tilespmem:s30], [sflag:$0x2] =	stream.linear.gather [hbm4b:s6+s30], $0x1388, $0x38;
	[tilespmem:$0x2800] =	vst v63  }
0x2a: {  	_ =	swait.ge [sflag:s10], $0x1388  }
0x2b: {  	[sflag:s10] =	ssyncset.done $0x0  }
0x2c: {  	s31 =	simm.s32 $0x0;
	[sflag:s10] =	ssyncadd.s32 $0xFFFFEC78  }
0x2d: {  	[tilespmem:s12], [sflag:$0x1] =	stream.indirect.gather [hbm4b:s2+s11], $0x80, s31, s11, $0xb8;
	[tilespmem:$0x2800] =	vst v63  }
0x2e: {  	_ =	swait.ge [sflag:s13], $0x1400  }
0x2f: {  	[sflag:s13] =	ssyncset.done $0x0  }
0x30: {  	[sflag:s13] =	ssyncadd.s32 $0xFFFFEC00  }
0x31: {  	[hbm4b:s9+s3] =	stream.linear.scatter [tilespmem:s12], [sflag:$0x2], $0x1400, $0x38;
	[tilespmem:$0x2800] =	vst v63  }
0x32: {  	s17 =	simm.s32 $0x140;
	_ =	swait.ge [sflag:s10], $0x1400  }
0x33: {  	s16 =	simm.s32 $0xA0;
	s15 =	sadd.s32 $0x280, s9;
	[sflag:s10] =	ssyncset.done $0x0  }
.LBB2_4:
0x34: {  	s18 =	sshra.s32 s16, $0x2  }
0x35: {  	[sflag:s10] =	ssyncadd.s32 $0xFFFFEC00;
	s16 =	smov.u32 s17;
	s19 =	sadd.s32 $0xA0, s17  }
0x36: {  	[tilespmem:s12], [sflag:$0x1] =	stream.indirect.gather [hbm4b:s2+s11], $0x80, s18, s11, $0xb8;
	[tilespmem:$0x2800] =	vst v63  }
0x37: {  	p0 =	sne.s32 s17, $0x4D80;
	_ =	swait.ge [sflag:s13], $0x1400  }
.Ltmp1:
0x38: {  	[sflag:s13] =	ssyncset.done $0x0;
	(pc) =	sbr.rel @p0 .LBB2_4-.Ltmp1, $4  }
0x39: {  	[sflag:s13] =	ssyncadd.s32 $0xFFFFEC00  }
0x3a: {  	[hbm4b:s15+s3] =	stream.linear.scatter [tilespmem:s12], [sflag:$0x2], $0x1400, $0x38;
	[tilespmem:$0x2800] =	vst v63  }
0x3b: {  	_ =	swait.ge [sflag:s10], $0x1400  }
0x3c: {  	s17 =	smov.u32 s19;
	s15 =	sadd.s32 $0x280, s15;
	[sflag:s10] =	ssyncset.done $0x0  }
0x3d: {  	s16 =	sshra.s32 s16, $0x2;
	[sflag:s10] =	ssyncadd.s32 $0xFFFFEC00  }
0x3e: {  	[tilespmem:s12], [sflag:$0x1] =	stream.indirect.gather [hbm4b:s2+s11], $0x80, s16, s11, $0xb8;
	[tilespmem:$0x2800] =	vst v63  }
0x3f: {  	s14 =	sadd.s32 $0x1, s14;
	_ =	swait.ge [sflag:s13], $0x1400  }
0x40: {  	p0 =	sne.s32 s14, s7;
	[sflag:s13] =	ssyncset.done $0x0  }
.Ltmp2:
0x41: {  	[sflag:s13] =	ssyncadd.s32 $0xFFFFEC00;
	(pc) =	sbr.rel @p0 .LBB2_1-.Ltmp2, $4  }
0x42: {  	[hbm4b:s15+s3] =	stream.linear.scatter [tilespmem:s12], [sflag:$0x2], $0x1400, $0x38;
	[tilespmem:$0x2800] =	vst v63  }
0x43: {  	_ =	swait.ge [sflag:s10], $0x1400  }
0x44: {  	[sflag:s10] =	ssyncset.done $0x0  }
0x45: {  	[sflag:s10] =	ssyncadd.s32 $0xFFFFEC00  }
0x46: {  	_ =	sfence.sel $0x180000  }
0x47: {  	[bflag:$0x0] =	sbarrier.arrive $0xFFFF  }
0x48: {  	p0 =	sne.s32 s0, $0x0;
	_ =	strace $0x90000047  }
0x49: {  	s0 =	sadd.s32 @!p0 $0x100000, s1;
	[bflag:$0x2] =	sbarrier.arrive $0xFFFF  }
0x4a: {  	[sflag:s0] =	ssyncadd.tile.s32 @!p0 $0x1;
	_ =	shalt  }
.Lfunc_end2:
_tile_overlayer_lowered:
.L_overlay_start_2:
0x4b: {  	(tag) =	ssettag $0x2  }
0x4c: {  	s0 =	rddreg [dreg:$0x0];
	s2 =	stileid.u32  }
0x4d: {  	s1 =	rddreg [dreg:$0x1];
	p0 =	sne.s32 s2, $0x0  }
0x4e: {  	s3 =	rddreg [dreg:$0x2];
	[bflag:$0x3] =	sbarrier.arrive $0xFFFF;
	s2 =	simm.s32 @!p0 $0x1C02  }
0x4f: {  	[timem:s3], [sflag:s2] =	dma.local @!p0 [hbm:s0], s1  }
0x50: {  	s0 =	simm.s32 @!p0 $0x2  }
0x51: {  	_ =	swait.ge @!p0 [sflag:s0], s1  }
0x52: {  	s1 =	ssub.s32 @!p0 $0x0, s1;
	[sflag:s0] =	ssyncset.done @!p0 $0x0  }
0x53: {  	[sflag:s0] =	ssyncadd.s32 @!p0 s1  }
0x54: {  	[bflag:$0x3] =	sbarrier.arrive $0xFFFF  }
0x55: {  	_ =	shalt  }

// kernel: kernel.9.cloned.1.call-start
scs
__scs_entry_jumppad:
0x0: {  	(pc) =	sbr.rel $0x88, $3  }
0x1: {  	(tag) =	ssettag $0x0;
	lr =	simm.s32 $0x1  }
0x2: {  	[smem:$0x3F8B] =	sst lr;
	_ =	strace $0xD0000000  }
0x3: {  	_ = 	snop  }
0x4: {  	_ = 	snop  }
0x5: {  	_ = 	snop  }
0x6: {  	_ = 	snop  }
0x7: {  	_ = 	snop  }
__scs_overlays_trampoline_lowered:
0x8: {  	[smem:$0x3F9A] =	sst s0  }
0x9: {  	[smem:$0x3F9B] =	sst s1  }
0xa: {  	[smem:$0x3F9C] =	sst s2  }
0xb: {  	[smem:$0x3F9D] =	sst s3  }
0xc: {  	[smem:$0x3F9E] =	sst s4  }
0xd: {  	[smem:$0x3F9F] =	sst s5  }
0xe: {  	[smem:$0x3FA0] =	sst s6  }
0xf: {  	[smem:$0x3FA1] =	sst s7  }
0x10: {  	[smem:$0x3FA2] =	sst s8  }
0x11: {  	[smem:$0x3FA3] =	sst s9;
	s0 =	simm.s32 @!p0 $0x0  }
0x12: {  	s1 =	sld [smem:$0x3F89];
	s0 =	simm.s32 @p0 $0x1  }
0x13: {  	[smem:$0x3FA4] =	sst s0;
	s0 =	simm.s32 @!p1 $0x0  }
0x14: {  	s2 =	sld [smem:$0x3F88];
	s0 =	simm.s32 @p1 $0x1  }
0x15: {  	[smem:$0x3FA5] =	sst s0;
	s0 =	simm.s32 @!p2 $0x0  }
0x16: {  	s3 =	sld [smem:$0x3FDB];
	s0 =	simm.s32 @p2 $0x1  }
0x17: {  	s4 =	simm.s32 $0x1BF5;
	[smem:$0x3FA7] =	sst s0  }
0x18: {  	s0 =	sld [smem:$0x3F8A];
	_ =	swait.ge [sflag:s4], $0x0  }
0x19: {  	s7 =	sld [smem:$0x3F8B]  }
0x1a: {  	s8 =	sadd.s32 $0xFFFFE003, lr  }
0x1b: {  	s9 =	sadd.s32 $0xFFFFFEF7, lr;
	s5 =	simm.s32 $0xFFFFFFFF;
	p2 =	slt.u32 s8, $0xFFFFF086  }
0x1c: {  	p1 =	slt.u32 s9, $0xF7A;
	s5 =	simm.s32 @!p2 $0x0  }
0x1d: {  	s5 =	simm.s32 @p1 $0x1;
	p0 =	seq.s32 s7, s2  }
0x1e: {  	s7 =	smul.u32 @!p0 $0xF7A, s2;
	p2 =	seq.s32 @!p0 s5, $0x0  }
0x1f: {  	s9 =	smul.u32 $0xF7A, s1;
	s8 =	simm.s32 @!p0 $0x1BF5;
	p2 =	por !p2, p0  }
0x20: {  	[sflag:s8] =	ssyncset.s32 @!p0 $0xFFFFF086;
	s6 =	sadd.s32 @!p0 s3, s7;
	s7 =	simm.s32 @!p0 $0x108  }
0x21: {  	s3 =	sadd.s32 s3, s9;
	s6 =	sadd.s32 @!p0 $0x88, s6;
	s7 =	simm.s32 @p2 $0x1082  }
0x22: {  	[simem:s7], [sflag:s8] =	dma.local @!p0 [hbm:s6], $0xF7A  }
0x23: {  	s9 =	sor.u32 $0xD0000000, s2;
	s6 =	simm.s32 $0x108;
	_ =	swait.ge @!p0 [sflag:s8], $0x0  }
0x24: {  	s3 =	sadd.s32 $0x88, s3;
	s6 =	simm.s32 @!p1 $0x1082;
	[sflag:s4] =	ssyncset.s32 $0xFFFFF086  }
0x25: {  	[simem:s6], [sflag:s4] =	dma.local [hbm:s3], $0xF7A  }
0x26: {  	[smem:$0x3F8B] =	sst s1;
	(tag) =	ssettag s2;
	_ =	strace s9  }
0x27: {  	s1 =	sld [smem:$0x3F9B]  }
0x28: {  	s2 =	sld [smem:$0x3F9C]  }
0x29: {  	s4 =	sld [smem:$0x3F9E]  }
0x2a: {  	p0 =	seq.s32 s5, $0x0;
	s5 =	sld [smem:$0x3F9F]  }
0x2b: {  	s6 =	sld [smem:$0x3FA0]  }
0x2c: {  	s7 =	sld [smem:$0x3FA1]  }
0x2d: {  	s3 =	simm.s32 $0x108;
	s8 =	sld [smem:$0x3FA2]  }
0x2e: {  	s3 =	simm.s32 @!p0 $0x1082;
	s9 =	sld [smem:$0x3FA3]  }
0x2f: {  	lr =	sadd.s32 s0, s3;
	s0 =	sld [smem:$0x3F9A]  }
0x30: {  	s3 =	sld [smem:$0x3F9D]  }
0x31: {  	[smem:$0x3FA6] =	sst s10  }
0x32: {  	s10 =	sld [smem:$0x3FA4];
	_ =	sdelay $0x3  }
0x33: {  	p0 =	seq.s32 s10, $0x1;
	s10 =	sld [smem:$0x3FA6];
	_ =	sdelay $0x3  }
0x34: {  	[smem:$0x3FA6] =	sst s10  }
0x35: {  	s10 =	sld [smem:$0x3FA5];
	_ =	sdelay $0x3  }
0x36: {  	p1 =	seq.s32 s10, $0x1;
	s10 =	sld [smem:$0x3FA6];
	_ =	sdelay $0x3  }
0x37: {  	[smem:$0x3FA6] =	sst s10  }
0x38: {  	s10 =	sld [smem:$0x3FA7]  }
0x39: {  	_ = 	snop;
	(pc) =	sbr.ind lr, $3  }
0x3a: {  	_ = 	snop  }
0x3b: {  	_ = 	snop  }
0x3c: {  	p2 =	seq.s32 s10, $0x1;
	s10 =	sld [smem:$0x3FA6]  }
0x3d: {  	_ =	shalt  }
0x3e: {  	_ =	shalt  }
0x3f: {  	_ =	shalt  }
0x40: {  	_ =	shalt  }
0x41: {  	_ =	shalt  }
0x42: {  	_ =	shalt  }
0x43: {  	_ =	shalt  }
0x44: {  	_ =	shalt  }
0x45: {  	_ =	shalt  }
0x46: {  	_ =	shalt  }
0x47: {  	_ =	shalt  }
0x48: {  	_ =	shalt  }
0x49: {  	_ =	shalt  }
0x4a: {  	_ =	shalt  }
0x4b: {  	_ =	shalt  }
0x4c: {  	_ =	shalt  }
0x4d: {  	_ =	shalt  }
0x4e: {  	_ =	shalt  }
0x4f: {  	_ =	shalt  }
0x50: {  	_ =	shalt  }
0x51: {  	_ =	shalt  }
0x52: {  	_ =	shalt  }
0x53: {  	_ =	shalt  }
0x54: {  	_ =	shalt  }
0x55: {  	_ =	shalt  }
0x56: {  	_ =	shalt  }
0x57: {  	_ =	shalt  }
0x58: {  	_ =	shalt  }
0x59: {  	_ =	shalt  }
0x5a: {  	_ =	shalt  }
0x5b: {  	_ =	shalt  }
0x5c: {  	_ =	shalt  }
0x5d: {  	_ =	shalt  }
0x5e: {  	_ =	shalt  }
0x5f: {  	_ =	shalt  }
0x60: {  	_ =	shalt  }
0x61: {  	_ =	shalt  }
0x62: {  	_ =	shalt  }
0x63: {  	_ =	shalt  }
0x64: {  	_ =	shalt  }
0x65: {  	_ =	shalt  }
0x66: {  	_ =	shalt  }
0x67: {  	_ =	shalt  }
0x68: {  	_ =	shalt  }
0x69: {  	_ =	shalt  }
0x6a: {  	_ =	shalt  }
0x6b: {  	_ =	shalt  }
0x6c: {  	_ =	shalt  }
0x6d: {  	_ =	shalt  }
0x6e: {  	_ =	shalt  }
0x6f: {  	_ =	shalt  }
0x70: {  	_ =	shalt  }
0x71: {  	_ =	shalt  }
0x72: {  	_ =	shalt  }
0x73: {  	_ =	shalt  }
0x74: {  	_ =	shalt  }
0x75: {  	_ =	shalt  }
0x76: {  	_ =	shalt  }
0x77: {  	_ =	shalt  }
0x78: {  	_ =	shalt  }
0x79: {  	_ =	shalt  }
0x7a: {  	_ =	shalt  }
0x7b: {  	_ =	shalt  }
0x7c: {  	_ =	shalt  }
0x7d: {  	_ =	shalt  }
0x7e: {  	_ =	shalt  }
0x7f: {  	_ =	shalt  }
0x80: {  	_ =	shalt  }
0x81: {  	_ =	shalt  }
0x82: {  	_ =	shalt  }
0x83: {  	_ =	shalt  }
0x84: {  	_ =	shalt  }
0x85: {  	_ =	shalt  }
0x86: {  	_ =	shalt  }
0x87: {  	_ =	shalt  }
.Lfunc_end0:
.L_simem_size_0:
called_computation.1_lowered:
.L_overlay_start_0:
0x88: {  	s2 =	sld [smem:$0x3FD9]  }
0x89: {  	s3 =	sld [smem:$0x3FFE];
	_ =	sdelay $0x1  }
0x8a: {  	s1 =	srdreg.scid  }
0x8b: {  	s0 =	sand.u32 $0x1, s1  }
0x8c: {  	s16 =	sshll.u32 s0, $0xA;
	s2 =	sadd.s32 s3, s2  }
0x8d: {  	s2 =	sadd.s32 s2, s16  }
0x8e: {  	[smem:$0x3FB2] =	sst s2  }
0x8f: {  	_ = 	snop  }
0x90: {  	(tm) =	ssettm $0x1  }
0x91: {  	s17 =	sld [smem:$0x3FFB];
	_ =	sdelay $0x3  }
0x92: {  	_ =	strace s17  }
0x93: {  	s2 =	sld [smem:$0x3FFC];
	_ =	sdelay $0x3  }
0x94: {  	_ =	strace s2  }
0x95: {  	s2 =	sld [smem:$0x3FFD];
	_ =	sdelay $0x3  }
0x96: {  	_ =	strace s2  }
0x97: {  	_ =	strace $0x8FFFFFFF  }
0x98: {  	s18 =	sld [smem:$0x3FDB];
	_ =	sdelay $0x1  }
0x99: {  	s19 =	simm.s32 $_scs_section_size  }
0x9a: {  	s4 =	simm.s32 $_size__tile_overlayer_lowered;
	s5 =	simm.s32 $_tile_overlayer_lowered  }
0x9b: {  	s22 =	simm.s32 $0x1BFF;
	s21 =	sshll.u32 s5, $0x1;
	s2 =	sadd.s32 s19, s18  }
0x9c: {  	s6 =	simm.s32 $0x0;
	s20 =	sshll.u32 s4, $0x1;
	s4 =	sadd.s32 s21, s2  }
0x9d: {  	[timem:s6], [sflag:s22] =	dma.local [hbm:s4], s20  }
0x9e: {  	_ =	swait.ge [sflag:s22], s20  }
0x9f: {  	s3 =	ssub.s32 $0x0, s20;
	[sflag:s22] =	ssyncset.done $0x0  }
0xa0: {  	[sflag:s22] =	ssyncadd.s32 s3;
	_ =	sdelay $0x1  }
0xa1: {  	s23 =	simm.s32 $0x1B8B  }
0xa2: {  	_ =	swait.ge [sflag:s23], $0x1  }
0xa3: {  	[sflag:s23] =	ssyncset.done $0x0  }
0xa4: {  	s25 =	simm.s32 $0x1B8E;
	s24 =	sld [smem:$0x3FFE];
	[sflag:s23] =	ssyncadd.s32 $0xFFFFFFFF  }
0xa5: {  	s26 =	simm.s32 $execute0_lowered;
	[smem:$0x3FD2] =	sst s25  }
0xa6: {  	s4 =	sshll.u32 s26, $0x1;
	_ =	strace $0x80000049;
	[dreg:$0x1] =	wrdreg $0xFFFFFFFF  }
0xa7: {  	s28 =	simm.s32 $_size_execute0_lowered;
	s2 =	sadd.s32 s2, s4;
	[dreg:$0x0] =	wrdreg $0x0  }
0xa8: {  	s4 =	sshll.u32 s28, $0x1;
	[dreg:$0x2] =	wrdreg s2  }
0xa9: {  	[dreg:$0x3] =	wrdreg s4  }
0xaa: {  	[dreg:$0x4] =	wrdreg $0xC0  }
0xab: {  	_ =	task [dreg:s6], $0x5FFFF  }
0xac: {  	[dreg:$0x1] =	wrdreg $0xFFFFFFFF  }
0xad: {  	[dreg:$0x0] =	wrdreg $0x60  }
0xae: {  	[dreg:$0x2] =	wrdreg s24  }
0xaf: {  	[dreg:$0x3] =	wrdreg $0x176800  }
0xb0: {  	[dreg:$0x4] =	wrdreg $0x14E800  }
0xb1: {  	[dreg:$0x5] =	wrdreg $0x9  }
0xb2: {  	_ =	task.clear_ibuf [dreg:s6], $0x6FFFF;
	_ =	strace $0x90000049  }
0xb3: {  	s29 =	simm.s32 $0x9;
	_ =	strace $0x8000004B  }
0xb4: {  	_ =	swait.ge [sflag:s29], $0x1  }
0xb5: {  	[sflag:s29] =	ssyncadd.s32 $0xFFFFFFFF  }
0xb6: {  	_ =	strace $0x9000004B  }
0xb7: {  	_ =	sfence  }
0xb8: {  	s30 =	sld [smem:$0x0];
	_ =	sdelay $0x2  }
0xb9: {  	s31 =	sshll.u32 s1, $0xD;
	s1 =	sshrl.u32 s1, $0x2  }
0xba: {  	s3 =	sand.u32 $0x4000, s31;
	s1 =	sadd.s32 s1, s30  }
0xbb: {  	s0 =	sor.u32 s3, s0;
	s1 =	sshll.u32 s1, $0x11  }
0xbc: {  	s0 =	sor.u32 s1, s0  }
0xbd: {  	s0 =	sadd.s32 $0x8F2B, s0  }
0xbe: {  	[sflag:s0] =	ssyncadd.remote.s32 $0x1  }
0xbf: {  	_ =	sfence.sel $0xFFFF  }
0xc0: {  	[dreg:$0x0] =	wrdreg $0xFFFFFFFF;
	(pc) =	sbr.abs _section_cstart, $3  }
0xc1: {  	[dreg:$0x1] =	wrdreg $0xFFFFFFFF  }
0xc2: {  	_ =	task.clear_ibuf [dreg:s6], $0x2FFFF;
	_ =	strace $0x9FFFFFFF  }
0xc3: {  	(tm) =	ssettm $0x7FFFFFFF  }
tec
execute0_lowered:
.L_overlay_start_1:
0x0: {  	(tag) =	ssettag $0x1  }
0x1: {  	s0 =	rddreg [dreg:$0x0]  }
0x2: {  	s8 =	rddreg [dreg:$0x1]  }
0x3: {  	s3 =	rddreg [dreg:$0x2];
	s7 =	stileid.u32;
	s1 =	simm.s32 $0x0  }
0x4: {  	s21 =	srdreg.scid;
	s14 =	simm.s32 $0x2;
	s15 =	simm.s32 $0x2780  }
0x5: {  	s16 =	simm.s32 $0x1;
	s19 =	simm.s32 $0x5180;
	s20 =	simm.s32 $0x5380  }
0x6: {  	s28 =	simm.s32 $0x8280;
	s29 =	simm.s32 $0x8A80;
	s30 =	simm.s32 $0x9280  }
0x7: {  	s31 =	simm.s32 $0x0;
	s2 =	smul.u32 $0x2710, s7;
	[smem:$0x7FF] =	sst s1  }
0x8: {  	s1 =	sand.u32 $0x1, s21;
	s6 =	sadd.s32 $0x9F8400, s0;
	s5 =	smul.u32 $0xA000, s7  }
0x9: {  	s23 =	sshll.u32 s7, $0x6;
	s21 =	simm.s32 $0x5600;
	_ =	strace $0x8000004A  }
0xa: {  	s4 =	ssub.s32 $0x2, s1;
	s1 =	sshll.u32 s1, $0xA;
	[dreg:$0x7] =	wrdreg s23  }
0xb: {  	s24 =	sshrl.u32 s23, $0x2;
	v0 =	vmov s23;
	s23 =	simm.s32 $0x6280;
	[dreg:$0x4] =	wrdreg s2  }
0xc: {  	s2 =	sshrl.u32 s2, $0x3;
	s22 =	sshrl.u32 s4, $0x1;
	[dreg:$0x8] =	wrdreg s1  }
0xd: {  	s25 =	sshrl.u32 s5, $0x2;
	s1 =	sadd.s32 s24, s8;
	s24 =	simm.s32 $0x6A80  }
0xe: {  	s2 =	sadd.s32 s2, s0;
	s0 =	sadd.s32 $0xD200, s0;
	[dreg:$0x9] =	wrdreg s1  }
0xf: {  	v1 =	vlaneseq.u32;
	s26 =	sadd.s32 s25, s3;
	s25 =	simm.s32 $0x7280;
	[dreg:$0x5] =	wrdreg s0  }
0x10: {  	v2 =	vimm.s32 $0x0;
	v3 =	vimm.s32 $0x20000000;
	v4 =	vimm.f32 $0.0e+00;
	s0 =	ssub.s32 s4, s22;
	s2 =	sadd.s32 $0x8200, s2;
	[dreg:$0xa] =	wrdreg s26  }
0x11: {  	vm0 =	vmmov $0xffff;
	v8 =	vimm.s32 $0x40;
	v6 =	vshrl.u32 v1, $0x3;
	s1 =	simm.s32 $0x0;
	[dreg:$0x6] =	wrdreg s2;
	s0 =	smax.u32 s0, $0x1  }
0x12: {  	v5 =	vand.u32 $0x7, v1;
	v7 =	vor.u32 $0x8, v1;
	v6 =	vmul.u32 $0x8, v6;
	s22 =	simm.s32 $0x5A80;
	s26 =	simm.s32 $0x7A80;
	[dreg:$0xb] =	wrdreg s0  }
.LBB2_1:
0x13: {  	[dreg:$0xc] =	wrdreg s1  }
0x14: {  	s0 =	simm.s32 $0x0;
	s18 =	rddreg [dreg:$0x6]  }
0x15: {  	[tilespmem:s0], [sflag:$0x2] =	stream.linear.gather [hbm4b:s18+s0], $0x2710, $0x38;
	[tilespmem:$0x17690] =	vst v63  }
0x16: {  	_ =	swait.ge [sflag:s14], $0x2710  }
0x17: {  	[sflag:s14] =	ssyncset.done $0x0  }
0x18: {  	s0 =	simm.s32 $0x0;
	[sflag:s14] =	ssyncadd.s32 $0xFFFFD8F0  }
.LBB2_2:
0x19: {  	s2 =	simm.s32 $0x0  }
0x1a: {  	v10 =	vld [tilespmem:s2+$0x0];
	_ =	sdelay $0x1  }
0x1b: {  	s18 =	sshll.u32 s0, $0xB;
	s1 =	rddreg [dreg:$0x8]  }
0x1c: {  	[dreg:$0xd] =	wrdreg s0;
	s0 =	sor.u32 s1, s18  }
0x1d: {  	v9 =	vmov s0  }
0x1e: {  	v10 =	vsub.s32 v10, v9  }
0x1f: {  	vm1 =	vlt.u32 v10, $0x400  }
0x20: {  	v11 =	vsel vm1, $0x1, v2  }
0x21: {  	(xrf0) =	vadd.scan.msk.s32 $0xffff, v11;
	_ =	sdelay $0x1  }
0x22: {  	[dreg:$0xe] =	wrdreg s0;
	s0 =	simm.s32 $0x0  }
0x23: {  	v11 =	vmov s0  }
0x24: {  	v11 =	vadd.s32 $0xFFFFFFFF, v11  }
0x25: {  	v11 =	vbroadcast v11, $0x0  }
0x26: {  	v12, _, _ =	vpop (xrf0)  }
0x27: {  	v11 =	vadd.s32 v12, v11;
	(v2sf) =	vpush v12, $0xF;
	_ =	sdelay $0x1  }
0x28: {  	s2 =	rddreg [dreg:$0x4];
	v10 =	vshll.u32 v10, $0x12  }
0x29: {  	v10 =	vor.u32 s2, v10  }
0x2a: {  	v10 =	vor.u32 v1, v10  }
0x2b: {  	s5 =	simm.s32 $0x10;
	s4 =	simm.s32 $0x80;
	[tilespmem:v11+s15+$0x0] =	vst.idx.msk vm1, v10  }
.LBB2_3:
0x2c: {  	p0 =	seq.s32 s4, $0x9C00;
	v10 =	vld [tilespmem:s5+$0x0];
	_ =	sdelay $0x4  }
0x2d: {  	v10 =	vsub.s32 v10, v9  }
0x2e: {  	vm1 =	vlt.u32 v10, $0x400;
	v10 =	vshll.u32 v10, $0x12  }
0x2f: {  	v11 =	vsel vm1, $0x1, v2  }
0x30: {  	(xrf0) =	vadd.scan.msk.s32 $0xffff, v11  }
0x31: {  	s5 =	spop (v2sf)  }
0x32: {  	s0 =	sadd.s32 s0, s5  }
0x33: {  	v11 =	vmov s0  }
0x34: {  	v11 =	vadd.s32 $0xFFFFFFFF, v11  }
0x35: {  	v11 =	vbroadcast v11, $0x0  }
0x36: {  	v12, _, _ =	vpop (xrf0)  }
0x37: {  	v11 =	vadd.s32 v12, v11;
	(v2sf) =	vpush v12, $0xF  }
.Ltmp0:
0x38: {  	(pc) =	sbr.rel @!p0 .LBB2_3-.Ltmp0, $4  }
0x39: {  	s2 =	sadd.s32 $0x10, s2  }
0x3a: {  	v10 =	vor.u32 s2, v10  }
0x3b: {  	v10 =	vor.u32 v1, v10  }
0x3c: {  	s5 =	sshra.s32 s4, $0x2;
	s4 =	sadd.s32 $0x40, s4;
	[tilespmem:v11+s15+$0x0] =	vst.idx.msk vm1, v10  }
0x3d: {  	v10 =	vld [tilespmem:s5+$0x0];
	_ =	sdelay $0x4  }
0x3e: {  	v9 =	vsub.s32 v10, v9  }
0x3f: {  	vm1 =	vlt.u32 v9, $0x400  }
0x40: {  	v10 =	vsel vm1, $0x1, v2  }
0x41: {  	(xrf0) =	vadd.scan.msk.s32 $0xffff, v10;
	_ =	sdelay $0x5  }
0x42: {  	v10, _, _ =	vpop (xrf0)  }
0x43: {  	(v2sf) =	vpush v10, $0xF;
	_ =	sdelay $0x4  }
0x44: {  	s4 =	spop (v2sf)  }
0x45: {  	s0 =	sadd.s32 s0, s4  }
0x46: {  	v11 =	vmov s0  }
0x47: {  	v11 =	vadd.s32 $0xFFFFFFFF, v11  }
0x48: {  	v11 =	vbroadcast v11, $0x0;
	_ =	sdelay $0x1  }
0x49: {  	v10 =	vadd.s32 v10, v11;
	_ =	sdelay $0x1  }
0x4a: {  	s2 =	sadd.s32 $0x10, s2;
	v9 =	vshll.u32 v9, $0x12  }
0x4b: {  	v9 =	vor.u32 s2, v9  }
0x4c: {  	v9 =	vor.u32 v1, v9;
	s12 =	spop (v2sf)  }
0x4d: {  	[tilespmem:v10+s15+$0x0] =	vst.idx.msk vm1, v9;
	s0 =	sadd.s32 s0, s12  }
0x4e: {  	[tilespmem:s0+$0x2780] =	vst v3  }
0x4f: {  	[tilespmem:s0+$0x2790] =	vst v3  }
0x50: {  	[tilespmem:s0+$0x27A0] =	vst v3  }
0x51: {  	[tilespmem:s0+$0x27B0] =	vst v3  }
0x52: {  	[tilespmem:s0+$0x27C0] =	vst v3  }
0x53: {  	[tilespmem:s0+$0x27D0] =	vst v3  }
0x54: {  	[tilespmem:s0+$0x27E0] =	vst v3  }
0x55: {  	[tilespmem:s0+$0x27F0] =	vst v3  }
0x56: {  	[tilespmem:s0+$0x2800] =	vst v3  }
0x57: {  	[tilespmem:s0+$0x2810] =	vst v3  }
0x58: {  	[tilespmem:s0+$0x2820] =	vst v3  }
0x59: {  	[tilespmem:s0+$0x2830] =	vst v3  }
0x5a: {  	[tilespmem:s0+$0x2840] =	vst v3  }
0x5b: {  	[tilespmem:s0+$0x2850] =	vst v3  }
0x5c: {  	[tilespmem:s0+$0x2860] =	vst v3  }
0x5d: {  	[tilespmem:s0+$0x2870] =	vst v3  }
0x5e: {  	[tilespmem:s0+$0x2880] =	vst v3  }
0x5f: {  	[tilespmem:s0+$0x2890] =	vst v3  }
0x60: {  	[tilespmem:s0+$0x28A0] =	vst v3  }
0x61: {  	[tilespmem:s0+$0x28B0] =	vst v3  }
0x62: {  	[tilespmem:s0+$0x28C0] =	vst v3  }
0x63: {  	[tilespmem:s0+$0x28D0] =	vst v3  }
0x64: {  	[tilespmem:s0+$0x28E0] =	vst v3;
	s2 =	sadd.s32 $0x1FF, s0  }
0x65: {  	[tilespmem:s0+$0x28F0] =	vst v3;
	s13 =	sand.u32 $0x1FF, s2  }
0x66: {  	[tilespmem:s0+$0x2900] =	vst v3;
	s17 =	sshra.s32 s2, $0x1F;
	p1 =	slt.s32 s2, $0x1;
	p0 =	sne.s32 s13, $0x0  }
0x67: {  	[tilespmem:s0+$0x2910] =	vst v3;
	s4 =	sshrl.u32 s17, $0x17;
	p0 =	por !p1, !p0  }
0x68: {  	[tilespmem:s0+$0x2920] =	vst v3;
	s2 =	sadd.s32 s4, s2;
	s4 =	simm.s32 $0x1;
	p0 =	por !p0, !p0  }
0x69: {  	[tilespmem:s0+$0x2930] =	vst v3;
	s2 =	sshrl.u32 s2, $0x9;
	s4 =	simm.s32 @!p0 $0x0  }
0x6a: {  	[tilespmem:s0+$0x2940] =	vst v3;
	s2 =	ssub.s32 s2, s4  }
0x6b: {  	[tilespmem:s0+$0x2950] =	vst v3;
	s2 =	sshll.u32 s2, $0x9  }
0x6c: {  	[tilespmem:s0+$0x2960] =	vst v3;
	v9 =	vmov s2;
	s2 =	sshra.s32 s2, $0x9  }
0x6d: {  	[tilespmem:s0+$0x2970] =	vst v3;
	p0 =	sgt.s32 s2, $0x0  }
.Ltmp1:
0x6e: {  	s18 =	rddreg [dreg:$0x9];
	s1 =	simm.s32 $0x5900;
	[tilespmem:$0x5900] =	vst v9;
	(pc) =	sbr.rel @!p0 .LBB2_8-.Ltmp1, $4  }
0x6f: {  	[spmem:s18] =	stream.linear.scatter [tilespmem:s1], [sflag:$0x2], $0x10, $0x38;
	[tilespmem:$0x17690] =	vst v63  }
0x70: {  	_ =	swait.ge [sflag:s14], $0x10  }
0x71: {  	[sflag:s14] =	ssyncset.done $0x0  }
0x72: {  	s0 =	simm.s32 $0x2780;
	[sflag:s14] =	ssyncadd.s32 $0xFFFFFFF0  }
0x73: {  	p0 =	sne.s32 s2, $0x1  }
.Ltmp2:
0x74: {  	_ = 	snop;
	(pc) =	sbr.rel @!p0 .LBB2_7-.Ltmp2, $4  }
0x75: {  	s4 =	rddreg [dreg:$0xa]  }
0x76: {  	[spmem:s4] =	stream.linear.scatter [tilespmem:s0], [sflag:$0x2], $0x200, $0x38;
	[tilespmem:$0x17690] =	vst v63  }
0x77: {  	_ =	swait.ge [sflag:s14], $0x200  }
0x78: {  	s2 =	sadd.s32 $0xFFFFFFFF, s2;
	[sflag:s14] =	ssyncset.done $0x0  }
.LBB2_6:
0x79: {  	[sflag:s14] =	ssyncadd.s32 $0xFFFFFE00  }
0x7a: {  	s0 =	sadd.s32 $0x200, s0;
	s4 =	sadd.s32 $0x200, s4;
	p0 =	sne.s32 s2, $0x1  }
.Ltmp3:
0x7b: {  	s2 =	sadd.s32 $0xFFFFFFFF, s2;
	(pc) =	sbr.rel @p0 .LBB2_6-.Ltmp3, $4  }
0x7c: {  	_ = 	snop  }
0x7d: {  	[spmem:s4] =	stream.linear.scatter [tilespmem:s0], [sflag:$0x2], $0x200, $0x38;
	[tilespmem:$0x17690] =	vst v63  }
0x7e: {  	_ =	swait.ge [sflag:s14], $0x200  }
0x7f: {  	[sflag:s14] =	ssyncset.done $0x0  }
.LBB2_7:
0x80: {  	[sflag:s14] =	ssyncadd.s32 $0xFFFFFE00  }
.LBB2_8:
0x81: {  	s0 =	simm.s32 $0x0  }
0x82: {  	s2 =	smul.u32 $0xCCCD, s0;
	_ =	sdelay $0x1  }
0x83: {  	s0 =	sshrl.u32 s2, $0x15  }
0x84: {  	s4 =	smul.u32 $0x28, s0  }
0x85: {  	s7 =	sshrl.u32 s2, $0x18;
	s18 =	sshrl.u32 s2, $0xE  }
0x86: {  	s0 =	simm.s32 $0x1;
	s9 =	smul.u32 $0x5000, s7;
	s5 =	ssub.s32 $0x0, s4  }
0x87: {  	s7 =	sand.u32 $0x380, s18;
	s2 =	smul.u32 $0xCCCD, s0;
	s8 =	sshll.u32 s5, $0x7  }
0x88: {  	s4 =	simm.s32 $0x2;
	s9 =	sshrl.u32 s9, $0x2;
	s8 =	sand.u32 $0x1C00, s8  }
.LBB2_9:
0x89: {  	p0 =	sne.s32 s4, $0xB3F  }
0x8a: {  	s5 =	sshll.u32 s5, $0x4;
	s8 =	sadd.s32 s8, s9;
	s9 =	sshrl.u32 s2, $0x15  }
0x8b: {  	s5 =	sand.u32 $0x70, s5;
	s7 =	sor.u32 s7, s8;
	s8 =	smul.u32 $0x28, s9  }
.Ltmp4:
0x8c: {  	s5 =	sor.u32 s5, s7;
	(pc) =	sbr.rel @p0 .LBB2_9-.Ltmp4, $4  }
0x8d: {  	s7 =	sshrl.u32 s2, $0x18;
	[tilespmem:s5+$0x9A80] =	vst v4;
	s5 =	smov.u32 s0;
	s0 =	smov.u32 s4  }
0x8e: {  	s9 =	smul.u32 $0x5000, s7;
	s5 =	ssub.s32 s5, s8;
	s8 =	sshrl.u32 s2, $0xE  }
0x8f: {  	s2 =	smul.u32 $0xCCCD, s4;
	s10 =	sshll.u32 s5, $0x7;
	s7 =	sand.u32 $0x380, s8  }
0x90: {  	s4 =	sadd.s32 $0x1, s4;
	s9 =	sshrl.u32 s9, $0x2;
	s8 =	sand.u32 $0x1C00, s10  }
0x91: {  	s4 =	sshrl.u32 s2, $0x15  }
0x92: {  	s4 =	smul.u32 $0x28, s4  }
0x93: {  	s8 =	sadd.s32 s8, s9;
	s10 =	sshrl.u32 s2, $0x18  }
0x94: {  	s11 =	sshll.u32 s5, $0x4;
	s12 =	smul.u32 $0x5000, s10;
	s0 =	ssub.s32 s0, s4  }
0x95: {  	s17 =	sshrl.u32 s2, $0xE;
	s7 =	sor.u32 s7, s8;
	s13 =	sshll.u32 s0, $0x7  }
0x96: {  	s2 =	sand.u32 $0x380, s17;
	s5 =	sshrl.u32 s12, $0x2;
	s8 =	sand.u32 $0x1C00, s13  }
0x97: {  	s4 =	sand.u32 $0x70, s11;
	s0 =	sshll.u32 s0, $0x4;
	s5 =	sadd.s32 s8, s5  }
0x98: {  	s4 =	sor.u32 s4, s7;
	s0 =	sand.u32 $0x70, s0;
	s2 =	sor.u32 s2, s5  }
0x99: {  	[tilespmem:s4+$0x9A80] =	vst v4;
	s0 =	sor.u32 s0, s2  }
0x9a: {  	[tilespmem:s0+$0x9A80] =	vst v4  }
0x9b: {  	[bflag:$0x0] =	sbarrier.arrive $0xFFFF  }
.Ltmp5:
0x9c: {  	s1 =	simm.s32 $0x5980;
	s18 =	rddreg [dreg:$0x1];
	(pc) =	sbr.rel .LBB2_11-.Ltmp5, $4  }
0x9d: {  	[tilespmem:s1], [sflag:$0x2] =	stream.linear.gather [spmem:s18], $0x100, $0x38;
	[tilespmem:$0x17690] =	vst v63  }
0x9e: {  	_ =	swait.ge [sflag:s14], $0x100  }
0x9f: {  	[sflag:s14] =	ssyncset.done $0x0  }
0xa0: {  	s4 =	simm.s32 $0x0;
	s13 =	simm.s32 $0x0;
	[sflag:s14] =	ssyncadd.s32 $0xFFFFFF00  }
.LBB2_20:
0xa1: {  	s13 =	sadd.s32 $0x1, s13  }
0xa2: {  	p0 =	sne.s32 s13, $0x10  }
.Ltmp6:
0xa3: {  	_ = 	snop;
	(pc) =	sbr.rel @!p0 .LBB2_21-.Ltmp6, $1  }
0xa4: {  	_ =	sdelay $0x3  }
.LBB2_11:
0xa5: {  	s0 =	sshll.u32 s13, $0x4  }
0xa6: {  	s0 =	sand.u32 $0x3FFFFFF0, s0  }
0xa7: {  	v9 =	vld [tilespmem:s0+$0x5980];
	_ =	sdelay $0x4  }
0xa8: {  	v9 =	vxor.u32 $0x80000000, v9  }
0xa9: {  	(xrf0) =	vmax.scan.msk.u32 $0xffff, v9;
	_ =	sdelay $0x5  }
0xaa: {  	v9, _, _ =	vpop (xrf0)  }
0xab: {  	(v2sf) =	vpush v9, $0xF;
	_ =	sdelay $0xe  }
0xac: {  	s17 =	spop (v2sf)  }
0xad: {  	s2 =	sxor.u32 $0x80000000, s17  }
0xae: {  	p1 =	sgt.s32 s17, $0xFFFFFFFF;
	s0 =	sand.u32 $0x1FF, s17;
	p0 =	slt.s32 s2, $0x1  }
0xaf: {  	s5 =	sshra.s32 s2, $0x1F;
	p6 =	sne.s32 s0, $0x0;
	p0 =	por p1, p0  }
0xb0: {  	s18 =	sshrl.u32 s5, $0x17;
	p0 =	por !p6, !p0  }
0xb1: {  	s0 =	sadd.s32 s18, s2;
	s2 =	simm.s32 $0x1;
	p0 =	por !p0, !p0  }
0xb2: {  	s0 =	sshra.s32 s0, $0x9;
	s2 =	simm.s32 @!p0 $0x0  }
0xb3: {  	s0 =	ssub.s32 s0, s2  }
0xb4: {  	p0 =	slt.s32 s0, $0x1  }
.Ltmp7:
0xb5: {  	_ = 	snop;
	(pc) =	sbr.rel @p0 .LBB2_20-.Ltmp7, $1  }
0xb6: {  	_ =	sdelay $0x3  }
.Ltmp8:
0xb7: {  	(pc) =	sbr.rel .LBB2_13-.Ltmp8, $3  }
0xb8: {  	s2 =	smul.u32 $0xA000, s13;
	_ =	sdelay $0x1  }
0xb9: {  	s2 =	sshra.s32 s2, $0x2  }
0xba: {  	s17 =	simm.s32 $0x0;
	s2 =	sadd.s32 s2, s3  }
.LBB2_19:
0xbb: {  	s1 =	sshll.u32 s4, $0x6  }
0xbc: {  	v9 =	vld [tilespmem:s1+$0x5380]  }
0xbd: {  	v10 =	vld [tilespmem:s1+$0x5600];
	_ =	sdelay $0x3  }
0xbe: {  	[tilespmem:$0x5380] =	vst v9  }
0xbf: {  	[tilespmem:$0x5600] =	vst v10  }
0xc0: {  	v9 =	vld [tilespmem:s1+$0x5390]  }
0xc1: {  	v10 =	vld [tilespmem:s1+$0x5610];
	_ =	sdelay $0x3  }
0xc2: {  	[tilespmem:$0x5390] =	vst v9  }
0xc3: {  	[tilespmem:$0x5610] =	vst v10  }
0xc4: {  	v9 =	vld [tilespmem:s1+$0x53A0]  }
0xc5: {  	v10 =	vld [tilespmem:s1+$0x5620];
	_ =	sdelay $0x3  }
0xc6: {  	[tilespmem:$0x53A0] =	vst v9  }
0xc7: {  	[tilespmem:$0x5620] =	vst v10  }
0xc8: {  	s17 =	sadd.s32 $0x1, s17;
	v9 =	vld [tilespmem:s1+$0x53B0]  }
0xc9: {  	p0 =	sne.s32 s17, s0;
	v10 =	vld [tilespmem:s1+$0x5630]  }
.Ltmp9:
0xca: {  	_ = 	snop;
	(pc) =	sbr.rel @!p0 .LBB2_20-.Ltmp9, $3  }
0xcb: {  	_ =	sdelay $0x1  }
0xcc: {  	[tilespmem:$0x53B0] =	vst v9  }
0xcd: {  	s4 =	ssub.s32 s18, s1;
	[tilespmem:$0x5630] =	vst v10  }
.LBB2_13:
0xce: {  	s5 =	sshll.u32 s17, $0xB  }
0xcf: {  	s5 =	sshra.s32 s5, $0x2  }
0xd0: {  	s5 =	sadd.s32 s5, s2  }
0xd1: {  	[tilespmem:s19], [sflag:$0x2] =	stream.linear.gather [spmem:s5], $0x200, $0x38;
	[tilespmem:$0x17690] =	vst v63  }
0xd2: {  	_ =	swait.ge [sflag:s14], $0x200  }
0xd3: {  	[sflag:s14] =	ssyncset.done $0x0  }
0xd4: {  	s18 =	simm.s32 $0x0;
	[sflag:s14] =	ssyncadd.s32 $0xFFFFFE00  }
0xd5: {  	v9 =	vld [tilespmem:s18+$0x5180];
	_ =	sdelay $0x4  }
0xd6: {  	v10 =	vshrl.u32 v9, $0x12  }
0xd7: {  	v10 =	vsub.s32 v10, v0  }
0xd8: {  	vm1 =	vlt.u32 v10, $0x40  }
0xd9: {  	v11 =	vsel vm1, $0x1, v2  }
0xda: {  	(xrf0) =	vadd.scan.msk.s32 $0xffff, v11;
	_ =	sdelay $0x2  }
0xdb: {  	v11 =	vmov s4  }
0xdc: {  	v11 =	vadd.s32 $0xFFFFFFFF, v11  }
0xdd: {  	v11 =	vbroadcast v11, $0x0  }
0xde: {  	v12, _, _ =	vpop (xrf0)  }
0xdf: {  	v11 =	vadd.s32 v12, v11;
	(v2sf) =	vpush v12, $0xF;
	_ =	sdelay $0x3  }
0xe0: {  	v9 =	vand.u32 $0x3FFFF, v9  }
0xe1: {  	[tilespmem:v11+s20+$0x0] =	vst.idx.msk vm1, v9  }
0xe2: {  	s7 =	simm.s32 $0x10;
	s5 =	simm.s32 $0x80;
	[tilespmem:v11+s21+$0x0] =	vst.idx.msk vm1, v10  }
.LBB2_14:
0xe3: {  	p0 =	sne.s32 s5, $0x7C0;
	v9 =	vld [tilespmem:s7+$0x5180];
	_ =	sdelay $0x4  }
0xe4: {  	v10 =	vand.u32 $0x3FFFF, v9;
	v9 =	vshrl.u32 v9, $0x12  }
0xe5: {  	v9 =	vsub.s32 v9, v0  }
0xe6: {  	vm1 =	vlt.u32 v9, $0x40  }
0xe7: {  	v11 =	vsel vm1, $0x1, v2;
	s7 =	spop (v2sf)  }
0xe8: {  	(xrf0) =	vadd.scan.msk.s32 $0xffff, v11;
	s4 =	sadd.s32 s4, s7  }
0xe9: {  	v11 =	vmov s4  }
0xea: {  	v11 =	vadd.s32 $0xFFFFFFFF, v11  }
0xeb: {  	v11 =	vbroadcast v11, $0x0;
	_ =	sdelay $0x2  }
0xec: {  	v12, _, _ =	vpop (xrf0)  }
0xed: {  	v11 =	vadd.s32 v12, v11;
	(v2sf) =	vpush v12, $0xF;
	_ =	sdelay $0x1  }
.Ltmp10:
0xee: {  	(pc) =	sbr.rel @p0 .LBB2_14-.Ltmp10, $3  }
0xef: {  	_ =	sdelay $0x1  }
0xf0: {  	[tilespmem:v11+s20+$0x0] =	vst.idx.msk vm1, v10  }
0xf1: {  	s7 =	sshra.s32 s5, $0x2;
	s5 =	sadd.s32 $0x40, s5;
	[tilespmem:v11+s21+$0x0] =	vst.idx.msk vm1, v9  }
0xf2: {  	v9 =	vld [tilespmem:s7+$0x5180];
	_ =	sdelay $0x4  }
0xf3: {  	v10 =	vshrl.u32 v9, $0x12  }
0xf4: {  	v10 =	vsub.s32 v10, v0  }
0xf5: {  	vm1 =	vlt.u32 v10, $0x40  }
0xf6: {  	v11 =	vsel vm1, $0x1, v2  }
0xf7: {  	(xrf0) =	vadd.scan.msk.s32 $0xffff, v11;
	_ =	sdelay $0x5  }
0xf8: {  	v11, _, _ =	vpop (xrf0)  }
0xf9: {  	(v2sf) =	vpush v11, $0xF;
	_ =	sdelay $0xd  }
0xfa: {  	s5 =	spop (v2sf)  }
0xfb: {  	s4 =	sadd.s32 s4, s5;
	s11 =	spop (v2sf)  }
0xfc: {  	s18 =	sadd.s32 s4, s11  }
0xfd: {  	v12 =	vmov s4;
	s4 =	sand.u32 $0x3F, s18  }
0xfe: {  	s5 =	sshra.s32 s18, $0x1F;
	p0 =	slt.s32 s18, $0x1;
	p1 =	sne.s32 s4, $0x0  }
0xff: {  	v12 =	vadd.s32 $0xFFFFFFFF, v12;
	s12 =	sshrl.u32 s5, $0x1A;
	p0 =	por !p0, !p1  }
0x100: {  	v12 =	vbroadcast v12, $0x0;
	s5 =	simm.s32 $0x1;
	s4 =	sadd.s32 s12, s18;
	p0 =	por !p0, !p0  }
0x101: {  	s4 =	sshra.s32 s4, $0x6;
	s5 =	simm.s32 @!p0 $0x0  }
0x102: {  	v11 =	vadd.s32 v11, v12;
	s4 =	ssub.s32 s4, s5  }
0x103: {  	p0 =	slt.s32 s4, $0x1  }
.Ltmp11:
0x104: {  	_ = 	snop;
	(pc) =	sbr.rel @p0 .LBB2_19-.Ltmp11, $4  }
0x105: {  	_ = 	snop  }
0x106: {  	v9 =	vand.u32 $0x3FFFF, v9  }
0x107: {  	[tilespmem:v11+s20+$0x0] =	vst.idx.msk vm1, v9  }
0x108: {  	s9 =	simm.s32 $0x5600;
	s10 =	simm.s32 $0x0;
	[tilespmem:v11+s21+$0x0] =	vst.idx.msk vm1, v10  }
.LBB2_16:
0x109: {  	s5 =	sshll.u32 s10, $0x6  }
0x10a: {  	v9 =	vld [tilespmem:s5+$0x5380];
	_ =	sdelay $0x4  }
0x10b: {  	[tilespmem:$0x5880] =	vst v9  }
0x10c: {  	v10 =	vld [tilespmem:s5+$0x5390];
	_ =	sdelay $0x4  }
0x10d: {  	[tilespmem:$0x5890] =	vst v10  }
0x10e: {  	v10 =	vld [tilespmem:s5+$0x53A0];
	_ =	sdelay $0x1  }
0x10f: {  	v11 =	vshll.u32 v9, $0x1  }
0x110: {  	v9 =	vand.u32 $0x7, v9;
	v11 =	vand.u32 $0xFFFFFFF0, v11  }
0x111: {  	v9 =	vor.u32 v9, v11  }
0x112: {  	[tilespmem:$0x58A0] =	vst v10;
	v10 =	vperm.xlane v9, v5  }
0x113: {  	v11 =	vld [tilespmem:s5+$0x53B0]  }
0x114: {  	v9 =	vperm.xlane v9, v7;
	v10 =	vadd.s32 v6, v10;
	_ =	sdelay $0x1  }
0x115: {  	v9 =	vadd.s32 v6, v9;
	_ =	sdelay $0x1  }
0x116: {  	[tilespmem:$0x58B0] =	vst v11  }
0x117: {  	[tilespmem:s22], [sflag:$0x1] =	stream.indirect_vreg.gather [hbm4b:s6+s31], $0x80, v10, vm0, $0xb8;
	[tilespmem:$0x17690] =	vst v63  }
0x118: {  	_ = 	snop  }
0x119: {  	[tilespmem:s23], [sflag:$0x1] =	stream.indirect_vreg.gather [hbm4b:s6+s31], $0x80, v9, vm0, $0xb8;
	[tilespmem:$0x17690] =	vst v63  }
0x11a: {  	v9 =	vld [tilespmem:$0x5890];
	_ =	sdelay $0x4  }
0x11b: {  	v10 =	vshll.u32 v9, $0x1  }
0x11c: {  	v9 =	vand.u32 $0x7, v9;
	v10 =	vand.u32 $0xFFFFFFF0, v10  }
0x11d: {  	v9 =	vor.u32 v9, v10  }
0x11e: {  	v10 =	vperm.xlane v9, v5;
	_ =	sdelay $0x1  }
0x11f: {  	v9 =	vperm.xlane v9, v7;
	v10 =	vadd.s32 v6, v10;
	_ =	sdelay $0x1  }
0x120: {  	v9 =	vadd.s32 v6, v9;
	_ =	sdelay $0x2  }
0x121: {  	[tilespmem:s24], [sflag:$0x1] =	stream.indirect_vreg.gather [hbm4b:s6+s31], $0x80, v10, vm0, $0xb8;
	[tilespmem:$0x17690] =	vst v63  }
0x122: {  	_ = 	snop  }
0x123: {  	[tilespmem:s25], [sflag:$0x1] =	stream.indirect_vreg.gather [hbm4b:s6+s31], $0x80, v9, vm0, $0xb8;
	[tilespmem:$0x17690] =	vst v63  }
0x124: {  	v9 =	vld [tilespmem:$0x58A0];
	_ =	sdelay $0x4  }
0x125: {  	v10 =	vshll.u32 v9, $0x1  }
0x126: {  	v9 =	vand.u32 $0x7, v9;
	v10 =	vand.u32 $0xFFFFFFF0, v10  }
0x127: {  	v9 =	vor.u32 v9, v10  }
0x128: {  	v10 =	vperm.xlane v9, v5;
	_ =	sdelay $0x1  }
0x129: {  	v9 =	vperm.xlane v9, v7;
	v10 =	vadd.s32 v6, v10;
	_ =	sdelay $0x1  }
0x12a: {  	v9 =	vadd.s32 v6, v9;
	_ =	sdelay $0x2  }
0x12b: {  	[tilespmem:s26], [sflag:$0x1] =	stream.indirect_vreg.gather [hbm4b:s6+s31], $0x80, v10, vm0, $0xb8;
	[tilespmem:$0x17690] =	vst v63  }
0x12c: {  	_ = 	snop  }
0x12d: {  	[tilespmem:s28], [sflag:$0x1] =	stream.indirect_vreg.gather [hbm4b:s6+s31], $0x80, v9, vm0, $0xb8;
	[tilespmem:$0x17690] =	vst v63  }
0x12e: {  	v9 =	vld [tilespmem:$0x58B0];
	_ =	sdelay $0x4  }
0x12f: {  	v10 =	vshll.u32 v9, $0x1  }
0x130: {  	v9 =	vand.u32 $0x7, v9;
	v10 =	vand.u32 $0xFFFFFFF0, v10  }
0x131: {  	v9 =	vor.u32 v9, v10  }
0x132: {  	v10 =	vperm.xlane v9, v5;
	_ =	sdelay $0x1  }
0x133: {  	v9 =	vperm.xlane v9, v7;
	v10 =	vadd.s32 v6, v10;
	_ =	sdelay $0x1  }
0x134: {  	v9 =	vadd.s32 v6, v9;
	_ =	sdelay $0x2  }
0x135: {  	[tilespmem:s29], [sflag:$0x1] =	stream.indirect_vreg.gather [hbm4b:s6+s31], $0x80, v10, vm0, $0xb8;
	[tilespmem:$0x17690] =	vst v63  }
0x136: {  	_ = 	snop  }
0x137: {  	[tilespmem:s30], [sflag:$0x1] =	stream.indirect_vreg.gather [hbm4b:s6+s31], $0x80, v9, vm0, $0xb8;
	[tilespmem:$0x17690] =	vst v63  }
0x138: {  	_ =	swait.ge [sflag:s16], $0x4000  }
0x139: {  	s7 =	smov.u32 s9;
	[sflag:s16] =	ssyncset.done $0x0  }
0x13a: {  	s11 =	simm.s32 $0x0;
	s12 =	simm.s32 $0x0;
	[sflag:s16] =	ssyncadd.s32 $0xFFFFC000  }
.LBB2_17:
0x13b: {  	v9 =	vld [tilespmem:s7+$0x0];
	_ =	sdelay $0x4  }
0x13c: {  	(v2sf) =	vpush v9, $0x0;
	_ =	sdelay $0x7  }
0x13d: {  	s5 =	sand.u32 $0x3800, s12;
	s8 =	sand.u32 $0x380, s11  }
0x13e: {  	s5 =	sor.u32 s8, s5  }
0x13f: {  	v9 =	vld [tilespmem:s5+$0x5EC0];
	_ =	sdelay $0x3  }
0x140: {  	v10 =	vld [tilespmem:s5+$0x5A80]  }
0x141: {  	v9 =	vadd.f32 $0.0e+00, v9;
	s8 =	spop (v2sf)  }
0x142: {  	s1 =	sshrl.u32 s8, $0x3  }
0x143: {  	v11 =	vbroadcast v9, $0x0;
	s1 =	smul.u32 $0x5000, s1  }
0x144: {  	s8 =	sshll.u32 s8, $0x7  }
0x145: {  	v10 =	vmul.f32 v11, v10;
	s8 =	sand.u32 $0x380, s8;
	s1 =	sshra.s32 s1, $0x2  }
0x146: {  	s8 =	sor.u32 s8, s1  }
0x147: {  	[tilespmem:s8+$0x9A80] =	vst.add.f32.msk $0xffff, v10  }
0x148: {  	v10 =	vld [tilespmem:s5+$0x5A90];
	_ =	sdelay $0x4  }
0x149: {  	v10 =	vmul.f32 v10, v11;
	_ =	sdelay $0x1  }
0x14a: {  	[tilespmem:s8+$0x9A90] =	vst.add.f32.msk $0xffff, v10  }
0x14b: {  	v10 =	vld [tilespmem:s5+$0x5AA0];
	_ =	sdelay $0x4  }
0x14c: {  	v10 =	vmul.f32 v10, v11;
	_ =	sdelay $0x1  }
0x14d: {  	[tilespmem:s8+$0x9AA0] =	vst.add.f32.msk $0xffff, v10  }
0x14e: {  	v10 =	vld [tilespmem:s5+$0x5AB0];
	_ =	sdelay $0x4  }
0x14f: {  	v10 =	vmul.f32 v10, v11;
	_ =	sdelay $0x1  }
0x150: {  	[tilespmem:s8+$0x9AB0] =	vst.add.f32.msk $0xffff, v10  }
0x151: {  	v10 =	vld [tilespmem:s5+$0x5AC0];
	_ =	sdelay $0x2  }
0x152: {  	v11 =	vbroadcast v9, $0x1;
	_ =	sdelay $0x1  }
0x153: {  	v10 =	vmul.f32 v10, v11;
	_ =	sdelay $0x1  }
0x154: {  	[tilespmem:s8+$0x9AC0] =	vst.add.f32.msk $0xffff, v10  }
0x155: {  	v10 =	vld [tilespmem:s5+$0x5AD0];
	_ =	sdelay $0x4  }
0x156: {  	v10 =	vmul.f32 v10, v11;
	_ =	sdelay $0x1  }
0x157: {  	[tilespmem:s8+$0x9AD0] =	vst.add.f32.msk $0xffff, v10  }
0x158: {  	v10 =	vld [tilespmem:s5+$0x5AE0];
	_ =	sdelay $0x4  }
0x159: {  	v10 =	vmul.f32 v10, v11;
	_ =	sdelay $0x1  }
0x15a: {  	[tilespmem:s8+$0x9AE0] =	vst.add.f32.msk $0xffff, v10  }
0x15b: {  	v10 =	vld [tilespmem:s5+$0x5AF0];
	_ =	sdelay $0x4  }
0x15c: {  	v10 =	vmul.f32 v10, v11;
	_ =	sdelay $0x1  }
0x15d: {  	[tilespmem:s8+$0x9AF0] =	vst.add.f32.msk $0xffff, v10  }
0x15e: {  	v10 =	vld [tilespmem:s5+$0x5AC0];
	_ =	sdelay $0x2  }
0x15f: {  	v11 =	vbroadcast v9, $0x2;
	_ =	sdelay $0x1  }
0x160: {  	v10 =	vmul.f32 v10, v11;
	_ =	sdelay $0x1  }
0x161: {  	[tilespmem:s8+$0x9E80] =	vst.add.f32.msk $0xffff, v10  }
0x162: {  	v10 =	vld [tilespmem:s5+$0x5AD0];
	_ =	sdelay $0x4  }
0x163: {  	v10 =	vmul.f32 v10, v11;
	_ =	sdelay $0x1  }
0x164: {  	[tilespmem:s8+$0x9E90] =	vst.add.f32.msk $0xffff, v10  }
0x165: {  	v10 =	vld [tilespmem:s5+$0x5AE0];
	_ =	sdelay $0x4  }
0x166: {  	v10 =	vmul.f32 v10, v11;
	_ =	sdelay $0x1  }
0x167: {  	[tilespmem:s8+$0x9EA0] =	vst.add.f32.msk $0xffff, v10  }
0x168: {  	v10 =	vld [tilespmem:s5+$0x5AF0];
	_ =	sdelay $0x4  }
0x169: {  	v10 =	vmul.f32 v10, v11;
	_ =	sdelay $0x1  }
0x16a: {  	[tilespmem:s8+$0x9EB0] =	vst.add.f32.msk $0xffff, v10  }
0x16b: {  	v10 =	vld [tilespmem:s5+$0x5AC0];
	_ =	sdelay $0x2  }
0x16c: {  	v11 =	vbroadcast v9, $0x3;
	_ =	sdelay $0x1  }
0x16d: {  	v10 =	vmul.f32 v10, v11;
	_ =	sdelay $0x1  }
0x16e: {  	[tilespmem:s8+$0x9EC0] =	vst.add.f32.msk $0xffff, v10  }
0x16f: {  	v10 =	vld [tilespmem:s5+$0x5AD0];
	_ =	sdelay $0x4  }
0x170: {  	v10 =	vmul.f32 v10, v11;
	_ =	sdelay $0x1  }
0x171: {  	[tilespmem:s8+$0x9ED0] =	vst.add.f32.msk $0xffff, v10  }
0x172: {  	v10 =	vld [tilespmem:s5+$0x5AE0];
	_ =	sdelay $0x4  }
0x173: {  	v10 =	vmul.f32 v10, v11;
	_ =	sdelay $0x1  }
0x174: {  	[tilespmem:s8+$0x9EE0] =	vst.add.f32.msk $0xffff, v10  }
0x175: {  	v10 =	vld [tilespmem:s5+$0x5AF0];
	_ =	sdelay $0x4  }
0x176: {  	v10 =	vmul.f32 v10, v11;
	_ =	sdelay $0x1  }
0x177: {  	[tilespmem:s8+$0x9EF0] =	vst.add.f32.msk $0xffff, v10  }
0x178: {  	v10 =	vld [tilespmem:s5+$0x5E80];
	_ =	sdelay $0x2  }
0x179: {  	v11 =	vbroadcast v9, $0x4;
	_ =	sdelay $0x1  }
0x17a: {  	v10 =	vmul.f32 v10, v11;
	_ =	sdelay $0x1  }
0x17b: {  	[tilespmem:s8+$0xA280] =	vst.add.f32.msk $0xffff, v10  }
0x17c: {  	v10 =	vld [tilespmem:s5+$0x5E90];
	_ =	sdelay $0x4  }
0x17d: {  	v10 =	vmul.f32 v10, v11;
	_ =	sdelay $0x1  }
0x17e: {  	[tilespmem:s8+$0xA290] =	vst.add.f32.msk $0xffff, v10  }
0x17f: {  	v10 =	vld [tilespmem:s5+$0x5EA0];
	_ =	sdelay $0x4  }
0x180: {  	v10 =	vmul.f32 v10, v11;
	_ =	sdelay $0x1  }
0x181: {  	[tilespmem:s8+$0xA2A0] =	vst.add.f32.msk $0xffff, v10  }
0x182: {  	v10 =	vld [tilespmem:s5+$0x5EB0];
	_ =	sdelay $0x4  }
0x183: {  	v10 =	vmul.f32 v10, v11;
	_ =	sdelay $0x1  }
0x184: {  	[tilespmem:s8+$0xA2B0] =	vst.add.f32.msk $0xffff, v10  }
0x185: {  	v10 =	vld [tilespmem:s5+$0x5E80];
	_ =	sdelay $0x2  }
0x186: {  	v11 =	vbroadcast v9, $0x5;
	_ =	sdelay $0x1  }
0x187: {  	v10 =	vmul.f32 v10, v11;
	_ =	sdelay $0x1  }
0x188: {  	[tilespmem:s8+$0xA2C0] =	vst.add.f32.msk $0xffff, v10  }
0x189: {  	v10 =	vld [tilespmem:s5+$0x5E90];
	_ =	sdelay $0x4  }
0x18a: {  	v10 =	vmul.f32 v10, v11;
	_ =	sdelay $0x1  }
0x18b: {  	[tilespmem:s8+$0xA2D0] =	vst.add.f32.msk $0xffff, v10  }
0x18c: {  	v10 =	vld [tilespmem:s5+$0x5EA0];
	_ =	sdelay $0x4  }
0x18d: {  	v10 =	vmul.f32 v10, v11;
	_ =	sdelay $0x1  }
0x18e: {  	[tilespmem:s8+$0xA2E0] =	vst.add.f32.msk $0xffff, v10  }
0x18f: {  	v10 =	vld [tilespmem:s5+$0x5EB0];
	_ =	sdelay $0x4  }
0x190: {  	v10 =	vmul.f32 v10, v11;
	_ =	sdelay $0x1  }
0x191: {  	[tilespmem:s8+$0xA2F0] =	vst.add.f32.msk $0xffff, v10  }
0x192: {  	v10 =	vld [tilespmem:s5+$0x5E80];
	_ =	sdelay $0x2  }
0x193: {  	v11 =	vbroadcast v9, $0x6;
	_ =	sdelay $0x1  }
0x194: {  	v10 =	vmul.f32 v10, v11;
	_ =	sdelay $0x1  }
0x195: {  	[tilespmem:s8+$0xA680] =	vst.add.f32.msk $0xffff, v10  }
0x196: {  	v10 =	vld [tilespmem:s5+$0x5E90];
	_ =	sdelay $0x4  }
0x197: {  	v10 =	vmul.f32 v10, v11;
	_ =	sdelay $0x1  }
0x198: {  	[tilespmem:s8+$0xA690] =	vst.add.f32.msk $0xffff, v10  }
0x199: {  	v10 =	vld [tilespmem:s5+$0x5EA0];
	_ =	sdelay $0x4  }
0x19a: {  	v10 =	vmul.f32 v10, v11;
	_ =	sdelay $0x1  }
0x19b: {  	[tilespmem:s8+$0xA6A0] =	vst.add.f32.msk $0xffff, v10  }
0x19c: {  	v10 =	vld [tilespmem:s5+$0x5EB0];
	_ =	sdelay $0x4  }
0x19d: {  	v10 =	vmul.f32 v10, v11;
	_ =	sdelay $0x1  }
0x19e: {  	[tilespmem:s8+$0xA6B0] =	vst.add.f32.msk $0xffff, v10  }
0x19f: {  	v10 =	vld [tilespmem:s5+$0x5E80];
	_ =	sdelay $0x2  }
0x1a0: {  	v11 =	vbroadcast v9, $0x7;
	_ =	sdelay $0x1  }
0x1a1: {  	v10 =	vmul.f32 v10, v11;
	_ =	sdelay $0x1  }
0x1a2: {  	[tilespmem:s8+$0xA6C0] =	vst.add.f32.msk $0xffff, v10  }
0x1a3: {  	v10 =	vld [tilespmem:s5+$0x5E90];
	_ =	sdelay $0x4  }
0x1a4: {  	v10 =	vmul.f32 v10, v11;
	_ =	sdelay $0x1  }
0x1a5: {  	[tilespmem:s8+$0xA6D0] =	vst.add.f32.msk $0xffff, v10  }
0x1a6: {  	v10 =	vld [tilespmem:s5+$0x5EA0];
	_ =	sdelay $0x4  }
0x1a7: {  	v10 =	vmul.f32 v10, v11;
	_ =	sdelay $0x1  }
0x1a8: {  	[tilespmem:s8+$0xA6E0] =	vst.add.f32.msk $0xffff, v10  }
0x1a9: {  	v10 =	vld [tilespmem:s5+$0x5EB0];
	_ =	sdelay $0x4  }
0x1aa: {  	v10 =	vmul.f32 v10, v11;
	_ =	sdelay $0x1  }
0x1ab: {  	[tilespmem:s8+$0xA6F0] =	vst.add.f32.msk $0xffff, v10  }
0x1ac: {  	v10 =	vld [tilespmem:s5+$0x5E80];
	_ =	sdelay $0x2  }
0x1ad: {  	v11 =	vbroadcast v9, $0x8;
	_ =	sdelay $0x1  }
0x1ae: {  	v10 =	vmul.f32 v10, v11;
	_ =	sdelay $0x1  }
0x1af: {  	[tilespmem:s8+$0xAA80] =	vst.add.f32.msk $0xffff, v10  }
0x1b0: {  	v10 =	vld [tilespmem:s5+$0x5E90];
	_ =	sdelay $0x4  }
0x1b1: {  	v10 =	vmul.f32 v10, v11;
	_ =	sdelay $0x1  }
0x1b2: {  	[tilespmem:s8+$0xAA90] =	vst.add.f32.msk $0xffff, v10  }
0x1b3: {  	v10 =	vld [tilespmem:s5+$0x5EA0];
	_ =	sdelay $0x4  }
0x1b4: {  	v10 =	vmul.f32 v10, v11;
	_ =	sdelay $0x1  }
0x1b5: {  	[tilespmem:s8+$0xAAA0] =	vst.add.f32.msk $0xffff, v10  }
0x1b6: {  	v10 =	vld [tilespmem:s5+$0x5EB0];
	_ =	sdelay $0x4  }
0x1b7: {  	v10 =	vmul.f32 v10, v11;
	_ =	sdelay $0x1  }
0x1b8: {  	[tilespmem:s8+$0xAAB0] =	vst.add.f32.msk $0xffff, v10  }
0x1b9: {  	v10 =	vld [tilespmem:s5+$0x5E80];
	_ =	sdelay $0x2  }
0x1ba: {  	v9 =	vbroadcast v9, $0x9;
	_ =	sdelay $0x1  }
0x1bb: {  	v10 =	vmul.f32 v10, v9;
	_ =	sdelay $0x1  }
0x1bc: {  	[tilespmem:s8+$0xAAC0] =	vst.add.f32.msk $0xffff, v10  }
0x1bd: {  	v10 =	vld [tilespmem:s5+$0x5E90];
	_ =	sdelay $0x4  }
0x1be: {  	v10 =	vmul.f32 v10, v9;
	_ =	sdelay $0x1  }
0x1bf: {  	[tilespmem:s8+$0xAAD0] =	vst.add.f32.msk $0xffff, v10  }
0x1c0: {  	v10 =	vld [tilespmem:s5+$0x5EA0];
	_ =	sdelay $0x4  }
0x1c1: {  	v10 =	vmul.f32 v10, v9;
	_ =	sdelay $0x1  }
0x1c2: {  	[tilespmem:s8+$0xAAE0] =	vst.add.f32.msk $0xffff, v10  }
0x1c3: {  	v10 =	vld [tilespmem:s5+$0x5EB0];
	_ =	sdelay $0x1  }
0x1c4: {  	p0 =	sne.s32 s12, $0x3F00  }
.Ltmp12:
0x1c5: {  	_ = 	snop;
	(pc) =	sbr.rel @p0 .LBB2_17-.Ltmp12, $3  }
0x1c6: {  	_ = 	snop  }
0x1c7: {  	v9 =	vmul.f32 v10, v9;
	_ =	sdelay $0x1  }
0x1c8: {  	s11 =	sadd.s32 $0x80, s11;
	s7 =	sadd.s32 $0x1, s7;
	s12 =	sadd.s32 $0x100, s12;
	[tilespmem:s8+$0xAAF0] =	vst.add.f32.msk $0xffff, v9  }
0x1c9: {  	s10 =	sadd.s32 $0x1, s10  }
0x1ca: {  	p0 =	sne.s32 s10, s4  }
.Ltmp13:
0x1cb: {  	_ = 	snop;
	(pc) =	sbr.rel @p0 .LBB2_16-.Ltmp13, $4  }
.Ltmp14:
0x1cc: {  	_ = 	snop;
	(pc) =	sbr.rel @!p0 .LBB2_19-.Ltmp14, $4  }
0x1cd: {  	_ = 	snop  }
0x1ce: {  	_ = 	snop  }
0x1cf: {  	s9 =	sadd.s32 $0x40, s9  }
0x1d0: {  	_ = 	snop  }
.LBB2_21:
0x1d1: {  	[tilespmem:s4+$0x5380] =	vst v2  }
0x1d2: {  	[tilespmem:s4+$0x5600] =	vst v8  }
0x1d3: {  	[tilespmem:s4+$0x5390] =	vst v2  }
0x1d4: {  	[tilespmem:s4+$0x5610] =	vst v8  }
0x1d5: {  	[tilespmem:s4+$0x53A0] =	vst v2  }
0x1d6: {  	[tilespmem:s4+$0x5620] =	vst v8  }
0x1d7: {  	[tilespmem:s4+$0x53B0] =	vst v2  }
0x1d8: {  	[tilespmem:s4+$0x5630] =	vst v8  }
0x1d9: {  	v9 =	vld [tilespmem:$0x5380];
	_ =	sdelay $0x4  }
0x1da: {  	v10 =	vshll.u32 v9, $0x1  }
0x1db: {  	v11 =	vand.u32 $0x7, v9;
	v10 =	vand.u32 $0xFFFFFFF0, v10  }
0x1dc: {  	v12 =	vld [tilespmem:$0x5390];
	v10 =	vor.u32 v11, v10  }
0x1dd: {  	v14 =	vld [tilespmem:$0x53B0];
	v13 =	vperm.xlane v10, v5  }
0x1de: {  	v11 =	vld [tilespmem:$0x53A0]  }
0x1df: {  	v10 =	vperm.xlane v10, v7;
	v13 =	vadd.s32 v6, v13  }
0x1e0: {  	[tilespmem:$0x5880] =	vst v9  }
0x1e1: {  	[tilespmem:$0x5890] =	vst v12;
	v9 =	vadd.s32 v6, v10  }
0x1e2: {  	[tilespmem:$0x58B0] =	vst v14  }
0x1e3: {  	s0 =	simm.s32 $0x0;
	[tilespmem:$0x58A0] =	vst v11  }
0x1e4: {  	[tilespmem:s22], [sflag:$0x1] =	stream.indirect_vreg.gather [hbm4b:s6+s0], $0x80, v13, vm0, $0xb8;
	[tilespmem:$0x17690] =	vst v63  }
0x1e5: {  	_ = 	snop  }
0x1e6: {  	[tilespmem:s23], [sflag:$0x1] =	stream.indirect_vreg.gather [hbm4b:s6+s0], $0x80, v9, vm0, $0xb8;
	[tilespmem:$0x17690] =	vst v63  }
0x1e7: {  	v9 =	vld [tilespmem:$0x5890];
	_ =	sdelay $0x4  }
0x1e8: {  	v10 =	vshll.u32 v9, $0x1  }
0x1e9: {  	v9 =	vand.u32 $0x7, v9;
	v10 =	vand.u32 $0xFFFFFFF0, v10  }
0x1ea: {  	v9 =	vor.u32 v9, v10  }
0x1eb: {  	v10 =	vperm.xlane v9, v5;
	_ =	sdelay $0x1  }
0x1ec: {  	v9 =	vperm.xlane v9, v7;
	v10 =	vadd.s32 v6, v10;
	_ =	sdelay $0x1  }
0x1ed: {  	v9 =	vadd.s32 v6, v9;
	_ =	sdelay $0x2  }
0x1ee: {  	[tilespmem:s24], [sflag:$0x1] =	stream.indirect_vreg.gather [hbm4b:s6+s0], $0x80, v10, vm0, $0xb8;
	[tilespmem:$0x17690] =	vst v63  }
0x1ef: {  	_ = 	snop  }
0x1f0: {  	[tilespmem:s25], [sflag:$0x1] =	stream.indirect_vreg.gather [hbm4b:s6+s0], $0x80, v9, vm0, $0xb8;
	[tilespmem:$0x17690] =	vst v63  }
0x1f1: {  	v9 =	vld [tilespmem:$0x58A0];
	_ =	sdelay $0x4  }
0x1f2: {  	v10 =	vshll.u32 v9, $0x1  }
0x1f3: {  	v9 =	vand.u32 $0x7, v9;
	v10 =	vand.u32 $0xFFFFFFF0, v10  }
0x1f4: {  	v9 =	vor.u32 v9, v10  }
0x1f5: {  	v10 =	vperm.xlane v9, v5;
	_ =	sdelay $0x1  }
0x1f6: {  	v9 =	vperm.xlane v9, v7;
	v10 =	vadd.s32 v6, v10;
	_ =	sdelay $0x1  }
0x1f7: {  	v9 =	vadd.s32 v6, v9;
	_ =	sdelay $0x2  }
0x1f8: {  	[tilespmem:s26], [sflag:$0x1] =	stream.indirect_vreg.gather [hbm4b:s6+s0], $0x80, v10, vm0, $0xb8;
	[tilespmem:$0x17690] =	vst v63  }
0x1f9: {  	_ = 	snop  }
0x1fa: {  	[tilespmem:s28], [sflag:$0x1] =	stream.indirect_vreg.gather [hbm4b:s6+s0], $0x80, v9, vm0, $0xb8;
	[tilespmem:$0x17690] =	vst v63  }
0x1fb: {  	v9 =	vld [tilespmem:$0x58B0];
	_ =	sdelay $0x4  }
0x1fc: {  	v10 =	vshll.u32 v9, $0x1  }
0x1fd: {  	v9 =	vand.u32 $0x7, v9;
	v10 =	vand.u32 $0xFFFFFFF0, v10  }
0x1fe: {  	v9 =	vor.u32 v9, v10  }
0x1ff: {  	v10 =	vperm.xlane v9, v5;
	_ =	sdelay $0x1  }
0x200: {  	v9 =	vperm.xlane v9, v7;
	v10 =	vadd.s32 v6, v10;
	_ =	sdelay $0x1  }
0x201: {  	v9 =	vadd.s32 v6, v9;
	_ =	sdelay $0x2  }
0x202: {  	[tilespmem:s29], [sflag:$0x1] =	stream.indirect_vreg.gather [hbm4b:s6+s0], $0x80, v10, vm0, $0xb8;
	[tilespmem:$0x17690] =	vst v63  }
0x203: {  	_ = 	snop  }
0x204: {  	[tilespmem:s30], [sflag:$0x1] =	stream.indirect_vreg.gather [hbm4b:s6+s0], $0x80, v9, vm0, $0xb8;
	[tilespmem:$0x17690] =	vst v63  }
0x205: {  	_ =	swait.ge [sflag:s16], $0x4000  }
0x206: {  	[sflag:s16] =	ssyncset.done $0x0  }
0x207: {  	s2 =	simm.s32 $0x5600;
	s4 =	simm.s32 $0x0;
	[sflag:s16] =	ssyncadd.s32 $0xFFFFC000  }
.LBB2_22:
0x208: {  	v9 =	vld [tilespmem:s2+$0x0];
	_ =	sdelay $0x4  }
0x209: {  	(v2sf) =	vpush v9, $0x0;
	_ =	sdelay $0x7  }
0x20a: {  	s1 =	sand.u32 $0x3800, s4;
	s5 =	sand.u32 $0x380, s0  }
0x20b: {  	s5 =	sor.u32 s5, s1  }
0x20c: {  	v9 =	vld [tilespmem:s5+$0x5EC0];
	_ =	sdelay $0x3  }
0x20d: {  	v10 =	vld [tilespmem:s5+$0x5A80]  }
0x20e: {  	v9 =	vadd.f32 $0.0e+00, v9;
	s18 =	spop (v2sf)  }
0x20f: {  	s7 =	sshrl.u32 s18, $0x3  }
0x210: {  	v11 =	vbroadcast v9, $0x0;
	s7 =	smul.u32 $0x5000, s7  }
0x211: {  	s1 =	sshll.u32 s18, $0x7  }
0x212: {  	v10 =	vmul.f32 v11, v10;
	s1 =	sand.u32 $0x380, s1;
	s7 =	sshra.s32 s7, $0x2  }
0x213: {  	s7 =	sor.u32 s1, s7  }
0x214: {  	[tilespmem:s7+$0x9A80] =	vst.add.f32.msk $0xffff, v10  }
0x215: {  	v10 =	vld [tilespmem:s5+$0x5A90];
	_ =	sdelay $0x4  }
0x216: {  	v10 =	vmul.f32 v10, v11;
	_ =	sdelay $0x1  }
0x217: {  	[tilespmem:s7+$0x9A90] =	vst.add.f32.msk $0xffff, v10  }
0x218: {  	v10 =	vld [tilespmem:s5+$0x5AA0];
	_ =	sdelay $0x4  }
0x219: {  	v10 =	vmul.f32 v10, v11;
	_ =	sdelay $0x1  }
0x21a: {  	[tilespmem:s7+$0x9AA0] =	vst.add.f32.msk $0xffff, v10  }
0x21b: {  	v10 =	vld [tilespmem:s5+$0x5AB0];
	_ =	sdelay $0x4  }
0x21c: {  	v10 =	vmul.f32 v10, v11;
	_ =	sdelay $0x1  }
0x21d: {  	[tilespmem:s7+$0x9AB0] =	vst.add.f32.msk $0xffff, v10  }
0x21e: {  	v10 =	vld [tilespmem:s5+$0x5AC0];
	_ =	sdelay $0x2  }
0x21f: {  	v11 =	vbroadcast v9, $0x1;
	_ =	sdelay $0x1  }
0x220: {  	v10 =	vmul.f32 v10, v11;
	_ =	sdelay $0x1  }
0x221: {  	[tilespmem:s7+$0x9AC0] =	vst.add.f32.msk $0xffff, v10  }
0x222: {  	v10 =	vld [tilespmem:s5+$0x5AD0];
	_ =	sdelay $0x4  }
0x223: {  	v10 =	vmul.f32 v10, v11;
	_ =	sdelay $0x1  }
0x224: {  	[tilespmem:s7+$0x9AD0] =	vst.add.f32.msk $0xffff, v10  }
0x225: {  	v10 =	vld [tilespmem:s5+$0x5AE0];
	_ =	sdelay $0x4  }
0x226: {  	v10 =	vmul.f32 v10, v11;
	_ =	sdelay $0x1  }
0x227: {  	[tilespmem:s7+$0x9AE0] =	vst.add.f32.msk $0xffff, v10  }
0x228: {  	v10 =	vld [tilespmem:s5+$0x5AF0];
	_ =	sdelay $0x4  }
0x229: {  	v10 =	vmul.f32 v10, v11;
	_ =	sdelay $0x1  }
0x22a: {  	[tilespmem:s7+$0x9AF0] =	vst.add.f32.msk $0xffff, v10  }
0x22b: {  	v10 =	vld [tilespmem:s5+$0x5AC0];
	_ =	sdelay $0x2  }
0x22c: {  	v11 =	vbroadcast v9, $0x2;
	_ =	sdelay $0x1  }
0x22d: {  	v10 =	vmul.f32 v10, v11;
	_ =	sdelay $0x1  }
0x22e: {  	[tilespmem:s7+$0x9E80] =	vst.add.f32.msk $0xffff, v10  }
0x22f: {  	v10 =	vld [tilespmem:s5+$0x5AD0];
	_ =	sdelay $0x4  }
0x230: {  	v10 =	vmul.f32 v10, v11;
	_ =	sdelay $0x1  }
0x231: {  	[tilespmem:s7+$0x9E90] =	vst.add.f32.msk $0xffff, v10  }
0x232: {  	v10 =	vld [tilespmem:s5+$0x5AE0];
	_ =	sdelay $0x4  }
0x233: {  	v10 =	vmul.f32 v10, v11;
	_ =	sdelay $0x1  }
0x234: {  	[tilespmem:s7+$0x9EA0] =	vst.add.f32.msk $0xffff, v10  }
0x235: {  	v10 =	vld [tilespmem:s5+$0x5AF0];
	_ =	sdelay $0x4  }
0x236: {  	v10 =	vmul.f32 v10, v11;
	_ =	sdelay $0x1  }
0x237: {  	[tilespmem:s7+$0x9EB0] =	vst.add.f32.msk $0xffff, v10  }
0x238: {  	v10 =	vld [tilespmem:s5+$0x5AC0];
	_ =	sdelay $0x2  }
0x239: {  	v11 =	vbroadcast v9, $0x3;
	_ =	sdelay $0x1  }
0x23a: {  	v10 =	vmul.f32 v10, v11;
	_ =	sdelay $0x1  }
0x23b: {  	[tilespmem:s7+$0x9EC0] =	vst.add.f32.msk $0xffff, v10  }
0x23c: {  	v10 =	vld [tilespmem:s5+$0x5AD0];
	_ =	sdelay $0x4  }
0x23d: {  	v10 =	vmul.f32 v10, v11;
	_ =	sdelay $0x1  }
0x23e: {  	[tilespmem:s7+$0x9ED0] =	vst.add.f32.msk $0xffff, v10  }
0x23f: {  	v10 =	vld [tilespmem:s5+$0x5AE0];
	_ =	sdelay $0x4  }
0x240: {  	v10 =	vmul.f32 v10, v11;
	_ =	sdelay $0x1  }
0x241: {  	[tilespmem:s7+$0x9EE0] =	vst.add.f32.msk $0xffff, v10  }
0x242: {  	v10 =	vld [tilespmem:s5+$0x5AF0];
	_ =	sdelay $0x4  }
0x243: {  	v10 =	vmul.f32 v10, v11;
	_ =	sdelay $0x1  }
0x244: {  	[tilespmem:s7+$0x9EF0] =	vst.add.f32.msk $0xffff, v10  }
0x245: {  	v10 =	vld [tilespmem:s5+$0x5E80];
	_ =	sdelay $0x2  }
0x246: {  	v11 =	vbroadcast v9, $0x4;
	_ =	sdelay $0x1  }
0x247: {  	v10 =	vmul.f32 v10, v11;
	_ =	sdelay $0x1  }
0x248: {  	[tilespmem:s7+$0xA280] =	vst.add.f32.msk $0xffff, v10  }
0x249: {  	v10 =	vld [tilespmem:s5+$0x5E90];
	_ =	sdelay $0x4  }
0x24a: {  	v10 =	vmul.f32 v10, v11;
	_ =	sdelay $0x1  }
0x24b: {  	[tilespmem:s7+$0xA290] =	vst.add.f32.msk $0xffff, v10  }
0x24c: {  	v10 =	vld [tilespmem:s5+$0x5EA0];
	_ =	sdelay $0x4  }
0x24d: {  	v10 =	vmul.f32 v10, v11;
	_ =	sdelay $0x1  }
0x24e: {  	[tilespmem:s7+$0xA2A0] =	vst.add.f32.msk $0xffff, v10  }
0x24f: {  	v10 =	vld [tilespmem:s5+$0x5EB0];
	_ =	sdelay $0x4  }
0x250: {  	v10 =	vmul.f32 v10, v11;
	_ =	sdelay $0x1  }
0x251: {  	[tilespmem:s7+$0xA2B0] =	vst.add.f32.msk $0xffff, v10  }
0x252: {  	v10 =	vld [tilespmem:s5+$0x5E80];
	_ =	sdelay $0x2  }
0x253: {  	v11 =	vbroadcast v9, $0x5;
	_ =	sdelay $0x1  }
0x254: {  	v10 =	vmul.f32 v10, v11;
	_ =	sdelay $0x1  }
0x255: {  	[tilespmem:s7+$0xA2C0] =	vst.add.f32.msk $0xffff, v10  }
0x256: {  	v10 =	vld [tilespmem:s5+$0x5E90];
	_ =	sdelay $0x4  }
0x257: {  	v10 =	vmul.f32 v10, v11;
	_ =	sdelay $0x1  }
0x258: {  	[tilespmem:s7+$0xA2D0] =	vst.add.f32.msk $0xffff, v10  }
0x259: {  	v10 =	vld [tilespmem:s5+$0x5EA0];
	_ =	sdelay $0x4  }
0x25a: {  	v10 =	vmul.f32 v10, v11;
	_ =	sdelay $0x1  }
0x25b: {  	[tilespmem:s7+$0xA2E0] =	vst.add.f32.msk $0xffff, v10  }
0x25c: {  	v10 =	vld [tilespmem:s5+$0x5EB0];
	_ =	sdelay $0x4  }
0x25d: {  	v10 =	vmul.f32 v10, v11;
	_ =	sdelay $0x1  }
0x25e: {  	[tilespmem:s7+$0xA2F0] =	vst.add.f32.msk $0xffff, v10  }
0x25f: {  	v10 =	vld [tilespmem:s5+$0x5E80];
	_ =	sdelay $0x2  }
0x260: {  	v11 =	vbroadcast v9, $0x6;
	_ =	sdelay $0x1  }
0x261: {  	v10 =	vmul.f32 v10, v11;
	_ =	sdelay $0x1  }
0x262: {  	[tilespmem:s7+$0xA680] =	vst.add.f32.msk $0xffff, v10  }
0x263: {  	v10 =	vld [tilespmem:s5+$0x5E90];
	_ =	sdelay $0x4  }
0x264: {  	v10 =	vmul.f32 v10, v11;
	_ =	sdelay $0x1  }
0x265: {  	[tilespmem:s7+$0xA690] =	vst.add.f32.msk $0xffff, v10  }
0x266: {  	v10 =	vld [tilespmem:s5+$0x5EA0];
	_ =	sdelay $0x4  }
0x267: {  	v10 =	vmul.f32 v10, v11;
	_ =	sdelay $0x1  }
0x268: {  	[tilespmem:s7+$0xA6A0] =	vst.add.f32.msk $0xffff, v10  }
0x269: {  	v10 =	vld [tilespmem:s5+$0x5EB0];
	_ =	sdelay $0x4  }
0x26a: {  	v10 =	vmul.f32 v10, v11;
	_ =	sdelay $0x1  }
0x26b: {  	[tilespmem:s7+$0xA6B0] =	vst.add.f32.msk $0xffff, v10  }
0x26c: {  	v10 =	vld [tilespmem:s5+$0x5E80];
	_ =	sdelay $0x2  }
0x26d: {  	v11 =	vbroadcast v9, $0x7;
	_ =	sdelay $0x1  }
0x26e: {  	v10 =	vmul.f32 v10, v11;
	_ =	sdelay $0x1  }
0x26f: {  	[tilespmem:s7+$0xA6C0] =	vst.add.f32.msk $0xffff, v10  }
0x270: {  	v10 =	vld [tilespmem:s5+$0x5E90];
	_ =	sdelay $0x4  }
0x271: {  	v10 =	vmul.f32 v10, v11;
	_ =	sdelay $0x1  }
0x272: {  	[tilespmem:s7+$0xA6D0] =	vst.add.f32.msk $0xffff, v10  }
0x273: {  	v10 =	vld [tilespmem:s5+$0x5EA0];
	_ =	sdelay $0x4  }
0x274: {  	v10 =	vmul.f32 v10, v11;
	_ =	sdelay $0x1  }
0x275: {  	[tilespmem:s7+$0xA6E0] =	vst.add.f32.msk $0xffff, v10  }
0x276: {  	v10 =	vld [tilespmem:s5+$0x5EB0];
	_ =	sdelay $0x4  }
0x277: {  	v10 =	vmul.f32 v10, v11;
	_ =	sdelay $0x1  }
0x278: {  	[tilespmem:s7+$0xA6F0] =	vst.add.f32.msk $0xffff, v10  }
0x279: {  	v10 =	vld [tilespmem:s5+$0x5E80];
	_ =	sdelay $0x2  }
0x27a: {  	v11 =	vbroadcast v9, $0x8;
	_ =	sdelay $0x1  }
0x27b: {  	v10 =	vmul.f32 v10, v11;
	_ =	sdelay $0x1  }
0x27c: {  	[tilespmem:s7+$0xAA80] =	vst.add.f32.msk $0xffff, v10  }
0x27d: {  	v10 =	vld [tilespmem:s5+$0x5E90];
	_ =	sdelay $0x4  }
0x27e: {  	v10 =	vmul.f32 v10, v11;
	_ =	sdelay $0x1  }
0x27f: {  	[tilespmem:s7+$0xAA90] =	vst.add.f32.msk $0xffff, v10  }
0x280: {  	v10 =	vld [tilespmem:s5+$0x5EA0];
	_ =	sdelay $0x4  }
0x281: {  	v10 =	vmul.f32 v10, v11;
	_ =	sdelay $0x1  }
0x282: {  	[tilespmem:s7+$0xAAA0] =	vst.add.f32.msk $0xffff, v10  }
0x283: {  	v10 =	vld [tilespmem:s5+$0x5EB0];
	_ =	sdelay $0x4  }
0x284: {  	v10 =	vmul.f32 v10, v11;
	_ =	sdelay $0x1  }
0x285: {  	[tilespmem:s7+$0xAAB0] =	vst.add.f32.msk $0xffff, v10  }
0x286: {  	v10 =	vld [tilespmem:s5+$0x5E80];
	_ =	sdelay $0x2  }
0x287: {  	v9 =	vbroadcast v9, $0x9;
	_ =	sdelay $0x1  }
0x288: {  	v10 =	vmul.f32 v10, v9;
	_ =	sdelay $0x1  }
0x289: {  	[tilespmem:s7+$0xAAC0] =	vst.add.f32.msk $0xffff, v10  }
0x28a: {  	v10 =	vld [tilespmem:s5+$0x5E90];
	_ =	sdelay $0x4  }
0x28b: {  	v10 =	vmul.f32 v10, v9;
	_ =	sdelay $0x1  }
0x28c: {  	[tilespmem:s7+$0xAAD0] =	vst.add.f32.msk $0xffff, v10  }
0x28d: {  	v10 =	vld [tilespmem:s5+$0x5EA0];
	_ =	sdelay $0x4  }
0x28e: {  	v10 =	vmul.f32 v10, v9;
	_ =	sdelay $0x1  }
0x28f: {  	[tilespmem:s7+$0xAAE0] =	vst.add.f32.msk $0xffff, v10  }
0x290: {  	v10 =	vld [tilespmem:s5+$0x5EB0];
	_ =	sdelay $0x1  }
0x291: {  	p0 =	sne.s32 s4, $0x3F00  }
.Ltmp15:
0x292: {  	_ = 	snop;
	(pc) =	sbr.rel @p0 .LBB2_22-.Ltmp15, $3  }
0x293: {  	_ = 	snop  }
0x294: {  	v9 =	vmul.f32 v10, v9;
	_ =	sdelay $0x1  }
0x295: {  	s0 =	sadd.s32 $0x80, s0;
	s2 =	sadd.s32 $0x1, s2;
	s4 =	sadd.s32 $0x100, s4;
	[tilespmem:s7+$0xAAF0] =	vst.add.f32.msk $0xffff, v9  }
0x296: {  	s0 =	rddreg [dreg:$0x7]  }
0x297: {  	s1 =	rddreg [dreg:$0xe]  }
0x298: {  	s0 =	sor.u32 s0, s1  }
0x299: {  	s0 =	sshrl.u32 s0, $0x3  }
0x29a: {  	s0 =	smul.u32 $0x280, s0  }
0x29b: {  	s13 =	rddreg [dreg:$0x5]  }
0x29c: {  	s17 =	simm.s32 $0x0;
	s2 =	simm.s32 $0x9A80;
	s0 =	sadd.s32 s13, s0  }
0x29d: {  	[hbm4b:s0+s17] =	stream.linear.scatter [tilespmem:s2], [sflag:$0x2], $0xA000, $0x38;
	[tilespmem:$0x17690] =	vst v63  }
0x29e: {  	_ =	swait.ge [sflag:s14], $0xA000  }
0x29f: {  	s18 =	rddreg [dreg:$0xd]  }
0x2a0: {  	s0 =	sadd.s32 $0x1, s18  }
0x2a1: {  	p0 =	sne.s32 s0, $0x5  }
.Ltmp16:
0x2a2: {  	_ = 	snop;
	(pc) =	sbr.rel @p0 .LBB2_2-.Ltmp16, $3  }
0x2a3: {  	[sflag:s14] =	ssyncset.done $0x0  }
0x2a4: {  	[sflag:s14] =	ssyncadd.s32 $0xFFFF6000  }
0x2a5: {  	[bflag:$0x0] =	sbarrier.arrive $0xFFFF;
	_ =	sdelay $0x1  }
0x2a6: {  	s1 =	rddreg [dreg:$0xc]  }
0x2a7: {  	s0 =	rddreg [dreg:$0xb];
	s1 =	sadd.s32 $0x1, s1  }
0x2a8: {  	p0 =	sne.s32 s1, s0  }
.Ltmp17:
0x2a9: {  	_ = 	snop;
	(pc) =	sbr.rel @p0 .LBB2_1-.Ltmp17, $1  }
0x2aa: {  	_ =	sdelay $0x3  }
0x2ab: {  	_ =	sfence.sel $0x180000  }
0x2ac: {  	[bflag:$0x0] =	sbarrier.arrive $0xFFFF  }
0x2ad: {  	_ =	strace $0x9000004A  }
0x2ae: {  	s0 =	stileid.u32;
	[bflag:$0x2] =	sbarrier.arrive $0xFFFF  }
0x2af: {  	p0 =	sne.s32 s0, $0x0;
	s0 =	rddreg [dreg:$0x3]  }
0x2b0: {  	s0 =	sadd.s32 @!p0 $0x100000, s0  }
0x2b1: {  	[sflag:s0] =	ssyncadd.tile.s32 @!p0 $0x1;
	_ =	shalt  }
.Lfunc_end2:
_tile_overlayer_lowered:
.L_overlay_start_2:
0x2b2: {  	(tag) =	ssettag $0x2  }
0x2b3: {  	s0 =	rddreg [dreg:$0x0];
	s2 =	stileid.u32  }
0x2b4: {  	s1 =	rddreg [dreg:$0x1];
	p0 =	sne.s32 s2, $0x0  }
0x2b5: {  	s3 =	rddreg [dreg:$0x2];
	[bflag:$0x3] =	sbarrier.arrive $0xFFFF;
	s2 =	simm.s32 @!p0 $0x1C02  }
0x2b6: {  	[timem:s3], [sflag:s2] =	dma.local @!p0 [hbm:s0], s1  }
0x2b7: {  	s0 =	simm.s32 @!p0 $0x2  }
0x2b8: {  	_ =	swait.ge @!p0 [sflag:s0], s1  }
0x2b9: {  	s1 =	ssub.s32 @!p0 $0x0, s1;
	[sflag:s0] =	ssyncset.done @!p0 $0x0  }
0x2ba: {  	[sflag:s0] =	ssyncadd.s32 @!p0 s1  }
0x2bb: {  	[bflag:$0x3] =	sbarrier.arrive $0xFFFF  }
0x2bc: {  	_ =	shalt  }

</sc_bundles>
